<compile_context>
chip_gen: v7x
topology: tpu7x:2x2x1
jax: 0.10.2.dev20260603
libtpu: 0.0.44.dev20260713+nightly
codegen_flags: <defaults>
</compile_context>

<pallas_src>
import functools

import jax
import jax.numpy as jnp
from jax import lax
from jax.experimental import pallas as pl
from jax.experimental.pallas import tpu as pltpu
from jax.experimental.pallas import tpu_sc as plsc

NC = 2
NS = 16
BLK = 128


def _feat_consts():
    import numpy as np

    p1 = np.zeros((4, 16), np.float32)
    p2 = np.zeros((4, 16), np.float32)
    c1 = np.zeros((1, 16), np.float32)
    c2 = np.zeros((1, 16), np.float32)
    for f in range(4):
        p1[f, f] = 1.0
        c2[0, f] = 1.0
    c1[0, 4] = 1.0
    c2[0, 4] = 1.0
    for f, (i, j) in zip(range(5, 11), [(1, 1), (1, 2), (1, 3), (2, 2), (2, 3), (3, 3)]):
        p1[i, f] = 1.0
        p2[j, f] = 1.0
    return p1, p2, c1, c2


def _feat_body(b_ref, p1_ref, p2_ref, c1_ref, c2_ref, f_ref):
    b = b_ref[...]
    t1 = jnp.dot(b, p1_ref[...], preferred_element_type=jnp.float32,
                 precision=jax.lax.Precision.HIGHEST) + c1_ref[...]
    t2 = jnp.dot(b, p2_ref[...], preferred_element_type=jnp.float32,
                 precision=jax.lax.Precision.HIGHEST) + c2_ref[...]
    f_ref[...] = t1 * t2


def _features(base_bxyz):
    n = base_bxyz.shape[0]
    blk = 2000
    assert n % blk == 0
    p1, p2, c1, c2 = _feat_consts()
    cspec = lambda shp: pl.BlockSpec(shp, lambda i: (0, 0))
    return pl.pallas_call(
        _feat_body,
        grid=(n // blk,),
        in_specs=[
            pl.BlockSpec((blk, 4), lambda i: (i, 0)),
            cspec((4, 16)),
            cspec((4, 16)),
            cspec((1, 16)),
            cspec((1, 16)),
        ],
        out_specs=pl.BlockSpec((blk, 16), lambda i: (i, 0)),
        out_shape=jax.ShapeDtypeStruct((n, 16), jnp.float32),
    )(base_bxyz, jnp.asarray(p1), jnp.asarray(p2), jnp.asarray(c1), jnp.asarray(c2))


K = 16


def _sc_accumulate(F, eb, ev, nvoxp, epw):
    nbg = epw // (K * BLK)
    rpt = nvoxp // NS
    mesh = plsc.VectorSubcoreMesh(core_axis_name="c", subcore_axis_name="s")

    @functools.partial(
        pl.kernel,
        mesh=mesh,
        compiler_params=pltpu.CompilerParams(use_tc_tiling_on_sc=False),
        out_type=jax.ShapeDtypeStruct((NC, nvoxp, 16), jnp.float32),
        scratch_types=[
            pltpu.VMEM((K, BLK), jnp.int32),
            pltpu.VMEM((K, BLK), jnp.int32),
            pltpu.VMEM((K, BLK, 16), jnp.float32),
            pltpu.VMEM_SHARED((nvoxp, 16), jnp.float32),
            pltpu.SemaphoreType.DMA,
            pltpu.SemaphoreType.DMA,
            pltpu.SemaphoreType.DMA,
        ],
    )
    def k(f_hbm, eb_hbm, ev_hbm, out_hbm, idxb, idxv, rows, acc, semi, semg, sems):
        c = lax.axis_index("c")
        s = lax.axis_index("s")
        wid = c * NS + s

        def zrow(r, carry):
            rows[0, r] = jnp.zeros((16,), jnp.float32)
            return carry

        lax.fori_loop(0, BLK, zrow, 0)

        def zcp(t, carry):
            pltpu.sync_copy(rows.at[0], acc.at[pl.ds(s * rpt + t * BLK, BLK)])
            return carry

        lax.fori_loop(0, rpt // BLK, zcp, 0)
        plsc.subcore_barrier()

        def body(g, carry):
            base0 = wid * epw + g * (K * BLK)
            hs = []
            for b in range(K):
                base = pl.multiple_of(base0 + b * BLK, BLK)
                hs.append(pltpu.async_copy(eb_hbm.at[pl.ds(base, BLK)], idxb.at[b], semi))
            for h in hs:
                h.wait()
            hs = []
            for b in range(K):
                base = pl.multiple_of(base0 + b * BLK, BLK)
                hs.append(pltpu.async_copy(ev_hbm.at[pl.ds(base, BLK)], idxv.at[b], semi))
            for h in hs:
                h.wait()
            hs = [
                pltpu.async_copy(f_hbm.at[idxb.at[b]], rows.at[b], semg)
                for b in range(K)
            ]
            for h in hs:
                h.wait()
            hs = [
                pltpu.async_copy(rows.at[b], acc.at[idxv.at[b]], sems, add=True)
                for b in range(K)
            ]
            for h in hs:
                h.wait()
            return carry

        lax.fori_loop(0, nbg, body, 0)
        plsc.subcore_barrier()

        pltpu.sync_copy(
            acc.at[pl.ds(s * rpt, rpt)], out_hbm.at[c, pl.ds(s * rpt, rpt)]
        )

    return k(F, eb, ev)


def _finish_body(a0_ref, a1_ref, bc_ref, bxyz_ref, vol_ref, ddt_ref):
    a = a0_ref[...] + a1_ref[...]
    n = a[:, 4:5]
    mask = n > 0.5
    safe = jnp.where(mask, n, 1.0)
    mean = a[:, 0:4] / safe
    bxyz_ref[...] = jnp.where(mask, mean, bc_ref[...])
    vol_ref[...] = n
    cnt = jnp.maximum(n, 1.0)
    mx = mean[:, 1:2]
    my = mean[:, 2:3]
    mz = mean[:, 3:4]
    c00 = (a[:, 5:6] - n * mx * mx) / cnt
    c01 = (a[:, 6:7] - n * mx * my) / cnt
    c02 = (a[:, 7:8] - n * mx * mz) / cnt
    c11 = (a[:, 8:9] - n * my * my) / cnt
    c12 = (a[:, 9:10] - n * my * mz) / cnt
    c22 = (a[:, 10:11] - n * mz * mz) / cnt
    ddt_ref[:, 0:1] = c00
    ddt_ref[:, 1:2] = c01
    ddt_ref[:, 2:3] = c02
    ddt_ref[:, 3:4] = c01
    ddt_ref[:, 4:5] = c11
    ddt_ref[:, 5:6] = c12
    ddt_ref[:, 6:7] = c02
    ddt_ref[:, 7:8] = c12
    ddt_ref[:, 8:9] = c22


def _finish(p0, p1, bcenter):
    nv = bcenter.shape[0]
    blk = 2000
    assert nv % blk == 0
    return pl.pallas_call(
        _finish_body,
        grid=(nv // blk,),
        in_specs=[
            pl.BlockSpec((blk, 16), lambda i: (i, 0)),
            pl.BlockSpec((blk, 16), lambda i: (i, 0)),
            pl.BlockSpec((blk, 4), lambda i: (i, 0)),
        ],
        out_specs=[
            pl.BlockSpec((blk, 4), lambda i: (i, 0)),
            pl.BlockSpec((blk, 1), lambda i: (i, 0)),
            pl.BlockSpec((blk, 9), lambda i: (i, 0)),
        ],
        out_shape=[
            jax.ShapeDtypeStruct((nv, 4), jnp.float32),
            jax.ShapeDtypeStruct((nv, 1), jnp.float32),
            jax.ShapeDtypeStruct((nv, 9), jnp.float32),
        ],
    )(p0, p1, bcenter)


_NSWEEP = 8
_EROWS = 32


def _eigh_body(din_ref, w_ref, v_ref):
    a = {
        (0, 0): din_ref[0], (0, 1): din_ref[1], (0, 2): din_ref[2],
        (1, 1): din_ref[4], (1, 2): din_ref[5], (2, 2): din_ref[8],
    }
    one = jnp.ones_like(a[(0, 0)])
    zero = jnp.zeros_like(a[(0, 0)])
    v = {(i, j): (one if i == j else zero) for i in range(3) for j in range(3)}

    def g(i, j):
        return a[(i, j)] if (i, j) in a else a[(j, i)]

    def s(i, j, val):
        a[(i, j) if (i, j) in a else (j, i)] = val

    for _ in range(_NSWEEP):
        for (p, q) in ((0, 2), (1, 2), (0, 1)):
            r = 3 - p - q
            app, aqq, apq = g(p, p), g(q, q), g(p, q)
            tau = (aqq - app) / (2.0 * apq)
            den = jnp.abs(tau) + jnp.sqrt(1.0 + tau * tau)
            t = jnp.sign(tau) / den
            t = jnp.where(tau == 0.0, 1.0 / den, t)
            cc = 1.0 / jnp.sqrt(1.0 + t * t)
            ss = t * cc
            noop = apq == 0.0
            cc = jnp.where(noop, 1.0, cc)
            ss = jnp.where(noop, 0.0, ss)
            sc_ = ss * cc
            apr, aqr = g(p, r), g(q, r)
            napp = cc * cc * app - 2.0 * (sc_ * apq) + ss * ss * aqq
            naqq = ss * ss * app + 2.0 * (sc_ * apq) + cc * cc * aqq
            napq = sc_ * (app - aqq) + (cc * cc - ss * ss) * apq
            napr = cc * apr - ss * aqr
            naqr = ss * apr + cc * aqr
            s(p, p, napp)
            s(q, q, naqq)
            s(p, q, napq)
            s(p, r, napr)
            s(q, r, naqr)
            for i in range(3):
                vp, vq = v[(i, p)], v[(i, q)]
                v[(i, p)] = cc * vp - ss * vq
                v[(i, q)] = ss * vp + cc * vq

    def key(w):
        b = jax.lax.bitcast_convert_type(w, jnp.int32)
        return jnp.where(b < 0, jnp.int32(0x7FFFFFFF) ^ b, b)

    cols = [
        (key(g(k, k)), g(k, k), v[(0, k)], v[(1, k)], v[(2, k)])
        for k in range(3)
    ]

    def cex(ca, cb):
        swap = cb[0] < ca[0]
        na = tuple(jnp.where(swap, y, x) for x, y in zip(ca, cb))
        nb = tuple(jnp.where(swap, x, y) for x, y in zip(ca, cb))
        return na, nb

    cols[0], cols[1] = cex(cols[0], cols[1])
    cols[1], cols[2] = cex(cols[1], cols[2])
    cols[0], cols[1] = cex(cols[0], cols[1])

    for k in range(3):
        w_ref[k] = cols[k][1]
        for i in range(3):
            v_ref[3 * i + k] = cols[k][2 + i]


def _eigh3(ddt_t):
    nq = ddt_t.shape[1]
    assert nq % _EROWS == 0
    return pl.pallas_call(
        _eigh_body,
        grid=(nq // _EROWS,),
        in_specs=[pl.BlockSpec((9, _EROWS, 128), lambda i: (0, i, 0))],
        out_specs=[
            pl.BlockSpec((3, _EROWS, 128), lambda i: (0, i, 0)),
            pl.BlockSpec((9, _EROWS, 128), lambda i: (0, i, 0)),
        ],
        out_shape=[
            jax.ShapeDtypeStruct((3, nq, 128), jnp.float32),
            jax.ShapeDtypeStruct((9, nq, 128), jnp.float32),
        ],
    )(ddt_t)


def kernel(base_bxyz, bcenter, e_base, e_voxel):
    nvox = bcenter.shape[0]
    E = e_base.shape[0]
    nw = NC * NS
    grp_e = K * BLK
    epw = ((E + nw * grp_e - 1) // (nw * grp_e)) * grp_e
    ep = epw * nw
    pad = ep - E
    eb = jnp.concatenate([e_base, jnp.zeros((pad,), jnp.int32)])
    ev = jnp.concatenate([e_voxel, jnp.full((pad,), nvox, jnp.int32)])
    grp = NS * BLK
    nvoxp = ((nvox + 1 + grp - 1) // grp) * grp

    F = _features(base_bxyz)
    partials = _sc_accumulate(F, eb, ev, nvoxp, epw)
    bxyz, vol, ddt = _finish(partials[0], partials[1], bcenter)

    volume = vol[:, 0]
    mask = volume > 0.5
    voxel_ddT = ddt.reshape(nvox, 3, 3)

    nvp2 = ((nvox + _EROWS * 128 - 1) // (_EROWS * 128)) * (_EROWS * 128)
    ddt_t = jnp.pad(ddt, ((0, nvp2 - nvox), (0, 0))).T.reshape(9, nvp2 // 128, 128)
    w_t, ev_t = _eigh3(ddt_t)
    eigvals = w_t.reshape(3, nvp2).T[:nvox]
    eigvecs = ev_t.reshape(9, nvp2).T[:nvox].reshape(nvox, 3, 3)
    return bxyz, volume, mask, voxel_ddT, eigvals, eigvecs

# --- scband reference (transcript-rebuilt; emitter-appended) ---
"""Pipeline reference for scband-pcavolume-4870492914279 (READ-ONLY COPY).

The authoritative reference and input builder live on the scoring server;
editing this copy changes nothing except your own understanding.
"""

import jax, jax.numpy as jnp
import numpy as np


def setup_inputs(seed: int = 0) -> dict:
    key = jax.random.key(seed)
    k1, k2, k3, k4 = jax.random.split(key, 4)
    Npts = 100000
    Nvox = 50000
    E = 3200000
    base_bxyz = jax.random.normal(k1, (Npts, 4), dtype=jnp.float32)
    bcenter = jax.random.normal(k2, (Nvox, 4), dtype=jnp.float32)
    e_base = jax.random.randint(k3, (E,), 0, Npts, dtype=jnp.int32)
    e_voxel = jax.random.randint(k4, (E,), 0, Nvox, dtype=jnp.int32)
    return {"base_bxyz": base_bxyz, "bcenter": bcenter, "e_base": e_base, "e_voxel": e_voxel}


def reference(base_bxyz, bcenter, e_base, e_voxel):
    # Faithful translation of PCAVolume.forward given precomputed voxel-graph
    # edges (e_base -> source point index, e_voxel -> destination voxel index).
    num_voxels = bcenter.shape[0]
    gathered = base_bxyz[e_base]  # [E, 4] gather
    # scatter-sum of point coords into voxels
    bxyz_sum = jax.ops.segment_sum(gathered, e_voxel, num_segments=num_voxels)  # [Nvox, 4]
    # scatter-sum of ones -> per-voxel point count ("volume")
    volume = jax.ops.segment_sum(jnp.ones_like(e_base, dtype=jnp.float32), e_voxel, num_segments=num_voxels)  # [Nvox]
    mask = volume > 0.5
    safe_vol = jnp.where(mask, volume, 1.0)
    # bxyz[mask] = sum/count ; bxyz[~mask] = bcenter[~mask]
    bxyz = jnp.where(mask[:, None], bxyz_sum / safe_vol[:, None], bcenter)  # [Nvox, 4]
    # per-edge centered displacement (spatial coords only, skip batch column 0)
    point_d = gathered[:, 1:] - bxyz[e_voxel, 1:]  # [E, 3]
    point_ddT = point_d[:, :, None] * point_d[:, None, :]  # [E, 3, 3]
    # scatter-mean of outer products (torch_scatter 'mean' gives 0 for empty segments)
    ddT_sum = jax.ops.segment_sum(point_ddT, e_voxel, num_segments=num_voxels)  # [Nvox, 3, 3]
    counts = jnp.maximum(volume, 1.0)
    voxel_ddT = ddT_sum / counts[:, None, None]
    # eigendecomposition is done on detached tensors in the original module
    eigvals, eigvecs = jnp.linalg.eigh(jax.lax.stop_gradient(voxel_ddT))
    return bxyz, volume, mask, voxel_ddT, eigvals, eigvecs

if __name__ == "__main__":
    import jax
    _d = setup_inputs()
    print(jax.jit(kernel)(*tuple(_d.values())))

</pallas_src>

<mosaic_0001>
#map = affine_map<(d0, d1) -> (0, 0)>
#map1 = affine_map<(d0, d1) -> (0)>
#map2 = affine_map<(d0, d1) -> (0, 0, 0)>
module attributes {stable_mosaic.version = 14 : i64} {
  func.func @k(%arg0: i32, %arg1: i32, %arg2: memref<100000x16xf32, #tpu.memory_space<hbm>>, %arg3: memref<3211264xi32, #tpu.memory_space<hbm>>, %arg4: memref<3211264xi32, #tpu.memory_space<hbm>>, %arg5: memref<2x51200x16xf32, #tpu.memory_space<hbm>>, %arg6: memref<16x128xi32, #tpu.memory_space<vmem>>, %arg7: memref<16x128xi32, #tpu.memory_space<vmem>>, %arg8: memref<16x128x16xf32, #tpu.memory_space<vmem>>, %arg9: memref<51200x16xf32, #tpu.memory_space<vmem_shared>>, %arg10: memref<!tpu.dma_semaphore, #tpu.memory_space<semaphore_mem>>, %arg11: memref<!tpu.dma_semaphore, #tpu.memory_space<semaphore_mem>>, %arg12: memref<!tpu.dma_semaphore, #tpu.memory_space<semaphore_mem>>) attributes {dimension_semantics = [#tpu.dimension_semantics<core_parallel>, #tpu.dimension_semantics<subcore_parallel>], iteration_bounds = array<i64: 2, 16>, scalar_prefetch = 0 : i64, scratch_operands = 7 : i64, tpu.core_type = #tpu.core_type<sc_vector_subcore>, window_params = [{transform_indices = #map}, {transform_indices = #map1}, {transform_indices = #map1}, {transform_indices = #map2}]} {
    %mul3A = arith.constant 16 : i32
    %mul3A_0 = arith.muli %arg0, %mul3A : i32
    %add3A = arith.addi %mul3A_0, %arg1 : i32
    %scan3A = arith.constant 0 : i32
    %scan3A_1 = arith.constant 0 : i32
    %scan3A_2 = arith.constant 128 : i32
    %scan3A_3 = arith.addi %scan3A_1, %scan3A_2 : i32
    %scan3A_4 = arith.constant 1 : i32
    scf.for %scan3A_23 = %scan3A_1 to %scan3A_3 step %scan3A_4  : i32 {
      %broadcast_in_dim3A = arith.constant 0.000000e+00 : f32
      %broadcast_in_dim3A_24 = vector.broadcast %broadcast_in_dim3A : f32 to vector<16xf32>
      %swap3A = arith.constant 0 : i32
      %swap3A_25 = arith.index_cast %swap3A : i32 to index
      %swap3A_26 = arith.index_cast %scan3A_23 : i32 to index
      %swap3A_27 = arith.constant 0 : index
      %swap3A_28 = tpu.vector_load %arg8[%swap3A_25, %swap3A_26, %swap3A_27] {strides = array<i32>} : memref<16x128x16xf32, #tpu.memory_space<vmem>>, vector<1x1x16xf32>,
      %swap3A_29 = vector.shape_cast %swap3A_28 : vector<1x1x16xf32> to vector<16xf32>
      %swap3A_30 = vector.shape_cast %broadcast_in_dim3A_24 : vector<16xf32> to vector<1x1x16xf32>
      tpu.vector_store %arg8[%swap3A_25, %swap3A_26, %swap3A_27], %swap3A_30 {strides = array<i32>} : memref<16x128x16xf32, #tpu.memory_space<vmem>>, vector<1x1x16xf32>,
    }
    %scan3A_5 = arith.constant 128 : i32
    %scan3A_6 = arith.constant 0 : i32
    %scan3A_7 = arith.constant 0 : i32
    %scan3A_8 = arith.constant 25 : i32
    %scan3A_9 = arith.addi %scan3A_7, %scan3A_8 : i32
    %scan3A_10 = arith.constant 1 : i32
    scf.for %scan3A_23 = %scan3A_7 to %scan3A_9 step %scan3A_10  : i32 {
      %mul3A_24 = arith.constant 3200 : i32
      %mul3A_25 = arith.muli %arg1, %mul3A_24 : i32
      %mul3A_26 = arith.constant 128 : i32
      %mul3A_27 = arith.muli %scan3A_23, %mul3A_26 : i32
      %add3A_28 = arith.addi %mul3A_25, %mul3A_27 : i32
      %run_scoped3A = arith.constant 0 : i32
      "tpu.region"() ({
        %run_scoped3A_29 = tpu.sem_alloc : memref<!tpu.dma_semaphore, #tpu.memory_space<semaphore_mem>>
        %dma_start3A = arith.constant 0 : i32
        %dma_start3A_30 = arith.constant 0 : i32
        %dma_start3A_31 = tpu.memref_slice %arg8[%run_scoped3A, %dma_start3A, %dma_start3A_30] : memref<16x128x16xf32, #tpu.memory_space<vmem>> -> memref<1x128x16xf32, #tpu.memory_space<vmem>>
        %dma_start3A_32 = tpu.memref_squeeze %dma_start3A_31 : memref<1x128x16xf32, #tpu.memory_space<vmem>> -> memref<128x16xf32, #tpu.memory_space<vmem>>
        %dma_start3A_33 = arith.constant 0 : i32
        %dma_start3A_34 = tpu.memref_slice %arg9[%add3A_28, %dma_start3A_33] : memref<51200x16xf32, #tpu.memory_space<vmem_shared>> -> memref<128x16xf32, #tpu.memory_space<vmem_shared>>
        %dma_start3A_35 = arith.constant 0 : i32
        %dma_start3A_36 = tpu.memref_slice %arg9[%add3A_28, %dma_start3A_35] : memref<51200x16xf32, #tpu.memory_space<vmem_shared>> -> memref<128x16xf32, #tpu.memory_space<vmem_shared>>
        %dma_start3A_37 = arith.constant 0 : i32
        %dma_start3A_38 = arith.constant 0 : i32
        %dma_start3A_39 = tpu.memref_slice %arg8[%run_scoped3A, %dma_start3A_37, %dma_start3A_38] : memref<16x128x16xf32, #tpu.memory_space<vmem>> -> memref<1x128x16xf32, #tpu.memory_space<vmem>>
        %dma_start3A_40 = tpu.memref_squeeze %dma_start3A_39 : memref<1x128x16xf32, #tpu.memory_space<vmem>> -> memref<128x16xf32, #tpu.memory_space<vmem>>
        tpu.enqueue_dma source(%dma_start3A_40 : memref<128x16xf32, #tpu.memory_space<vmem>>) target(%dma_start3A_36 : memref<128x16xf32, #tpu.memory_space<vmem_shared>>) target_semaphore(%run_scoped3A_29 : memref<!tpu.dma_semaphore, #tpu.memory_space<semaphore_mem>>)
        %dma_wait3A = arith.constant 0 : i32
        %dma_wait3A_41 = arith.constant 0 : i32
        %dma_wait3A_42 = tpu.memref_slice %arg8[%run_scoped3A, %dma_wait3A, %dma_wait3A_41] : memref<16x128x16xf32, #tpu.memory_space<vmem>> -> memref<1x128x16xf32, #tpu.memory_space<vmem>>
        %dma_wait3A_43 = tpu.memref_squeeze %dma_wait3A_42 : memref<1x128x16xf32, #tpu.memory_space<vmem>> -> memref<128x16xf32, #tpu.memory_space<vmem>>
        %dma_wait3A_44 = arith.constant 0 : i32
        %dma_wait3A_45 = tpu.memref_slice %arg9[%add3A_28, %dma_wait3A_44] : memref<51200x16xf32, #tpu.memory_space<vmem_shared>> -> memref<128x16xf32, #tpu.memory_space<vmem_shared>>
        %dma_wait3A_46 = arith.constant 0 : i32
        %dma_wait3A_47 = tpu.memref_slice %arg9[%add3A_28, %dma_wait3A_46] : memref<51200x16xf32, #tpu.memory_space<vmem_shared>> -> memref<128x16xf32, #tpu.memory_space<vmem_shared>>
        %dma_wait3A_48 = arith.constant 0 : i32
        %dma_wait3A_49 = arith.constant 0 : i32
        %dma_wait3A_50 = tpu.memref_slice %arg8[%run_scoped3A, %dma_wait3A_48, %dma_wait3A_49] : memref<16x128x16xf32, #tpu.memory_space<vmem>> -> memref<1x128x16xf32, #tpu.memory_space<vmem>>
        %dma_wait3A_51 = tpu.memref_squeeze %dma_wait3A_50 : memref<1x128x16xf32, #tpu.memory_space<vmem>> -> memref<128x16xf32, #tpu.memory_space<vmem>>
        tpu.wait_dma2 semaphore(%run_scoped3A_29 : memref<!tpu.dma_semaphore, #tpu.memory_space<semaphore_mem>>) src(%dma_wait3A_51 : memref<128x16xf32, #tpu.memory_space<vmem>>) dst(%dma_wait3A_47 : memref<128x16xf32, #tpu.memory_space<vmem_shared>>)
        tpu.yield
      }) : () -> ()
    }
    %scan3A_11 = arith.constant 25 : i32
    %barrier3A = arith.constant 0 : index
    tpu.barrier barrier_id(%barrier3A)
    %scan3A_12 = arith.constant 0 : i32
    %scan3A_13 = arith.constant 0 : i32
    %scan3A_14 = arith.constant 49 : i32
    %scan3A_15 = arith.addi %scan3A_13, %scan3A_14 : i32
    %scan3A_16 = arith.constant 1 : i32
    scf.for %scan3A_23 = %scan3A_13 to %scan3A_15 step %scan3A_16  : i32 {
      %mul3A_24 = arith.constant 100352 : i32
      %mul3A_25 = arith.muli %add3A, %mul3A_24 : i32
      %mul3A_26 = arith.constant 2048 : i32
      %mul3A_27 = arith.muli %scan3A_23, %mul3A_26 : i32
      %add3A_28 = arith.addi %mul3A_25, %mul3A_27 : i32
      %add3A_29 = arith.constant 0 : i32
      %add3A_30 = arith.addi %add3A_28, %add3A_29 : i32
      %multiple_of3A = tpu.assume_multiple %add3A_30, 128 : i32
      %dma_start3A = arith.constant 0 : i32
      %dma_start3A_31 = arith.constant 0 : i32
      %dma_start3A_32 = tpu.memref_slice %arg6[%dma_start3A, %dma_start3A_31] : memref<16x128xi32, #tpu.memory_space<vmem>> -> memref<1x128xi32, #tpu.memory_space<vmem>>
      %dma_start3A_33 = tpu.memref_squeeze %dma_start3A_32 : memref<1x128xi32, #tpu.memory_space<vmem>> -> memref<128xi32, #tpu.memory_space<vmem>>
      %dma_start3A_34 = tpu.memref_slice %arg3[%multiple_of3A] : memref<3211264xi32, #tpu.memory_space<hbm>> -> memref<128xi32, #tpu.memory_space<hbm>>
      %dma_start3A_35 = arith.constant 0 : i32
      %dma_start3A_36 = tpu.memref_slice %arg6[%dma_start3A, %dma_start3A_35] : memref<16x128xi32, #tpu.memory_space<vmem>> -> memref<1x128xi32, #tpu.memory_space<vmem>>
      %dma_start3A_37 = tpu.memref_squeeze %dma_start3A_36 : memref<1x128xi32, #tpu.memory_space<vmem>> -> memref<128xi32, #tpu.memory_space<vmem>>
      %dma_start3A_38 = tpu.memref_slice %arg3[%multiple_of3A] : memref<3211264xi32, #tpu.memory_space<hbm>> -> memref<128xi32, #tpu.memory_space<hbm>>
      tpu.enqueue_dma source(%dma_start3A_38 : memref<128xi32, #tpu.memory_space<hbm>>) target(%dma_start3A_37 : memref<128xi32, #tpu.memory_space<vmem>>) target_semaphore(%arg10 : memref<!tpu.dma_semaphore, #tpu.memory_space<semaphore_mem>>)
      %add3A_39 = arith.constant 128 : i32
      %add3A_40 = arith.addi %add3A_28, %add3A_39 : i32
      %multiple_of3A_41 = tpu.assume_multiple %add3A_40, 128 : i32
      %dma_start3A_42 = arith.constant 1 : i32
      %dma_start3A_43 = arith.constant 0 : i32
      %dma_start3A_44 = tpu.memref_slice %arg6[%dma_start3A_42, %dma_start3A_43] : memref<16x128xi32, #tpu.memory_space<vmem>> -> memref<1x128xi32, #tpu.memory_space<vmem>>
      %dma_start3A_45 = tpu.memref_squeeze %dma_start3A_44 : memref<1x128xi32, #tpu.memory_space<vmem>> -> memref<128xi32, #tpu.memory_space<vmem>>
      %dma_start3A_46 = tpu.memref_slice %arg3[%multiple_of3A_41] : memref<3211264xi32, #tpu.memory_space<hbm>> -> memref<128xi32, #tpu.memory_space<hbm>>
      %dma_start3A_47 = arith.constant 0 : i32
      %dma_start3A_48 = tpu.memref_slice %arg6[%dma_start3A_42, %dma_start3A_47] : memref<16x128xi32, #tpu.memory_space<vmem>> -> memref<1x128xi32, #tpu.memory_space<vmem>>
      %dma_start3A_49 = tpu.memref_squeeze %dma_start3A_48 : memref<1x128xi32, #tpu.memory_space<vmem>> -> memref<128xi32, #tpu.memory_space<vmem>>
      %dma_start3A_50 = tpu.memref_slice %arg3[%multiple_of3A_41] : memref<3211264xi32, #tpu.memory_space<hbm>> -> memref<128xi32, #tpu.memory_space<hbm>>
      tpu.enqueue_dma source(%dma_start3A_50 : memref<128xi32, #tpu.memory_space<hbm>>) target(%dma_start3A_49 : memref<128xi32, #tpu.memory_space<vmem>>) target_semaphore(%arg10 : memref<!tpu.dma_semaphore, #tpu.memory_space<semaphore_mem>>)
      %add3A_51 = arith.constant 256 : i32
      %add3A_52 = arith.addi %add3A_28, %add3A_51 : i32
      %multiple_of3A_53 = tpu.assume_multiple %add3A_52, 128 : i32
      %dma_start3A_54 = arith.constant 2 : i32
      %dma_start3A_55 = arith.constant 0 : i32
      %dma_start3A_56 = tpu.memref_slice %arg6[%dma_start3A_54, %dma_start3A_55] : memref<16x128xi32, #tpu.memory_space<vmem>> -> memref<1x128xi32, #tpu.memory_space<vmem>>
      %dma_start3A_57 = tpu.memref_squeeze %dma_start3A_56 : memref<1x128xi32, #tpu.memory_space<vmem>> -> memref<128xi32, #tpu.memory_space<vmem>>
      %dma_start3A_58 = tpu.memref_slice %arg3[%multiple_of3A_53] : memref<3211264xi32, #tpu.memory_space<hbm>> -> memref<128xi32, #tpu.memory_space<hbm>>
      %dma_start3A_59 = arith.constant 0 : i32
      %dma_start3A_60 = tpu.memref_slice %arg6[%dma_start3A_54, %dma_start3A_59] : memref<16x128xi32, #tpu.memory_space<vmem>> -> memref<1x128xi32, #tpu.memory_space<vmem>>
      %dma_start3A_61 = tpu.memref_squeeze %dma_start3A_60 : memref<1x128xi32, #tpu.memory_space<vmem>> -> memref<128xi32, #tpu.memory_space<vmem>>
      %dma_start3A_62 = tpu.memref_slice %arg3[%multiple_of3A_53] : memref<3211264xi32, #tpu.memory_space<hbm>> -> memref<128xi32, #tpu.memory_space<hbm>>
      tpu.enqueue_dma source(%dma_start3A_62 : memref<128xi32, #tpu.memory_space<hbm>>) target(%dma_start3A_61 : memref<128xi32, #tpu.memory_space<vmem>>) target_semaphore(%arg10 : memref<!tpu.dma_semaphore, #tpu.memory_space<semaphore_mem>>)
      %add3A_63 = arith.constant 384 : i32
      %add3A_64 = arith.addi %add3A_28, %add3A_63 : i32
      %multiple_of3A_65 = tpu.assume_multiple %add3A_64, 128 : i32
      %dma_start3A_66 = arith.constant 3 : i32
      %dma_start3A_67 = arith.constant 0 : i32
      %dma_start3A_68 = tpu.memref_slice %arg6[%dma_start3A_66, %dma_start3A_67] : memref<16x128xi32, #tpu.memory_space<vmem>> -> memref<1x128xi32, #tpu.memory_space<vmem>>
      %dma_start3A_69 = tpu.memref_squeeze %dma_start3A_68 : memref<1x128xi32, #tpu.memory_space<vmem>> -> memref<128xi32, #tpu.memory_space<vmem>>
      %dma_start3A_70 = tpu.memref_slice %arg3[%multiple_of3A_65] : memref<3211264xi32, #tpu.memory_space<hbm>> -> memref<128xi32, #tpu.memory_space<hbm>>
      %dma_start3A_71 = arith.constant 0 : i32
      %dma_start3A_72 = tpu.memref_slice %arg6[%dma_start3A_66, %dma_start3A_71] : memref<16x128xi32, #tpu.memory_space<vmem>> -> memref<1x128xi32, #tpu.memory_space<vmem>>
      %dma_start3A_73 = tpu.memref_squeeze %dma_start3A_72 : memref<1x128xi32, #tpu.memory_space<vmem>> -> memref<128xi32, #tpu.memory_space<vmem>>
      %dma_start3A_74 = tpu.memref_slice %arg3[%multiple_of3A_65] : memref<3211264xi32, #tpu.memory_space<hbm>> -> memref<128xi32, #tpu.memory_space<hbm>>
      tpu.enqueue_dma source(%dma_start3A_74 : memref<128xi32, #tpu.memory_space<hbm>>) target(%dma_start3A_73 : memref<128xi32, #tpu.memory_space<vmem>>) target_semaphore(%arg10 : memref<!tpu.dma_semaphore, #tpu.memory_space<semaphore_mem>>)
      %add3A_75 = arith.constant 512 : i32
      %add3A_76 = arith.addi %add3A_28, %add3A_75 : i32
      %multiple_of3A_77 = tpu.assume_multiple %add3A_76, 128 : i32
      %dma_start3A_78 = arith.constant 4 : i32
      %dma_start3A_79 = arith.constant 0 : i32
      %dma_start3A_80 = tpu.memref_slice %arg6[%dma_start3A_78, %dma_start3A_79] : memref<16x128xi32, #tpu.memory_space<vmem>> -> memref<1x128xi32, #tpu.memory_space<vmem>>
      %dma_start3A_81 = tpu.memref_squeeze %dma_start3A_80 : memref<1x128xi32, #tpu.memory_space<vmem>> -> memref<128xi32, #tpu.memory_space<vmem>>
      %dma_start3A_82 = tpu.memref_slice %arg3[%multiple_of3A_77] : memref<3211264xi32, #tpu.memory_space<hbm>> -> memref<128xi32, #tpu.memory_space<hbm>>
      %dma_start3A_83 = arith.constant 0 : i32
      %dma_start3A_84 = tpu.memref_slice %arg6[%dma_start3A_78, %dma_start3A_83] : memref<16x128xi32, #tpu.memory_space<vmem>> -> memref<1x128xi32, #tpu.memory_space<vmem>>
      %dma_start3A_85 = tpu.memref_squeeze %dma_start3A_84 : memref<1x128xi32, #tpu.memory_space<vmem>> -> memref<128xi32, #tpu.memory_space<vmem>>
      %dma_start3A_86 = tpu.memref_slice %arg3[%multiple_of3A_77] : memref<3211264xi32, #tpu.memory_space<hbm>> -> memref<128xi32, #tpu.memory_space<hbm>>
      tpu.enqueue_dma source(%dma_start3A_86 : memref<128xi32, #tpu.memory_space<hbm>>) target(%dma_start3A_85 : memref<128xi32, #tpu.memory_space<vmem>>) target_semaphore(%arg10 : memref<!tpu.dma_semaphore, #tpu.memory_space<semaphore_mem>>)
      %add3A_87 = arith.constant 640 : i32
      %add3A_88 = arith.addi %add3A_28, %add3A_87 : i32
      %multiple_of3A_89 = tpu.assume_multiple %add3A_88, 128 : i32
      %dma_start3A_90 = arith.constant 5 : i32
      %dma_start3A_91 = arith.constant 0 : i32
      %dma_start3A_92 = tpu.memref_slice %arg6[%dma_start3A_90, %dma_start3A_91] : memref<16x128xi32, #tpu.memory_space<vmem>> -> memref<1x128xi32, #tpu.memory_space<vmem>>
      %dma_start3A_93 = tpu.memref_squeeze %dma_start3A_92 : memref<1x128xi32, #tpu.memory_space<vmem>> -> memref<128xi32, #tpu.memory_space<vmem>>
      %dma_start3A_94 = tpu.memref_slice %arg3[%multiple_of3A_89] : memref<3211264xi32, #tpu.memory_space<hbm>> -> memref<128xi32, #tpu.memory_space<hbm>>
      %dma_start3A_95 = arith.constant 0 : i32
      %dma_start3A_96 = tpu.memref_slice %arg6[%dma_start3A_90, %dma_start3A_95] : memref<16x128xi32, #tpu.memory_space<vmem>> -> memref<1x128xi32, #tpu.memory_space<vmem>>
      %dma_start3A_97 = tpu.memref_squeeze %dma_start3A_96 : memref<1x128xi32, #tpu.memory_space<vmem>> -> memref<128xi32, #tpu.memory_space<vmem>>
      %dma_start3A_98 = tpu.memref_slice %arg3[%multiple_of3A_89] : memref<3211264xi32, #tpu.memory_space<hbm>> -> memref<128xi32, #tpu.memory_space<hbm>>
      tpu.enqueue_dma source(%dma_start3A_98 : memref<128xi32, #tpu.memory_space<hbm>>) target(%dma_start3A_97 : memref<128xi32, #tpu.memory_space<vmem>>) target_semaphore(%arg10 : memref<!tpu.dma_semaphore, #tpu.memory_space<semaphore_mem>>)
      %add3A_99 = arith.constant 768 : i32
      %add3A_100 = arith.addi %add3A_28, %add3A_99 : i32
      %multiple_of3A_101 = tpu.assume_multiple %add3A_100, 128 : i32
      %dma_start3A_102 = arith.constant 6 : i32
      %dma_start3A_103 = arith.constant 0 : i32
      %dma_start3A_104 = tpu.memref_slice %arg6[%dma_start3A_102, %dma_start3A_103] : memref<16x128xi32, #tpu.memory_space<vmem>> -> memref<1x128xi32, #tpu.memory_space<vmem>>
      %dma_start3A_105 = tpu.memref_squeeze %dma_start3A_104 : memref<1x128xi32, #tpu.memory_space<vmem>> -> memref<128xi32, #tpu.memory_space<vmem>>
      %dma_start3A_106 = tpu.memref_slice %arg3[%multiple_of3A_101] : memref<3211264xi32, #tpu.memory_space<hbm>> -> memref<128xi32, #tpu.memory_space<hbm>>
      %dma_start3A_107 = arith.constant 0 : i32
      %dma_start3A_108 = tpu.memref_slice %arg6[%dma_start3A_102, %dma_start3A_107] : memref<16x128xi32, #tpu.memory_space<vmem>> -> memref<1x128xi32, #tpu.memory_space<vmem>>
      %dma_start3A_109 = tpu.memref_squeeze %dma_start3A_108 : memref<1x128xi32, #tpu.memory_space<vmem>> -> memref<128xi32, #tpu.memory_space<vmem>>
      %dma_start3A_110 = tpu.memref_slice %arg3[%multiple_of3A_101] : memref<3211264xi32, #tpu.memory_space<hbm>> -> memref<128xi32, #tpu.memory_space<hbm>>
      tpu.enqueue_dma source(%dma_start3A_110 : memref<128xi32, #tpu.memory_space<hbm>>) target(%dma_start3A_109 : memref<128xi32, #tpu.memory_space<vmem>>) target_semaphore(%arg10 : memref<!tpu.dma_semaphore, #tpu.memory_space<semaphore_mem>>)
      %add3A_111 = arith.constant 896 : i32
      %add3A_112 = arith.addi %add3A_28, %add3A_111 : i32
      %multiple_of3A_113 = tpu.assume_multiple %add3A_112, 128 : i32
      %dma_start3A_114 = arith.constant 7 : i32
      %dma_start3A_115 = arith.constant 0 : i32
      %dma_start3A_116 = tpu.memref_slice %arg6[%dma_start3A_114, %dma_start3A_115] : memref<16x128xi32, #tpu.memory_space<vmem>> -> memref<1x128xi32, #tpu.memory_space<vmem>>
      %dma_start3A_117 = tpu.memref_squeeze %dma_start3A_116 : memref<1x128xi32, #tpu.memory_space<vmem>> -> memref<128xi32, #tpu.memory_space<vmem>>
      %dma_start3A_118 = tpu.memref_slice %arg3[%multiple_of3A_113] : memref<3211264xi32, #tpu.memory_space<hbm>> -> memref<128xi32, #tpu.memory_space<hbm>>
      %dma_start3A_119 = arith.constant 0 : i32
      %dma_start3A_120 = tpu.memref_slice %arg6[%dma_start3A_114, %dma_start3A_119] : memref<16x128xi32, #tpu.memory_space<vmem>> -> memref<1x128xi32, #tpu.memory_space<vmem>>
      %dma_start3A_121 = tpu.memref_squeeze %dma_start3A_120 : memref<1x128xi32, #tpu.memory_space<vmem>> -> memref<128xi32, #tpu.memory_space<vmem>>
      %dma_start3A_122 = tpu.memref_slice %arg3[%multiple_of3A_113] : memref<3211264xi32, #tpu.memory_space<hbm>> -> memref<128xi32, #tpu.memory_space<hbm>>
      tpu.enqueue_dma source(%dma_start3A_122 : memref<128xi32, #tpu.memory_space<hbm>>) target(%dma_start3A_121 : memref<128xi32, #tpu.memory_space<vmem>>) target_semaphore(%arg10 : memref<!tpu.dma_semaphore, #tpu.memory_space<semaphore_mem>>)
      %add3A_123 = arith.constant 1024 : i32
      %add3A_124 = arith.addi %add3A_28, %add3A_123 : i32
      %multiple_of3A_125 = tpu.assume_multiple %add3A_124, 128 : i32
      %dma_start3A_126 = arith.constant 8 : i32
      %dma_start3A_127 = arith.constant 0 : i32
      %dma_start3A_128 = tpu.memref_slice %arg6[%dma_start3A_126, %dma_start3A_127] : memref<16x128xi32, #tpu.memory_space<vmem>> -> memref<1x128xi32, #tpu.memory_space<vmem>>
      %dma_start3A_129 = tpu.memref_squeeze %dma_start3A_128 : memref<1x128xi32, #tpu.memory_space<vmem>> -> memref<128xi32, #tpu.memory_space<vmem>>
      %dma_start3A_130 = tpu.memref_slice %arg3[%multiple_of3A_125] : memref<3211264xi32, #tpu.memory_space<hbm>> -> memref<128xi32, #tpu.memory_space<hbm>>
      %dma_start3A_131 = arith.constant 0 : i32
      %dma_start3A_132 = tpu.memref_slice %arg6[%dma_start3A_126, %dma_start3A_131] : memref<16x128xi32, #tpu.memory_space<vmem>> -> memref<1x128xi32, #tpu.memory_space<vmem>>
      %dma_start3A_133 = tpu.memref_squeeze %dma_start3A_132 : memref<1x128xi32, #tpu.memory_space<vmem>> -> memref<128xi32, #tpu.memory_space<vmem>>
      %dma_start3A_134 = tpu.memref_slice %arg3[%multiple_of3A_125] : memref<3211264xi32, #tpu.memory_space<hbm>> -> memref<128xi32, #tpu.memory_space<hbm>>
      tpu.enqueue_dma source(%dma_start3A_134 : memref<128xi32, #tpu.memory_space<hbm>>) target(%dma_start3A_133 : memref<128xi32, #tpu.memory_space<vmem>>) target_semaphore(%arg10 : memref<!tpu.dma_semaphore, #tpu.memory_space<semaphore_mem>>)
      %add3A_135 = arith.constant 1152 : i32
      %add3A_136 = arith.addi %add3A_28, %add3A_135 : i32
      %multiple_of3A_137 = tpu.assume_multiple %add3A_136, 128 : i32
      %dma_start3A_138 = arith.constant 9 : i32
      %dma_start3A_139 = arith.constant 0 : i32
      %dma_start3A_140 = tpu.memref_slice %arg6[%dma_start3A_138, %dma_start3A_139] : memref<16x128xi32, #tpu.memory_space<vmem>> -> memref<1x128xi32, #tpu.memory_space<vmem>>
      %dma_start3A_141 = tpu.memref_squeeze %dma_start3A_140 : memref<1x128xi32, #tpu.memory_space<vmem>> -> memref<128xi32, #tpu.memory_space<vmem>>
      %dma_start3A_142 = tpu.memref_slice %arg3[%multiple_of3A_137] : memref<3211264xi32, #tpu.memory_space<hbm>> -> memref<128xi32, #tpu.memory_space<hbm>>
      %dma_start3A_143 = arith.constant 0 : i32
      %dma_start3A_144 = tpu.memref_slice %arg6[%dma_start3A_138, %dma_start3A_143] : memref<16x128xi32, #tpu.memory_space<vmem>> -> memref<1x128xi32, #tpu.memory_space<vmem>>
      %dma_start3A_145 = tpu.memref_squeeze %dma_start3A_144 : memref<1x128xi32, #tpu.memory_space<vmem>> -> memref<128xi32, #tpu.memory_space<vmem>>
      %dma_start3A_146 = tpu.memref_slice %arg3[%multiple_of3A_137] : memref<3211264xi32, #tpu.memory_space<hbm>> -> memref<128xi32, #tpu.memory_space<hbm>>
      tpu.enqueue_dma source(%dma_start3A_146 : memref<128xi32, #tpu.memory_space<hbm>>) target(%dma_start3A_145 : memref<128xi32, #tpu.memory_space<vmem>>) target_semaphore(%arg10 : memref<!tpu.dma_semaphore, #tpu.memory_space<semaphore_mem>>)
      %add3A_147 = arith.constant 1280 : i32
      %add3A_148 = arith.addi %add3A_28, %add3A_147 : i32
      %multiple_of3A_149 = tpu.assume_multiple %add3A_148, 128 : i32
      %dma_start3A_150 = arith.constant 10 : i32
      %dma_start3A_151 = arith.constant 0 : i32
      %dma_start3A_152 = tpu.memref_slice %arg6[%dma_start3A_150, %dma_start3A_151] : memref<16x128xi32, #tpu.memory_space<vmem>> -> memref<1x128xi32, #tpu.memory_space<vmem>>
      %dma_start3A_153 = tpu.memref_squeeze %dma_start3A_152 : memref<1x128xi32, #tpu.memory_space<vmem>> -> memref<128xi32, #tpu.memory_space<vmem>>
      %dma_start3A_154 = tpu.memref_slice %arg3[%multiple_of3A_149] : memref<3211264xi32, #tpu.memory_space<hbm>> -> memref<128xi32, #tpu.memory_space<hbm>>
      %dma_start3A_155 = arith.constant 0 : i32
      %dma_start3A_156 = tpu.memref_slice %arg6[%dma_start3A_150, %dma_start3A_155] : memref<16x128xi32, #tpu.memory_space<vmem>> -> memref<1x128xi32, #tpu.memory_space<vmem>>
      %dma_start3A_157 = tpu.memref_squeeze %dma_start3A_156 : memref<1x128xi32, #tpu.memory_space<vmem>> -> memref<128xi32, #tpu.memory_space<vmem>>
      %dma_start3A_158 = tpu.memref_slice %arg3[%multiple_of3A_149] : memref<3211264xi32, #tpu.memory_space<hbm>> -> memref<128xi32, #tpu.memory_space<hbm>>
      tpu.enqueue_dma source(%dma_start3A_158 : memref<128xi32, #tpu.memory_space<hbm>>) target(%dma_start3A_157 : memref<128xi32, #tpu.memory_space<vmem>>) target_semaphore(%arg10 : memref<!tpu.dma_semaphore, #tpu.memory_space<semaphore_mem>>)
      %add3A_159 = arith.constant 1408 : i32
      %add3A_160 = arith.addi %add3A_28, %add3A_159 : i32
      %multiple_of3A_161 = tpu.assume_multiple %add3A_160, 128 : i32
      %dma_start3A_162 = arith.constant 11 : i32
      %dma_start3A_163 = arith.constant 0 : i32
      %dma_start3A_164 = tpu.memref_slice %arg6[%dma_start3A_162, %dma_start3A_163] : memref<16x128xi32, #tpu.memory_space<vmem>> -> memref<1x128xi32, #tpu.memory_space<vmem>>
      %dma_start3A_165 = tpu.memref_squeeze %dma_start3A_164 : memref<1x128xi32, #tpu.memory_space<vmem>> -> memref<128xi32, #tpu.memory_space<vmem>>
      %dma_start3A_166 = tpu.memref_slice %arg3[%multiple_of3A_161] : memref<3211264xi32, #tpu.memory_space<hbm>> -> memref<128xi32, #tpu.memory_space<hbm>>
      %dma_start3A_167 = arith.constant 0 : i32
      %dma_start3A_168 = tpu.memref_slice %arg6[%dma_start3A_162, %dma_start3A_167] : memref<16x128xi32, #tpu.memory_space<vmem>> -> memref<1x128xi32, #tpu.memory_space<vmem>>
      %dma_start3A_169 = tpu.memref_squeeze %dma_start3A_168 : memref<1x128xi32, #tpu.memory_space<vmem>> -> memref<128xi32, #tpu.memory_space<vmem>>
      %dma_start3A_170 = tpu.memref_slice %arg3[%multiple_of3A_161] : memref<3211264xi32, #tpu.memory_space<hbm>> -> memref<128xi32, #tpu.memory_space<hbm>>
      tpu.enqueue_dma source(%dma_start3A_170 : memref<128xi32, #tpu.memory_space<hbm>>) target(%dma_start3A_169 : memref<128xi32, #tpu.memory_space<vmem>>) target_semaphore(%arg10 : memref<!tpu.dma_semaphore, #tpu.memory_space<semaphore_mem>>)
      %add3A_171 = arith.constant 1536 : i32
      %add3A_172 = arith.addi %add3A_28, %add3A_171 : i32
      %multiple_of3A_173 = tpu.assume_multiple %add3A_172, 128 : i32
      %dma_start3A_174 = arith.constant 12 : i32
      %dma_start3A_175 = arith.constant 0 : i32
      %dma_start3A_176 = tpu.memref_slice %arg6[%dma_start3A_174, %dma_start3A_175] : memref<16x128xi32, #tpu.memory_space<vmem>> -> memref<1x128xi32, #tpu.memory_space<vmem>>
      %dma_start3A_177 = tpu.memref_squeeze %dma_start3A_176 : memref<1x128xi32, #tpu.memory_space<vmem>> -> memref<128xi32, #tpu.memory_space<vmem>>
      %dma_start3A_178 = tpu.memref_slice %arg3[%multiple_of3A_173] : memref<3211264xi32, #tpu.memory_space<hbm>> -> memref<128xi32, #tpu.memory_space<hbm>>
      %dma_start3A_179 = arith.constant 0 : i32
      %dma_start3A_180 = tpu.memref_slice %arg6[%dma_start3A_174, %dma_start3A_179] : memref<16x128xi32, #tpu.memory_space<vmem>> -> memref<1x128xi32, #tpu.memory_space<vmem>>
      %dma_start3A_181 = tpu.memref_squeeze %dma_start3A_180 : memref<1x128xi32, #tpu.memory_space<vmem>> -> memref<128xi32, #tpu.memory_space<vmem>>
      %dma_start3A_182 = tpu.memref_slice %arg3[%multiple_of3A_173] : memref<3211264xi32, #tpu.memory_space<hbm>> -> memref<128xi32, #tpu.memory_space<hbm>>
      tpu.enqueue_dma source(%dma_start3A_182 : memref<128xi32, #tpu.memory_space<hbm>>) target(%dma_start3A_181 : memref<128xi32, #tpu.memory_space<vmem>>) target_semaphore(%arg10 : memref<!tpu.dma_semaphore, #tpu.memory_space<semaphore_mem>>)
      %add3A_183 = arith.constant 1664 : i32
      %add3A_184 = arith.addi %add3A_28, %add3A_183 : i32
      %multiple_of3A_185 = tpu.assume_multiple %add3A_184, 128 : i32
      %dma_start3A_186 = arith.constant 13 : i32
      %dma_start3A_187 = arith.constant 0 : i32
      %dma_start3A_188 = tpu.memref_slice %arg6[%dma_start3A_186, %dma_start3A_187] : memref<16x128xi32, #tpu.memory_space<vmem>> -> memref<1x128xi32, #tpu.memory_space<vmem>>
      %dma_start3A_189 = tpu.memref_squeeze %dma_start3A_188 : memref<1x128xi32, #tpu.memory_space<vmem>> -> memref<128xi32, #tpu.memory_space<vmem>>
      %dma_start3A_190 = tpu.memref_slice %arg3[%multiple_of3A_185] : memref<3211264xi32, #tpu.memory_space<hbm>> -> memref<128xi32, #tpu.memory_space<hbm>>
      %dma_start3A_191 = arith.constant 0 : i32
      %dma_start3A_192 = tpu.memref_slice %arg6[%dma_start3A_186, %dma_start3A_191] : memref<16x128xi32, #tpu.memory_space<vmem>> -> memref<1x128xi32, #tpu.memory_space<vmem>>
      %dma_start3A_193 = tpu.memref_squeeze %dma_start3A_192 : memref<1x128xi32, #tpu.memory_space<vmem>> -> memref<128xi32, #tpu.memory_space<vmem>>
      %dma_start3A_194 = tpu.memref_slice %arg3[%multiple_of3A_185] : memref<3211264xi32, #tpu.memory_space<hbm>> -> memref<128xi32, #tpu.memory_space<hbm>>
      tpu.enqueue_dma source(%dma_start3A_194 : memref<128xi32, #tpu.memory_space<hbm>>) target(%dma_start3A_193 : memref<128xi32, #tpu.memory_space<vmem>>) target_semaphore(%arg10 : memref<!tpu.dma_semaphore, #tpu.memory_space<semaphore_mem>>)
      %add3A_195 = arith.constant 1792 : i32
      %add3A_196 = arith.addi %add3A_28, %add3A_195 : i32
      %multiple_of3A_197 = tpu.assume_multiple %add3A_196, 128 : i32
      %dma_start3A_198 = arith.constant 14 : i32
      %dma_start3A_199 = arith.constant 0 : i32
      %dma_start3A_200 = tpu.memref_slice %arg6[%dma_start3A_198, %dma_start3A_199] : memref<16x128xi32, #tpu.memory_space<vmem>> -> memref<1x128xi32, #tpu.memory_space<vmem>>
      %dma_start3A_201 = tpu.memref_squeeze %dma_start3A_200 : memref<1x128xi32, #tpu.memory_space<vmem>> -> memref<128xi32, #tpu.memory_space<vmem>>
      %dma_start3A_202 = tpu.memref_slice %arg3[%multiple_of3A_197] : memref<3211264xi32, #tpu.memory_space<hbm>> -> memref<128xi32, #tpu.memory_space<hbm>>
      %dma_start3A_203 = arith.constant 0 : i32
      %dma_start3A_204 = tpu.memref_slice %arg6[%dma_start3A_198, %dma_start3A_203] : memref<16x128xi32, #tpu.memory_space<vmem>> -> memref<1x128xi32, #tpu.memory_space<vmem>>
      %dma_start3A_205 = tpu.memref_squeeze %dma_start3A_204 : memref<1x128xi32, #tpu.memory_space<vmem>> -> memref<128xi32, #tpu.memory_space<vmem>>
      %dma_start3A_206 = tpu.memref_slice %arg3[%multiple_of3A_197] : memref<3211264xi32, #tpu.memory_space<hbm>> -> memref<128xi32, #tpu.memory_space<hbm>>
      tpu.enqueue_dma source(%dma_start3A_206 : memref<128xi32, #tpu.memory_space<hbm>>) target(%dma_start3A_205 : memref<128xi32, #tpu.memory_space<vmem>>) target_semaphore(%arg10 : memref<!tpu.dma_semaphore, #tpu.memory_space<semaphore_mem>>)
      %add3A_207 = arith.constant 1920 : i32
      %add3A_208 = arith.addi %add3A_28, %add3A_207 : i32
      %multiple_of3A_209 = tpu.assume_multiple %add3A_208, 128 : i32
      %dma_start3A_210 = arith.constant 15 : i32
      %dma_start3A_211 = arith.constant 0 : i32
      %dma_start3A_212 = tpu.memref_slice %arg6[%dma_start3A_210, %dma_start3A_211] : memref<16x128xi32, #tpu.memory_space<vmem>> -> memref<1x128xi32, #tpu.memory_space<vmem>>
      %dma_start3A_213 = tpu.memref_squeeze %dma_start3A_212 : memref<1x128xi32, #tpu.memory_space<vmem>> -> memref<128xi32, #tpu.memory_space<vmem>>
      %dma_start3A_214 = tpu.memref_slice %arg3[%multiple_of3A_209] : memref<3211264xi32, #tpu.memory_space<hbm>> -> memref<128xi32, #tpu.memory_space<hbm>>
      %dma_start3A_215 = arith.constant 0 : i32
      %dma_start3A_216 = tpu.memref_slice %arg6[%dma_start3A_210, %dma_start3A_215] : memref<16x128xi32, #tpu.memory_space<vmem>> -> memref<1x128xi32, #tpu.memory_space<vmem>>
      %dma_start3A_217 = tpu.memref_squeeze %dma_start3A_216 : memref<1x128xi32, #tpu.memory_space<vmem>> -> memref<128xi32, #tpu.memory_space<vmem>>
      %dma_start3A_218 = tpu.memref_slice %arg3[%multiple_of3A_209] : memref<3211264xi32, #tpu.memory_space<hbm>> -> memref<128xi32, #tpu.memory_space<hbm>>
      tpu.enqueue_dma source(%dma_start3A_218 : memref<128xi32, #tpu.memory_space<hbm>>) target(%dma_start3A_217 : memref<128xi32, #tpu.memory_space<vmem>>) target_semaphore(%arg10 : memref<!tpu.dma_semaphore, #tpu.memory_space<semaphore_mem>>)
      %dma_wait3A = arith.constant 0 : i32
      %dma_wait3A_219 = arith.constant 0 : i32
      %dma_wait3A_220 = tpu.memref_slice %arg6[%dma_wait3A, %dma_wait3A_219] : memref<16x128xi32, #tpu.memory_space<vmem>> -> memref<1x128xi32, #tpu.memory_space<vmem>>
      %dma_wait3A_221 = tpu.memref_squeeze %dma_wait3A_220 : memref<1x128xi32, #tpu.memory_space<vmem>> -> memref<128xi32, #tpu.memory_space<vmem>>
      %dma_wait3A_222 = tpu.memref_slice %arg3[%multiple_of3A] : memref<3211264xi32, #tpu.memory_space<hbm>> -> memref<128xi32, #tpu.memory_space<hbm>>
      %dma_wait3A_223 = arith.constant 0 : i32
      %dma_wait3A_224 = tpu.memref_slice %arg6[%dma_wait3A, %dma_wait3A_223] : memref<16x128xi32, #tpu.memory_space<vmem>> -> memref<1x128xi32, #tpu.memory_space<vmem>>
      %dma_wait3A_225 = tpu.memref_squeeze %dma_wait3A_224 : memref<1x128xi32, #tpu.memory_space<vmem>> -> memref<128xi32, #tpu.memory_space<vmem>>
      %dma_wait3A_226 = tpu.memref_slice %arg3[%multiple_of3A] : memref<3211264xi32, #tpu.memory_space<hbm>> -> memref<128xi32, #tpu.memory_space<hbm>>
      tpu.wait_dma2 semaphore(%arg10 : memref<!tpu.dma_semaphore, #tpu.memory_space<semaphore_mem>>) src(%dma_wait3A_226 : memref<128xi32, #tpu.memory_space<hbm>>) dst(%dma_wait3A_225 : memref<128xi32, #tpu.memory_space<vmem>>)
      %dma_wait3A_227 = arith.constant 1 : i32
      %dma_wait3A_228 = arith.constant 0 : i32
      %dma_wait3A_229 = tpu.memref_slice %arg6[%dma_wait3A_227, %dma_wait3A_228] : memref<16x128xi32, #tpu.memory_space<vmem>> -> memref<1x128xi32, #tpu.memory_space<vmem>>
      %dma_wait3A_230 = tpu.memref_squeeze %dma_wait3A_229 : memref<1x128xi32, #tpu.memory_space<vmem>> -> memref<128xi32, #tpu.memory_space<vmem>>
      %dma_wait3A_231 = tpu.memref_slice %arg3[%multiple_of3A_41] : memref<3211264xi32, #tpu.memory_space<hbm>> -> memref<128xi32, #tpu.memory_space<hbm>>
      %dma_wait3A_232 = arith.constant 0 : i32
      %dma_wait3A_233 = tpu.memref_slice %arg6[%dma_wait3A_227, %dma_wait3A_232] : memref<16x128xi32, #tpu.memory_space<vmem>> -> memref<1x128xi32, #tpu.memory_space<vmem>>
      %dma_wait3A_234 = tpu.memref_squeeze %dma_wait3A_233 : memref<1x128xi32, #tpu.memory_space<vmem>> -> memref<128xi32, #tpu.memory_space<vmem>>
      %dma_wait3A_235 = tpu.memref_slice %arg3[%multiple_of3A_41] : memref<3211264xi32, #tpu.memory_space<hbm>> -> memref<128xi32, #tpu.memory_space<hbm>>
      tpu.wait_dma2 semaphore(%arg10 : memref<!tpu.dma_semaphore, #tpu.memory_space<semaphore_mem>>) src(%dma_wait3A_235 : memref<128xi32, #tpu.memory_space<hbm>>) dst(%dma_wait3A_234 : memref<128xi32, #tpu.memory_space<vmem>>)
      %dma_wait3A_236 = arith.constant 2 : i32
      %dma_wait3A_237 = arith.constant 0 : i32
      %dma_wait3A_238 = tpu.memref_slice %arg6[%dma_wait3A_236, %dma_wait3A_237] : memref<16x128xi32, #tpu.memory_space<vmem>> -> memref<1x128xi32, #tpu.memory_space<vmem>>
      %dma_wait3A_239 = tpu.memref_squeeze %dma_wait3A_238 : memref<1x128xi32, #tpu.memory_space<vmem>> -> memref<128xi32, #tpu.memory_space<vmem>>
      %dma_wait3A_240 = tpu.memref_slice %arg3[%multiple_of3A_53] : memref<3211264xi32, #tpu.memory_space<hbm>> -> memref<128xi32, #tpu.memory_space<hbm>>
      %dma_wait3A_241 = arith.constant 0 : i32
      %dma_wait3A_242 = tpu.memref_slice %arg6[%dma_wait3A_236, %dma_wait3A_241] : memref<16x128xi32, #tpu.memory_space<vmem>> -> memref<1x128xi32, #tpu.memory_space<vmem>>
      %dma_wait3A_243 = tpu.memref_squeeze %dma_wait3A_242 : memref<1x128xi32, #tpu.memory_space<vmem>> -> memref<128xi32, #tpu.memory_space<vmem>>
      %dma_wait3A_244 = tpu.memref_slice %arg3[%multiple_of3A_53] : memref<3211264xi32, #tpu.memory_space<hbm>> -> memref<128xi32, #tpu.memory_space<hbm>>
      tpu.wait_dma2 semaphore(%arg10 : memref<!tpu.dma_semaphore, #tpu.memory_space<semaphore_mem>>) src(%dma_wait3A_244 : memref<128xi32, #tpu.memory_space<hbm>>) dst(%dma_wait3A_243 : memref<128xi32, #tpu.memory_space<vmem>>)
      %dma_wait3A_245 = arith.constant 3 : i32
      %dma_wait3A_246 = arith.constant 0 : i32
      %dma_wait3A_247 = tpu.memref_slice %arg6[%dma_wait3A_245, %dma_wait3A_246] : memref<16x128xi32, #tpu.memory_space<vmem>> -> memref<1x128xi32, #tpu.memory_space<vmem>>
      %dma_wait3A_248 = tpu.memref_squeeze %dma_wait3A_247 : memref<1x128xi32, #tpu.memory_space<vmem>> -> memref<128xi32, #tpu.memory_space<vmem>>
      %dma_wait3A_249 = tpu.memref_slice %arg3[%multiple_of3A_65] : memref<3211264xi32, #tpu.memory_space<hbm>> -> memref<128xi32, #tpu.memory_space<hbm>>
      %dma_wait3A_250 = arith.constant 0 : i32
      %dma_wait3A_251 = tpu.memref_slice %arg6[%dma_wait3A_245, %dma_wait3A_250] : memref<16x128xi32, #tpu.memory_space<vmem>> -> memref<1x128xi32, #tpu.memory_space<vmem>>
      %dma_wait3A_252 = tpu.memref_squeeze %dma_wait3A_251 : memref<1x128xi32, #tpu.memory_space<vmem>> -> memref<128xi32, #tpu.memory_space<vmem>>
      %dma_wait3A_253 = tpu.memref_slice %arg3[%multiple_of3A_65] : memref<3211264xi32, #tpu.memory_space<hbm>> -> memref<128xi32, #tpu.memory_space<hbm>>
      tpu.wait_dma2 semaphore(%arg10 : memref<!tpu.dma_semaphore, #tpu.memory_space<semaphore_mem>>) src(%dma_wait3A_253 : memref<128xi32, #tpu.memory_space<hbm>>) dst(%dma_wait3A_252 : memref<128xi32, #tpu.memory_space<vmem>>)
      %dma_wait3A_254 = arith.constant 4 : i32
      %dma_wait3A_255 = arith.constant 0 : i32
      %dma_wait3A_256 = tpu.memref_slice %arg6[%dma_wait3A_254, %dma_wait3A_255] : memref<16x128xi32, #tpu.memory_space<vmem>> -> memref<1x128xi32, #tpu.memory_space<vmem>>
      %dma_wait3A_257 = tpu.memref_squeeze %dma_wait3A_256 : memref<1x128xi32, #tpu.memory_space<vmem>> -> memref<128xi32, #tpu.memory_space<vmem>>
      %dma_wait3A_258 = tpu.memref_slice %arg3[%multiple_of3A_77] : memref<3211264xi32, #tpu.memory_space<hbm>> -> memref<128xi32, #tpu.memory_space<hbm>>
      %dma_wait3A_259 = arith.constant 0 : i32
      %dma_wait3A_260 = tpu.memref_slice %arg6[%dma_wait3A_254, %dma_wait3A_259] : memref<16x128xi32, #tpu.memory_space<vmem>> -> memref<1x128xi32, #tpu.memory_space<vmem>>
      %dma_wait3A_261 = tpu.memref_squeeze %dma_wait3A_260 : memref<1x128xi32, #tpu.memory_space<vmem>> -> memref<128xi32, #tpu.memory_space<vmem>>
      %dma_wait3A_262 = tpu.memref_slice %arg3[%multiple_of3A_77] : memref<3211264xi32, #tpu.memory_space<hbm>> -> memref<128xi32, #tpu.memory_space<hbm>>
      tpu.wait_dma2 semaphore(%arg10 : memref<!tpu.dma_semaphore, #tpu.memory_space<semaphore_mem>>) src(%dma_wait3A_262 : memref<128xi32, #tpu.memory_space<hbm>>) dst(%dma_wait3A_261 : memref<128xi32, #tpu.memory_space<vmem>>)
      %dma_wait3A_263 = arith.constant 5 : i32
      %dma_wait3A_264 = arith.constant 0 : i32
      %dma_wait3A_265 = tpu.memref_slice %arg6[%dma_wait3A_263, %dma_wait3A_264] : memref<16x128xi32, #tpu.memory_space<vmem>> -> memref<1x128xi32, #tpu.memory_space<vmem>>
      %dma_wait3A_266 = tpu.memref_squeeze %dma_wait3A_265 : memref<1x128xi32, #tpu.memory_space<vmem>> -> memref<128xi32, #tpu.memory_space<vmem>>
      %dma_wait3A_267 = tpu.memref_slice %arg3[%multiple_of3A_89] : memref<3211264xi32, #tpu.memory_space<hbm>> -> memref<128xi32, #tpu.memory_space<hbm>>
      %dma_wait3A_268 = arith.constant 0 : i32
      %dma_wait3A_269 = tpu.memref_slice %arg6[%dma_wait3A_263, %dma_wait3A_268] : memref<16x128xi32, #tpu.memory_space<vmem>> -> memref<1x128xi32, #tpu.memory_space<vmem>>
      %dma_wait3A_270 = tpu.memref_squeeze %dma_wait3A_269 : memref<1x128xi32, #tpu.memory_space<vmem>> -> memref<128xi32, #tpu.memory_space<vmem>>
      %dma_wait3A_271 = tpu.memref_slice %arg3[%multiple_of3A_89] : memref<3211264xi32, #tpu.memory_space<hbm>> -> memref<128xi32, #tpu.memory_space<hbm>>
      tpu.wait_dma2 semaphore(%arg10 : memref<!tpu.dma_semaphore, #tpu.memory_space<semaphore_mem>>) src(%dma_wait3A_271 : memref<128xi32, #tpu.memory_space<hbm>>) dst(%dma_wait3A_270 : memref<128xi32, #tpu.memory_space<vmem>>)
      %dma_wait3A_272 = arith.constant 6 : i32
      %dma_wait3A_273 = arith.constant 0 : i32
      %dma_wait3A_274 = tpu.memref_slice %arg6[%dma_wait3A_272, %dma_wait3A_273] : memref<16x128xi32, #tpu.memory_space<vmem>> -> memref<1x128xi32, #tpu.memory_space<vmem>>
      %dma_wait3A_275 = tpu.memref_squeeze %dma_wait3A_274 : memref<1x128xi32, #tpu.memory_space<vmem>> -> memref<128xi32, #tpu.memory_space<vmem>>
      %dma_wait3A_276 = tpu.memref_slice %arg3[%multiple_of3A_101] : memref<3211264xi32, #tpu.memory_space<hbm>> -> memref<128xi32, #tpu.memory_space<hbm>>
      %dma_wait3A_277 = arith.constant 0 : i32
      %dma_wait3A_278 = tpu.memref_slice %arg6[%dma_wait3A_272, %dma_wait3A_277] : memref<16x128xi32, #tpu.memory_space<vmem>> -> memref<1x128xi32, #tpu.memory_space<vmem>>
      %dma_wait3A_279 = tpu.memref_squeeze %dma_wait3A_278 : memref<1x128xi32, #tpu.memory_space<vmem>> -> memref<128xi32, #tpu.memory_space<vmem>>
      %dma_wait3A_280 = tpu.memref_slice %arg3[%multiple_of3A_101] : memref<3211264xi32, #tpu.memory_space<hbm>> -> memref<128xi32, #tpu.memory_space<hbm>>
      tpu.wait_dma2 semaphore(%arg10 : memref<!tpu.dma_semaphore, #tpu.memory_space<semaphore_mem>>) src(%dma_wait3A_280 : memref<128xi32, #tpu.memory_space<hbm>>) dst(%dma_wait3A_279 : memref<128xi32, #tpu.memory_space<vmem>>)
      %dma_wait3A_281 = arith.constant 7 : i32
      %dma_wait3A_282 = arith.constant 0 : i32
      %dma_wait3A_283 = tpu.memref_slice %arg6[%dma_wait3A_281, %dma_wait3A_282] : memref<16x128xi32, #tpu.memory_space<vmem>> -> memref<1x128xi32, #tpu.memory_space<vmem>>
      %dma_wait3A_284 = tpu.memref_squeeze %dma_wait3A_283 : memref<1x128xi32, #tpu.memory_space<vmem>> -> memref<128xi32, #tpu.memory_space<vmem>>
      %dma_wait3A_285 = tpu.memref_slice %arg3[%multiple_of3A_113] : memref<3211264xi32, #tpu.memory_space<hbm>> -> memref<128xi32, #tpu.memory_space<hbm>>
      %dma_wait3A_286 = arith.constant 0 : i32
      %dma_wait3A_287 = tpu.memref_slice %arg6[%dma_wait3A_281, %dma_wait3A_286] : memref<16x128xi32, #tpu.memory_space<vmem>> -> memref<1x128xi32, #tpu.memory_space<vmem>>
      %dma_wait3A_288 = tpu.memref_squeeze %dma_wait3A_287 : memref<1x128xi32, #tpu.memory_space<vmem>> -> memref<128xi32, #tpu.memory_space<vmem>>
      %dma_wait3A_289 = tpu.memref_slice %arg3[%multiple_of3A_113] : memref<3211264xi32, #tpu.memory_space<hbm>> -> memref<128xi32, #tpu.memory_space<hbm>>
      tpu.wait_dma2 semaphore(%arg10 : memref<!tpu.dma_semaphore, #tpu.memory_space<semaphore_mem>>) src(%dma_wait3A_289 : memref<128xi32, #tpu.memory_space<hbm>>) dst(%dma_wait3A_288 : memref<128xi32, #tpu.memory_space<vmem>>)
      %dma_wait3A_290 = arith.constant 8 : i32
      %dma_wait3A_291 = arith.constant 0 : i32
      %dma_wait3A_292 = tpu.memref_slice %arg6[%dma_wait3A_290, %dma_wait3A_291] : memref<16x128xi32, #tpu.memory_space<vmem>> -> memref<1x128xi32, #tpu.memory_space<vmem>>
      %dma_wait3A_293 = tpu.memref_squeeze %dma_wait3A_292 : memref<1x128xi32, #tpu.memory_space<vmem>> -> memref<128xi32, #tpu.memory_space<vmem>>
      %dma_wait3A_294 = tpu.memref_slice %arg3[%multiple_of3A_125] : memref<3211264xi32, #tpu.memory_space<hbm>> -> memref<128xi32, #tpu.memory_space<hbm>>
      %dma_wait3A_295 = arith.constant 0 : i32
      %dma_wait3A_296 = tpu.memref_slice %arg6[%dma_wait3A_290, %dma_wait3A_295] : memref<16x128xi32, #tpu.memory_space<vmem>> -> memref<1x128xi32, #tpu.memory_space<vmem>>
      %dma_wait3A_297 = tpu.memref_squeeze %dma_wait3A_296 : memref<1x128xi32, #tpu.memory_space<vmem>> -> memref<128xi32, #tpu.memory_space<vmem>>
      %dma_wait3A_298 = tpu.memref_slice %arg3[%multiple_of3A_125] : memref<3211264xi32, #tpu.memory_space<hbm>> -> memref<128xi32, #tpu.memory_space<hbm>>
      tpu.wait_dma2 semaphore(%arg10 : memref<!tpu.dma_semaphore, #tpu.memory_space<semaphore_mem>>) src(%dma_wait3A_298 : memref<128xi32, #tpu.memory_space<hbm>>) dst(%dma_wait3A_297 : memref<128xi32, #tpu.memory_space<vmem>>)
      %dma_wait3A_299 = arith.constant 9 : i32
      %dma_wait3A_300 = arith.constant 0 : i32
      %dma_wait3A_301 = tpu.memref_slice %arg6[%dma_wait3A_299, %dma_wait3A_300] : memref<16x128xi32, #tpu.memory_space<vmem>> -> memref<1x128xi32, #tpu.memory_space<vmem>>
      %dma_wait3A_302 = tpu.memref_squeeze %dma_wait3A_301 : memref<1x128xi32, #tpu.memory_space<vmem>> -> memref<128xi32, #tpu.memory_space<vmem>>
      %dma_wait3A_303 = tpu.memref_slice %arg3[%multiple_of3A_137] : memref<3211264xi32, #tpu.memory_space<hbm>> -> memref<128xi32, #tpu.memory_space<hbm>>
      %dma_wait3A_304 = arith.constant 0 : i32
      %dma_wait3A_305 = tpu.memref_slice %arg6[%dma_wait3A_299, %dma_wait3A_304] : memref<16x128xi32, #tpu.memory_space<vmem>> -> memref<1x128xi32, #tpu.memory_space<vmem>>
      %dma_wait3A_306 = tpu.memref_squeeze %dma_wait3A_305 : memref<1x128xi32, #tpu.memory_space<vmem>> -> memref<128xi32, #tpu.memory_space<vmem>>
      %dma_wait3A_307 = tpu.memref_slice %arg3[%multiple_of3A_137] : memref<3211264xi32, #tpu.memory_space<hbm>> -> memref<128xi32, #tpu.memory_space<hbm>>
      tpu.wait_dma2 semaphore(%arg10 : memref<!tpu.dma_semaphore, #tpu.memory_space<semaphore_mem>>) src(%dma_wait3A_307 : memref<128xi32, #tpu.memory_space<hbm>>) dst(%dma_wait3A_306 : memref<128xi32, #tpu.memory_space<vmem>>)
      %dma_wait3A_308 = arith.constant 10 : i32
      %dma_wait3A_309 = arith.constant 0 : i32
      %dma_wait3A_310 = tpu.memref_slice %arg6[%dma_wait3A_308, %dma_wait3A_309] : memref<16x128xi32, #tpu.memory_space<vmem>> -> memref<1x128xi32, #tpu.memory_space<vmem>>
      %dma_wait3A_311 = tpu.memref_squeeze %dma_wait3A_310 : memref<1x128xi32, #tpu.memory_space<vmem>> -> memref<128xi32, #tpu.memory_space<vmem>>
      %dma_wait3A_312 = tpu.memref_slice %arg3[%multiple_of3A_149] : memref<3211264xi32, #tpu.memory_space<hbm>> -> memref<128xi32, #tpu.memory_space<hbm>>
      %dma_wait3A_313 = arith.constant 0 : i32
      %dma_wait3A_314 = tpu.memref_slice %arg6[%dma_wait3A_308, %dma_wait3A_313] : memref<16x128xi32, #tpu.memory_space<vmem>> -> memref<1x128xi32, #tpu.memory_space<vmem>>
      %dma_wait3A_315 = tpu.memref_squeeze %dma_wait3A_314 : memref<1x128xi32, #tpu.memory_space<vmem>> -> memref<128xi32, #tpu.memory_space<vmem>>
      %dma_wait3A_316 = tpu.memref_slice %arg3[%multiple_of3A_149] : memref<3211264xi32, #tpu.memory_space<hbm>> -> memref<128xi32, #tpu.memory_space<hbm>>
      tpu.wait_dma2 semaphore(%arg10 : memref<!tpu.dma_semaphore, #tpu.memory_space<semaphore_mem>>) src(%dma_wait3A_316 : memref<128xi32, #tpu.memory_space<hbm>>) dst(%dma_wait3A_315 : memref<128xi32, #tpu.memory_space<vmem>>)
      %dma_wait3A_317 = arith.constant 11 : i32
      %dma_wait3A_318 = arith.constant 0 : i32
      %dma_wait3A_319 = tpu.memref_slice %arg6[%dma_wait3A_317, %dma_wait3A_318] : memref<16x128xi32, #tpu.memory_space<vmem>> -> memref<1x128xi32, #tpu.memory_space<vmem>>
      %dma_wait3A_320 = tpu.memref_squeeze %dma_wait3A_319 : memref<1x128xi32, #tpu.memory_space<vmem>> -> memref<128xi32, #tpu.memory_space<vmem>>
      %dma_wait3A_321 = tpu.memref_slice %arg3[%multiple_of3A_161] : memref<3211264xi32, #tpu.memory_space<hbm>> -> memref<128xi32, #tpu.memory_space<hbm>>
      %dma_wait3A_322 = arith.constant 0 : i32
      %dma_wait3A_323 = tpu.memref_slice %arg6[%dma_wait3A_317, %dma_wait3A_322] : memref<16x128xi32, #tpu.memory_space<vmem>> -> memref<1x128xi32, #tpu.memory_space<vmem>>
      %dma_wait3A_324 = tpu.memref_squeeze %dma_wait3A_323 : memref<1x128xi32, #tpu.memory_space<vmem>> -> memref<128xi32, #tpu.memory_space<vmem>>
      %dma_wait3A_325 = tpu.memref_slice %arg3[%multiple_of3A_161] : memref<3211264xi32, #tpu.memory_space<hbm>> -> memref<128xi32, #tpu.memory_space<hbm>>
      tpu.wait_dma2 semaphore(%arg10 : memref<!tpu.dma_semaphore, #tpu.memory_space<semaphore_mem>>) src(%dma_wait3A_325 : memref<128xi32, #tpu.memory_space<hbm>>) dst(%dma_wait3A_324 : memref<128xi32, #tpu.memory_space<vmem>>)
      %dma_wait3A_326 = arith.constant 12 : i32
      %dma_wait3A_327 = arith.constant 0 : i32
      %dma_wait3A_328 = tpu.memref_slice %arg6[%dma_wait3A_326, %dma_wait3A_327] : memref<16x128xi32, #tpu.memory_space<vmem>> -> memref<1x128xi32, #tpu.memory_space<vmem>>
      %dma_wait3A_329 = tpu.memref_squeeze %dma_wait3A_328 : memref<1x128xi32, #tpu.memory_space<vmem>> -> memref<128xi32, #tpu.memory_space<vmem>>
      %dma_wait3A_330 = tpu.memref_slice %arg3[%multiple_of3A_173] : memref<3211264xi32, #tpu.memory_space<hbm>> -> memref<128xi32, #tpu.memory_space<hbm>>
      %dma_wait3A_331 = arith.constant 0 : i32
      %dma_wait3A_332 = tpu.memref_slice %arg6[%dma_wait3A_326, %dma_wait3A_331] : memref<16x128xi32, #tpu.memory_space<vmem>> -> memref<1x128xi32, #tpu.memory_space<vmem>>
      %dma_wait3A_333 = tpu.memref_squeeze %dma_wait3A_332 : memref<1x128xi32, #tpu.memory_space<vmem>> -> memref<128xi32, #tpu.memory_space<vmem>>
      %dma_wait3A_334 = tpu.memref_slice %arg3[%multiple_of3A_173] : memref<3211264xi32, #tpu.memory_space<hbm>> -> memref<128xi32, #tpu.memory_space<hbm>>
      tpu.wait_dma2 semaphore(%arg10 : memref<!tpu.dma_semaphore, #tpu.memory_space<semaphore_mem>>) src(%dma_wait3A_334 : memref<128xi32, #tpu.memory_space<hbm>>) dst(%dma_wait3A_333 : memref<128xi32, #tpu.memory_space<vmem>>)
      %dma_wait3A_335 = arith.constant 13 : i32
      %dma_wait3A_336 = arith.constant 0 : i32
      %dma_wait3A_337 = tpu.memref_slice %arg6[%dma_wait3A_335, %dma_wait3A_336] : memref<16x128xi32, #tpu.memory_space<vmem>> -> memref<1x128xi32, #tpu.memory_space<vmem>>
      %dma_wait3A_338 = tpu.memref_squeeze %dma_wait3A_337 : memref<1x128xi32, #tpu.memory_space<vmem>> -> memref<128xi32, #tpu.memory_space<vmem>>
      %dma_wait3A_339 = tpu.memref_slice %arg3[%multiple_of3A_185] : memref<3211264xi32, #tpu.memory_space<hbm>> -> memref<128xi32, #tpu.memory_space<hbm>>
      %dma_wait3A_340 = arith.constant 0 : i32
      %dma_wait3A_341 = tpu.memref_slice %arg6[%dma_wait3A_335, %dma_wait3A_340] : memref<16x128xi32, #tpu.memory_space<vmem>> -> memref<1x128xi32, #tpu.memory_space<vmem>>
      %dma_wait3A_342 = tpu.memref_squeeze %dma_wait3A_341 : memref<1x128xi32, #tpu.memory_space<vmem>> -> memref<128xi32, #tpu.memory_space<vmem>>
      %dma_wait3A_343 = tpu.memref_slice %arg3[%multiple_of3A_185] : memref<3211264xi32, #tpu.memory_space<hbm>> -> memref<128xi32, #tpu.memory_space<hbm>>
      tpu.wait_dma2 semaphore(%arg10 : memref<!tpu.dma_semaphore, #tpu.memory_space<semaphore_mem>>) src(%dma_wait3A_343 : memref<128xi32, #tpu.memory_space<hbm>>) dst(%dma_wait3A_342 : memref<128xi32, #tpu.memory_space<vmem>>)
      %dma_wait3A_344 = arith.constant 14 : i32
      %dma_wait3A_345 = arith.constant 0 : i32
      %dma_wait3A_346 = tpu.memref_slice %arg6[%dma_wait3A_344, %dma_wait3A_345] : memref<16x128xi32, #tpu.memory_space<vmem>> -> memref<1x128xi32, #tpu.memory_space<vmem>>
      %dma_wait3A_347 = tpu.memref_squeeze %dma_wait3A_346 : memref<1x128xi32, #tpu.memory_space<vmem>> -> memref<128xi32, #tpu.memory_space<vmem>>
      %dma_wait3A_348 = tpu.memref_slice %arg3[%multiple_of3A_197] : memref<3211264xi32, #tpu.memory_space<hbm>> -> memref<128xi32, #tpu.memory_space<hbm>>
      %dma_wait3A_349 = arith.constant 0 : i32
      %dma_wait3A_350 = tpu.memref_slice %arg6[%dma_wait3A_344, %dma_wait3A_349] : memref<16x128xi32, #tpu.memory_space<vmem>> -> memref<1x128xi32, #tpu.memory_space<vmem>>
      %dma_wait3A_351 = tpu.memref_squeeze %dma_wait3A_350 : memref<1x128xi32, #tpu.memory_space<vmem>> -> memref<128xi32, #tpu.memory_space<vmem>>
      %dma_wait3A_352 = tpu.memref_slice %arg3[%multiple_of3A_197] : memref<3211264xi32, #tpu.memory_space<hbm>> -> memref<128xi32, #tpu.memory_space<hbm>>
      tpu.wait_dma2 semaphore(%arg10 : memref<!tpu.dma_semaphore, #tpu.memory_space<semaphore_mem>>) src(%dma_wait3A_352 : memref<128xi32, #tpu.memory_space<hbm>>) dst(%dma_wait3A_351 : memref<128xi32, #tpu.memory_space<vmem>>)
      %dma_wait3A_353 = arith.constant 15 : i32
      %dma_wait3A_354 = arith.constant 0 : i32
      %dma_wait3A_355 = tpu.memref_slice %arg6[%dma_wait3A_353, %dma_wait3A_354] : memref<16x128xi32, #tpu.memory_space<vmem>> -> memref<1x128xi32, #tpu.memory_space<vmem>>
      %dma_wait3A_356 = tpu.memref_squeeze %dma_wait3A_355 : memref<1x128xi32, #tpu.memory_space<vmem>> -> memref<128xi32, #tpu.memory_space<vmem>>
      %dma_wait3A_357 = tpu.memref_slice %arg3[%multiple_of3A_209] : memref<3211264xi32, #tpu.memory_space<hbm>> -> memref<128xi32, #tpu.memory_space<hbm>>
      %dma_wait3A_358 = arith.constant 0 : i32
      %dma_wait3A_359 = tpu.memref_slice %arg6[%dma_wait3A_353, %dma_wait3A_358] : memref<16x128xi32, #tpu.memory_space<vmem>> -> memref<1x128xi32, #tpu.memory_space<vmem>>
      %dma_wait3A_360 = tpu.memref_squeeze %dma_wait3A_359 : memref<1x128xi32, #tpu.memory_space<vmem>> -> memref<128xi32, #tpu.memory_space<vmem>>
      %dma_wait3A_361 = tpu.memref_slice %arg3[%multiple_of3A_209] : memref<3211264xi32, #tpu.memory_space<hbm>> -> memref<128xi32, #tpu.memory_space<hbm>>
      tpu.wait_dma2 semaphore(%arg10 : memref<!tpu.dma_semaphore, #tpu.memory_space<semaphore_mem>>) src(%dma_wait3A_361 : memref<128xi32, #tpu.memory_space<hbm>>) dst(%dma_wait3A_360 : memref<128xi32, #tpu.memory_space<vmem>>)
      %add3A_362 = arith.constant 0 : i32
      %add3A_363 = arith.addi %add3A_28, %add3A_362 : i32
      %multiple_of3A_364 = tpu.assume_multiple %add3A_363, 128 : i32
      %dma_start3A_365 = arith.constant 0 : i32
      %dma_start3A_366 = arith.constant 0 : i32
      %dma_start3A_367 = tpu.memref_slice %arg7[%dma_start3A_365, %dma_start3A_366] : memref<16x128xi32, #tpu.memory_space<vmem>> -> memref<1x128xi32, #tpu.memory_space<vmem>>
      %dma_start3A_368 = tpu.memref_squeeze %dma_start3A_367 : memref<1x128xi32, #tpu.memory_space<vmem>> -> memref<128xi32, #tpu.memory_space<vmem>>
      %dma_start3A_369 = tpu.memref_slice %arg4[%multiple_of3A_364] : memref<3211264xi32, #tpu.memory_space<hbm>> -> memref<128xi32, #tpu.memory_space<hbm>>
      %dma_start3A_370 = arith.constant 0 : i32
      %dma_start3A_371 = tpu.memref_slice %arg7[%dma_start3A_365, %dma_start3A_370] : memref<16x128xi32, #tpu.memory_space<vmem>> -> memref<1x128xi32, #tpu.memory_space<vmem>>
      %dma_start3A_372 = tpu.memref_squeeze %dma_start3A_371 : memref<1x128xi32, #tpu.memory_space<vmem>> -> memref<128xi32, #tpu.memory_space<vmem>>
      %dma_start3A_373 = tpu.memref_slice %arg4[%multiple_of3A_364] : memref<3211264xi32, #tpu.memory_space<hbm>> -> memref<128xi32, #tpu.memory_space<hbm>>
      tpu.enqueue_dma source(%dma_start3A_373 : memref<128xi32, #tpu.memory_space<hbm>>) target(%dma_start3A_372 : memref<128xi32, #tpu.memory_space<vmem>>) target_semaphore(%arg10 : memref<!tpu.dma_semaphore, #tpu.memory_space<semaphore_mem>>)
      %add3A_374 = arith.constant 128 : i32
      %add3A_375 = arith.addi %add3A_28, %add3A_374 : i32
      %multiple_of3A_376 = tpu.assume_multiple %add3A_375, 128 : i32
      %dma_start3A_377 = arith.constant 1 : i32
      %dma_start3A_378 = arith.constant 0 : i32
      %dma_start3A_379 = tpu.memref_slice %arg7[%dma_start3A_377, %dma_start3A_378] : memref<16x128xi32, #tpu.memory_space<vmem>> -> memref<1x128xi32, #tpu.memory_space<vmem>>
      %dma_start3A_380 = tpu.memref_squeeze %dma_start3A_379 : memref<1x128xi32, #tpu.memory_space<vmem>> -> memref<128xi32, #tpu.memory_space<vmem>>
      %dma_start3A_381 = tpu.memref_slice %arg4[%multiple_of3A_376] : memref<3211264xi32, #tpu.memory_space<hbm>> -> memref<128xi32, #tpu.memory_space<hbm>>
      %dma_start3A_382 = arith.constant 0 : i32
      %dma_start3A_383 = tpu.memref_slice %arg7[%dma_start3A_377, %dma_start3A_382] : memref<16x128xi32, #tpu.memory_space<vmem>> -> memref<1x128xi32, #tpu.memory_space<vmem>>
      %dma_start3A_384 = tpu.memref_squeeze %dma_start3A_383 : memref<1x128xi32, #tpu.memory_space<vmem>> -> memref<128xi32, #tpu.memory_space<vmem>>
      %dma_start3A_385 = tpu.memref_slice %arg4[%multiple_of3A_376] : memref<3211264xi32, #tpu.memory_space<hbm>> -> memref<128xi32, #tpu.memory_space<hbm>>
      tpu.enqueue_dma source(%dma_start3A_385 : memref<128xi32, #tpu.memory_space<hbm>>) target(%dma_start3A_384 : memref<128xi32, #tpu.memory_space<vmem>>) target_semaphore(%arg10 : memref<!tpu.dma_semaphore, #tpu.memory_space<semaphore_mem>>)
      %add3A_386 = arith.constant 256 : i32
      %add3A_387 = arith.addi %add3A_28, %add3A_386 : i32
      %multiple_of3A_388 = tpu.assume_multiple %add3A_387, 128 : i32
      %dma_start3A_389 = arith.constant 2 : i32
      %dma_start3A_390 = arith.constant 0 : i32
      %dma_start3A_391 = tpu.memref_slice %arg7[%dma_start3A_389, %dma_start3A_390] : memref<16x128xi32, #tpu.memory_space<vmem>> -> memref<1x128xi32, #tpu.memory_space<vmem>>
      %dma_start3A_392 = tpu.memref_squeeze %dma_start3A_391 : memref<1x128xi32, #tpu.memory_space<vmem>> -> memref<128xi32, #tpu.memory_space<vmem>>
      %dma_start3A_393 = tpu.memref_slice %arg4[%multiple_of3A_388] : memref<3211264xi32, #tpu.memory_space<hbm>> -> memref<128xi32, #tpu.memory_space<hbm>>
      %dma_start3A_394 = arith.constant 0 : i32
      %dma_start3A_395 = tpu.memref_slice %arg7[%dma_start3A_389, %dma_start3A_394] : memref<16x128xi32, #tpu.memory_space<vmem>> -> memref<1x128xi32, #tpu.memory_space<vmem>>
      %dma_start3A_396 = tpu.memref_squeeze %dma_start3A_395 : memref<1x128xi32, #tpu.memory_space<vmem>> -> memref<128xi32, #tpu.memory_space<vmem>>
      %dma_start3A_397 = tpu.memref_slice %arg4[%multiple_of3A_388] : memref<3211264xi32, #tpu.memory_space<hbm>> -> memref<128xi32, #tpu.memory_space<hbm>>
      tpu.enqueue_dma source(%dma_start3A_397 : memref<128xi32, #tpu.memory_space<hbm>>) target(%dma_start3A_396 : memref<128xi32, #tpu.memory_space<vmem>>) target_semaphore(%arg10 : memref<!tpu.dma_semaphore, #tpu.memory_space<semaphore_mem>>)
      %add3A_398 = arith.constant 384 : i32
      %add3A_399 = arith.addi %add3A_28, %add3A_398 : i32
      %multiple_of3A_400 = tpu.assume_multiple %add3A_399, 128 : i32
      %dma_start3A_401 = arith.constant 3 : i32
      %dma_start3A_402 = arith.constant 0 : i32
      %dma_start3A_403 = tpu.memref_slice %arg7[%dma_start3A_401, %dma_start3A_402] : memref<16x128xi32, #tpu.memory_space<vmem>> -> memref<1x128xi32, #tpu.memory_space<vmem>>
      %dma_start3A_404 = tpu.memref_squeeze %dma_start3A_403 : memref<1x128xi32, #tpu.memory_space<vmem>> -> memref<128xi32, #tpu.memory_space<vmem>>
      %dma_start3A_405 = tpu.memref_slice %arg4[%multiple_of3A_400] : memref<3211264xi32, #tpu.memory_space<hbm>> -> memref<128xi32, #tpu.memory_space<hbm>>
      %dma_start3A_406 = arith.constant 0 : i32
      %dma_start3A_407 = tpu.memref_slice %arg7[%dma_start3A_401, %dma_start3A_406] : memref<16x128xi32, #tpu.memory_space<vmem>> -> memref<1x128xi32, #tpu.memory_space<vmem>>
      %dma_start3A_408 = tpu.memref_squeeze %dma_start3A_407 : memref<1x128xi32, #tpu.memory_space<vmem>> -> memref<128xi32, #tpu.memory_space<vmem>>
      %dma_start3A_409 = tpu.memref_slice %arg4[%multiple_of3A_400] : memref<3211264xi32, #tpu.memory_space<hbm>> -> memref<128xi32, #tpu.memory_space<hbm>>
      tpu.enqueue_dma source(%dma_start3A_409 : memref<128xi32, #tpu.memory_space<hbm>>) target(%dma_start3A_408 : memref<128xi32, #tpu.memory_space<vmem>>) target_semaphore(%arg10 : memref<!tpu.dma_semaphore, #tpu.memory_space<semaphore_mem>>)
      %add3A_410 = arith.constant 512 : i32
      %add3A_411 = arith.addi %add3A_28, %add3A_410 : i32
      %multiple_of3A_412 = tpu.assume_multiple %add3A_411, 128 : i32
      %dma_start3A_413 = arith.constant 4 : i32
      %dma_start3A_414 = arith.constant 0 : i32
      %dma_start3A_415 = tpu.memref_slice %arg7[%dma_start3A_413, %dma_start3A_414] : memref<16x128xi32, #tpu.memory_space<vmem>> -> memref<1x128xi32, #tpu.memory_space<vmem>>
      %dma_start3A_416 = tpu.memref_squeeze %dma_start3A_415 : memref<1x128xi32, #tpu.memory_space<vmem>> -> memref<128xi32, #tpu.memory_space<vmem>>
      %dma_start3A_417 = tpu.memref_slice %arg4[%multiple_of3A_412] : memref<3211264xi32, #tpu.memory_space<hbm>> -> memref<128xi32, #tpu.memory_space<hbm>>
      %dma_start3A_418 = arith.constant 0 : i32
      %dma_start3A_419 = tpu.memref_slice %arg7[%dma_start3A_413, %dma_start3A_418] : memref<16x128xi32, #tpu.memory_space<vmem>> -> memref<1x128xi32, #tpu.memory_space<vmem>>
      %dma_start3A_420 = tpu.memref_squeeze %dma_start3A_419 : memref<1x128xi32, #tpu.memory_space<vmem>> -> memref<128xi32, #tpu.memory_space<vmem>>
      %dma_start3A_421 = tpu.memref_slice %arg4[%multiple_of3A_412] : memref<3211264xi32, #tpu.memory_space<hbm>> -> memref<128xi32, #tpu.memory_space<hbm>>
      tpu.enqueue_dma source(%dma_start3A_421 : memref<128xi32, #tpu.memory_space<hbm>>) target(%dma_start3A_420 : memref<128xi32, #tpu.memory_space<vmem>>) target_semaphore(%arg10 : memref<!tpu.dma_semaphore, #tpu.memory_space<semaphore_mem>>)
      %add3A_422 = arith.constant 640 : i32
      %add3A_423 = arith.addi %add3A_28, %add3A_422 : i32
      %multiple_of3A_424 = tpu.assume_multiple %add3A_423, 128 : i32
      %dma_start3A_425 = arith.constant 5 : i32
      %dma_start3A_426 = arith.constant 0 : i32
      %dma_start3A_427 = tpu.memref_slice %arg7[%dma_start3A_425, %dma_start3A_426] : memref<16x128xi32, #tpu.memory_space<vmem>> -> memref<1x128xi32, #tpu.memory_space<vmem>>
      %dma_start3A_428 = tpu.memref_squeeze %dma_start3A_427 : memref<1x128xi32, #tpu.memory_space<vmem>> -> memref<128xi32, #tpu.memory_space<vmem>>
      %dma_start3A_429 = tpu.memref_slice %arg4[%multiple_of3A_424] : memref<3211264xi32, #tpu.memory_space<hbm>> -> memref<128xi32, #tpu.memory_space<hbm>>
      %dma_start3A_430 = arith.constant 0 : i32
      %dma_start3A_431 = tpu.memref_slice %arg7[%dma_start3A_425, %dma_start3A_430] : memref<16x128xi32, #tpu.memory_space<vmem>> -> memref<1x128xi32, #tpu.memory_space<vmem>>
      %dma_start3A_432 = tpu.memref_squeeze %dma_start3A_431 : memref<1x128xi32, #tpu.memory_space<vmem>> -> memref<128xi32, #tpu.memory_space<vmem>>
      %dma_start3A_433 = tpu.memref_slice %arg4[%multiple_of3A_424] : memref<3211264xi32, #tpu.memory_space<hbm>> -> memref<128xi32, #tpu.memory_space<hbm>>
      tpu.enqueue_dma source(%dma_start3A_433 : memref<128xi32, #tpu.memory_space<hbm>>) target(%dma_start3A_432 : memref<128xi32, #tpu.memory_space<vmem>>) target_semaphore(%arg10 : memref<!tpu.dma_semaphore, #tpu.memory_space<semaphore_mem>>)
      %add3A_434 = arith.constant 768 : i32
      %add3A_435 = arith.addi %add3A_28, %add3A_434 : i32
      %multiple_of3A_436 = tpu.assume_multiple %add3A_435, 128 : i32
      %dma_start3A_437 = arith.constant 6 : i32
      %dma_start3A_438 = arith.constant 0 : i32
      %dma_start3A_439 = tpu.memref_slice %arg7[%dma_start3A_437, %dma_start3A_438] : memref<16x128xi32, #tpu.memory_space<vmem>> -> memref<1x128xi32, #tpu.memory_space<vmem>>
      %dma_start3A_440 = tpu.memref_squeeze %dma_start3A_439 : memref<1x128xi32, #tpu.memory_space<vmem>> -> memref<128xi32, #tpu.memory_space<vmem>>
      %dma_start3A_441 = tpu.memref_slice %arg4[%multiple_of3A_436] : memref<3211264xi32, #tpu.memory_space<hbm>> -> memref<128xi32, #tpu.memory_space<hbm>>
      %dma_start3A_442 = arith.constant 0 : i32
      %dma_start3A_443 = tpu.memref_slice %arg7[%dma_start3A_437, %dma_start3A_442] : memref<16x128xi32, #tpu.memory_space<vmem>> -> memref<1x128xi32, #tpu.memory_space<vmem>>
      %dma_start3A_444 = tpu.memref_squeeze %dma_start3A_443 : memref<1x128xi32, #tpu.memory_space<vmem>> -> memref<128xi32, #tpu.memory_space<vmem>>
      %dma_start3A_445 = tpu.memref_slice %arg4[%multiple_of3A_436] : memref<3211264xi32, #tpu.memory_space<hbm>> -> memref<128xi32, #tpu.memory_space<hbm>>
      tpu.enqueue_dma source(%dma_start3A_445 : memref<128xi32, #tpu.memory_space<hbm>>) target(%dma_start3A_444 : memref<128xi32, #tpu.memory_space<vmem>>) target_semaphore(%arg10 : memref<!tpu.dma_semaphore, #tpu.memory_space<semaphore_mem>>)
      %add3A_446 = arith.constant 896 : i32
      %add3A_447 = arith.addi %add3A_28, %add3A_446 : i32
      %multiple_of3A_448 = tpu.assume_multiple %add3A_447, 128 : i32
      %dma_start3A_449 = arith.constant 7 : i32
      %dma_start3A_450 = arith.constant 0 : i32
      %dma_start3A_451 = tpu.memref_slice %arg7[%dma_start3A_449, %dma_start3A_450] : memref<16x128xi32, #tpu.memory_space<vmem>> -> memref<1x128xi32, #tpu.memory_space<vmem>>
      %dma_start3A_452 = tpu.memref_squeeze %dma_start3A_451 : memref<1x128xi32, #tpu.memory_space<vmem>> -> memref<128xi32, #tpu.memory_space<vmem>>
      %dma_start3A_453 = tpu.memref_slice %arg4[%multiple_of3A_448] : memref<3211264xi32, #tpu.memory_space<hbm>> -> memref<128xi32, #tpu.memory_space<hbm>>
      %dma_start3A_454 = arith.constant 0 : i32
      %dma_start3A_455 = tpu.memref_slice %arg7[%dma_start3A_449, %dma_start3A_454] : memref<16x128xi32, #tpu.memory_space<vmem>> -> memref<1x128xi32, #tpu.memory_space<vmem>>
      %dma_start3A_456 = tpu.memref_squeeze %dma_start3A_455 : memref<1x128xi32, #tpu.memory_space<vmem>> -> memref<128xi32, #tpu.memory_space<vmem>>
      %dma_start3A_457 = tpu.memref_slice %arg4[%multiple_of3A_448] : memref<3211264xi32, #tpu.memory_space<hbm>> -> memref<128xi32, #tpu.memory_space<hbm>>
      tpu.enqueue_dma source(%dma_start3A_457 : memref<128xi32, #tpu.memory_space<hbm>>) target(%dma_start3A_456 : memref<128xi32, #tpu.memory_space<vmem>>) target_semaphore(%arg10 : memref<!tpu.dma_semaphore, #tpu.memory_space<semaphore_mem>>)
      %add3A_458 = arith.constant 1024 : i32
      %add3A_459 = arith.addi %add3A_28, %add3A_458 : i32
      %multiple_of3A_460 = tpu.assume_multiple %add3A_459, 128 : i32
      %dma_start3A_461 = arith.constant 8 : i32
      %dma_start3A_462 = arith.constant 0 : i32
      %dma_start3A_463 = tpu.memref_slice %arg7[%dma_start3A_461, %dma_start3A_462] : memref<16x128xi32, #tpu.memory_space<vmem>> -> memref<1x128xi32, #tpu.memory_space<vmem>>
      %dma_start3A_464 = tpu.memref_squeeze %dma_start3A_463 : memref<1x128xi32, #tpu.memory_space<vmem>> -> memref<128xi32, #tpu.memory_space<vmem>>
      %dma_start3A_465 = tpu.memref_slice %arg4[%multiple_of3A_460] : memref<3211264xi32, #tpu.memory_space<hbm>> -> memref<128xi32, #tpu.memory_space<hbm>>
      %dma_start3A_466 = arith.constant 0 : i32
      %dma_start3A_467 = tpu.memref_slice %arg7[%dma_start3A_461, %dma_start3A_466] : memref<16x128xi32, #tpu.memory_space<vmem>> -> memref<1x128xi32, #tpu.memory_space<vmem>>
      %dma_start3A_468 = tpu.memref_squeeze %dma_start3A_467 : memref<1x128xi32, #tpu.memory_space<vmem>> -> memref<128xi32, #tpu.memory_space<vmem>>
      %dma_start3A_469 = tpu.memref_slice %arg4[%multiple_of3A_460] : memref<3211264xi32, #tpu.memory_space<hbm>> -> memref<128xi32, #tpu.memory_space<hbm>>
      tpu.enqueue_dma source(%dma_start3A_469 : memref<128xi32, #tpu.memory_space<hbm>>) target(%dma_start3A_468 : memref<128xi32, #tpu.memory_space<vmem>>) target_semaphore(%arg10 : memref<!tpu.dma_semaphore, #tpu.memory_space<semaphore_mem>>)
      %add3A_470 = arith.constant 1152 : i32
      %add3A_471 = arith.addi %add3A_28, %add3A_470 : i32
      %multiple_of3A_472 = tpu.assume_multiple %add3A_471, 128 : i32
      %dma_start3A_473 = arith.constant 9 : i32
      %dma_start3A_474 = arith.constant 0 : i32
      %dma_start3A_475 = tpu.memref_slice %arg7[%dma_start3A_473, %dma_start3A_474] : memref<16x128xi32, #tpu.memory_space<vmem>> -> memref<1x128xi32, #tpu.memory_space<vmem>>
      %dma_start3A_476 = tpu.memref_squeeze %dma_start3A_475 : memref<1x128xi32, #tpu.memory_space<vmem>> -> memref<128xi32, #tpu.memory_space<vmem>>
      %dma_start3A_477 = tpu.memref_slice %arg4[%multiple_of3A_472] : memref<3211264xi32, #tpu.memory_space<hbm>> -> memref<128xi32, #tpu.memory_space<hbm>>
      %dma_start3A_478 = arith.constant 0 : i32
      %dma_start3A_479 = tpu.memref_slice %arg7[%dma_start3A_473, %dma_start3A_478] : memref<16x128xi32, #tpu.memory_space<vmem>> -> memref<1x128xi32, #tpu.memory_space<vmem>>
      %dma_start3A_480 = tpu.memref_squeeze %dma_start3A_479 : memref<1x128xi32, #tpu.memory_space<vmem>> -> memref<128xi32, #tpu.memory_space<vmem>>
      %dma_start3A_481 = tpu.memref_slice %arg4[%multiple_of3A_472] : memref<3211264xi32, #tpu.memory_space<hbm>> -> memref<128xi32, #tpu.memory_space<hbm>>
      tpu.enqueue_dma source(%dma_start3A_481 : memref<128xi32, #tpu.memory_space<hbm>>) target(%dma_start3A_480 : memref<128xi32, #tpu.memory_space<vmem>>) target_semaphore(%arg10 : memref<!tpu.dma_semaphore, #tpu.memory_space<semaphore_mem>>)
      %add3A_482 = arith.constant 1280 : i32
      %add3A_483 = arith.addi %add3A_28, %add3A_482 : i32
      %multiple_of3A_484 = tpu.assume_multiple %add3A_483, 128 : i32
      %dma_start3A_485 = arith.constant 10 : i32
      %dma_start3A_486 = arith.constant 0 : i32
      %dma_start3A_487 = tpu.memref_slice %arg7[%dma_start3A_485, %dma_start3A_486] : memref<16x128xi32, #tpu.memory_space<vmem>> -> memref<1x128xi32, #tpu.memory_space<vmem>>
      %dma_start3A_488 = tpu.memref_squeeze %dma_start3A_487 : memref<1x128xi32, #tpu.memory_space<vmem>> -> memref<128xi32, #tpu.memory_space<vmem>>
      %dma_start3A_489 = tpu.memref_slice %arg4[%multiple_of3A_484] : memref<3211264xi32, #tpu.memory_space<hbm>> -> memref<128xi32, #tpu.memory_space<hbm>>
      %dma_start3A_490 = arith.constant 0 : i32
      %dma_start3A_491 = tpu.memref_slice %arg7[%dma_start3A_485, %dma_start3A_490] : memref<16x128xi32, #tpu.memory_space<vmem>> -> memref<1x128xi32, #tpu.memory_space<vmem>>
      %dma_start3A_492 = tpu.memref_squeeze %dma_start3A_491 : memref<1x128xi32, #tpu.memory_space<vmem>> -> memref<128xi32, #tpu.memory_space<vmem>>
      %dma_start3A_493 = tpu.memref_slice %arg4[%multiple_of3A_484] : memref<3211264xi32, #tpu.memory_space<hbm>> -> memref<128xi32, #tpu.memory_space<hbm>>
      tpu.enqueue_dma source(%dma_start3A_493 : memref<128xi32, #tpu.memory_space<hbm>>) target(%dma_start3A_492 : memref<128xi32, #tpu.memory_space<vmem>>) target_semaphore(%arg10 : memref<!tpu.dma_semaphore, #tpu.memory_space<semaphore_mem>>)
      %add3A_494 = arith.constant 1408 : i32
      %add3A_495 = arith.addi %add3A_28, %add3A_494 : i32
      %multiple_of3A_496 = tpu.assume_multiple %add3A_495, 128 : i32
      %dma_start3A_497 = arith.constant 11 : i32
      %dma_start3A_498 = arith.constant 0 : i32
      %dma_start3A_499 = tpu.memref_slice %arg7[%dma_start3A_497, %dma_start3A_498] : memref<16x128xi32, #tpu.memory_space<vmem>> -> memref<1x128xi32, #tpu.memory_space<vmem>>
      %dma_start3A_500 = tpu.memref_squeeze %dma_start3A_499 : memref<1x128xi32, #tpu.memory_space<vmem>> -> memref<128xi32, #tpu.memory_space<vmem>>
      %dma_start3A_501 = tpu.memref_slice %arg4[%multiple_of3A_496] : memref<3211264xi32, #tpu.memory_space<hbm>> -> memref<128xi32, #tpu.memory_space<hbm>>
      %dma_start3A_502 = arith.constant 0 : i32
      %dma_start3A_503 = tpu.memref_slice %arg7[%dma_start3A_497, %dma_start3A_502] : memref<16x128xi32, #tpu.memory_space<vmem>> -> memref<1x128xi32, #tpu.memory_space<vmem>>
      %dma_start3A_504 = tpu.memref_squeeze %dma_start3A_503 : memref<1x128xi32, #tpu.memory_space<vmem>> -> memref<128xi32, #tpu.memory_space<vmem>>
      %dma_start3A_505 = tpu.memref_slice %arg4[%multiple_of3A_496] : memref<3211264xi32, #tpu.memory_space<hbm>> -> memref<128xi32, #tpu.memory_space<hbm>>
      tpu.enqueue_dma source(%dma_start3A_505 : memref<128xi32, #tpu.memory_space<hbm>>) target(%dma_start3A_504 : memref<128xi32, #tpu.memory_space<vmem>>) target_semaphore(%arg10 : memref<!tpu.dma_semaphore, #tpu.memory_space<semaphore_mem>>)
      %add3A_506 = arith.constant 1536 : i32
      %add3A_507 = arith.addi %add3A_28, %add3A_506 : i32
      %multiple_of3A_508 = tpu.assume_multiple %add3A_507, 128 : i32
      %dma_start3A_509 = arith.constant 12 : i32
      %dma_start3A_510 = arith.constant 0 : i32
      %dma_start3A_511 = tpu.memref_slice %arg7[%dma_start3A_509, %dma_start3A_510] : memref<16x128xi32, #tpu.memory_space<vmem>> -> memref<1x128xi32, #tpu.memory_space<vmem>>
      %dma_start3A_512 = tpu.memref_squeeze %dma_start3A_511 : memref<1x128xi32, #tpu.memory_space<vmem>> -> memref<128xi32, #tpu.memory_space<vmem>>
      %dma_start3A_513 = tpu.memref_slice %arg4[%multiple_of3A_508] : memref<3211264xi32, #tpu.memory_space<hbm>> -> memref<128xi32, #tpu.memory_space<hbm>>
      %dma_start3A_514 = arith.constant 0 : i32
      %dma_start3A_515 = tpu.memref_slice %arg7[%dma_start3A_509, %dma_start3A_514] : memref<16x128xi32, #tpu.memory_space<vmem>> -> memref<1x128xi32, #tpu.memory_space<vmem>>
      %dma_start3A_516 = tpu.memref_squeeze %dma_start3A_515 : memref<1x128xi32, #tpu.memory_space<vmem>> -> memref<128xi32, #tpu.memory_space<vmem>>
      %dma_start3A_517 = tpu.memref_slice %arg4[%multiple_of3A_508] : memref<3211264xi32, #tpu.memory_space<hbm>> -> memref<128xi32, #tpu.memory_space<hbm>>
      tpu.enqueue_dma source(%dma_start3A_517 : memref<128xi32, #tpu.memory_space<hbm>>) target(%dma_start3A_516 : memref<128xi32, #tpu.memory_space<vmem>>) target_semaphore(%arg10 : memref<!tpu.dma_semaphore, #tpu.memory_space<semaphore_mem>>)
      %add3A_518 = arith.constant 1664 : i32
      %add3A_519 = arith.addi %add3A_28, %add3A_518 : i32
      %multiple_of3A_520 = tpu.assume_multiple %add3A_519, 128 : i32
      %dma_start3A_521 = arith.constant 13 : i32
      %dma_start3A_522 = arith.constant 0 : i32
      %dma_start3A_523 = tpu.memref_slice %arg7[%dma_start3A_521, %dma_start3A_522] : memref<16x128xi32, #tpu.memory_space<vmem>> -> memref<1x128xi32, #tpu.memory_space<vmem>>
      %dma_start3A_524 = tpu.memref_squeeze %dma_start3A_523 : memref<1x128xi32, #tpu.memory_space<vmem>> -> memref<128xi32, #tpu.memory_space<vmem>>
      %dma_start3A_525 = tpu.memref_slice %arg4[%multiple_of3A_520] : memref<3211264xi32, #tpu.memory_space<hbm>> -> memref<128xi32, #tpu.memory_space<hbm>>
      %dma_start3A_526 = arith.constant 0 : i32
      %dma_start3A_527 = tpu.memref_slice %arg7[%dma_start3A_521, %dma_start3A_526] : memref<16x128xi32, #tpu.memory_space<vmem>> -> memref<1x128xi32, #tpu.memory_space<vmem>>
      %dma_start3A_528 = tpu.memref_squeeze %dma_start3A_527 : memref<1x128xi32, #tpu.memory_space<vmem>> -> memref<128xi32, #tpu.memory_space<vmem>>
      %dma_start3A_529 = tpu.memref_slice %arg4[%multiple_of3A_520] : memref<3211264xi32, #tpu.memory_space<hbm>> -> memref<128xi32, #tpu.memory_space<hbm>>
      tpu.enqueue_dma source(%dma_start3A_529 : memref<128xi32, #tpu.memory_space<hbm>>) target(%dma_start3A_528 : memref<128xi32, #tpu.memory_space<vmem>>) target_semaphore(%arg10 : memref<!tpu.dma_semaphore, #tpu.memory_space<semaphore_mem>>)
      %add3A_530 = arith.constant 1792 : i32
      %add3A_531 = arith.addi %add3A_28, %add3A_530 : i32
      %multiple_of3A_532 = tpu.assume_multiple %add3A_531, 128 : i32
      %dma_start3A_533 = arith.constant 14 : i32
      %dma_start3A_534 = arith.constant 0 : i32
      %dma_start3A_535 = tpu.memref_slice %arg7[%dma_start3A_533, %dma_start3A_534] : memref<16x128xi32, #tpu.memory_space<vmem>> -> memref<1x128xi32, #tpu.memory_space<vmem>>
      %dma_start3A_536 = tpu.memref_squeeze %dma_start3A_535 : memref<1x128xi32, #tpu.memory_space<vmem>> -> memref<128xi32, #tpu.memory_space<vmem>>
      %dma_start3A_537 = tpu.memref_slice %arg4[%multiple_of3A_532] : memref<3211264xi32, #tpu.memory_space<hbm>> -> memref<128xi32, #tpu.memory_space<hbm>>
      %dma_start3A_538 = arith.constant 0 : i32
      %dma_start3A_539 = tpu.memref_slice %arg7[%dma_start3A_533, %dma_start3A_538] : memref<16x128xi32, #tpu.memory_space<vmem>> -> memref<1x128xi32, #tpu.memory_space<vmem>>
      %dma_start3A_540 = tpu.memref_squeeze %dma_start3A_539 : memref<1x128xi32, #tpu.memory_space<vmem>> -> memref<128xi32, #tpu.memory_space<vmem>>
      %dma_start3A_541 = tpu.memref_slice %arg4[%multiple_of3A_532] : memref<3211264xi32, #tpu.memory_space<hbm>> -> memref<128xi32, #tpu.memory_space<hbm>>
      tpu.enqueue_dma source(%dma_start3A_541 : memref<128xi32, #tpu.memory_space<hbm>>) target(%dma_start3A_540 : memref<128xi32, #tpu.memory_space<vmem>>) target_semaphore(%arg10 : memref<!tpu.dma_semaphore, #tpu.memory_space<semaphore_mem>>)
      %add3A_542 = arith.constant 1920 : i32
      %add3A_543 = arith.addi %add3A_28, %add3A_542 : i32
      %multiple_of3A_544 = tpu.assume_multiple %add3A_543, 128 : i32
      %dma_start3A_545 = arith.constant 15 : i32
      %dma_start3A_546 = arith.constant 0 : i32
      %dma_start3A_547 = tpu.memref_slice %arg7[%dma_start3A_545, %dma_start3A_546] : memref<16x128xi32, #tpu.memory_space<vmem>> -> memref<1x128xi32, #tpu.memory_space<vmem>>
      %dma_start3A_548 = tpu.memref_squeeze %dma_start3A_547 : memref<1x128xi32, #tpu.memory_space<vmem>> -> memref<128xi32, #tpu.memory_space<vmem>>
      %dma_start3A_549 = tpu.memref_slice %arg4[%multiple_of3A_544] : memref<3211264xi32, #tpu.memory_space<hbm>> -> memref<128xi32, #tpu.memory_space<hbm>>
      %dma_start3A_550 = arith.constant 0 : i32
      %dma_start3A_551 = tpu.memref_slice %arg7[%dma_start3A_545, %dma_start3A_550] : memref<16x128xi32, #tpu.memory_space<vmem>> -> memref<1x128xi32, #tpu.memory_space<vmem>>
      %dma_start3A_552 = tpu.memref_squeeze %dma_start3A_551 : memref<1x128xi32, #tpu.memory_space<vmem>> -> memref<128xi32, #tpu.memory_space<vmem>>
      %dma_start3A_553 = tpu.memref_slice %arg4[%multiple_of3A_544] : memref<3211264xi32, #tpu.memory_space<hbm>> -> memref<128xi32, #tpu.memory_space<hbm>>
      tpu.enqueue_dma source(%dma_start3A_553 : memref<128xi32, #tpu.memory_space<hbm>>) target(%dma_start3A_552 : memref<128xi32, #tpu.memory_space<vmem>>) target_semaphore(%arg10 : memref<!tpu.dma_semaphore, #tpu.memory_space<semaphore_mem>>)
      %dma_wait3A_554 = arith.constant 0 : i32
      %dma_wait3A_555 = arith.constant 0 : i32
      %dma_wait3A_556 = tpu.memref_slice %arg7[%dma_wait3A_554, %dma_wait3A_555] : memref<16x128xi32, #tpu.memory_space<vmem>> -> memref<1x128xi32, #tpu.memory_space<vmem>>
      %dma_wait3A_557 = tpu.memref_squeeze %dma_wait3A_556 : memref<1x128xi32, #tpu.memory_space<vmem>> -> memref<128xi32, #tpu.memory_space<vmem>>
      %dma_wait3A_558 = tpu.memref_slice %arg4[%multiple_of3A_364] : memref<3211264xi32, #tpu.memory_space<hbm>> -> memref<128xi32, #tpu.memory_space<hbm>>
      %dma_wait3A_559 = arith.constant 0 : i32
      %dma_wait3A_560 = tpu.memref_slice %arg7[%dma_wait3A_554, %dma_wait3A_559] : memref<16x128xi32, #tpu.memory_space<vmem>> -> memref<1x128xi32, #tpu.memory_space<vmem>>
      %dma_wait3A_561 = tpu.memref_squeeze %dma_wait3A_560 : memref<1x128xi32, #tpu.memory_space<vmem>> -> memref<128xi32, #tpu.memory_space<vmem>>
      %dma_wait3A_562 = tpu.memref_slice %arg4[%multiple_of3A_364] : memref<3211264xi32, #tpu.memory_space<hbm>> -> memref<128xi32, #tpu.memory_space<hbm>>
      tpu.wait_dma2 semaphore(%arg10 : memref<!tpu.dma_semaphore, #tpu.memory_space<semaphore_mem>>) src(%dma_wait3A_562 : memref<128xi32, #tpu.memory_space<hbm>>) dst(%dma_wait3A_561 : memref<128xi32, #tpu.memory_space<vmem>>)
      %dma_wait3A_563 = arith.constant 1 : i32
      %dma_wait3A_564 = arith.constant 0 : i32
      %dma_wait3A_565 = tpu.memref_slice %arg7[%dma_wait3A_563, %dma_wait3A_564] : memref<16x128xi32, #tpu.memory_space<vmem>> -> memref<1x128xi32, #tpu.memory_space<vmem>>
      %dma_wait3A_566 = tpu.memref_squeeze %dma_wait3A_565 : memref<1x128xi32, #tpu.memory_space<vmem>> -> memref<128xi32, #tpu.memory_space<vmem>>
      %dma_wait3A_567 = tpu.memref_slice %arg4[%multiple_of3A_376] : memref<3211264xi32, #tpu.memory_space<hbm>> -> memref<128xi32, #tpu.memory_space<hbm>>
      %dma_wait3A_568 = arith.constant 0 : i32
      %dma_wait3A_569 = tpu.memref_slice %arg7[%dma_wait3A_563, %dma_wait3A_568] : memref<16x128xi32, #tpu.memory_space<vmem>> -> memref<1x128xi32, #tpu.memory_space<vmem>>
      %dma_wait3A_570 = tpu.memref_squeeze %dma_wait3A_569 : memref<1x128xi32, #tpu.memory_space<vmem>> -> memref<128xi32, #tpu.memory_space<vmem>>
      %dma_wait3A_571 = tpu.memref_slice %arg4[%multiple_of3A_376] : memref<3211264xi32, #tpu.memory_space<hbm>> -> memref<128xi32, #tpu.memory_space<hbm>>
      tpu.wait_dma2 semaphore(%arg10 : memref<!tpu.dma_semaphore, #tpu.memory_space<semaphore_mem>>) src(%dma_wait3A_571 : memref<128xi32, #tpu.memory_space<hbm>>) dst(%dma_wait3A_570 : memref<128xi32, #tpu.memory_space<vmem>>)
      %dma_wait3A_572 = arith.constant 2 : i32
      %dma_wait3A_573 = arith.constant 0 : i32
      %dma_wait3A_574 = tpu.memref_slice %arg7[%dma_wait3A_572, %dma_wait3A_573] : memref<16x128xi32, #tpu.memory_space<vmem>> -> memref<1x128xi32, #tpu.memory_space<vmem>>
      %dma_wait3A_575 = tpu.memref_squeeze %dma_wait3A_574 : memref<1x128xi32, #tpu.memory_space<vmem>> -> memref<128xi32, #tpu.memory_space<vmem>>
      %dma_wait3A_576 = tpu.memref_slice %arg4[%multiple_of3A_388] : memref<3211264xi32, #tpu.memory_space<hbm>> -> memref<128xi32, #tpu.memory_space<hbm>>
      %dma_wait3A_577 = arith.constant 0 : i32
      %dma_wait3A_578 = tpu.memref_slice %arg7[%dma_wait3A_572, %dma_wait3A_577] : memref<16x128xi32, #tpu.memory_space<vmem>> -> memref<1x128xi32, #tpu.memory_space<vmem>>
      %dma_wait3A_579 = tpu.memref_squeeze %dma_wait3A_578 : memref<1x128xi32, #tpu.memory_space<vmem>> -> memref<128xi32, #tpu.memory_space<vmem>>
      %dma_wait3A_580 = tpu.memref_slice %arg4[%multiple_of3A_388] : memref<3211264xi32, #tpu.memory_space<hbm>> -> memref<128xi32, #tpu.memory_space<hbm>>
      tpu.wait_dma2 semaphore(%arg10 : memref<!tpu.dma_semaphore, #tpu.memory_space<semaphore_mem>>) src(%dma_wait3A_580 : memref<128xi32, #tpu.memory_space<hbm>>) dst(%dma_wait3A_579 : memref<128xi32, #tpu.memory_space<vmem>>)
      %dma_wait3A_581 = arith.constant 3 : i32
      %dma_wait3A_582 = arith.constant 0 : i32
      %dma_wait3A_583 = tpu.memref_slice %arg7[%dma_wait3A_581, %dma_wait3A_582] : memref<16x128xi32, #tpu.memory_space<vmem>> -> memref<1x128xi32, #tpu.memory_space<vmem>>
      %dma_wait3A_584 = tpu.memref_squeeze %dma_wait3A_583 : memref<1x128xi32, #tpu.memory_space<vmem>> -> memref<128xi32, #tpu.memory_space<vmem>>
      %dma_wait3A_585 = tpu.memref_slice %arg4[%multiple_of3A_400] : memref<3211264xi32, #tpu.memory_space<hbm>> -> memref<128xi32, #tpu.memory_space<hbm>>
      %dma_wait3A_586 = arith.constant 0 : i32
      %dma_wait3A_587 = tpu.memref_slice %arg7[%dma_wait3A_581, %dma_wait3A_586] : memref<16x128xi32, #tpu.memory_space<vmem>> -> memref<1x128xi32, #tpu.memory_space<vmem>>
      %dma_wait3A_588 = tpu.memref_squeeze %dma_wait3A_587 : memref<1x128xi32, #tpu.memory_space<vmem>> -> memref<128xi32, #tpu.memory_space<vmem>>
      %dma_wait3A_589 = tpu.memref_slice %arg4[%multiple_of3A_400] : memref<3211264xi32, #tpu.memory_space<hbm>> -> memref<128xi32, #tpu.memory_space<hbm>>
      tpu.wait_dma2 semaphore(%arg10 : memref<!tpu.dma_semaphore, #tpu.memory_space<semaphore_mem>>) src(%dma_wait3A_589 : memref<128xi32, #tpu.memory_space<hbm>>) dst(%dma_wait3A_588 : memref<128xi32, #tpu.memory_space<vmem>>)
      %dma_wait3A_590 = arith.constant 4 : i32
      %dma_wait3A_591 = arith.constant 0 : i32
      %dma_wait3A_592 = tpu.memref_slice %arg7[%dma_wait3A_590, %dma_wait3A_591] : memref<16x128xi32, #tpu.memory_space<vmem>> -> memref<1x128xi32, #tpu.memory_space<vmem>>
      %dma_wait3A_593 = tpu.memref_squeeze %dma_wait3A_592 : memref<1x128xi32, #tpu.memory_space<vmem>> -> memref<128xi32, #tpu.memory_space<vmem>>
      %dma_wait3A_594 = tpu.memref_slice %arg4[%multiple_of3A_412] : memref<3211264xi32, #tpu.memory_space<hbm>> -> memref<128xi32, #tpu.memory_space<hbm>>
      %dma_wait3A_595 = arith.constant 0 : i32
      %dma_wait3A_596 = tpu.memref_slice %arg7[%dma_wait3A_590, %dma_wait3A_595] : memref<16x128xi32, #tpu.memory_space<vmem>> -> memref<1x128xi32, #tpu.memory_space<vmem>>
      %dma_wait3A_597 = tpu.memref_squeeze %dma_wait3A_596 : memref<1x128xi32, #tpu.memory_space<vmem>> -> memref<128xi32, #tpu.memory_space<vmem>>
      %dma_wait3A_598 = tpu.memref_slice %arg4[%multiple_of3A_412] : memref<3211264xi32, #tpu.memory_space<hbm>> -> memref<128xi32, #tpu.memory_space<hbm>>
      tpu.wait_dma2 semaphore(%arg10 : memref<!tpu.dma_semaphore, #tpu.memory_space<semaphore_mem>>) src(%dma_wait3A_598 : memref<128xi32, #tpu.memory_space<hbm>>) dst(%dma_wait3A_597 : memref<128xi32, #tpu.memory_space<vmem>>)
      %dma_wait3A_599 = arith.constant 5 : i32
      %dma_wait3A_600 = arith.constant 0 : i32
      %dma_wait3A_601 = tpu.memref_slice %arg7[%dma_wait3A_599, %dma_wait3A_600] : memref<16x128xi32, #tpu.memory_space<vmem>> -> memref<1x128xi32, #tpu.memory_space<vmem>>
      %dma_wait3A_602 = tpu.memref_squeeze %dma_wait3A_601 : memref<1x128xi32, #tpu.memory_space<vmem>> -> memref<128xi32, #tpu.memory_space<vmem>>
      %dma_wait3A_603 = tpu.memref_slice %arg4[%multiple_of3A_424] : memref<3211264xi32, #tpu.memory_space<hbm>> -> memref<128xi32, #tpu.memory_space<hbm>>
      %dma_wait3A_604 = arith.constant 0 : i32
      %dma_wait3A_605 = tpu.memref_slice %arg7[%dma_wait3A_599, %dma_wait3A_604] : memref<16x128xi32, #tpu.memory_space<vmem>> -> memref<1x128xi32, #tpu.memory_space<vmem>>
      %dma_wait3A_606 = tpu.memref_squeeze %dma_wait3A_605 : memref<1x128xi32, #tpu.memory_space<vmem>> -> memref<128xi32, #tpu.memory_space<vmem>>
      %dma_wait3A_607 = tpu.memref_slice %arg4[%multiple_of3A_424] : memref<3211264xi32, #tpu.memory_space<hbm>> -> memref<128xi32, #tpu.memory_space<hbm>>
      tpu.wait_dma2 semaphore(%arg10 : memref<!tpu.dma_semaphore, #tpu.memory_space<semaphore_mem>>) src(%dma_wait3A_607 : memref<128xi32, #tpu.memory_space<hbm>>) dst(%dma_wait3A_606 : memref<128xi32, #tpu.memory_space<vmem>>)
      %dma_wait3A_608 = arith.constant 6 : i32
      %dma_wait3A_609 = arith.constant 0 : i32
      %dma_wait3A_610 = tpu.memref_slice %arg7[%dma_wait3A_608, %dma_wait3A_609] : memref<16x128xi32, #tpu.memory_space<vmem>> -> memref<1x128xi32, #tpu.memory_space<vmem>>
      %dma_wait3A_611 = tpu.memref_squeeze %dma_wait3A_610 : memref<1x128xi32, #tpu.memory_space<vmem>> -> memref<128xi32, #tpu.memory_space<vmem>>
      %dma_wait3A_612 = tpu.memref_slice %arg4[%multiple_of3A_436] : memref<3211264xi32, #tpu.memory_space<hbm>> -> memref<128xi32, #tpu.memory_space<hbm>>
      %dma_wait3A_613 = arith.constant 0 : i32
      %dma_wait3A_614 = tpu.memref_slice %arg7[%dma_wait3A_608, %dma_wait3A_613] : memref<16x128xi32, #tpu.memory_space<vmem>> -> memref<1x128xi32, #tpu.memory_space<vmem>>
      %dma_wait3A_615 = tpu.memref_squeeze %dma_wait3A_614 : memref<1x128xi32, #tpu.memory_space<vmem>> -> memref<128xi32, #tpu.memory_space<vmem>>
      %dma_wait3A_616 = tpu.memref_slice %arg4[%multiple_of3A_436] : memref<3211264xi32, #tpu.memory_space<hbm>> -> memref<128xi32, #tpu.memory_space<hbm>>
      tpu.wait_dma2 semaphore(%arg10 : memref<!tpu.dma_semaphore, #tpu.memory_space<semaphore_mem>>) src(%dma_wait3A_616 : memref<128xi32, #tpu.memory_space<hbm>>) dst(%dma_wait3A_615 : memref<128xi32, #tpu.memory_space<vmem>>)
      %dma_wait3A_617 = arith.constant 7 : i32
      %dma_wait3A_618 = arith.constant 0 : i32
      %dma_wait3A_619 = tpu.memref_slice %arg7[%dma_wait3A_617, %dma_wait3A_618] : memref<16x128xi32, #tpu.memory_space<vmem>> -> memref<1x128xi32, #tpu.memory_space<vmem>>
      %dma_wait3A_620 = tpu.memref_squeeze %dma_wait3A_619 : memref<1x128xi32, #tpu.memory_space<vmem>> -> memref<128xi32, #tpu.memory_space<vmem>>
      %dma_wait3A_621 = tpu.memref_slice %arg4[%multiple_of3A_448] : memref<3211264xi32, #tpu.memory_space<hbm>> -> memref<128xi32, #tpu.memory_space<hbm>>
      %dma_wait3A_622 = arith.constant 0 : i32
      %dma_wait3A_623 = tpu.memref_slice %arg7[%dma_wait3A_617, %dma_wait3A_622] : memref<16x128xi32, #tpu.memory_space<vmem>> -> memref<1x128xi32, #tpu.memory_space<vmem>>
      %dma_wait3A_624 = tpu.memref_squeeze %dma_wait3A_623 : memref<1x128xi32, #tpu.memory_space<vmem>> -> memref<128xi32, #tpu.memory_space<vmem>>
      %dma_wait3A_625 = tpu.memref_slice %arg4[%multiple_of3A_448] : memref<3211264xi32, #tpu.memory_space<hbm>> -> memref<128xi32, #tpu.memory_space<hbm>>
      tpu.wait_dma2 semaphore(%arg10 : memref<!tpu.dma_semaphore, #tpu.memory_space<semaphore_mem>>) src(%dma_wait3A_625 : memref<128xi32, #tpu.memory_space<hbm>>) dst(%dma_wait3A_624 : memref<128xi32, #tpu.memory_space<vmem>>)
      %dma_wait3A_626 = arith.constant 8 : i32
      %dma_wait3A_627 = arith.constant 0 : i32
      %dma_wait3A_628 = tpu.memref_slice %arg7[%dma_wait3A_626, %dma_wait3A_627] : memref<16x128xi32, #tpu.memory_space<vmem>> -> memref<1x128xi32, #tpu.memory_space<vmem>>
      %dma_wait3A_629 = tpu.memref_squeeze %dma_wait3A_628 : memref<1x128xi32, #tpu.memory_space<vmem>> -> memref<128xi32, #tpu.memory_space<vmem>>
      %dma_wait3A_630 = tpu.memref_slice %arg4[%multiple_of3A_460] : memref<3211264xi32, #tpu.memory_space<hbm>> -> memref<128xi32, #tpu.memory_space<hbm>>
      %dma_wait3A_631 = arith.constant 0 : i32
      %dma_wait3A_632 = tpu.memref_slice %arg7[%dma_wait3A_626, %dma_wait3A_631] : memref<16x128xi32, #tpu.memory_space<vmem>> -> memref<1x128xi32, #tpu.memory_space<vmem>>
      %dma_wait3A_633 = tpu.memref_squeeze %dma_wait3A_632 : memref<1x128xi32, #tpu.memory_space<vmem>> -> memref<128xi32, #tpu.memory_space<vmem>>
      %dma_wait3A_634 = tpu.memref_slice %arg4[%multiple_of3A_460] : memref<3211264xi32, #tpu.memory_space<hbm>> -> memref<128xi32, #tpu.memory_space<hbm>>
      tpu.wait_dma2 semaphore(%arg10 : memref<!tpu.dma_semaphore, #tpu.memory_space<semaphore_mem>>) src(%dma_wait3A_634 : memref<128xi32, #tpu.memory_space<hbm>>) dst(%dma_wait3A_633 : memref<128xi32, #tpu.memory_space<vmem>>)
      %dma_wait3A_635 = arith.constant 9 : i32
      %dma_wait3A_636 = arith.constant 0 : i32
      %dma_wait3A_637 = tpu.memref_slice %arg7[%dma_wait3A_635, %dma_wait3A_636] : memref<16x128xi32, #tpu.memory_space<vmem>> -> memref<1x128xi32, #tpu.memory_space<vmem>>
      %dma_wait3A_638 = tpu.memref_squeeze %dma_wait3A_637 : memref<1x128xi32, #tpu.memory_space<vmem>> -> memref<128xi32, #tpu.memory_space<vmem>>
      %dma_wait3A_639 = tpu.memref_slice %arg4[%multiple_of3A_472] : memref<3211264xi32, #tpu.memory_space<hbm>> -> memref<128xi32, #tpu.memory_space<hbm>>
      %dma_wait3A_640 = arith.constant 0 : i32
      %dma_wait3A_641 = tpu.memref_slice %arg7[%dma_wait3A_635, %dma_wait3A_640] : memref<16x128xi32, #tpu.memory_space<vmem>> -> memref<1x128xi32, #tpu.memory_space<vmem>>
      %dma_wait3A_642 = tpu.memref_squeeze %dma_wait3A_641 : memref<1x128xi32, #tpu.memory_space<vmem>> -> memref<128xi32, #tpu.memory_space<vmem>>
      %dma_wait3A_643 = tpu.memref_slice %arg4[%multiple_of3A_472] : memref<3211264xi32, #tpu.memory_space<hbm>> -> memref<128xi32, #tpu.memory_space<hbm>>
      tpu.wait_dma2 semaphore(%arg10 : memref<!tpu.dma_semaphore, #tpu.memory_space<semaphore_mem>>) src(%dma_wait3A_643 : memref<128xi32, #tpu.memory_space<hbm>>) dst(%dma_wait3A_642 : memref<128xi32, #tpu.memory_space<vmem>>)
      %dma_wait3A_644 = arith.constant 10 : i32
      %dma_wait3A_645 = arith.constant 0 : i32
      %dma_wait3A_646 = tpu.memref_slice %arg7[%dma_wait3A_644, %dma_wait3A_645] : memref<16x128xi32, #tpu.memory_space<vmem>> -> memref<1x128xi32, #tpu.memory_space<vmem>>
      %dma_wait3A_647 = tpu.memref_squeeze %dma_wait3A_646 : memref<1x128xi32, #tpu.memory_space<vmem>> -> memref<128xi32, #tpu.memory_space<vmem>>
      %dma_wait3A_648 = tpu.memref_slice %arg4[%multiple_of3A_484] : memref<3211264xi32, #tpu.memory_space<hbm>> -> memref<128xi32, #tpu.memory_space<hbm>>
      %dma_wait3A_649 = arith.constant 0 : i32
      %dma_wait3A_650 = tpu.memref_slice %arg7[%dma_wait3A_644, %dma_wait3A_649] : memref<16x128xi32, #tpu.memory_space<vmem>> -> memref<1x128xi32, #tpu.memory_space<vmem>>
      %dma_wait3A_651 = tpu.memref_squeeze %dma_wait3A_650 : memref<1x128xi32, #tpu.memory_space<vmem>> -> memref<128xi32, #tpu.memory_space<vmem>>
      %dma_wait3A_652 = tpu.memref_slice %arg4[%multiple_of3A_484] : memref<3211264xi32, #tpu.memory_space<hbm>> -> memref<128xi32, #tpu.memory_space<hbm>>
      tpu.wait_dma2 semaphore(%arg10 : memref<!tpu.dma_semaphore, #tpu.memory_space<semaphore_mem>>) src(%dma_wait3A_652 : memref<128xi32, #tpu.memory_space<hbm>>) dst(%dma_wait3A_651 : memref<128xi32, #tpu.memory_space<vmem>>)
      %dma_wait3A_653 = arith.constant 11 : i32
      %dma_wait3A_654 = arith.constant 0 : i32
      %dma_wait3A_655 = tpu.memref_slice %arg7[%dma_wait3A_653, %dma_wait3A_654] : memref<16x128xi32, #tpu.memory_space<vmem>> -> memref<1x128xi32, #tpu.memory_space<vmem>>
      %dma_wait3A_656 = tpu.memref_squeeze %dma_wait3A_655 : memref<1x128xi32, #tpu.memory_space<vmem>> -> memref<128xi32, #tpu.memory_space<vmem>>
      %dma_wait3A_657 = tpu.memref_slice %arg4[%multiple_of3A_496] : memref<3211264xi32, #tpu.memory_space<hbm>> -> memref<128xi32, #tpu.memory_space<hbm>>
      %dma_wait3A_658 = arith.constant 0 : i32
      %dma_wait3A_659 = tpu.memref_slice %arg7[%dma_wait3A_653, %dma_wait3A_658] : memref<16x128xi32, #tpu.memory_space<vmem>> -> memref<1x128xi32, #tpu.memory_space<vmem>>
      %dma_wait3A_660 = tpu.memref_squeeze %dma_wait3A_659 : memref<1x128xi32, #tpu.memory_space<vmem>> -> memref<128xi32, #tpu.memory_space<vmem>>
      %dma_wait3A_661 = tpu.memref_slice %arg4[%multiple_of3A_496] : memref<3211264xi32, #tpu.memory_space<hbm>> -> memref<128xi32, #tpu.memory_space<hbm>>
      tpu.wait_dma2 semaphore(%arg10 : memref<!tpu.dma_semaphore, #tpu.memory_space<semaphore_mem>>) src(%dma_wait3A_661 : memref<128xi32, #tpu.memory_space<hbm>>) dst(%dma_wait3A_660 : memref<128xi32, #tpu.memory_space<vmem>>)
      %dma_wait3A_662 = arith.constant 12 : i32
      %dma_wait3A_663 = arith.constant 0 : i32
      %dma_wait3A_664 = tpu.memref_slice %arg7[%dma_wait3A_662, %dma_wait3A_663] : memref<16x128xi32, #tpu.memory_space<vmem>> -> memref<1x128xi32, #tpu.memory_space<vmem>>
      %dma_wait3A_665 = tpu.memref_squeeze %dma_wait3A_664 : memref<1x128xi32, #tpu.memory_space<vmem>> -> memref<128xi32, #tpu.memory_space<vmem>>
      %dma_wait3A_666 = tpu.memref_slice %arg4[%multiple_of3A_508] : memref<3211264xi32, #tpu.memory_space<hbm>> -> memref<128xi32, #tpu.memory_space<hbm>>
      %dma_wait3A_667 = arith.constant 0 : i32
      %dma_wait3A_668 = tpu.memref_slice %arg7[%dma_wait3A_662, %dma_wait3A_667] : memref<16x128xi32, #tpu.memory_space<vmem>> -> memref<1x128xi32, #tpu.memory_space<vmem>>
      %dma_wait3A_669 = tpu.memref_squeeze %dma_wait3A_668 : memref<1x128xi32, #tpu.memory_space<vmem>> -> memref<128xi32, #tpu.memory_space<vmem>>
      %dma_wait3A_670 = tpu.memref_slice %arg4[%multiple_of3A_508] : memref<3211264xi32, #tpu.memory_space<hbm>> -> memref<128xi32, #tpu.memory_space<hbm>>
      tpu.wait_dma2 semaphore(%arg10 : memref<!tpu.dma_semaphore, #tpu.memory_space<semaphore_mem>>) src(%dma_wait3A_670 : memref<128xi32, #tpu.memory_space<hbm>>) dst(%dma_wait3A_669 : memref<128xi32, #tpu.memory_space<vmem>>)
      %dma_wait3A_671 = arith.constant 13 : i32
      %dma_wait3A_672 = arith.constant 0 : i32
      %dma_wait3A_673 = tpu.memref_slice %arg7[%dma_wait3A_671, %dma_wait3A_672] : memref<16x128xi32, #tpu.memory_space<vmem>> -> memref<1x128xi32, #tpu.memory_space<vmem>>
      %dma_wait3A_674 = tpu.memref_squeeze %dma_wait3A_673 : memref<1x128xi32, #tpu.memory_space<vmem>> -> memref<128xi32, #tpu.memory_space<vmem>>
      %dma_wait3A_675 = tpu.memref_slice %arg4[%multiple_of3A_520] : memref<3211264xi32, #tpu.memory_space<hbm>> -> memref<128xi32, #tpu.memory_space<hbm>>
      %dma_wait3A_676 = arith.constant 0 : i32
      %dma_wait3A_677 = tpu.memref_slice %arg7[%dma_wait3A_671, %dma_wait3A_676] : memref<16x128xi32, #tpu.memory_space<vmem>> -> memref<1x128xi32, #tpu.memory_space<vmem>>
      %dma_wait3A_678 = tpu.memref_squeeze %dma_wait3A_677 : memref<1x128xi32, #tpu.memory_space<vmem>> -> memref<128xi32, #tpu.memory_space<vmem>>
      %dma_wait3A_679 = tpu.memref_slice %arg4[%multiple_of3A_520] : memref<3211264xi32, #tpu.memory_space<hbm>> -> memref<128xi32, #tpu.memory_space<hbm>>
      tpu.wait_dma2 semaphore(%arg10 : memref<!tpu.dma_semaphore, #tpu.memory_space<semaphore_mem>>) src(%dma_wait3A_679 : memref<128xi32, #tpu.memory_space<hbm>>) dst(%dma_wait3A_678 : memref<128xi32, #tpu.memory_space<vmem>>)
      %dma_wait3A_680 = arith.constant 14 : i32
      %dma_wait3A_681 = arith.constant 0 : i32
      %dma_wait3A_682 = tpu.memref_slice %arg7[%dma_wait3A_680, %dma_wait3A_681] : memref<16x128xi32, #tpu.memory_space<vmem>> -> memref<1x128xi32, #tpu.memory_space<vmem>>
      %dma_wait3A_683 = tpu.memref_squeeze %dma_wait3A_682 : memref<1x128xi32, #tpu.memory_space<vmem>> -> memref<128xi32, #tpu.memory_space<vmem>>
      %dma_wait3A_684 = tpu.memref_slice %arg4[%multiple_of3A_532] : memref<3211264xi32, #tpu.memory_space<hbm>> -> memref<128xi32, #tpu.memory_space<hbm>>
      %dma_wait3A_685 = arith.constant 0 : i32
      %dma_wait3A_686 = tpu.memref_slice %arg7[%dma_wait3A_680, %dma_wait3A_685] : memref<16x128xi32, #tpu.memory_space<vmem>> -> memref<1x128xi32, #tpu.memory_space<vmem>>
      %dma_wait3A_687 = tpu.memref_squeeze %dma_wait3A_686 : memref<1x128xi32, #tpu.memory_space<vmem>> -> memref<128xi32, #tpu.memory_space<vmem>>
      %dma_wait3A_688 = tpu.memref_slice %arg4[%multiple_of3A_532] : memref<3211264xi32, #tpu.memory_space<hbm>> -> memref<128xi32, #tpu.memory_space<hbm>>
      tpu.wait_dma2 semaphore(%arg10 : memref<!tpu.dma_semaphore, #tpu.memory_space<semaphore_mem>>) src(%dma_wait3A_688 : memref<128xi32, #tpu.memory_space<hbm>>) dst(%dma_wait3A_687 : memref<128xi32, #tpu.memory_space<vmem>>)
      %dma_wait3A_689 = arith.constant 15 : i32
      %dma_wait3A_690 = arith.constant 0 : i32
      %dma_wait3A_691 = tpu.memref_slice %arg7[%dma_wait3A_689, %dma_wait3A_690] : memref<16x128xi32, #tpu.memory_space<vmem>> -> memref<1x128xi32, #tpu.memory_space<vmem>>
      %dma_wait3A_692 = tpu.memref_squeeze %dma_wait3A_691 : memref<1x128xi32, #tpu.memory_space<vmem>> -> memref<128xi32, #tpu.memory_space<vmem>>
      %dma_wait3A_693 = tpu.memref_slice %arg4[%multiple_of3A_544] : memref<3211264xi32, #tpu.memory_space<hbm>> -> memref<128xi32, #tpu.memory_space<hbm>>
      %dma_wait3A_694 = arith.constant 0 : i32
      %dma_wait3A_695 = tpu.memref_slice %arg7[%dma_wait3A_689, %dma_wait3A_694] : memref<16x128xi32, #tpu.memory_space<vmem>> -> memref<1x128xi32, #tpu.memory_space<vmem>>
      %dma_wait3A_696 = tpu.memref_squeeze %dma_wait3A_695 : memref<1x128xi32, #tpu.memory_space<vmem>> -> memref<128xi32, #tpu.memory_space<vmem>>
      %dma_wait3A_697 = tpu.memref_slice %arg4[%multiple_of3A_544] : memref<3211264xi32, #tpu.memory_space<hbm>> -> memref<128xi32, #tpu.memory_space<hbm>>
      tpu.wait_dma2 semaphore(%arg10 : memref<!tpu.dma_semaphore, #tpu.memory_space<semaphore_mem>>) src(%dma_wait3A_697 : memref<128xi32, #tpu.memory_space<hbm>>) dst(%dma_wait3A_696 : memref<128xi32, #tpu.memory_space<vmem>>)
      %dma_start3A_698 = arith.constant 0 : i32
      %dma_start3A_699 = arith.constant 0 : i32
      %dma_start3A_700 = arith.constant 0 : i32
      %dma_start3A_701 = arith.constant 0 : i32
      %dma_start3A_702 = tpu.memref_slice %arg8[%dma_start3A_699, %dma_start3A_700, %dma_start3A_701] : memref<16x128x16xf32, #tpu.memory_space<vmem>> -> memref<1x128x16xf32, #tpu.memory_space<vmem>>
      %dma_start3A_703 = tpu.memref_squeeze %dma_start3A_702 : memref<1x128x16xf32, #tpu.memory_space<vmem>> -> memref<128x16xf32, #tpu.memory_space<vmem>>
      %dma_start3A_704 = arith.constant 0 : i32
      %dma_start3A_705 = tpu.memref_slice %arg6[%dma_start3A_698, %dma_start3A_704] : memref<16x128xi32, #tpu.memory_space<vmem>> -> memref<1x128xi32, #tpu.memory_space<vmem>>
      %dma_start3A_706 = tpu.memref_squeeze %dma_start3A_705 : memref<1x128xi32, #tpu.memory_space<vmem>> -> memref<128xi32, #tpu.memory_space<vmem>>
      %dma_start3A_707 = arith.constant 0 : i32
      %dma_start3A_708 = arith.constant 0 : i32
      %dma_start3A_709 = tpu.memref_slice %arg2[%dma_start3A_707, %dma_start3A_708] : memref<100000x16xf32, #tpu.memory_space<hbm>> -> memref<100000x16xf32, #tpu.memory_space<hbm>>
      tpu.enqueue_indirect_dma source(%dma_start3A_709 : memref<100000x16xf32, #tpu.memory_space<hbm>>) target(%dma_start3A_703 : memref<128x16xf32, #tpu.memory_space<vmem>>) offsets(%dma_start3A_706 : memref<128xi32, #tpu.memory_space<vmem>>) semaphore(%arg11 : memref<!tpu.dma_semaphore, #tpu.memory_space<semaphore_mem>>)
      %dma_start3A_710 = arith.constant 1 : i32
      %dma_start3A_711 = arith.constant 1 : i32
      %dma_start3A_712 = arith.constant 0 : i32
      %dma_start3A_713 = arith.constant 0 : i32
      %dma_start3A_714 = tpu.memref_slice %arg8[%dma_start3A_711, %dma_start3A_712, %dma_start3A_713] : memref<16x128x16xf32, #tpu.memory_space<vmem>> -> memref<1x128x16xf32, #tpu.memory_space<vmem>>
      %dma_start3A_715 = tpu.memref_squeeze %dma_start3A_714 : memref<1x128x16xf32, #tpu.memory_space<vmem>> -> memref<128x16xf32, #tpu.memory_space<vmem>>
      %dma_start3A_716 = arith.constant 0 : i32
      %dma_start3A_717 = tpu.memref_slice %arg6[%dma_start3A_710, %dma_start3A_716] : memref<16x128xi32, #tpu.memory_space<vmem>> -> memref<1x128xi32, #tpu.memory_space<vmem>>
      %dma_start3A_718 = tpu.memref_squeeze %dma_start3A_717 : memref<1x128xi32, #tpu.memory_space<vmem>> -> memref<128xi32, #tpu.memory_space<vmem>>
      %dma_start3A_719 = arith.constant 0 : i32
      %dma_start3A_720 = arith.constant 0 : i32
      %dma_start3A_721 = tpu.memref_slice %arg2[%dma_start3A_719, %dma_start3A_720] : memref<100000x16xf32, #tpu.memory_space<hbm>> -> memref<100000x16xf32, #tpu.memory_space<hbm>>
      tpu.enqueue_indirect_dma source(%dma_start3A_721 : memref<100000x16xf32, #tpu.memory_space<hbm>>) target(%dma_start3A_715 : memref<128x16xf32, #tpu.memory_space<vmem>>) offsets(%dma_start3A_718 : memref<128xi32, #tpu.memory_space<vmem>>) semaphore(%arg11 : memref<!tpu.dma_semaphore, #tpu.memory_space<semaphore_mem>>)
      %dma_start3A_722 = arith.constant 2 : i32
      %dma_start3A_723 = arith.constant 2 : i32
      %dma_start3A_724 = arith.constant 0 : i32
      %dma_start3A_725 = arith.constant 0 : i32
      %dma_start3A_726 = tpu.memref_slice %arg8[%dma_start3A_723, %dma_start3A_724, %dma_start3A_725] : memref<16x128x16xf32, #tpu.memory_space<vmem>> -> memref<1x128x16xf32, #tpu.memory_space<vmem>>
      %dma_start3A_727 = tpu.memref_squeeze %dma_start3A_726 : memref<1x128x16xf32, #tpu.memory_space<vmem>> -> memref<128x16xf32, #tpu.memory_space<vmem>>
      %dma_start3A_728 = arith.constant 0 : i32
      %dma_start3A_729 = tpu.memref_slice %arg6[%dma_start3A_722, %dma_start3A_728] : memref<16x128xi32, #tpu.memory_space<vmem>> -> memref<1x128xi32, #tpu.memory_space<vmem>>
      %dma_start3A_730 = tpu.memref_squeeze %dma_start3A_729 : memref<1x128xi32, #tpu.memory_space<vmem>> -> memref<128xi32, #tpu.memory_space<vmem>>
      %dma_start3A_731 = arith.constant 0 : i32
      %dma_start3A_732 = arith.constant 0 : i32
      %dma_start3A_733 = tpu.memref_slice %arg2[%dma_start3A_731, %dma_start3A_732] : memref<100000x16xf32, #tpu.memory_space<hbm>> -> memref<100000x16xf32, #tpu.memory_space<hbm>>
      tpu.enqueue_indirect_dma source(%dma_start3A_733 : memref<100000x16xf32, #tpu.memory_space<hbm>>) target(%dma_start3A_727 : memref<128x16xf32, #tpu.memory_space<vmem>>) offsets(%dma_start3A_730 : memref<128xi32, #tpu.memory_space<vmem>>) semaphore(%arg11 : memref<!tpu.dma_semaphore, #tpu.memory_space<semaphore_mem>>)
      %dma_start3A_734 = arith.constant 3 : i32
      %dma_start3A_735 = arith.constant 3 : i32
      %dma_start3A_736 = arith.constant 0 : i32
      %dma_start3A_737 = arith.constant 0 : i32
      %dma_start3A_738 = tpu.memref_slice %arg8[%dma_start3A_735, %dma_start3A_736, %dma_start3A_737] : memref<16x128x16xf32, #tpu.memory_space<vmem>> -> memref<1x128x16xf32, #tpu.memory_space<vmem>>
      %dma_start3A_739 = tpu.memref_squeeze %dma_start3A_738 : memref<1x128x16xf32, #tpu.memory_space<vmem>> -> memref<128x16xf32, #tpu.memory_space<vmem>>
      %dma_start3A_740 = arith.constant 0 : i32
      %dma_start3A_741 = tpu.memref_slice %arg6[%dma_start3A_734, %dma_start3A_740] : memref<16x128xi32, #tpu.memory_space<vmem>> -> memref<1x128xi32, #tpu.memory_space<vmem>>
      %dma_start3A_742 = tpu.memref_squeeze %dma_start3A_741 : memref<1x128xi32, #tpu.memory_space<vmem>> -> memref<128xi32, #tpu.memory_space<vmem>>
      %dma_start3A_743 = arith.constant 0 : i32
      %dma_start3A_744 = arith.constant 0 : i32
      %dma_start3A_745 = tpu.memref_slice %arg2[%dma_start3A_743, %dma_start3A_744] : memref<100000x16xf32, #tpu.memory_space<hbm>> -> memref<100000x16xf32, #tpu.memory_space<hbm>>
      tpu.enqueue_indirect_dma source(%dma_start3A_745 : memref<100000x16xf32, #tpu.memory_space<hbm>>) target(%dma_start3A_739 : memref<128x16xf32, #tpu.memory_space<vmem>>) offsets(%dma_start3A_742 : memref<128xi32, #tpu.memory_space<vmem>>) semaphore(%arg11 : memref<!tpu.dma_semaphore, #tpu.memory_space<semaphore_mem>>)
      %dma_start3A_746 = arith.constant 4 : i32
      %dma_start3A_747 = arith.constant 4 : i32
      %dma_start3A_748 = arith.constant 0 : i32
      %dma_start3A_749 = arith.constant 0 : i32
      %dma_start3A_750 = tpu.memref_slice %arg8[%dma_start3A_747, %dma_start3A_748, %dma_start3A_749] : memref<16x128x16xf32, #tpu.memory_space<vmem>> -> memref<1x128x16xf32, #tpu.memory_space<vmem>>
      %dma_start3A_751 = tpu.memref_squeeze %dma_start3A_750 : memref<1x128x16xf32, #tpu.memory_space<vmem>> -> memref<128x16xf32, #tpu.memory_space<vmem>>
      %dma_start3A_752 = arith.constant 0 : i32
      %dma_start3A_753 = tpu.memref_slice %arg6[%dma_start3A_746, %dma_start3A_752] : memref<16x128xi32, #tpu.memory_space<vmem>> -> memref<1x128xi32, #tpu.memory_space<vmem>>
      %dma_start3A_754 = tpu.memref_squeeze %dma_start3A_753 : memref<1x128xi32, #tpu.memory_space<vmem>> -> memref<128xi32, #tpu.memory_space<vmem>>
      %dma_start3A_755 = arith.constant 0 : i32
      %dma_start3A_756 = arith.constant 0 : i32
      %dma_start3A_757 = tpu.memref_slice %arg2[%dma_start3A_755, %dma_start3A_756] : memref<100000x16xf32, #tpu.memory_space<hbm>> -> memref<100000x16xf32, #tpu.memory_space<hbm>>
      tpu.enqueue_indirect_dma source(%dma_start3A_757 : memref<100000x16xf32, #tpu.memory_space<hbm>>) target(%dma_start3A_751 : memref<128x16xf32, #tpu.memory_space<vmem>>) offsets(%dma_start3A_754 : memref<128xi32, #tpu.memory_space<vmem>>) semaphore(%arg11 : memref<!tpu.dma_semaphore, #tpu.memory_space<semaphore_mem>>)
      %dma_start3A_758 = arith.constant 5 : i32
      %dma_start3A_759 = arith.constant 5 : i32
      %dma_start3A_760 = arith.constant 0 : i32
      %dma_start3A_761 = arith.constant 0 : i32
      %dma_start3A_762 = tpu.memref_slice %arg8[%dma_start3A_759, %dma_start3A_760, %dma_start3A_761] : memref<16x128x16xf32, #tpu.memory_space<vmem>> -> memref<1x128x16xf32, #tpu.memory_space<vmem>>
      %dma_start3A_763 = tpu.memref_squeeze %dma_start3A_762 : memref<1x128x16xf32, #tpu.memory_space<vmem>> -> memref<128x16xf32, #tpu.memory_space<vmem>>
      %dma_start3A_764 = arith.constant 0 : i32
      %dma_start3A_765 = tpu.memref_slice %arg6[%dma_start3A_758, %dma_start3A_764] : memref<16x128xi32, #tpu.memory_space<vmem>> -> memref<1x128xi32, #tpu.memory_space<vmem>>
      %dma_start3A_766 = tpu.memref_squeeze %dma_start3A_765 : memref<1x128xi32, #tpu.memory_space<vmem>> -> memref<128xi32, #tpu.memory_space<vmem>>
      %dma_start3A_767 = arith.constant 0 : i32
      %dma_start3A_768 = arith.constant 0 : i32
      %dma_start3A_769 = tpu.memref_slice %arg2[%dma_start3A_767, %dma_start3A_768] : memref<100000x16xf32, #tpu.memory_space<hbm>> -> memref<100000x16xf32, #tpu.memory_space<hbm>>
      tpu.enqueue_indirect_dma source(%dma_start3A_769 : memref<100000x16xf32, #tpu.memory_space<hbm>>) target(%dma_start3A_763 : memref<128x16xf32, #tpu.memory_space<vmem>>) offsets(%dma_start3A_766 : memref<128xi32, #tpu.memory_space<vmem>>) semaphore(%arg11 : memref<!tpu.dma_semaphore, #tpu.memory_space<semaphore_mem>>)
      %dma_start3A_770 = arith.constant 6 : i32
      %dma_start3A_771 = arith.constant 6 : i32
      %dma_start3A_772 = arith.constant 0 : i32
      %dma_start3A_773 = arith.constant 0 : i32
      %dma_start3A_774 = tpu.memref_slice %arg8[%dma_start3A_771, %dma_start3A_772, %dma_start3A_773] : memref<16x128x16xf32, #tpu.memory_space<vmem>> -> memref<1x128x16xf32, #tpu.memory_space<vmem>>
      %dma_start3A_775 = tpu.memref_squeeze %dma_start3A_774 : memref<1x128x16xf32, #tpu.memory_space<vmem>> -> memref<128x16xf32, #tpu.memory_space<vmem>>
      %dma_start3A_776 = arith.constant 0 : i32
      %dma_start3A_777 = tpu.memref_slice %arg6[%dma_start3A_770, %dma_start3A_776] : memref<16x128xi32, #tpu.memory_space<vmem>> -> memref<1x128xi32, #tpu.memory_space<vmem>>
      %dma_start3A_778 = tpu.memref_squeeze %dma_start3A_777 : memref<1x128xi32, #tpu.memory_space<vmem>> -> memref<128xi32, #tpu.memory_space<vmem>>
      %dma_start3A_779 = arith.constant 0 : i32
      %dma_start3A_780 = arith.constant 0 : i32
      %dma_start3A_781 = tpu.memref_slice %arg2[%dma_start3A_779, %dma_start3A_780] : memref<100000x16xf32, #tpu.memory_space<hbm>> -> memref<100000x16xf32, #tpu.memory_space<hbm>>
      tpu.enqueue_indirect_dma source(%dma_start3A_781 : memref<100000x16xf32, #tpu.memory_space<hbm>>) target(%dma_start3A_775 : memref<128x16xf32, #tpu.memory_space<vmem>>) offsets(%dma_start3A_778 : memref<128xi32, #tpu.memory_space<vmem>>) semaphore(%arg11 : memref<!tpu.dma_semaphore, #tpu.memory_space<semaphore_mem>>)
      %dma_start3A_782 = arith.constant 7 : i32
      %dma_start3A_783 = arith.constant 7 : i32
      %dma_start3A_784 = arith.constant 0 : i32
      %dma_start3A_785 = arith.constant 0 : i32
      %dma_start3A_786 = tpu.memref_slice %arg8[%dma_start3A_783, %dma_start3A_784, %dma_start3A_785] : memref<16x128x16xf32, #tpu.memory_space<vmem>> -> memref<1x128x16xf32, #tpu.memory_space<vmem>>
      %dma_start3A_787 = tpu.memref_squeeze %dma_start3A_786 : memref<1x128x16xf32, #tpu.memory_space<vmem>> -> memref<128x16xf32, #tpu.memory_space<vmem>>
      %dma_start3A_788 = arith.constant 0 : i32
      %dma_start3A_789 = tpu.memref_slice %arg6[%dma_start3A_782, %dma_start3A_788] : memref<16x128xi32, #tpu.memory_space<vmem>> -> memref<1x128xi32, #tpu.memory_space<vmem>>
      %dma_start3A_790 = tpu.memref_squeeze %dma_start3A_789 : memref<1x128xi32, #tpu.memory_space<vmem>> -> memref<128xi32, #tpu.memory_space<vmem>>
      %dma_start3A_791 = arith.constant 0 : i32
      %dma_start3A_792 = arith.constant 0 : i32
      %dma_start3A_793 = tpu.memref_slice %arg2[%dma_start3A_791, %dma_start3A_792] : memref<100000x16xf32, #tpu.memory_space<hbm>> -> memref<100000x16xf32, #tpu.memory_space<hbm>>
      tpu.enqueue_indirect_dma source(%dma_start3A_793 : memref<100000x16xf32, #tpu.memory_space<hbm>>) target(%dma_start3A_787 : memref<128x16xf32, #tpu.memory_space<vmem>>) offsets(%dma_start3A_790 : memref<128xi32, #tpu.memory_space<vmem>>) semaphore(%arg11 : memref<!tpu.dma_semaphore, #tpu.memory_space<semaphore_mem>>)
      %dma_start3A_794 = arith.constant 8 : i32
      %dma_start3A_795 = arith.constant 8 : i32
      %dma_start3A_796 = arith.constant 0 : i32
      %dma_start3A_797 = arith.constant 0 : i32
      %dma_start3A_798 = tpu.memref_slice %arg8[%dma_start3A_795, %dma_start3A_796, %dma_start3A_797] : memref<16x128x16xf32, #tpu.memory_space<vmem>> -> memref<1x128x16xf32, #tpu.memory_space<vmem>>
      %dma_start3A_799 = tpu.memref_squeeze %dma_start3A_798 : memref<1x128x16xf32, #tpu.memory_space<vmem>> -> memref<128x16xf32, #tpu.memory_space<vmem>>
      %dma_start3A_800 = arith.constant 0 : i32
      %dma_start3A_801 = tpu.memref_slice %arg6[%dma_start3A_794, %dma_start3A_800] : memref<16x128xi32, #tpu.memory_space<vmem>> -> memref<1x128xi32, #tpu.memory_space<vmem>>
      %dma_start3A_802 = tpu.memref_squeeze %dma_start3A_801 : memref<1x128xi32, #tpu.memory_space<vmem>> -> memref<128xi32, #tpu.memory_space<vmem>>
      %dma_start3A_803 = arith.constant 0 : i32
      %dma_start3A_804 = arith.constant 0 : i32
      %dma_start3A_805 = tpu.memref_slice %arg2[%dma_start3A_803, %dma_start3A_804] : memref<100000x16xf32, #tpu.memory_space<hbm>> -> memref<100000x16xf32, #tpu.memory_space<hbm>>
      tpu.enqueue_indirect_dma source(%dma_start3A_805 : memref<100000x16xf32, #tpu.memory_space<hbm>>) target(%dma_start3A_799 : memref<128x16xf32, #tpu.memory_space<vmem>>) offsets(%dma_start3A_802 : memref<128xi32, #tpu.memory_space<vmem>>) semaphore(%arg11 : memref<!tpu.dma_semaphore, #tpu.memory_space<semaphore_mem>>)
      %dma_start3A_806 = arith.constant 9 : i32
      %dma_start3A_807 = arith.constant 9 : i32
      %dma_start3A_808 = arith.constant 0 : i32
      %dma_start3A_809 = arith.constant 0 : i32
      %dma_start3A_810 = tpu.memref_slice %arg8[%dma_start3A_807, %dma_start3A_808, %dma_start3A_809] : memref<16x128x16xf32, #tpu.memory_space<vmem>> -> memref<1x128x16xf32, #tpu.memory_space<vmem>>
      %dma_start3A_811 = tpu.memref_squeeze %dma_start3A_810 : memref<1x128x16xf32, #tpu.memory_space<vmem>> -> memref<128x16xf32, #tpu.memory_space<vmem>>
      %dma_start3A_812 = arith.constant 0 : i32
      %dma_start3A_813 = tpu.memref_slice %arg6[%dma_start3A_806, %dma_start3A_812] : memref<16x128xi32, #tpu.memory_space<vmem>> -> memref<1x128xi32, #tpu.memory_space<vmem>>
      %dma_start3A_814 = tpu.memref_squeeze %dma_start3A_813 : memref<1x128xi32, #tpu.memory_space<vmem>> -> memref<128xi32, #tpu.memory_space<vmem>>
      %dma_start3A_815 = arith.constant 0 : i32
      %dma_start3A_816 = arith.constant 0 : i32
      %dma_start3A_817 = tpu.memref_slice %arg2[%dma_start3A_815, %dma_start3A_816] : memref<100000x16xf32, #tpu.memory_space<hbm>> -> memref<100000x16xf32, #tpu.memory_space<hbm>>
      tpu.enqueue_indirect_dma source(%dma_start3A_817 : memref<100000x16xf32, #tpu.memory_space<hbm>>) target(%dma_start3A_811 : memref<128x16xf32, #tpu.memory_space<vmem>>) offsets(%dma_start3A_814 : memref<128xi32, #tpu.memory_space<vmem>>) semaphore(%arg11 : memref<!tpu.dma_semaphore, #tpu.memory_space<semaphore_mem>>)
      %dma_start3A_818 = arith.constant 10 : i32
      %dma_start3A_819 = arith.constant 10 : i32
      %dma_start3A_820 = arith.constant 0 : i32
      %dma_start3A_821 = arith.constant 0 : i32
      %dma_start3A_822 = tpu.memref_slice %arg8[%dma_start3A_819, %dma_start3A_820, %dma_start3A_821] : memref<16x128x16xf32, #tpu.memory_space<vmem>> -> memref<1x128x16xf32, #tpu.memory_space<vmem>>
      %dma_start3A_823 = tpu.memref_squeeze %dma_start3A_822 : memref<1x128x16xf32, #tpu.memory_space<vmem>> -> memref<128x16xf32, #tpu.memory_space<vmem>>
      %dma_start3A_824 = arith.constant 0 : i32
      %dma_start3A_825 = tpu.memref_slice %arg6[%dma_start3A_818, %dma_start3A_824] : memref<16x128xi32, #tpu.memory_space<vmem>> -> memref<1x128xi32, #tpu.memory_space<vmem>>
      %dma_start3A_826 = tpu.memref_squeeze %dma_start3A_825 : memref<1x128xi32, #tpu.memory_space<vmem>> -> memref<128xi32, #tpu.memory_space<vmem>>
      %dma_start3A_827 = arith.constant 0 : i32
      %dma_start3A_828 = arith.constant 0 : i32
      %dma_start3A_829 = tpu.memref_slice %arg2[%dma_start3A_827, %dma_start3A_828] : memref<100000x16xf32, #tpu.memory_space<hbm>> -> memref<100000x16xf32, #tpu.memory_space<hbm>>
      tpu.enqueue_indirect_dma source(%dma_start3A_829 : memref<100000x16xf32, #tpu.memory_space<hbm>>) target(%dma_start3A_823 : memref<128x16xf32, #tpu.memory_space<vmem>>) offsets(%dma_start3A_826 : memref<128xi32, #tpu.memory_space<vmem>>) semaphore(%arg11 : memref<!tpu.dma_semaphore, #tpu.memory_space<semaphore_mem>>)
      %dma_start3A_830 = arith.constant 11 : i32
      %dma_start3A_831 = arith.constant 11 : i32
      %dma_start3A_832 = arith.constant 0 : i32
      %dma_start3A_833 = arith.constant 0 : i32
      %dma_start3A_834 = tpu.memref_slice %arg8[%dma_start3A_831, %dma_start3A_832, %dma_start3A_833] : memref<16x128x16xf32, #tpu.memory_space<vmem>> -> memref<1x128x16xf32, #tpu.memory_space<vmem>>
      %dma_start3A_835 = tpu.memref_squeeze %dma_start3A_834 : memref<1x128x16xf32, #tpu.memory_space<vmem>> -> memref<128x16xf32, #tpu.memory_space<vmem>>
      %dma_start3A_836 = arith.constant 0 : i32
      %dma_start3A_837 = tpu.memref_slice %arg6[%dma_start3A_830, %dma_start3A_836] : memref<16x128xi32, #tpu.memory_space<vmem>> -> memref<1x128xi32, #tpu.memory_space<vmem>>
      %dma_start3A_838 = tpu.memref_squeeze %dma_start3A_837 : memref<1x128xi32, #tpu.memory_space<vmem>> -> memref<128xi32, #tpu.memory_space<vmem>>
      %dma_start3A_839 = arith.constant 0 : i32
      %dma_start3A_840 = arith.constant 0 : i32
      %dma_start3A_841 = tpu.memref_slice %arg2[%dma_start3A_839, %dma_start3A_840] : memref<100000x16xf32, #tpu.memory_space<hbm>> -> memref<100000x16xf32, #tpu.memory_space<hbm>>
      tpu.enqueue_indirect_dma source(%dma_start3A_841 : memref<100000x16xf32, #tpu.memory_space<hbm>>) target(%dma_start3A_835 : memref<128x16xf32, #tpu.memory_space<vmem>>) offsets(%dma_start3A_838 : memref<128xi32, #tpu.memory_space<vmem>>) semaphore(%arg11 : memref<!tpu.dma_semaphore, #tpu.memory_space<semaphore_mem>>)
      %dma_start3A_842 = arith.constant 12 : i32
      %dma_start3A_843 = arith.constant 12 : i32
      %dma_start3A_844 = arith.constant 0 : i32
      %dma_start3A_845 = arith.constant 0 : i32
      %dma_start3A_846 = tpu.memref_slice %arg8[%dma_start3A_843, %dma_start3A_844, %dma_start3A_845] : memref<16x128x16xf32, #tpu.memory_space<vmem>> -> memref<1x128x16xf32, #tpu.memory_space<vmem>>
      %dma_start3A_847 = tpu.memref_squeeze %dma_start3A_846 : memref<1x128x16xf32, #tpu.memory_space<vmem>> -> memref<128x16xf32, #tpu.memory_space<vmem>>
      %dma_start3A_848 = arith.constant 0 : i32
      %dma_start3A_849 = tpu.memref_slice %arg6[%dma_start3A_842, %dma_start3A_848] : memref<16x128xi32, #tpu.memory_space<vmem>> -> memref<1x128xi32, #tpu.memory_space<vmem>>
      %dma_start3A_850 = tpu.memref_squeeze %dma_start3A_849 : memref<1x128xi32, #tpu.memory_space<vmem>> -> memref<128xi32, #tpu.memory_space<vmem>>
      %dma_start3A_851 = arith.constant 0 : i32
      %dma_start3A_852 = arith.constant 0 : i32
      %dma_start3A_853 = tpu.memref_slice %arg2[%dma_start3A_851, %dma_start3A_852] : memref<100000x16xf32, #tpu.memory_space<hbm>> -> memref<100000x16xf32, #tpu.memory_space<hbm>>
      tpu.enqueue_indirect_dma source(%dma_start3A_853 : memref<100000x16xf32, #tpu.memory_space<hbm>>) target(%dma_start3A_847 : memref<128x16xf32, #tpu.memory_space<vmem>>) offsets(%dma_start3A_850 : memref<128xi32, #tpu.memory_space<vmem>>) semaphore(%arg11 : memref<!tpu.dma_semaphore, #tpu.memory_space<semaphore_mem>>)
      %dma_start3A_854 = arith.constant 13 : i32
      %dma_start3A_855 = arith.constant 13 : i32
      %dma_start3A_856 = arith.constant 0 : i32
      %dma_start3A_857 = arith.constant 0 : i32
      %dma_start3A_858 = tpu.memref_slice %arg8[%dma_start3A_855, %dma_start3A_856, %dma_start3A_857] : memref<16x128x16xf32, #tpu.memory_space<vmem>> -> memref<1x128x16xf32, #tpu.memory_space<vmem>>
      %dma_start3A_859 = tpu.memref_squeeze %dma_start3A_858 : memref<1x128x16xf32, #tpu.memory_space<vmem>> -> memref<128x16xf32, #tpu.memory_space<vmem>>
      %dma_start3A_860 = arith.constant 0 : i32
      %dma_start3A_861 = tpu.memref_slice %arg6[%dma_start3A_854, %dma_start3A_860] : memref<16x128xi32, #tpu.memory_space<vmem>> -> memref<1x128xi32, #tpu.memory_space<vmem>>
      %dma_start3A_862 = tpu.memref_squeeze %dma_start3A_861 : memref<1x128xi32, #tpu.memory_space<vmem>> -> memref<128xi32, #tpu.memory_space<vmem>>
      %dma_start3A_863 = arith.constant 0 : i32
      %dma_start3A_864 = arith.constant 0 : i32
      %dma_start3A_865 = tpu.memref_slice %arg2[%dma_start3A_863, %dma_start3A_864] : memref<100000x16xf32, #tpu.memory_space<hbm>> -> memref<100000x16xf32, #tpu.memory_space<hbm>>
      tpu.enqueue_indirect_dma source(%dma_start3A_865 : memref<100000x16xf32, #tpu.memory_space<hbm>>) target(%dma_start3A_859 : memref<128x16xf32, #tpu.memory_space<vmem>>) offsets(%dma_start3A_862 : memref<128xi32, #tpu.memory_space<vmem>>) semaphore(%arg11 : memref<!tpu.dma_semaphore, #tpu.memory_space<semaphore_mem>>)
      %dma_start3A_866 = arith.constant 14 : i32
      %dma_start3A_867 = arith.constant 14 : i32
      %dma_start3A_868 = arith.constant 0 : i32
      %dma_start3A_869 = arith.constant 0 : i32
      %dma_start3A_870 = tpu.memref_slice %arg8[%dma_start3A_867, %dma_start3A_868, %dma_start3A_869] : memref<16x128x16xf32, #tpu.memory_space<vmem>> -> memref<1x128x16xf32, #tpu.memory_space<vmem>>
      %dma_start3A_871 = tpu.memref_squeeze %dma_start3A_870 : memref<1x128x16xf32, #tpu.memory_space<vmem>> -> memref<128x16xf32, #tpu.memory_space<vmem>>
      %dma_start3A_872 = arith.constant 0 : i32
      %dma_start3A_873 = tpu.memref_slice %arg6[%dma_start3A_866, %dma_start3A_872] : memref<16x128xi32, #tpu.memory_space<vmem>> -> memref<1x128xi32, #tpu.memory_space<vmem>>
      %dma_start3A_874 = tpu.memref_squeeze %dma_start3A_873 : memref<1x128xi32, #tpu.memory_space<vmem>> -> memref<128xi32, #tpu.memory_space<vmem>>
      %dma_start3A_875 = arith.constant 0 : i32
      %dma_start3A_876 = arith.constant 0 : i32
      %dma_start3A_877 = tpu.memref_slice %arg2[%dma_start3A_875, %dma_start3A_876] : memref<100000x16xf32, #tpu.memory_space<hbm>> -> memref<100000x16xf32, #tpu.memory_space<hbm>>
      tpu.enqueue_indirect_dma source(%dma_start3A_877 : memref<100000x16xf32, #tpu.memory_space<hbm>>) target(%dma_start3A_871 : memref<128x16xf32, #tpu.memory_space<vmem>>) offsets(%dma_start3A_874 : memref<128xi32, #tpu.memory_space<vmem>>) semaphore(%arg11 : memref<!tpu.dma_semaphore, #tpu.memory_space<semaphore_mem>>)
      %dma_start3A_878 = arith.constant 15 : i32
      %dma_start3A_879 = arith.constant 15 : i32
      %dma_start3A_880 = arith.constant 0 : i32
      %dma_start3A_881 = arith.constant 0 : i32
      %dma_start3A_882 = tpu.memref_slice %arg8[%dma_start3A_879, %dma_start3A_880, %dma_start3A_881] : memref<16x128x16xf32, #tpu.memory_space<vmem>> -> memref<1x128x16xf32, #tpu.memory_space<vmem>>
      %dma_start3A_883 = tpu.memref_squeeze %dma_start3A_882 : memref<1x128x16xf32, #tpu.memory_space<vmem>> -> memref<128x16xf32, #tpu.memory_space<vmem>>
      %dma_start3A_884 = arith.constant 0 : i32
      %dma_start3A_885 = tpu.memref_slice %arg6[%dma_start3A_878, %dma_start3A_884] : memref<16x128xi32, #tpu.memory_space<vmem>> -> memref<1x128xi32, #tpu.memory_space<vmem>>
      %dma_start3A_886 = tpu.memref_squeeze %dma_start3A_885 : memref<1x128xi32, #tpu.memory_space<vmem>> -> memref<128xi32, #tpu.memory_space<vmem>>
      %dma_start3A_887 = arith.constant 0 : i32
      %dma_start3A_888 = arith.constant 0 : i32
      %dma_start3A_889 = tpu.memref_slice %arg2[%dma_start3A_887, %dma_start3A_888] : memref<100000x16xf32, #tpu.memory_space<hbm>> -> memref<100000x16xf32, #tpu.memory_space<hbm>>
      tpu.enqueue_indirect_dma source(%dma_start3A_889 : memref<100000x16xf32, #tpu.memory_space<hbm>>) target(%dma_start3A_883 : memref<128x16xf32, #tpu.memory_space<vmem>>) offsets(%dma_start3A_886 : memref<128xi32, #tpu.memory_space<vmem>>) semaphore(%arg11 : memref<!tpu.dma_semaphore, #tpu.memory_space<semaphore_mem>>)
      %dma_wait3A_890 = arith.constant 0 : i32
      %dma_wait3A_891 = arith.constant 0 : i32
      %dma_wait3A_892 = arith.constant 0 : i32
      %dma_wait3A_893 = arith.constant 0 : i32
      %dma_wait3A_894 = tpu.memref_slice %arg8[%dma_wait3A_891, %dma_wait3A_892, %dma_wait3A_893] : memref<16x128x16xf32, #tpu.memory_space<vmem>> -> memref<1x128x16xf32, #tpu.memory_space<vmem>>
      %dma_wait3A_895 = tpu.memref_squeeze %dma_wait3A_894 : memref<1x128x16xf32, #tpu.memory_space<vmem>> -> memref<128x16xf32, #tpu.memory_space<vmem>>
      %dma_wait3A_896 = arith.constant 0 : i32
      %dma_wait3A_897 = tpu.memref_slice %arg6[%dma_wait3A_890, %dma_wait3A_896] : memref<16x128xi32, #tpu.memory_space<vmem>> -> memref<1x128xi32, #tpu.memory_space<vmem>>
      %dma_wait3A_898 = tpu.memref_squeeze %dma_wait3A_897 : memref<1x128xi32, #tpu.memory_space<vmem>> -> memref<128xi32, #tpu.memory_space<vmem>>
      %dma_wait3A_899 = arith.constant 0 : i32
      %dma_wait3A_900 = arith.constant 0 : i32
      %dma_wait3A_901 = tpu.memref_slice %arg2[%dma_wait3A_899, %dma_wait3A_900] : memref<100000x16xf32, #tpu.memory_space<hbm>> -> memref<100000x16xf32, #tpu.memory_space<hbm>>
      tpu.wait_indirect_dma semaphore(%arg11 : memref<!tpu.dma_semaphore, #tpu.memory_space<semaphore_mem>>) src(%dma_wait3A_901 : memref<100000x16xf32, #tpu.memory_space<hbm>>) dst(%dma_wait3A_895 : memref<128x16xf32, #tpu.memory_space<vmem>>)
      %dma_wait3A_902 = arith.constant 1 : i32
      %dma_wait3A_903 = arith.constant 1 : i32
      %dma_wait3A_904 = arith.constant 0 : i32
      %dma_wait3A_905 = arith.constant 0 : i32
      %dma_wait3A_906 = tpu.memref_slice %arg8[%dma_wait3A_903, %dma_wait3A_904, %dma_wait3A_905] : memref<16x128x16xf32, #tpu.memory_space<vmem>> -> memref<1x128x16xf32, #tpu.memory_space<vmem>>
      %dma_wait3A_907 = tpu.memref_squeeze %dma_wait3A_906 : memref<1x128x16xf32, #tpu.memory_space<vmem>> -> memref<128x16xf32, #tpu.memory_space<vmem>>
      %dma_wait3A_908 = arith.constant 0 : i32
      %dma_wait3A_909 = tpu.memref_slice %arg6[%dma_wait3A_902, %dma_wait3A_908] : memref<16x128xi32, #tpu.memory_space<vmem>> -> memref<1x128xi32, #tpu.memory_space<vmem>>
      %dma_wait3A_910 = tpu.memref_squeeze %dma_wait3A_909 : memref<1x128xi32, #tpu.memory_space<vmem>> -> memref<128xi32, #tpu.memory_space<vmem>>
      %dma_wait3A_911 = arith.constant 0 : i32
      %dma_wait3A_912 = arith.constant 0 : i32
      %dma_wait3A_913 = tpu.memref_slice %arg2[%dma_wait3A_911, %dma_wait3A_912] : memref<100000x16xf32, #tpu.memory_space<hbm>> -> memref<100000x16xf32, #tpu.memory_space<hbm>>
      tpu.wait_indirect_dma semaphore(%arg11 : memref<!tpu.dma_semaphore, #tpu.memory_space<semaphore_mem>>) src(%dma_wait3A_913 : memref<100000x16xf32, #tpu.memory_space<hbm>>) dst(%dma_wait3A_907 : memref<128x16xf32, #tpu.memory_space<vmem>>)
      %dma_wait3A_914 = arith.constant 2 : i32
      %dma_wait3A_915 = arith.constant 2 : i32
      %dma_wait3A_916 = arith.constant 0 : i32
      %dma_wait3A_917 = arith.constant 0 : i32
      %dma_wait3A_918 = tpu.memref_slice %arg8[%dma_wait3A_915, %dma_wait3A_916, %dma_wait3A_917] : memref<16x128x16xf32, #tpu.memory_space<vmem>> -> memref<1x128x16xf32, #tpu.memory_space<vmem>>
      %dma_wait3A_919 = tpu.memref_squeeze %dma_wait3A_918 : memref<1x128x16xf32, #tpu.memory_space<vmem>> -> memref<128x16xf32, #tpu.memory_space<vmem>>
      %dma_wait3A_920 = arith.constant 0 : i32
      %dma_wait3A_921 = tpu.memref_slice %arg6[%dma_wait3A_914, %dma_wait3A_920] : memref<16x128xi32, #tpu.memory_space<vmem>> -> memref<1x128xi32, #tpu.memory_space<vmem>>
      %dma_wait3A_922 = tpu.memref_squeeze %dma_wait3A_921 : memref<1x128xi32, #tpu.memory_space<vmem>> -> memref<128xi32, #tpu.memory_space<vmem>>
      %dma_wait3A_923 = arith.constant 0 : i32
      %dma_wait3A_924 = arith.constant 0 : i32
      %dma_wait3A_925 = tpu.memref_slice %arg2[%dma_wait3A_923, %dma_wait3A_924] : memref<100000x16xf32, #tpu.memory_space<hbm>> -> memref<100000x16xf32, #tpu.memory_space<hbm>>
      tpu.wait_indirect_dma semaphore(%arg11 : memref<!tpu.dma_semaphore, #tpu.memory_space<semaphore_mem>>) src(%dma_wait3A_925 : memref<100000x16xf32, #tpu.memory_space<hbm>>) dst(%dma_wait3A_919 : memref<128x16xf32, #tpu.memory_space<vmem>>)
      %dma_wait3A_926 = arith.constant 3 : i32
      %dma_wait3A_927 = arith.constant 3 : i32
      %dma_wait3A_928 = arith.constant 0 : i32
      %dma_wait3A_929 = arith.constant 0 : i32
      %dma_wait3A_930 = tpu.memref_slice %arg8[%dma_wait3A_927, %dma_wait3A_928, %dma_wait3A_929] : memref<16x128x16xf32, #tpu.memory_space<vmem>> -> memref<1x128x16xf32, #tpu.memory_space<vmem>>
      %dma_wait3A_931 = tpu.memref_squeeze %dma_wait3A_930 : memref<1x128x16xf32, #tpu.memory_space<vmem>> -> memref<128x16xf32, #tpu.memory_space<vmem>>
      %dma_wait3A_932 = arith.constant 0 : i32
      %dma_wait3A_933 = tpu.memref_slice %arg6[%dma_wait3A_926, %dma_wait3A_932] : memref<16x128xi32, #tpu.memory_space<vmem>> -> memref<1x128xi32, #tpu.memory_space<vmem>>
      %dma_wait3A_934 = tpu.memref_squeeze %dma_wait3A_933 : memref<1x128xi32, #tpu.memory_space<vmem>> -> memref<128xi32, #tpu.memory_space<vmem>>
      %dma_wait3A_935 = arith.constant 0 : i32
      %dma_wait3A_936 = arith.constant 0 : i32
      %dma_wait3A_937 = tpu.memref_slice %arg2[%dma_wait3A_935, %dma_wait3A_936] : memref<100000x16xf32, #tpu.memory_space<hbm>> -> memref<100000x16xf32, #tpu.memory_space<hbm>>
      tpu.wait_indirect_dma semaphore(%arg11 : memref<!tpu.dma_semaphore, #tpu.memory_space<semaphore_mem>>) src(%dma_wait3A_937 : memref<100000x16xf32, #tpu.memory_space<hbm>>) dst(%dma_wait3A_931 : memref<128x16xf32, #tpu.memory_space<vmem>>)
      %dma_wait3A_938 = arith.constant 4 : i32
      %dma_wait3A_939 = arith.constant 4 : i32
      %dma_wait3A_940 = arith.constant 0 : i32
      %dma_wait3A_941 = arith.constant 0 : i32
      %dma_wait3A_942 = tpu.memref_slice %arg8[%dma_wait3A_939, %dma_wait3A_940, %dma_wait3A_941] : memref<16x128x16xf32, #tpu.memory_space<vmem>> -> memref<1x128x16xf32, #tpu.memory_space<vmem>>
      %dma_wait3A_943 = tpu.memref_squeeze %dma_wait3A_942 : memref<1x128x16xf32, #tpu.memory_space<vmem>> -> memref<128x16xf32, #tpu.memory_space<vmem>>
      %dma_wait3A_944 = arith.constant 0 : i32
      %dma_wait3A_945 = tpu.memref_slice %arg6[%dma_wait3A_938, %dma_wait3A_944] : memref<16x128xi32, #tpu.memory_space<vmem>> -> memref<1x128xi32, #tpu.memory_space<vmem>>
      %dma_wait3A_946 = tpu.memref_squeeze %dma_wait3A_945 : memref<1x128xi32, #tpu.memory_space<vmem>> -> memref<128xi32, #tpu.memory_space<vmem>>
      %dma_wait3A_947 = arith.constant 0 : i32
      %dma_wait3A_948 = arith.constant 0 : i32
      %dma_wait3A_949 = tpu.memref_slice %arg2[%dma_wait3A_947, %dma_wait3A_948] : memref<100000x16xf32, #tpu.memory_space<hbm>> -> memref<100000x16xf32, #tpu.memory_space<hbm>>
      tpu.wait_indirect_dma semaphore(%arg11 : memref<!tpu.dma_semaphore, #tpu.memory_space<semaphore_mem>>) src(%dma_wait3A_949 : memref<100000x16xf32, #tpu.memory_space<hbm>>) dst(%dma_wait3A_943 : memref<128x16xf32, #tpu.memory_space<vmem>>)
      %dma_wait3A_950 = arith.constant 5 : i32
      %dma_wait3A_951 = arith.constant 5 : i32
      %dma_wait3A_952 = arith.constant 0 : i32
      %dma_wait3A_953 = arith.constant 0 : i32
      %dma_wait3A_954 = tpu.memref_slice %arg8[%dma_wait3A_951, %dma_wait3A_952, %dma_wait3A_953] : memref<16x128x16xf32, #tpu.memory_space<vmem>> -> memref<1x128x16xf32, #tpu.memory_space<vmem>>
      %dma_wait3A_955 = tpu.memref_squeeze %dma_wait3A_954 : memref<1x128x16xf32, #tpu.memory_space<vmem>> -> memref<128x16xf32, #tpu.memory_space<vmem>>
      %dma_wait3A_956 = arith.constant 0 : i32
      %dma_wait3A_957 = tpu.memref_slice %arg6[%dma_wait3A_950, %dma_wait3A_956] : memref<16x128xi32, #tpu.memory_space<vmem>> -> memref<1x128xi32, #tpu.memory_space<vmem>>
      %dma_wait3A_958 = tpu.memref_squeeze %dma_wait3A_957 : memref<1x128xi32, #tpu.memory_space<vmem>> -> memref<128xi32, #tpu.memory_space<vmem>>
      %dma_wait3A_959 = arith.constant 0 : i32
      %dma_wait3A_960 = arith.constant 0 : i32
      %dma_wait3A_961 = tpu.memref_slice %arg2[%dma_wait3A_959, %dma_wait3A_960] : memref<100000x16xf32, #tpu.memory_space<hbm>> -> memref<100000x16xf32, #tpu.memory_space<hbm>>
      tpu.wait_indirect_dma semaphore(%arg11 : memref<!tpu.dma_semaphore, #tpu.memory_space<semaphore_mem>>) src(%dma_wait3A_961 : memref<100000x16xf32, #tpu.memory_space<hbm>>) dst(%dma_wait3A_955 : memref<128x16xf32, #tpu.memory_space<vmem>>)
      %dma_wait3A_962 = arith.constant 6 : i32
      %dma_wait3A_963 = arith.constant 6 : i32
      %dma_wait3A_964 = arith.constant 0 : i32
      %dma_wait3A_965 = arith.constant 0 : i32
      %dma_wait3A_966 = tpu.memref_slice %arg8[%dma_wait3A_963, %dma_wait3A_964, %dma_wait3A_965] : memref<16x128x16xf32, #tpu.memory_space<vmem>> -> memref<1x128x16xf32, #tpu.memory_space<vmem>>
      %dma_wait3A_967 = tpu.memref_squeeze %dma_wait3A_966 : memref<1x128x16xf32, #tpu.memory_space<vmem>> -> memref<128x16xf32, #tpu.memory_space<vmem>>
      %dma_wait3A_968 = arith.constant 0 : i32
      %dma_wait3A_969 = tpu.memref_slice %arg6[%dma_wait3A_962, %dma_wait3A_968] : memref<16x128xi32, #tpu.memory_space<vmem>> -> memref<1x128xi32, #tpu.memory_space<vmem>>
      %dma_wait3A_970 = tpu.memref_squeeze %dma_wait3A_969 : memref<1x128xi32, #tpu.memory_space<vmem>> -> memref<128xi32, #tpu.memory_space<vmem>>
      %dma_wait3A_971 = arith.constant 0 : i32
      %dma_wait3A_972 = arith.constant 0 : i32
      %dma_wait3A_973 = tpu.memref_slice %arg2[%dma_wait3A_971, %dma_wait3A_972] : memref<100000x16xf32, #tpu.memory_space<hbm>> -> memref<100000x16xf32, #tpu.memory_space<hbm>>
      tpu.wait_indirect_dma semaphore(%arg11 : memref<!tpu.dma_semaphore, #tpu.memory_space<semaphore_mem>>) src(%dma_wait3A_973 : memref<100000x16xf32, #tpu.memory_space<hbm>>) dst(%dma_wait3A_967 : memref<128x16xf32, #tpu.memory_space<vmem>>)
      %dma_wait3A_974 = arith.constant 7 : i32
      %dma_wait3A_975 = arith.constant 7 : i32
      %dma_wait3A_976 = arith.constant 0 : i32
      %dma_wait3A_977 = arith.constant 0 : i32
      %dma_wait3A_978 = tpu.memref_slice %arg8[%dma_wait3A_975, %dma_wait3A_976, %dma_wait3A_977] : memref<16x128x16xf32, #tpu.memory_space<vmem>> -> memref<1x128x16xf32, #tpu.memory_space<vmem>>
      %dma_wait3A_979 = tpu.memref_squeeze %dma_wait3A_978 : memref<1x128x16xf32, #tpu.memory_space<vmem>> -> memref<128x16xf32, #tpu.memory_space<vmem>>
      %dma_wait3A_980 = arith.constant 0 : i32
      %dma_wait3A_981 = tpu.memref_slice %arg6[%dma_wait3A_974, %dma_wait3A_980] : memref<16x128xi32, #tpu.memory_space<vmem>> -> memref<1x128xi32, #tpu.memory_space<vmem>>
      %dma_wait3A_982 = tpu.memref_squeeze %dma_wait3A_981 : memref<1x128xi32, #tpu.memory_space<vmem>> -> memref<128xi32, #tpu.memory_space<vmem>>
      %dma_wait3A_983 = arith.constant 0 : i32
      %dma_wait3A_984 = arith.constant 0 : i32
      %dma_wait3A_985 = tpu.memref_slice %arg2[%dma_wait3A_983, %dma_wait3A_984] : memref<100000x16xf32, #tpu.memory_space<hbm>> -> memref<100000x16xf32, #tpu.memory_space<hbm>>
      tpu.wait_indirect_dma semaphore(%arg11 : memref<!tpu.dma_semaphore, #tpu.memory_space<semaphore_mem>>) src(%dma_wait3A_985 : memref<100000x16xf32, #tpu.memory_space<hbm>>) dst(%dma_wait3A_979 : memref<128x16xf32, #tpu.memory_space<vmem>>)
      %dma_wait3A_986 = arith.constant 8 : i32
      %dma_wait3A_987 = arith.constant 8 : i32
      %dma_wait3A_988 = arith.constant 0 : i32
      %dma_wait3A_989 = arith.constant 0 : i32
      %dma_wait3A_990 = tpu.memref_slice %arg8[%dma_wait3A_987, %dma_wait3A_988, %dma_wait3A_989] : memref<16x128x16xf32, #tpu.memory_space<vmem>> -> memref<1x128x16xf32, #tpu.memory_space<vmem>>
      %dma_wait3A_991 = tpu.memref_squeeze %dma_wait3A_990 : memref<1x128x16xf32, #tpu.memory_space<vmem>> -> memref<128x16xf32, #tpu.memory_space<vmem>>
      %dma_wait3A_992 = arith.constant 0 : i32
      %dma_wait3A_993 = tpu.memref_slice %arg6[%dma_wait3A_986, %dma_wait3A_992] : memref<16x128xi32, #tpu.memory_space<vmem>> -> memref<1x128xi32, #tpu.memory_space<vmem>>
      %dma_wait3A_994 = tpu.memref_squeeze %dma_wait3A_993 : memref<1x128xi32, #tpu.memory_space<vmem>> -> memref<128xi32, #tpu.memory_space<vmem>>
      %dma_wait3A_995 = arith.constant 0 : i32
      %dma_wait3A_996 = arith.constant 0 : i32
      %dma_wait3A_997 = tpu.memref_slice %arg2[%dma_wait3A_995, %dma_wait3A_996] : memref<100000x16xf32, #tpu.memory_space<hbm>> -> memref<100000x16xf32, #tpu.memory_space<hbm>>
      tpu.wait_indirect_dma semaphore(%arg11 : memref<!tpu.dma_semaphore, #tpu.memory_space<semaphore_mem>>) src(%dma_wait3A_997 : memref<100000x16xf32, #tpu.memory_space<hbm>>) dst(%dma_wait3A_991 : memref<128x16xf32, #tpu.memory_space<vmem>>)
      %dma_wait3A_998 = arith.constant 9 : i32
      %dma_wait3A_999 = arith.constant 9 : i32
      %dma_wait3A_1000 = arith.constant 0 : i32
      %dma_wait3A_1001 = arith.constant 0 : i32
      %dma_wait3A_1002 = tpu.memref_slice %arg8[%dma_wait3A_999, %dma_wait3A_1000, %dma_wait3A_1001] : memref<16x128x16xf32, #tpu.memory_space<vmem>> -> memref<1x128x16xf32, #tpu.memory_space<vmem>>
      %dma_wait3A_1003 = tpu.memref_squeeze %dma_wait3A_1002 : memref<1x128x16xf32, #tpu.memory_space<vmem>> -> memref<128x16xf32, #tpu.memory_space<vmem>>
      %dma_wait3A_1004 = arith.constant 0 : i32
      %dma_wait3A_1005 = tpu.memref_slice %arg6[%dma_wait3A_998, %dma_wait3A_1004] : memref<16x128xi32, #tpu.memory_space<vmem>> -> memref<1x128xi32, #tpu.memory_space<vmem>>
      %dma_wait3A_1006 = tpu.memref_squeeze %dma_wait3A_1005 : memref<1x128xi32, #tpu.memory_space<vmem>> -> memref<128xi32, #tpu.memory_space<vmem>>
      %dma_wait3A_1007 = arith.constant 0 : i32
      %dma_wait3A_1008 = arith.constant 0 : i32
      %dma_wait3A_1009 = tpu.memref_slice %arg2[%dma_wait3A_1007, %dma_wait3A_1008] : memref<100000x16xf32, #tpu.memory_space<hbm>> -> memref<100000x16xf32, #tpu.memory_space<hbm>>
      tpu.wait_indirect_dma semaphore(%arg11 : memref<!tpu.dma_semaphore, #tpu.memory_space<semaphore_mem>>) src(%dma_wait3A_1009 : memref<100000x16xf32, #tpu.memory_space<hbm>>) dst(%dma_wait3A_1003 : memref<128x16xf32, #tpu.memory_space<vmem>>)
      %dma_wait3A_1010 = arith.constant 10 : i32
      %dma_wait3A_1011 = arith.constant 10 : i32
      %dma_wait3A_1012 = arith.constant 0 : i32
      %dma_wait3A_1013 = arith.constant 0 : i32
      %dma_wait3A_1014 = tpu.memref_slice %arg8[%dma_wait3A_1011, %dma_wait3A_1012, %dma_wait3A_1013] : memref<16x128x16xf32, #tpu.memory_space<vmem>> -> memref<1x128x16xf32, #tpu.memory_space<vmem>>
      %dma_wait3A_1015 = tpu.memref_squeeze %dma_wait3A_1014 : memref<1x128x16xf32, #tpu.memory_space<vmem>> -> memref<128x16xf32, #tpu.memory_space<vmem>>
      %dma_wait3A_1016 = arith.constant 0 : i32
      %dma_wait3A_1017 = tpu.memref_slice %arg6[%dma_wait3A_1010, %dma_wait3A_1016] : memref<16x128xi32, #tpu.memory_space<vmem>> -> memref<1x128xi32, #tpu.memory_space<vmem>>
      %dma_wait3A_1018 = tpu.memref_squeeze %dma_wait3A_1017 : memref<1x128xi32, #tpu.memory_space<vmem>> -> memref<128xi32, #tpu.memory_space<vmem>>
      %dma_wait3A_1019 = arith.constant 0 : i32
      %dma_wait3A_1020 = arith.constant 0 : i32
      %dma_wait3A_1021 = tpu.memref_slice %arg2[%dma_wait3A_1019, %dma_wait3A_1020] : memref<100000x16xf32, #tpu.memory_space<hbm>> -> memref<100000x16xf32, #tpu.memory_space<hbm>>
      tpu.wait_indirect_dma semaphore(%arg11 : memref<!tpu.dma_semaphore, #tpu.memory_space<semaphore_mem>>) src(%dma_wait3A_1021 : memref<100000x16xf32, #tpu.memory_space<hbm>>) dst(%dma_wait3A_1015 : memref<128x16xf32, #tpu.memory_space<vmem>>)
      %dma_wait3A_1022 = arith.constant 11 : i32
      %dma_wait3A_1023 = arith.constant 11 : i32
      %dma_wait3A_1024 = arith.constant 0 : i32
      %dma_wait3A_1025 = arith.constant 0 : i32
      %dma_wait3A_1026 = tpu.memref_slice %arg8[%dma_wait3A_1023, %dma_wait3A_1024, %dma_wait3A_1025] : memref<16x128x16xf32, #tpu.memory_space<vmem>> -> memref<1x128x16xf32, #tpu.memory_space<vmem>>
      %dma_wait3A_1027 = tpu.memref_squeeze %dma_wait3A_1026 : memref<1x128x16xf32, #tpu.memory_space<vmem>> -> memref<128x16xf32, #tpu.memory_space<vmem>>
      %dma_wait3A_1028 = arith.constant 0 : i32
      %dma_wait3A_1029 = tpu.memref_slice %arg6[%dma_wait3A_1022, %dma_wait3A_1028] : memref<16x128xi32, #tpu.memory_space<vmem>> -> memref<1x128xi32, #tpu.memory_space<vmem>>
      %dma_wait3A_1030 = tpu.memref_squeeze %dma_wait3A_1029 : memref<1x128xi32, #tpu.memory_space<vmem>> -> memref<128xi32, #tpu.memory_space<vmem>>
      %dma_wait3A_1031 = arith.constant 0 : i32
      %dma_wait3A_1032 = arith.constant 0 : i32
      %dma_wait3A_1033 = tpu.memref_slice %arg2[%dma_wait3A_1031, %dma_wait3A_1032] : memref<100000x16xf32, #tpu.memory_space<hbm>> -> memref<100000x16xf32, #tpu.memory_space<hbm>>
      tpu.wait_indirect_dma semaphore(%arg11 : memref<!tpu.dma_semaphore, #tpu.memory_space<semaphore_mem>>) src(%dma_wait3A_1033 : memref<100000x16xf32, #tpu.memory_space<hbm>>) dst(%dma_wait3A_1027 : memref<128x16xf32, #tpu.memory_space<vmem>>)
      %dma_wait3A_1034 = arith.constant 12 : i32
      %dma_wait3A_1035 = arith.constant 12 : i32
      %dma_wait3A_1036 = arith.constant 0 : i32
      %dma_wait3A_1037 = arith.constant 0 : i32
      %dma_wait3A_1038 = tpu.memref_slice %arg8[%dma_wait3A_1035, %dma_wait3A_1036, %dma_wait3A_1037] : memref<16x128x16xf32, #tpu.memory_space<vmem>> -> memref<1x128x16xf32, #tpu.memory_space<vmem>>
      %dma_wait3A_1039 = tpu.memref_squeeze %dma_wait3A_1038 : memref<1x128x16xf32, #tpu.memory_space<vmem>> -> memref<128x16xf32, #tpu.memory_space<vmem>>
      %dma_wait3A_1040 = arith.constant 0 : i32
      %dma_wait3A_1041 = tpu.memref_slice %arg6[%dma_wait3A_1034, %dma_wait3A_1040] : memref<16x128xi32, #tpu.memory_space<vmem>> -> memref<1x128xi32, #tpu.memory_space<vmem>>
      %dma_wait3A_1042 = tpu.memref_squeeze %dma_wait3A_1041 : memref<1x128xi32, #tpu.memory_space<vmem>> -> memref<128xi32, #tpu.memory_space<vmem>>
      %dma_wait3A_1043 = arith.constant 0 : i32
      %dma_wait3A_1044 = arith.constant 0 : i32
      %dma_wait3A_1045 = tpu.memref_slice %arg2[%dma_wait3A_1043, %dma_wait3A_1044] : memref<100000x16xf32, #tpu.memory_space<hbm>> -> memref<100000x16xf32, #tpu.memory_space<hbm>>
      tpu.wait_indirect_dma semaphore(%arg11 : memref<!tpu.dma_semaphore, #tpu.memory_space<semaphore_mem>>) src(%dma_wait3A_1045 : memref<100000x16xf32, #tpu.memory_space<hbm>>) dst(%dma_wait3A_1039 : memref<128x16xf32, #tpu.memory_space<vmem>>)
      %dma_wait3A_1046 = arith.constant 13 : i32
      %dma_wait3A_1047 = arith.constant 13 : i32
      %dma_wait3A_1048 = arith.constant 0 : i32
      %dma_wait3A_1049 = arith.constant 0 : i32
      %dma_wait3A_1050 = tpu.memref_slice %arg8[%dma_wait3A_1047, %dma_wait3A_1048, %dma_wait3A_1049] : memref<16x128x16xf32, #tpu.memory_space<vmem>> -> memref<1x128x16xf32, #tpu.memory_space<vmem>>
      %dma_wait3A_1051 = tpu.memref_squeeze %dma_wait3A_1050 : memref<1x128x16xf32, #tpu.memory_space<vmem>> -> memref<128x16xf32, #tpu.memory_space<vmem>>
      %dma_wait3A_1052 = arith.constant 0 : i32
      %dma_wait3A_1053 = tpu.memref_slice %arg6[%dma_wait3A_1046, %dma_wait3A_1052] : memref<16x128xi32, #tpu.memory_space<vmem>> -> memref<1x128xi32, #tpu.memory_space<vmem>>
      %dma_wait3A_1054 = tpu.memref_squeeze %dma_wait3A_1053 : memref<1x128xi32, #tpu.memory_space<vmem>> -> memref<128xi32, #tpu.memory_space<vmem>>
      %dma_wait3A_1055 = arith.constant 0 : i32
      %dma_wait3A_1056 = arith.constant 0 : i32
      %dma_wait3A_1057 = tpu.memref_slice %arg2[%dma_wait3A_1055, %dma_wait3A_1056] : memref<100000x16xf32, #tpu.memory_space<hbm>> -> memref<100000x16xf32, #tpu.memory_space<hbm>>
      tpu.wait_indirect_dma semaphore(%arg11 : memref<!tpu.dma_semaphore, #tpu.memory_space<semaphore_mem>>) src(%dma_wait3A_1057 : memref<100000x16xf32, #tpu.memory_space<hbm>>) dst(%dma_wait3A_1051 : memref<128x16xf32, #tpu.memory_space<vmem>>)
      %dma_wait3A_1058 = arith.constant 14 : i32
      %dma_wait3A_1059 = arith.constant 14 : i32
      %dma_wait3A_1060 = arith.constant 0 : i32
      %dma_wait3A_1061 = arith.constant 0 : i32
      %dma_wait3A_1062 = tpu.memref_slice %arg8[%dma_wait3A_1059, %dma_wait3A_1060, %dma_wait3A_1061] : memref<16x128x16xf32, #tpu.memory_space<vmem>> -> memref<1x128x16xf32, #tpu.memory_space<vmem>>
      %dma_wait3A_1063 = tpu.memref_squeeze %dma_wait3A_1062 : memref<1x128x16xf32, #tpu.memory_space<vmem>> -> memref<128x16xf32, #tpu.memory_space<vmem>>
      %dma_wait3A_1064 = arith.constant 0 : i32
      %dma_wait3A_1065 = tpu.memref_slice %arg6[%dma_wait3A_1058, %dma_wait3A_1064] : memref<16x128xi32, #tpu.memory_space<vmem>> -> memref<1x128xi32, #tpu.memory_space<vmem>>
      %dma_wait3A_1066 = tpu.memref_squeeze %dma_wait3A_1065 : memref<1x128xi32, #tpu.memory_space<vmem>> -> memref<128xi32, #tpu.memory_space<vmem>>
      %dma_wait3A_1067 = arith.constant 0 : i32
      %dma_wait3A_1068 = arith.constant 0 : i32
      %dma_wait3A_1069 = tpu.memref_slice %arg2[%dma_wait3A_1067, %dma_wait3A_1068] : memref<100000x16xf32, #tpu.memory_space<hbm>> -> memref<100000x16xf32, #tpu.memory_space<hbm>>
      tpu.wait_indirect_dma semaphore(%arg11 : memref<!tpu.dma_semaphore, #tpu.memory_space<semaphore_mem>>) src(%dma_wait3A_1069 : memref<100000x16xf32, #tpu.memory_space<hbm>>) dst(%dma_wait3A_1063 : memref<128x16xf32, #tpu.memory_space<vmem>>)
      %dma_wait3A_1070 = arith.constant 15 : i32
      %dma_wait3A_1071 = arith.constant 15 : i32
      %dma_wait3A_1072 = arith.constant 0 : i32
      %dma_wait3A_1073 = arith.constant 0 : i32
      %dma_wait3A_1074 = tpu.memref_slice %arg8[%dma_wait3A_1071, %dma_wait3A_1072, %dma_wait3A_1073] : memref<16x128x16xf32, #tpu.memory_space<vmem>> -> memref<1x128x16xf32, #tpu.memory_space<vmem>>
      %dma_wait3A_1075 = tpu.memref_squeeze %dma_wait3A_1074 : memref<1x128x16xf32, #tpu.memory_space<vmem>> -> memref<128x16xf32, #tpu.memory_space<vmem>>
      %dma_wait3A_1076 = arith.constant 0 : i32
      %dma_wait3A_1077 = tpu.memref_slice %arg6[%dma_wait3A_1070, %dma_wait3A_1076] : memref<16x128xi32, #tpu.memory_space<vmem>> -> memref<1x128xi32, #tpu.memory_space<vmem>>
      %dma_wait3A_1078 = tpu.memref_squeeze %dma_wait3A_1077 : memref<1x128xi32, #tpu.memory_space<vmem>> -> memref<128xi32, #tpu.memory_space<vmem>>
      %dma_wait3A_1079 = arith.constant 0 : i32
      %dma_wait3A_1080 = arith.constant 0 : i32
      %dma_wait3A_1081 = tpu.memref_slice %arg2[%dma_wait3A_1079, %dma_wait3A_1080] : memref<100000x16xf32, #tpu.memory_space<hbm>> -> memref<100000x16xf32, #tpu.memory_space<hbm>>
      tpu.wait_indirect_dma semaphore(%arg11 : memref<!tpu.dma_semaphore, #tpu.memory_space<semaphore_mem>>) src(%dma_wait3A_1081 : memref<100000x16xf32, #tpu.memory_space<hbm>>) dst(%dma_wait3A_1075 : memref<128x16xf32, #tpu.memory_space<vmem>>)
      %dma_start3A_1082 = arith.constant 0 : i32
      %dma_start3A_1083 = arith.constant 0 : i32
      %dma_start3A_1084 = arith.constant 0 : i32
      %dma_start3A_1085 = arith.constant 0 : i32
      %dma_start3A_1086 = tpu.memref_slice %arg8[%dma_start3A_1082, %dma_start3A_1084, %dma_start3A_1085] : memref<16x128x16xf32, #tpu.memory_space<vmem>> -> memref<1x128x16xf32, #tpu.memory_space<vmem>>
      %dma_start3A_1087 = tpu.memref_squeeze %dma_start3A_1086 : memref<1x128x16xf32, #tpu.memory_space<vmem>> -> memref<128x16xf32, #tpu.memory_space<vmem>>
      %dma_start3A_1088 = arith.constant 0 : i32
      %dma_start3A_1089 = tpu.memref_slice %arg7[%dma_start3A_1083, %dma_start3A_1088] : memref<16x128xi32, #tpu.memory_space<vmem>> -> memref<1x128xi32, #tpu.memory_space<vmem>>
      %dma_start3A_1090 = tpu.memref_squeeze %dma_start3A_1089 : memref<1x128xi32, #tpu.memory_space<vmem>> -> memref<128xi32, #tpu.memory_space<vmem>>
      %dma_start3A_1091 = arith.constant 0 : i32
      %dma_start3A_1092 = arith.constant 0 : i32
      %dma_start3A_1093 = tpu.memref_slice %arg9[%dma_start3A_1091, %dma_start3A_1092] : memref<51200x16xf32, #tpu.memory_space<vmem_shared>> -> memref<51200x16xf32, #tpu.memory_space<vmem_shared>>
      tpu.enqueue_indirect_dma source(%dma_start3A_1087 : memref<128x16xf32, #tpu.memory_space<vmem>>) target(%dma_start3A_1093 : memref<51200x16xf32, #tpu.memory_space<vmem_shared>>) offsets(%dma_start3A_1090 : memref<128xi32, #tpu.memory_space<vmem>>) semaphore(%arg12 : memref<!tpu.dma_semaphore, #tpu.memory_space<semaphore_mem>>) {add = true}
      %dma_start3A_1094 = arith.constant 1 : i32
      %dma_start3A_1095 = arith.constant 1 : i32
      %dma_start3A_1096 = arith.constant 0 : i32
      %dma_start3A_1097 = arith.constant 0 : i32
      %dma_start3A_1098 = tpu.memref_slice %arg8[%dma_start3A_1094, %dma_start3A_1096, %dma_start3A_1097] : memref<16x128x16xf32, #tpu.memory_space<vmem>> -> memref<1x128x16xf32, #tpu.memory_space<vmem>>
      %dma_start3A_1099 = tpu.memref_squeeze %dma_start3A_1098 : memref<1x128x16xf32, #tpu.memory_space<vmem>> -> memref<128x16xf32, #tpu.memory_space<vmem>>
      %dma_start3A_1100 = arith.constant 0 : i32
      %dma_start3A_1101 = tpu.memref_slice %arg7[%dma_start3A_1095, %dma_start3A_1100] : memref<16x128xi32, #tpu.memory_space<vmem>> -> memref<1x128xi32, #tpu.memory_space<vmem>>
      %dma_start3A_1102 = tpu.memref_squeeze %dma_start3A_1101 : memref<1x128xi32, #tpu.memory_space<vmem>> -> memref<128xi32, #tpu.memory_space<vmem>>
      %dma_start3A_1103 = arith.constant 0 : i32
      %dma_start3A_1104 = arith.constant 0 : i32
      %dma_start3A_1105 = tpu.memref_slice %arg9[%dma_start3A_1103, %dma_start3A_1104] : memref<51200x16xf32, #tpu.memory_space<vmem_shared>> -> memref<51200x16xf32, #tpu.memory_space<vmem_shared>>
      tpu.enqueue_indirect_dma source(%dma_start3A_1099 : memref<128x16xf32, #tpu.memory_space<vmem>>) target(%dma_start3A_1105 : memref<51200x16xf32, #tpu.memory_space<vmem_shared>>) offsets(%dma_start3A_1102 : memref<128xi32, #tpu.memory_space<vmem>>) semaphore(%arg12 : memref<!tpu.dma_semaphore, #tpu.memory_space<semaphore_mem>>) {add = true}
      %dma_start3A_1106 = arith.constant 2 : i32
      %dma_start3A_1107 = arith.constant 2 : i32
      %dma_start3A_1108 = arith.constant 0 : i32
      %dma_start3A_1109 = arith.constant 0 : i32
      %dma_start3A_1110 = tpu.memref_slice %arg8[%dma_start3A_1106, %dma_start3A_1108, %dma_start3A_1109] : memref<16x128x16xf32, #tpu.memory_space<vmem>> -> memref<1x128x16xf32, #tpu.memory_space<vmem>>
      %dma_start3A_1111 = tpu.memref_squeeze %dma_start3A_1110 : memref<1x128x16xf32, #tpu.memory_space<vmem>> -> memref<128x16xf32, #tpu.memory_space<vmem>>
      %dma_start3A_1112 = arith.constant 0 : i32
      %dma_start3A_1113 = tpu.memref_slice %arg7[%dma_start3A_1107, %dma_start3A_1112] : memref<16x128xi32, #tpu.memory_space<vmem>> -> memref<1x128xi32, #tpu.memory_space<vmem>>
      %dma_start3A_1114 = tpu.memref_squeeze %dma_start3A_1113 : memref<1x128xi32, #tpu.memory_space<vmem>> -> memref<128xi32, #tpu.memory_space<vmem>>
      %dma_start3A_1115 = arith.constant 0 : i32
      %dma_start3A_1116 = arith.constant 0 : i32
      %dma_start3A_1117 = tpu.memref_slice %arg9[%dma_start3A_1115, %dma_start3A_1116] : memref<51200x16xf32, #tpu.memory_space<vmem_shared>> -> memref<51200x16xf32, #tpu.memory_space<vmem_shared>>
      tpu.enqueue_indirect_dma source(%dma_start3A_1111 : memref<128x16xf32, #tpu.memory_space<vmem>>) target(%dma_start3A_1117 : memref<51200x16xf32, #tpu.memory_space<vmem_shared>>) offsets(%dma_start3A_1114 : memref<128xi32, #tpu.memory_space<vmem>>) semaphore(%arg12 : memref<!tpu.dma_semaphore, #tpu.memory_space<semaphore_mem>>) {add = true}
      %dma_start3A_1118 = arith.constant 3 : i32
      %dma_start3A_1119 = arith.constant 3 : i32
      %dma_start3A_1120 = arith.constant 0 : i32
      %dma_start3A_1121 = arith.constant 0 : i32
      %dma_start3A_1122 = tpu.memref_slice %arg8[%dma_start3A_1118, %dma_start3A_1120, %dma_start3A_1121] : memref<16x128x16xf32, #tpu.memory_space<vmem>> -> memref<1x128x16xf32, #tpu.memory_space<vmem>>
      %dma_start3A_1123 = tpu.memref_squeeze %dma_start3A_1122 : memref<1x128x16xf32, #tpu.memory_space<vmem>> -> memref<128x16xf32, #tpu.memory_space<vmem>>
      %dma_start3A_1124 = arith.constant 0 : i32
      %dma_start3A_1125 = tpu.memref_slice %arg7[%dma_start3A_1119, %dma_start3A_1124] : memref<16x128xi32, #tpu.memory_space<vmem>> -> memref<1x128xi32, #tpu.memory_space<vmem>>
      %dma_start3A_1126 = tpu.memref_squeeze %dma_start3A_1125 : memref<1x128xi32, #tpu.memory_space<vmem>> -> memref<128xi32, #tpu.memory_space<vmem>>
      %dma_start3A_1127 = arith.constant 0 : i32
      %dma_start3A_1128 = arith.constant 0 : i32
      %dma_start3A_1129 = tpu.memref_slice %arg9[%dma_start3A_1127, %dma_start3A_1128] : memref<51200x16xf32, #tpu.memory_space<vmem_shared>> -> memref<51200x16xf32, #tpu.memory_space<vmem_shared>>
      tpu.enqueue_indirect_dma source(%dma_start3A_1123 : memref<128x16xf32, #tpu.memory_space<vmem>>) target(%dma_start3A_1129 : memref<51200x16xf32, #tpu.memory_space<vmem_shared>>) offsets(%dma_start3A_1126 : memref<128xi32, #tpu.memory_space<vmem>>) semaphore(%arg12 : memref<!tpu.dma_semaphore, #tpu.memory_space<semaphore_mem>>) {add = true}
      %dma_start3A_1130 = arith.constant 4 : i32
      %dma_start3A_1131 = arith.constant 4 : i32
      %dma_start3A_1132 = arith.constant 0 : i32
      %dma_start3A_1133 = arith.constant 0 : i32
      %dma_start3A_1134 = tpu.memref_slice %arg8[%dma_start3A_1130, %dma_start3A_1132, %dma_start3A_1133] : memref<16x128x16xf32, #tpu.memory_space<vmem>> -> memref<1x128x16xf32, #tpu.memory_space<vmem>>
      %dma_start3A_1135 = tpu.memref_squeeze %dma_start3A_1134 : memref<1x128x16xf32, #tpu.memory_space<vmem>> -> memref<128x16xf32, #tpu.memory_space<vmem>>
      %dma_start3A_1136 = arith.constant 0 : i32
      %dma_start3A_1137 = tpu.memref_slice %arg7[%dma_start3A_1131, %dma_start3A_1136] : memref<16x128xi32, #tpu.memory_space<vmem>> -> memref<1x128xi32, #tpu.memory_space<vmem>>
      %dma_start3A_1138 = tpu.memref_squeeze %dma_start3A_1137 : memref<1x128xi32, #tpu.memory_space<vmem>> -> memref<128xi32, #tpu.memory_space<vmem>>
      %dma_start3A_1139 = arith.constant 0 : i32
      %dma_start3A_1140 = arith.constant 0 : i32
      %dma_start3A_1141 = tpu.memref_slice %arg9[%dma_start3A_1139, %dma_start3A_1140] : memref<51200x16xf32, #tpu.memory_space<vmem_shared>> -> memref<51200x16xf32, #tpu.memory_space<vmem_shared>>
      tpu.enqueue_indirect_dma source(%dma_start3A_1135 : memref<128x16xf32, #tpu.memory_space<vmem>>) target(%dma_start3A_1141 : memref<51200x16xf32, #tpu.memory_space<vmem_shared>>) offsets(%dma_start3A_1138 : memref<128xi32, #tpu.memory_space<vmem>>) semaphore(%arg12 : memref<!tpu.dma_semaphore, #tpu.memory_space<semaphore_mem>>) {add = true}
      %dma_start3A_1142 = arith.constant 5 : i32
      %dma_start3A_1143 = arith.constant 5 : i32
      %dma_start3A_1144 = arith.constant 0 : i32
      %dma_start3A_1145 = arith.constant 0 : i32
      %dma_start3A_1146 = tpu.memref_slice %arg8[%dma_start3A_1142, %dma_start3A_1144, %dma_start3A_1145] : memref<16x128x16xf32, #tpu.memory_space<vmem>> -> memref<1x128x16xf32, #tpu.memory_space<vmem>>
      %dma_start3A_1147 = tpu.memref_squeeze %dma_start3A_1146 : memref<1x128x16xf32, #tpu.memory_space<vmem>> -> memref<128x16xf32, #tpu.memory_space<vmem>>
      %dma_start3A_1148 = arith.constant 0 : i32
      %dma_start3A_1149 = tpu.memref_slice %arg7[%dma_start3A_1143, %dma_start3A_1148] : memref<16x128xi32, #tpu.memory_space<vmem>> -> memref<1x128xi32, #tpu.memory_space<vmem>>
      %dma_start3A_1150 = tpu.memref_squeeze %dma_start3A_1149 : memref<1x128xi32, #tpu.memory_space<vmem>> -> memref<128xi32, #tpu.memory_space<vmem>>
      %dma_start3A_1151 = arith.constant 0 : i32
      %dma_start3A_1152 = arith.constant 0 : i32
      %dma_start3A_1153 = tpu.memref_slice %arg9[%dma_start3A_1151, %dma_start3A_1152] : memref<51200x16xf32, #tpu.memory_space<vmem_shared>> -> memref<51200x16xf32, #tpu.memory_space<vmem_shared>>
      tpu.enqueue_indirect_dma source(%dma_start3A_1147 : memref<128x16xf32, #tpu.memory_space<vmem>>) target(%dma_start3A_1153 : memref<51200x16xf32, #tpu.memory_space<vmem_shared>>) offsets(%dma_start3A_1150 : memref<128xi32, #tpu.memory_space<vmem>>) semaphore(%arg12 : memref<!tpu.dma_semaphore, #tpu.memory_space<semaphore_mem>>) {add = true}
      %dma_start3A_1154 = arith.constant 6 : i32
      %dma_start3A_1155 = arith.constant 6 : i32
      %dma_start3A_1156 = arith.constant 0 : i32
      %dma_start3A_1157 = arith.constant 0 : i32
      %dma_start3A_1158 = tpu.memref_slice %arg8[%dma_start3A_1154, %dma_start3A_1156, %dma_start3A_1157] : memref<16x128x16xf32, #tpu.memory_space<vmem>> -> memref<1x128x16xf32, #tpu.memory_space<vmem>>
      %dma_start3A_1159 = tpu.memref_squeeze %dma_start3A_1158 : memref<1x128x16xf32, #tpu.memory_space<vmem>> -> memref<128x16xf32, #tpu.memory_space<vmem>>
      %dma_start3A_1160 = arith.constant 0 : i32
      %dma_start3A_1161 = tpu.memref_slice %arg7[%dma_start3A_1155, %dma_start3A_1160] : memref<16x128xi32, #tpu.memory_space<vmem>> -> memref<1x128xi32, #tpu.memory_space<vmem>>
      %dma_start3A_1162 = tpu.memref_squeeze %dma_start3A_1161 : memref<1x128xi32, #tpu.memory_space<vmem>> -> memref<128xi32, #tpu.memory_space<vmem>>
      %dma_start3A_1163 = arith.constant 0 : i32
      %dma_start3A_1164 = arith.constant 0 : i32
      %dma_start3A_1165 = tpu.memref_slice %arg9[%dma_start3A_1163, %dma_start3A_1164] : memref<51200x16xf32, #tpu.memory_space<vmem_shared>> -> memref<51200x16xf32, #tpu.memory_space<vmem_shared>>
      tpu.enqueue_indirect_dma source(%dma_start3A_1159 : memref<128x16xf32, #tpu.memory_space<vmem>>) target(%dma_start3A_1165 : memref<51200x16xf32, #tpu.memory_space<vmem_shared>>) offsets(%dma_start3A_1162 : memref<128xi32, #tpu.memory_space<vmem>>) semaphore(%arg12 : memref<!tpu.dma_semaphore, #tpu.memory_space<semaphore_mem>>) {add = true}
      %dma_start3A_1166 = arith.constant 7 : i32
      %dma_start3A_1167 = arith.constant 7 : i32
      %dma_start3A_1168 = arith.constant 0 : i32
      %dma_start3A_1169 = arith.constant 0 : i32
      %dma_start3A_1170 = tpu.memref_slice %arg8[%dma_start3A_1166, %dma_start3A_1168, %dma_start3A_1169] : memref<16x128x16xf32, #tpu.memory_space<vmem>> -> memref<1x128x16xf32, #tpu.memory_space<vmem>>
      %dma_start3A_1171 = tpu.memref_squeeze %dma_start3A_1170 : memref<1x128x16xf32, #tpu.memory_space<vmem>> -> memref<128x16xf32, #tpu.memory_space<vmem>>
      %dma_start3A_1172 = arith.constant 0 : i32
      %dma_start3A_1173 = tpu.memref_slice %arg7[%dma_start3A_1167, %dma_start3A_1172] : memref<16x128xi32, #tpu.memory_space<vmem>> -> memref<1x128xi32, #tpu.memory_space<vmem>>
      %dma_start3A_1174 = tpu.memref_squeeze %dma_start3A_1173 : memref<1x128xi32, #tpu.memory_space<vmem>> -> memref<128xi32, #tpu.memory_space<vmem>>
      %dma_start3A_1175 = arith.constant 0 : i32
      %dma_start3A_1176 = arith.constant 0 : i32
      %dma_start3A_1177 = tpu.memref_slice %arg9[%dma_start3A_1175, %dma_start3A_1176] : memref<51200x16xf32, #tpu.memory_space<vmem_shared>> -> memref<51200x16xf32, #tpu.memory_space<vmem_shared>>
      tpu.enqueue_indirect_dma source(%dma_start3A_1171 : memref<128x16xf32, #tpu.memory_space<vmem>>) target(%dma_start3A_1177 : memref<51200x16xf32, #tpu.memory_space<vmem_shared>>) offsets(%dma_start3A_1174 : memref<128xi32, #tpu.memory_space<vmem>>) semaphore(%arg12 : memref<!tpu.dma_semaphore, #tpu.memory_space<semaphore_mem>>) {add = true}
      %dma_start3A_1178 = arith.constant 8 : i32
      %dma_start3A_1179 = arith.constant 8 : i32
      %dma_start3A_1180 = arith.constant 0 : i32
      %dma_start3A_1181 = arith.constant 0 : i32
      %dma_start3A_1182 = tpu.memref_slice %arg8[%dma_start3A_1178, %dma_start3A_1180, %dma_start3A_1181] : memref<16x128x16xf32, #tpu.memory_space<vmem>> -> memref<1x128x16xf32, #tpu.memory_space<vmem>>
      %dma_start3A_1183 = tpu.memref_squeeze %dma_start3A_1182 : memref<1x128x16xf32, #tpu.memory_space<vmem>> -> memref<128x16xf32, #tpu.memory_space<vmem>>
      %dma_start3A_1184 = arith.constant 0 : i32
      %dma_start3A_1185 = tpu.memref_slice %arg7[%dma_start3A_1179, %dma_start3A_1184] : memref<16x128xi32, #tpu.memory_space<vmem>> -> memref<1x128xi32, #tpu.memory_space<vmem>>
      %dma_start3A_1186 = tpu.memref_squeeze %dma_start3A_1185 : memref<1x128xi32, #tpu.memory_space<vmem>> -> memref<128xi32, #tpu.memory_space<vmem>>
      %dma_start3A_1187 = arith.constant 0 : i32
      %dma_start3A_1188 = arith.constant 0 : i32
      %dma_start3A_1189 = tpu.memref_slice %arg9[%dma_start3A_1187, %dma_start3A_1188] : memref<51200x16xf32, #tpu.memory_space<vmem_shared>> -> memref<51200x16xf32, #tpu.memory_space<vmem_shared>>
      tpu.enqueue_indirect_dma source(%dma_start3A_1183 : memref<128x16xf32, #tpu.memory_space<vmem>>) target(%dma_start3A_1189 : memref<51200x16xf32, #tpu.memory_space<vmem_shared>>) offsets(%dma_start3A_1186 : memref<128xi32, #tpu.memory_space<vmem>>) semaphore(%arg12 : memref<!tpu.dma_semaphore, #tpu.memory_space<semaphore_mem>>) {add = true}
      %dma_start3A_1190 = arith.constant 9 : i32
      %dma_start3A_1191 = arith.constant 9 : i32
      %dma_start3A_1192 = arith.constant 0 : i32
      %dma_start3A_1193 = arith.constant 0 : i32
      %dma_start3A_1194 = tpu.memref_slice %arg8[%dma_start3A_1190, %dma_start3A_1192, %dma_start3A_1193] : memref<16x128x16xf32, #tpu.memory_space<vmem>> -> memref<1x128x16xf32, #tpu.memory_space<vmem>>
      %dma_start3A_1195 = tpu.memref_squeeze %dma_start3A_1194 : memref<1x128x16xf32, #tpu.memory_space<vmem>> -> memref<128x16xf32, #tpu.memory_space<vmem>>
      %dma_start3A_1196 = arith.constant 0 : i32
      %dma_start3A_1197 = tpu.memref_slice %arg7[%dma_start3A_1191, %dma_start3A_1196] : memref<16x128xi32, #tpu.memory_space<vmem>> -> memref<1x128xi32, #tpu.memory_space<vmem>>
      %dma_start3A_1198 = tpu.memref_squeeze %dma_start3A_1197 : memref<1x128xi32, #tpu.memory_space<vmem>> -> memref<128xi32, #tpu.memory_space<vmem>>
      %dma_start3A_1199 = arith.constant 0 : i32
      %dma_start3A_1200 = arith.constant 0 : i32
      %dma_start3A_1201 = tpu.memref_slice %arg9[%dma_start3A_1199, %dma_start3A_1200] : memref<51200x16xf32, #tpu.memory_space<vmem_shared>> -> memref<51200x16xf32, #tpu.memory_space<vmem_shared>>
      tpu.enqueue_indirect_dma source(%dma_start3A_1195 : memref<128x16xf32, #tpu.memory_space<vmem>>) target(%dma_start3A_1201 : memref<51200x16xf32, #tpu.memory_space<vmem_shared>>) offsets(%dma_start3A_1198 : memref<128xi32, #tpu.memory_space<vmem>>) semaphore(%arg12 : memref<!tpu.dma_semaphore, #tpu.memory_space<semaphore_mem>>) {add = true}
      %dma_start3A_1202 = arith.constant 10 : i32
      %dma_start3A_1203 = arith.constant 10 : i32
      %dma_start3A_1204 = arith.constant 0 : i32
      %dma_start3A_1205 = arith.constant 0 : i32
      %dma_start3A_1206 = tpu.memref_slice %arg8[%dma_start3A_1202, %dma_start3A_1204, %dma_start3A_1205] : memref<16x128x16xf32, #tpu.memory_space<vmem>> -> memref<1x128x16xf32, #tpu.memory_space<vmem>>
      %dma_start3A_1207 = tpu.memref_squeeze %dma_start3A_1206 : memref<1x128x16xf32, #tpu.memory_space<vmem>> -> memref<128x16xf32, #tpu.memory_space<vmem>>
      %dma_start3A_1208 = arith.constant 0 : i32
      %dma_start3A_1209 = tpu.memref_slice %arg7[%dma_start3A_1203, %dma_start3A_1208] : memref<16x128xi32, #tpu.memory_space<vmem>> -> memref<1x128xi32, #tpu.memory_space<vmem>>
      %dma_start3A_1210 = tpu.memref_squeeze %dma_start3A_1209 : memref<1x128xi32, #tpu.memory_space<vmem>> -> memref<128xi32, #tpu.memory_space<vmem>>
      %dma_start3A_1211 = arith.constant 0 : i32
      %dma_start3A_1212 = arith.constant 0 : i32
      %dma_start3A_1213 = tpu.memref_slice %arg9[%dma_start3A_1211, %dma_start3A_1212] : memref<51200x16xf32, #tpu.memory_space<vmem_shared>> -> memref<51200x16xf32, #tpu.memory_space<vmem_shared>>
      tpu.enqueue_indirect_dma source(%dma_start3A_1207 : memref<128x16xf32, #tpu.memory_space<vmem>>) target(%dma_start3A_1213 : memref<51200x16xf32, #tpu.memory_space<vmem_shared>>) offsets(%dma_start3A_1210 : memref<128xi32, #tpu.memory_space<vmem>>) semaphore(%arg12 : memref<!tpu.dma_semaphore, #tpu.memory_space<semaphore_mem>>) {add = true}
      %dma_start3A_1214 = arith.constant 11 : i32
      %dma_start3A_1215 = arith.constant 11 : i32
      %dma_start3A_1216 = arith.constant 0 : i32
      %dma_start3A_1217 = arith.constant 0 : i32
      %dma_start3A_1218 = tpu.memref_slice %arg8[%dma_start3A_1214, %dma_start3A_1216, %dma_start3A_1217] : memref<16x128x16xf32, #tpu.memory_space<vmem>> -> memref<1x128x16xf32, #tpu.memory_space<vmem>>
      %dma_start3A_1219 = tpu.memref_squeeze %dma_start3A_1218 : memref<1x128x16xf32, #tpu.memory_space<vmem>> -> memref<128x16xf32, #tpu.memory_space<vmem>>
      %dma_start3A_1220 = arith.constant 0 : i32
      %dma_start3A_1221 = tpu.memref_slice %arg7[%dma_start3A_1215, %dma_start3A_1220] : memref<16x128xi32, #tpu.memory_space<vmem>> -> memref<1x128xi32, #tpu.memory_space<vmem>>
      %dma_start3A_1222 = tpu.memref_squeeze %dma_start3A_1221 : memref<1x128xi32, #tpu.memory_space<vmem>> -> memref<128xi32, #tpu.memory_space<vmem>>
      %dma_start3A_1223 = arith.constant 0 : i32
      %dma_start3A_1224 = arith.constant 0 : i32
      %dma_start3A_1225 = tpu.memref_slice %arg9[%dma_start3A_1223, %dma_start3A_1224] : memref<51200x16xf32, #tpu.memory_space<vmem_shared>> -> memref<51200x16xf32, #tpu.memory_space<vmem_shared>>
      tpu.enqueue_indirect_dma source(%dma_start3A_1219 : memref<128x16xf32, #tpu.memory_space<vmem>>) target(%dma_start3A_1225 : memref<51200x16xf32, #tpu.memory_space<vmem_shared>>) offsets(%dma_start3A_1222 : memref<128xi32, #tpu.memory_space<vmem>>) semaphore(%arg12 : memref<!tpu.dma_semaphore, #tpu.memory_space<semaphore_mem>>) {add = true}
      %dma_start3A_1226 = arith.constant 12 : i32
      %dma_start3A_1227 = arith.constant 12 : i32
      %dma_start3A_1228 = arith.constant 0 : i32
      %dma_start3A_1229 = arith.constant 0 : i32
      %dma_start3A_1230 = tpu.memref_slice %arg8[%dma_start3A_1226, %dma_start3A_1228, %dma_start3A_1229] : memref<16x128x16xf32, #tpu.memory_space<vmem>> -> memref<1x128x16xf32, #tpu.memory_space<vmem>>
      %dma_start3A_1231 = tpu.memref_squeeze %dma_start3A_1230 : memref<1x128x16xf32, #tpu.memory_space<vmem>> -> memref<128x16xf32, #tpu.memory_space<vmem>>
      %dma_start3A_1232 = arith.constant 0 : i32
      %dma_start3A_1233 = tpu.memref_slice %arg7[%dma_start3A_1227, %dma_start3A_1232] : memref<16x128xi32, #tpu.memory_space<vmem>> -> memref<1x128xi32, #tpu.memory_space<vmem>>
      %dma_start3A_1234 = tpu.memref_squeeze %dma_start3A_1233 : memref<1x128xi32, #tpu.memory_space<vmem>> -> memref<128xi32, #tpu.memory_space<vmem>>
      %dma_start3A_1235 = arith.constant 0 : i32
      %dma_start3A_1236 = arith.constant 0 : i32
      %dma_start3A_1237 = tpu.memref_slice %arg9[%dma_start3A_1235, %dma_start3A_1236] : memref<51200x16xf32, #tpu.memory_space<vmem_shared>> -> memref<51200x16xf32, #tpu.memory_space<vmem_shared>>
      tpu.enqueue_indirect_dma source(%dma_start3A_1231 : memref<128x16xf32, #tpu.memory_space<vmem>>) target(%dma_start3A_1237 : memref<51200x16xf32, #tpu.memory_space<vmem_shared>>) offsets(%dma_start3A_1234 : memref<128xi32, #tpu.memory_space<vmem>>) semaphore(%arg12 : memref<!tpu.dma_semaphore, #tpu.memory_space<semaphore_mem>>) {add = true}
      %dma_start3A_1238 = arith.constant 13 : i32
      %dma_start3A_1239 = arith.constant 13 : i32
      %dma_start3A_1240 = arith.constant 0 : i32
      %dma_start3A_1241 = arith.constant 0 : i32
      %dma_start3A_1242 = tpu.memref_slice %arg8[%dma_start3A_1238, %dma_start3A_1240, %dma_start3A_1241] : memref<16x128x16xf32, #tpu.memory_space<vmem>> -> memref<1x128x16xf32, #tpu.memory_space<vmem>>
      %dma_start3A_1243 = tpu.memref_squeeze %dma_start3A_1242 : memref<1x128x16xf32, #tpu.memory_space<vmem>> -> memref<128x16xf32, #tpu.memory_space<vmem>>
      %dma_start3A_1244 = arith.constant 0 : i32
      %dma_start3A_1245 = tpu.memref_slice %arg7[%dma_start3A_1239, %dma_start3A_1244] : memref<16x128xi32, #tpu.memory_space<vmem>> -> memref<1x128xi32, #tpu.memory_space<vmem>>
      %dma_start3A_1246 = tpu.memref_squeeze %dma_start3A_1245 : memref<1x128xi32, #tpu.memory_space<vmem>> -> memref<128xi32, #tpu.memory_space<vmem>>
      %dma_start3A_1247 = arith.constant 0 : i32
      %dma_start3A_1248 = arith.constant 0 : i32
      %dma_start3A_1249 = tpu.memref_slice %arg9[%dma_start3A_1247, %dma_start3A_1248] : memref<51200x16xf32, #tpu.memory_space<vmem_shared>> -> memref<51200x16xf32, #tpu.memory_space<vmem_shared>>
      tpu.enqueue_indirect_dma source(%dma_start3A_1243 : memref<128x16xf32, #tpu.memory_space<vmem>>) target(%dma_start3A_1249 : memref<51200x16xf32, #tpu.memory_space<vmem_shared>>) offsets(%dma_start3A_1246 : memref<128xi32, #tpu.memory_space<vmem>>) semaphore(%arg12 : memref<!tpu.dma_semaphore, #tpu.memory_space<semaphore_mem>>) {add = true}
      %dma_start3A_1250 = arith.constant 14 : i32
      %dma_start3A_1251 = arith.constant 14 : i32
      %dma_start3A_1252 = arith.constant 0 : i32
      %dma_start3A_1253 = arith.constant 0 : i32
      %dma_start3A_1254 = tpu.memref_slice %arg8[%dma_start3A_1250, %dma_start3A_1252, %dma_start3A_1253] : memref<16x128x16xf32, #tpu.memory_space<vmem>> -> memref<1x128x16xf32, #tpu.memory_space<vmem>>
      %dma_start3A_1255 = tpu.memref_squeeze %dma_start3A_1254 : memref<1x128x16xf32, #tpu.memory_space<vmem>> -> memref<128x16xf32, #tpu.memory_space<vmem>>
      %dma_start3A_1256 = arith.constant 0 : i32
      %dma_start3A_1257 = tpu.memref_slice %arg7[%dma_start3A_1251, %dma_start3A_1256] : memref<16x128xi32, #tpu.memory_space<vmem>> -> memref<1x128xi32, #tpu.memory_space<vmem>>
      %dma_start3A_1258 = tpu.memref_squeeze %dma_start3A_1257 : memref<1x128xi32, #tpu.memory_space<vmem>> -> memref<128xi32, #tpu.memory_space<vmem>>
      %dma_start3A_1259 = arith.constant 0 : i32
      %dma_start3A_1260 = arith.constant 0 : i32
      %dma_start3A_1261 = tpu.memref_slice %arg9[%dma_start3A_1259, %dma_start3A_1260] : memref<51200x16xf32, #tpu.memory_space<vmem_shared>> -> memref<51200x16xf32, #tpu.memory_space<vmem_shared>>
      tpu.enqueue_indirect_dma source(%dma_start3A_1255 : memref<128x16xf32, #tpu.memory_space<vmem>>) target(%dma_start3A_1261 : memref<51200x16xf32, #tpu.memory_space<vmem_shared>>) offsets(%dma_start3A_1258 : memref<128xi32, #tpu.memory_space<vmem>>) semaphore(%arg12 : memref<!tpu.dma_semaphore, #tpu.memory_space<semaphore_mem>>) {add = true}
      %dma_start3A_1262 = arith.constant 15 : i32
      %dma_start3A_1263 = arith.constant 15 : i32
      %dma_start3A_1264 = arith.constant 0 : i32
      %dma_start3A_1265 = arith.constant 0 : i32
      %dma_start3A_1266 = tpu.memref_slice %arg8[%dma_start3A_1262, %dma_start3A_1264, %dma_start3A_1265] : memref<16x128x16xf32, #tpu.memory_space<vmem>> -> memref<1x128x16xf32, #tpu.memory_space<vmem>>
      %dma_start3A_1267 = tpu.memref_squeeze %dma_start3A_1266 : memref<1x128x16xf32, #tpu.memory_space<vmem>> -> memref<128x16xf32, #tpu.memory_space<vmem>>
      %dma_start3A_1268 = arith.constant 0 : i32
      %dma_start3A_1269 = tpu.memref_slice %arg7[%dma_start3A_1263, %dma_start3A_1268] : memref<16x128xi32, #tpu.memory_space<vmem>> -> memref<1x128xi32, #tpu.memory_space<vmem>>
      %dma_start3A_1270 = tpu.memref_squeeze %dma_start3A_1269 : memref<1x128xi32, #tpu.memory_space<vmem>> -> memref<128xi32, #tpu.memory_space<vmem>>
      %dma_start3A_1271 = arith.constant 0 : i32
      %dma_start3A_1272 = arith.constant 0 : i32
      %dma_start3A_1273 = tpu.memref_slice %arg9[%dma_start3A_1271, %dma_start3A_1272] : memref<51200x16xf32, #tpu.memory_space<vmem_shared>> -> memref<51200x16xf32, #tpu.memory_space<vmem_shared>>
      tpu.enqueue_indirect_dma source(%dma_start3A_1267 : memref<128x16xf32, #tpu.memory_space<vmem>>) target(%dma_start3A_1273 : memref<51200x16xf32, #tpu.memory_space<vmem_shared>>) offsets(%dma_start3A_1270 : memref<128xi32, #tpu.memory_space<vmem>>) semaphore(%arg12 : memref<!tpu.dma_semaphore, #tpu.memory_space<semaphore_mem>>) {add = true}
      %dma_wait3A_1274 = arith.constant 0 : i32
      %dma_wait3A_1275 = arith.constant 0 : i32
      %dma_wait3A_1276 = arith.constant 0 : i32
      %dma_wait3A_1277 = arith.constant 0 : i32
      %dma_wait3A_1278 = tpu.memref_slice %arg8[%dma_wait3A_1274, %dma_wait3A_1276, %dma_wait3A_1277] : memref<16x128x16xf32, #tpu.memory_space<vmem>> -> memref<1x128x16xf32, #tpu.memory_space<vmem>>
      %dma_wait3A_1279 = tpu.memref_squeeze %dma_wait3A_1278 : memref<1x128x16xf32, #tpu.memory_space<vmem>> -> memref<128x16xf32, #tpu.memory_space<vmem>>
      %dma_wait3A_1280 = arith.constant 0 : i32
      %dma_wait3A_1281 = tpu.memref_slice %arg7[%dma_wait3A_1275, %dma_wait3A_1280] : memref<16x128xi32, #tpu.memory_space<vmem>> -> memref<1x128xi32, #tpu.memory_space<vmem>>
      %dma_wait3A_1282 = tpu.memref_squeeze %dma_wait3A_1281 : memref<1x128xi32, #tpu.memory_space<vmem>> -> memref<128xi32, #tpu.memory_space<vmem>>
      %dma_wait3A_1283 = arith.constant 0 : i32
      %dma_wait3A_1284 = arith.constant 0 : i32
      %dma_wait3A_1285 = tpu.memref_slice %arg9[%dma_wait3A_1283, %dma_wait3A_1284] : memref<51200x16xf32, #tpu.memory_space<vmem_shared>> -> memref<51200x16xf32, #tpu.memory_space<vmem_shared>>
      tpu.wait_indirect_dma semaphore(%arg12 : memref<!tpu.dma_semaphore, #tpu.memory_space<semaphore_mem>>) src(%dma_wait3A_1279 : memref<128x16xf32, #tpu.memory_space<vmem>>) dst(%dma_wait3A_1285 : memref<51200x16xf32, #tpu.memory_space<vmem_shared>>)
      %dma_wait3A_1286 = arith.constant 1 : i32
      %dma_wait3A_1287 = arith.constant 1 : i32
      %dma_wait3A_1288 = arith.constant 0 : i32
      %dma_wait3A_1289 = arith.constant 0 : i32
      %dma_wait3A_1290 = tpu.memref_slice %arg8[%dma_wait3A_1286, %dma_wait3A_1288, %dma_wait3A_1289] : memref<16x128x16xf32, #tpu.memory_space<vmem>> -> memref<1x128x16xf32, #tpu.memory_space<vmem>>
      %dma_wait3A_1291 = tpu.memref_squeeze %dma_wait3A_1290 : memref<1x128x16xf32, #tpu.memory_space<vmem>> -> memref<128x16xf32, #tpu.memory_space<vmem>>
      %dma_wait3A_1292 = arith.constant 0 : i32
      %dma_wait3A_1293 = tpu.memref_slice %arg7[%dma_wait3A_1287, %dma_wait3A_1292] : memref<16x128xi32, #tpu.memory_space<vmem>> -> memref<1x128xi32, #tpu.memory_space<vmem>>
      %dma_wait3A_1294 = tpu.memref_squeeze %dma_wait3A_1293 : memref<1x128xi32, #tpu.memory_space<vmem>> -> memref<128xi32, #tpu.memory_space<vmem>>
      %dma_wait3A_1295 = arith.constant 0 : i32
      %dma_wait3A_1296 = arith.constant 0 : i32
      %dma_wait3A_1297 = tpu.memref_slice %arg9[%dma_wait3A_1295, %dma_wait3A_1296] : memref<51200x16xf32, #tpu.memory_space<vmem_shared>> -> memref<51200x16xf32, #tpu.memory_space<vmem_shared>>
      tpu.wait_indirect_dma semaphore(%arg12 : memref<!tpu.dma_semaphore, #tpu.memory_space<semaphore_mem>>) src(%dma_wait3A_1291 : memref<128x16xf32, #tpu.memory_space<vmem>>) dst(%dma_wait3A_1297 : memref<51200x16xf32, #tpu.memory_space<vmem_shared>>)
      %dma_wait3A_1298 = arith.constant 2 : i32
      %dma_wait3A_1299 = arith.constant 2 : i32
      %dma_wait3A_1300 = arith.constant 0 : i32
      %dma_wait3A_1301 = arith.constant 0 : i32
      %dma_wait3A_1302 = tpu.memref_slice %arg8[%dma_wait3A_1298, %dma_wait3A_1300, %dma_wait3A_1301] : memref<16x128x16xf32, #tpu.memory_space<vmem>> -> memref<1x128x16xf32, #tpu.memory_space<vmem>>
      %dma_wait3A_1303 = tpu.memref_squeeze %dma_wait3A_1302 : memref<1x128x16xf32, #tpu.memory_space<vmem>> -> memref<128x16xf32, #tpu.memory_space<vmem>>
      %dma_wait3A_1304 = arith.constant 0 : i32
      %dma_wait3A_1305 = tpu.memref_slice %arg7[%dma_wait3A_1299, %dma_wait3A_1304] : memref<16x128xi32, #tpu.memory_space<vmem>> -> memref<1x128xi32, #tpu.memory_space<vmem>>
      %dma_wait3A_1306 = tpu.memref_squeeze %dma_wait3A_1305 : memref<1x128xi32, #tpu.memory_space<vmem>> -> memref<128xi32, #tpu.memory_space<vmem>>
      %dma_wait3A_1307 = arith.constant 0 : i32
      %dma_wait3A_1308 = arith.constant 0 : i32
      %dma_wait3A_1309 = tpu.memref_slice %arg9[%dma_wait3A_1307, %dma_wait3A_1308] : memref<51200x16xf32, #tpu.memory_space<vmem_shared>> -> memref<51200x16xf32, #tpu.memory_space<vmem_shared>>
      tpu.wait_indirect_dma semaphore(%arg12 : memref<!tpu.dma_semaphore, #tpu.memory_space<semaphore_mem>>) src(%dma_wait3A_1303 : memref<128x16xf32, #tpu.memory_space<vmem>>) dst(%dma_wait3A_1309 : memref<51200x16xf32, #tpu.memory_space<vmem_shared>>)
      %dma_wait3A_1310 = arith.constant 3 : i32
      %dma_wait3A_1311 = arith.constant 3 : i32
      %dma_wait3A_1312 = arith.constant 0 : i32
      %dma_wait3A_1313 = arith.constant 0 : i32
      %dma_wait3A_1314 = tpu.memref_slice %arg8[%dma_wait3A_1310, %dma_wait3A_1312, %dma_wait3A_1313] : memref<16x128x16xf32, #tpu.memory_space<vmem>> -> memref<1x128x16xf32, #tpu.memory_space<vmem>>
      %dma_wait3A_1315 = tpu.memref_squeeze %dma_wait3A_1314 : memref<1x128x16xf32, #tpu.memory_space<vmem>> -> memref<128x16xf32, #tpu.memory_space<vmem>>
      %dma_wait3A_1316 = arith.constant 0 : i32
      %dma_wait3A_1317 = tpu.memref_slice %arg7[%dma_wait3A_1311, %dma_wait3A_1316] : memref<16x128xi32, #tpu.memory_space<vmem>> -> memref<1x128xi32, #tpu.memory_space<vmem>>
      %dma_wait3A_1318 = tpu.memref_squeeze %dma_wait3A_1317 : memref<1x128xi32, #tpu.memory_space<vmem>> -> memref<128xi32, #tpu.memory_space<vmem>>
      %dma_wait3A_1319 = arith.constant 0 : i32
      %dma_wait3A_1320 = arith.constant 0 : i32
      %dma_wait3A_1321 = tpu.memref_slice %arg9[%dma_wait3A_1319, %dma_wait3A_1320] : memref<51200x16xf32, #tpu.memory_space<vmem_shared>> -> memref<51200x16xf32, #tpu.memory_space<vmem_shared>>
      tpu.wait_indirect_dma semaphore(%arg12 : memref<!tpu.dma_semaphore, #tpu.memory_space<semaphore_mem>>) src(%dma_wait3A_1315 : memref<128x16xf32, #tpu.memory_space<vmem>>) dst(%dma_wait3A_1321 : memref<51200x16xf32, #tpu.memory_space<vmem_shared>>)
      %dma_wait3A_1322 = arith.constant 4 : i32
      %dma_wait3A_1323 = arith.constant 4 : i32
      %dma_wait3A_1324 = arith.constant 0 : i32
      %dma_wait3A_1325 = arith.constant 0 : i32
      %dma_wait3A_1326 = tpu.memref_slice %arg8[%dma_wait3A_1322, %dma_wait3A_1324, %dma_wait3A_1325] : memref<16x128x16xf32, #tpu.memory_space<vmem>> -> memref<1x128x16xf32, #tpu.memory_space<vmem>>
      %dma_wait3A_1327 = tpu.memref_squeeze %dma_wait3A_1326 : memref<1x128x16xf32, #tpu.memory_space<vmem>> -> memref<128x16xf32, #tpu.memory_space<vmem>>
      %dma_wait3A_1328 = arith.constant 0 : i32
      %dma_wait3A_1329 = tpu.memref_slice %arg7[%dma_wait3A_1323, %dma_wait3A_1328] : memref<16x128xi32, #tpu.memory_space<vmem>> -> memref<1x128xi32, #tpu.memory_space<vmem>>
      %dma_wait3A_1330 = tpu.memref_squeeze %dma_wait3A_1329 : memref<1x128xi32, #tpu.memory_space<vmem>> -> memref<128xi32, #tpu.memory_space<vmem>>
      %dma_wait3A_1331 = arith.constant 0 : i32
      %dma_wait3A_1332 = arith.constant 0 : i32
      %dma_wait3A_1333 = tpu.memref_slice %arg9[%dma_wait3A_1331, %dma_wait3A_1332] : memref<51200x16xf32, #tpu.memory_space<vmem_shared>> -> memref<51200x16xf32, #tpu.memory_space<vmem_shared>>
      tpu.wait_indirect_dma semaphore(%arg12 : memref<!tpu.dma_semaphore, #tpu.memory_space<semaphore_mem>>) src(%dma_wait3A_1327 : memref<128x16xf32, #tpu.memory_space<vmem>>) dst(%dma_wait3A_1333 : memref<51200x16xf32, #tpu.memory_space<vmem_shared>>)
      %dma_wait3A_1334 = arith.constant 5 : i32
      %dma_wait3A_1335 = arith.constant 5 : i32
      %dma_wait3A_1336 = arith.constant 0 : i32
      %dma_wait3A_1337 = arith.constant 0 : i32
      %dma_wait3A_1338 = tpu.memref_slice %arg8[%dma_wait3A_1334, %dma_wait3A_1336, %dma_wait3A_1337] : memref<16x128x16xf32, #tpu.memory_space<vmem>> -> memref<1x128x16xf32, #tpu.memory_space<vmem>>
      %dma_wait3A_1339 = tpu.memref_squeeze %dma_wait3A_1338 : memref<1x128x16xf32, #tpu.memory_space<vmem>> -> memref<128x16xf32, #tpu.memory_space<vmem>>
      %dma_wait3A_1340 = arith.constant 0 : i32
      %dma_wait3A_1341 = tpu.memref_slice %arg7[%dma_wait3A_1335, %dma_wait3A_1340] : memref<16x128xi32, #tpu.memory_space<vmem>> -> memref<1x128xi32, #tpu.memory_space<vmem>>
      %dma_wait3A_1342 = tpu.memref_squeeze %dma_wait3A_1341 : memref<1x128xi32, #tpu.memory_space<vmem>> -> memref<128xi32, #tpu.memory_space<vmem>>
      %dma_wait3A_1343 = arith.constant 0 : i32
      %dma_wait3A_1344 = arith.constant 0 : i32
      %dma_wait3A_1345 = tpu.memref_slice %arg9[%dma_wait3A_1343, %dma_wait3A_1344] : memref<51200x16xf32, #tpu.memory_space<vmem_shared>> -> memref<51200x16xf32, #tpu.memory_space<vmem_shared>>
      tpu.wait_indirect_dma semaphore(%arg12 : memref<!tpu.dma_semaphore, #tpu.memory_space<semaphore_mem>>) src(%dma_wait3A_1339 : memref<128x16xf32, #tpu.memory_space<vmem>>) dst(%dma_wait3A_1345 : memref<51200x16xf32, #tpu.memory_space<vmem_shared>>)
      %dma_wait3A_1346 = arith.constant 6 : i32
      %dma_wait3A_1347 = arith.constant 6 : i32
      %dma_wait3A_1348 = arith.constant 0 : i32
      %dma_wait3A_1349 = arith.constant 0 : i32
      %dma_wait3A_1350 = tpu.memref_slice %arg8[%dma_wait3A_1346, %dma_wait3A_1348, %dma_wait3A_1349] : memref<16x128x16xf32, #tpu.memory_space<vmem>> -> memref<1x128x16xf32, #tpu.memory_space<vmem>>
      %dma_wait3A_1351 = tpu.memref_squeeze %dma_wait3A_1350 : memref<1x128x16xf32, #tpu.memory_space<vmem>> -> memref<128x16xf32, #tpu.memory_space<vmem>>
      %dma_wait3A_1352 = arith.constant 0 : i32
      %dma_wait3A_1353 = tpu.memref_slice %arg7[%dma_wait3A_1347, %dma_wait3A_1352] : memref<16x128xi32, #tpu.memory_space<vmem>> -> memref<1x128xi32, #tpu.memory_space<vmem>>
      %dma_wait3A_1354 = tpu.memref_squeeze %dma_wait3A_1353 : memref<1x128xi32, #tpu.memory_space<vmem>> -> memref<128xi32, #tpu.memory_space<vmem>>
      %dma_wait3A_1355 = arith.constant 0 : i32
      %dma_wait3A_1356 = arith.constant 0 : i32
      %dma_wait3A_1357 = tpu.memref_slice %arg9[%dma_wait3A_1355, %dma_wait3A_1356] : memref<51200x16xf32, #tpu.memory_space<vmem_shared>> -> memref<51200x16xf32, #tpu.memory_space<vmem_shared>>
      tpu.wait_indirect_dma semaphore(%arg12 : memref<!tpu.dma_semaphore, #tpu.memory_space<semaphore_mem>>) src(%dma_wait3A_1351 : memref<128x16xf32, #tpu.memory_space<vmem>>) dst(%dma_wait3A_1357 : memref<51200x16xf32, #tpu.memory_space<vmem_shared>>)
      %dma_wait3A_1358 = arith.constant 7 : i32
      %dma_wait3A_1359 = arith.constant 7 : i32
      %dma_wait3A_1360 = arith.constant 0 : i32
      %dma_wait3A_1361 = arith.constant 0 : i32
      %dma_wait3A_1362 = tpu.memref_slice %arg8[%dma_wait3A_1358, %dma_wait3A_1360, %dma_wait3A_1361] : memref<16x128x16xf32, #tpu.memory_space<vmem>> -> memref<1x128x16xf32, #tpu.memory_space<vmem>>
      %dma_wait3A_1363 = tpu.memref_squeeze %dma_wait3A_1362 : memref<1x128x16xf32, #tpu.memory_space<vmem>> -> memref<128x16xf32, #tpu.memory_space<vmem>>
      %dma_wait3A_1364 = arith.constant 0 : i32
      %dma_wait3A_1365 = tpu.memref_slice %arg7[%dma_wait3A_1359, %dma_wait3A_1364] : memref<16x128xi32, #tpu.memory_space<vmem>> -> memref<1x128xi32, #tpu.memory_space<vmem>>
      %dma_wait3A_1366 = tpu.memref_squeeze %dma_wait3A_1365 : memref<1x128xi32, #tpu.memory_space<vmem>> -> memref<128xi32, #tpu.memory_space<vmem>>
      %dma_wait3A_1367 = arith.constant 0 : i32
      %dma_wait3A_1368 = arith.constant 0 : i32
      %dma_wait3A_1369 = tpu.memref_slice %arg9[%dma_wait3A_1367, %dma_wait3A_1368] : memref<51200x16xf32, #tpu.memory_space<vmem_shared>> -> memref<51200x16xf32, #tpu.memory_space<vmem_shared>>
      tpu.wait_indirect_dma semaphore(%arg12 : memref<!tpu.dma_semaphore, #tpu.memory_space<semaphore_mem>>) src(%dma_wait3A_1363 : memref<128x16xf32, #tpu.memory_space<vmem>>) dst(%dma_wait3A_1369 : memref<51200x16xf32, #tpu.memory_space<vmem_shared>>)
      %dma_wait3A_1370 = arith.constant 8 : i32
      %dma_wait3A_1371 = arith.constant 8 : i32
      %dma_wait3A_1372 = arith.constant 0 : i32
      %dma_wait3A_1373 = arith.constant 0 : i32
      %dma_wait3A_1374 = tpu.memref_slice %arg8[%dma_wait3A_1370, %dma_wait3A_1372, %dma_wait3A_1373] : memref<16x128x16xf32, #tpu.memory_space<vmem>> -> memref<1x128x16xf32, #tpu.memory_space<vmem>>
      %dma_wait3A_1375 = tpu.memref_squeeze %dma_wait3A_1374 : memref<1x128x16xf32, #tpu.memory_space<vmem>> -> memref<128x16xf32, #tpu.memory_space<vmem>>
      %dma_wait3A_1376 = arith.constant 0 : i32
      %dma_wait3A_1377 = tpu.memref_slice %arg7[%dma_wait3A_1371, %dma_wait3A_1376] : memref<16x128xi32, #tpu.memory_space<vmem>> -> memref<1x128xi32, #tpu.memory_space<vmem>>
      %dma_wait3A_1378 = tpu.memref_squeeze %dma_wait3A_1377 : memref<1x128xi32, #tpu.memory_space<vmem>> -> memref<128xi32, #tpu.memory_space<vmem>>
      %dma_wait3A_1379 = arith.constant 0 : i32
      %dma_wait3A_1380 = arith.constant 0 : i32
      %dma_wait3A_1381 = tpu.memref_slice %arg9[%dma_wait3A_1379, %dma_wait3A_1380] : memref<51200x16xf32, #tpu.memory_space<vmem_shared>> -> memref<51200x16xf32, #tpu.memory_space<vmem_shared>>
      tpu.wait_indirect_dma semaphore(%arg12 : memref<!tpu.dma_semaphore, #tpu.memory_space<semaphore_mem>>) src(%dma_wait3A_1375 : memref<128x16xf32, #tpu.memory_space<vmem>>) dst(%dma_wait3A_1381 : memref<51200x16xf32, #tpu.memory_space<vmem_shared>>)
      %dma_wait3A_1382 = arith.constant 9 : i32
      %dma_wait3A_1383 = arith.constant 9 : i32
      %dma_wait3A_1384 = arith.constant 0 : i32
      %dma_wait3A_1385 = arith.constant 0 : i32
      %dma_wait3A_1386 = tpu.memref_slice %arg8[%dma_wait3A_1382, %dma_wait3A_1384, %dma_wait3A_1385] : memref<16x128x16xf32, #tpu.memory_space<vmem>> -> memref<1x128x16xf32, #tpu.memory_space<vmem>>
      %dma_wait3A_1387 = tpu.memref_squeeze %dma_wait3A_1386 : memref<1x128x16xf32, #tpu.memory_space<vmem>> -> memref<128x16xf32, #tpu.memory_space<vmem>>
      %dma_wait3A_1388 = arith.constant 0 : i32
      %dma_wait3A_1389 = tpu.memref_slice %arg7[%dma_wait3A_1383, %dma_wait3A_1388] : memref<16x128xi32, #tpu.memory_space<vmem>> -> memref<1x128xi32, #tpu.memory_space<vmem>>
      %dma_wait3A_1390 = tpu.memref_squeeze %dma_wait3A_1389 : memref<1x128xi32, #tpu.memory_space<vmem>> -> memref<128xi32, #tpu.memory_space<vmem>>
      %dma_wait3A_1391 = arith.constant 0 : i32
      %dma_wait3A_1392 = arith.constant 0 : i32
      %dma_wait3A_1393 = tpu.memref_slice %arg9[%dma_wait3A_1391, %dma_wait3A_1392] : memref<51200x16xf32, #tpu.memory_space<vmem_shared>> -> memref<51200x16xf32, #tpu.memory_space<vmem_shared>>
      tpu.wait_indirect_dma semaphore(%arg12 : memref<!tpu.dma_semaphore, #tpu.memory_space<semaphore_mem>>) src(%dma_wait3A_1387 : memref<128x16xf32, #tpu.memory_space<vmem>>) dst(%dma_wait3A_1393 : memref<51200x16xf32, #tpu.memory_space<vmem_shared>>)
      %dma_wait3A_1394 = arith.constant 10 : i32
      %dma_wait3A_1395 = arith.constant 10 : i32
      %dma_wait3A_1396 = arith.constant 0 : i32
      %dma_wait3A_1397 = arith.constant 0 : i32
      %dma_wait3A_1398 = tpu.memref_slice %arg8[%dma_wait3A_1394, %dma_wait3A_1396, %dma_wait3A_1397] : memref<16x128x16xf32, #tpu.memory_space<vmem>> -> memref<1x128x16xf32, #tpu.memory_space<vmem>>
      %dma_wait3A_1399 = tpu.memref_squeeze %dma_wait3A_1398 : memref<1x128x16xf32, #tpu.memory_space<vmem>> -> memref<128x16xf32, #tpu.memory_space<vmem>>
      %dma_wait3A_1400 = arith.constant 0 : i32
      %dma_wait3A_1401 = tpu.memref_slice %arg7[%dma_wait3A_1395, %dma_wait3A_1400] : memref<16x128xi32, #tpu.memory_space<vmem>> -> memref<1x128xi32, #tpu.memory_space<vmem>>
      %dma_wait3A_1402 = tpu.memref_squeeze %dma_wait3A_1401 : memref<1x128xi32, #tpu.memory_space<vmem>> -> memref<128xi32, #tpu.memory_space<vmem>>
      %dma_wait3A_1403 = arith.constant 0 : i32
      %dma_wait3A_1404 = arith.constant 0 : i32
      %dma_wait3A_1405 = tpu.memref_slice %arg9[%dma_wait3A_1403, %dma_wait3A_1404] : memref<51200x16xf32, #tpu.memory_space<vmem_shared>> -> memref<51200x16xf32, #tpu.memory_space<vmem_shared>>
      tpu.wait_indirect_dma semaphore(%arg12 : memref<!tpu.dma_semaphore, #tpu.memory_space<semaphore_mem>>) src(%dma_wait3A_1399 : memref<128x16xf32, #tpu.memory_space<vmem>>) dst(%dma_wait3A_1405 : memref<51200x16xf32, #tpu.memory_space<vmem_shared>>)
      %dma_wait3A_1406 = arith.constant 11 : i32
      %dma_wait3A_1407 = arith.constant 11 : i32
      %dma_wait3A_1408 = arith.constant 0 : i32
      %dma_wait3A_1409 = arith.constant 0 : i32
      %dma_wait3A_1410 = tpu.memref_slice %arg8[%dma_wait3A_1406, %dma_wait3A_1408, %dma_wait3A_1409] : memref<16x128x16xf32, #tpu.memory_space<vmem>> -> memref<1x128x16xf32, #tpu.memory_space<vmem>>
      %dma_wait3A_1411 = tpu.memref_squeeze %dma_wait3A_1410 : memref<1x128x16xf32, #tpu.memory_space<vmem>> -> memref<128x16xf32, #tpu.memory_space<vmem>>
      %dma_wait3A_1412 = arith.constant 0 : i32
      %dma_wait3A_1413 = tpu.memref_slice %arg7[%dma_wait3A_1407, %dma_wait3A_1412] : memref<16x128xi32, #tpu.memory_space<vmem>> -> memref<1x128xi32, #tpu.memory_space<vmem>>
      %dma_wait3A_1414 = tpu.memref_squeeze %dma_wait3A_1413 : memref<1x128xi32, #tpu.memory_space<vmem>> -> memref<128xi32, #tpu.memory_space<vmem>>
      %dma_wait3A_1415 = arith.constant 0 : i32
      %dma_wait3A_1416 = arith.constant 0 : i32
      %dma_wait3A_1417 = tpu.memref_slice %arg9[%dma_wait3A_1415, %dma_wait3A_1416] : memref<51200x16xf32, #tpu.memory_space<vmem_shared>> -> memref<51200x16xf32, #tpu.memory_space<vmem_shared>>
      tpu.wait_indirect_dma semaphore(%arg12 : memref<!tpu.dma_semaphore, #tpu.memory_space<semaphore_mem>>) src(%dma_wait3A_1411 : memref<128x16xf32, #tpu.memory_space<vmem>>) dst(%dma_wait3A_1417 : memref<51200x16xf32, #tpu.memory_space<vmem_shared>>)
      %dma_wait3A_1418 = arith.constant 12 : i32
      %dma_wait3A_1419 = arith.constant 12 : i32
      %dma_wait3A_1420 = arith.constant 0 : i32
      %dma_wait3A_1421 = arith.constant 0 : i32
      %dma_wait3A_1422 = tpu.memref_slice %arg8[%dma_wait3A_1418, %dma_wait3A_1420, %dma_wait3A_1421] : memref<16x128x16xf32, #tpu.memory_space<vmem>> -> memref<1x128x16xf32, #tpu.memory_space<vmem>>
      %dma_wait3A_1423 = tpu.memref_squeeze %dma_wait3A_1422 : memref<1x128x16xf32, #tpu.memory_space<vmem>> -> memref<128x16xf32, #tpu.memory_space<vmem>>
      %dma_wait3A_1424 = arith.constant 0 : i32
      %dma_wait3A_1425 = tpu.memref_slice %arg7[%dma_wait3A_1419, %dma_wait3A_1424] : memref<16x128xi32, #tpu.memory_space<vmem>> -> memref<1x128xi32, #tpu.memory_space<vmem>>
      %dma_wait3A_1426 = tpu.memref_squeeze %dma_wait3A_1425 : memref<1x128xi32, #tpu.memory_space<vmem>> -> memref<128xi32, #tpu.memory_space<vmem>>
      %dma_wait3A_1427 = arith.constant 0 : i32
      %dma_wait3A_1428 = arith.constant 0 : i32
      %dma_wait3A_1429 = tpu.memref_slice %arg9[%dma_wait3A_1427, %dma_wait3A_1428] : memref<51200x16xf32, #tpu.memory_space<vmem_shared>> -> memref<51200x16xf32, #tpu.memory_space<vmem_shared>>
      tpu.wait_indirect_dma semaphore(%arg12 : memref<!tpu.dma_semaphore, #tpu.memory_space<semaphore_mem>>) src(%dma_wait3A_1423 : memref<128x16xf32, #tpu.memory_space<vmem>>) dst(%dma_wait3A_1429 : memref<51200x16xf32, #tpu.memory_space<vmem_shared>>)
      %dma_wait3A_1430 = arith.constant 13 : i32
      %dma_wait3A_1431 = arith.constant 13 : i32
      %dma_wait3A_1432 = arith.constant 0 : i32
      %dma_wait3A_1433 = arith.constant 0 : i32
      %dma_wait3A_1434 = tpu.memref_slice %arg8[%dma_wait3A_1430, %dma_wait3A_1432, %dma_wait3A_1433] : memref<16x128x16xf32, #tpu.memory_space<vmem>> -> memref<1x128x16xf32, #tpu.memory_space<vmem>>
      %dma_wait3A_1435 = tpu.memref_squeeze %dma_wait3A_1434 : memref<1x128x16xf32, #tpu.memory_space<vmem>> -> memref<128x16xf32, #tpu.memory_space<vmem>>
      %dma_wait3A_1436 = arith.constant 0 : i32
      %dma_wait3A_1437 = tpu.memref_slice %arg7[%dma_wait3A_1431, %dma_wait3A_1436] : memref<16x128xi32, #tpu.memory_space<vmem>> -> memref<1x128xi32, #tpu.memory_space<vmem>>
      %dma_wait3A_1438 = tpu.memref_squeeze %dma_wait3A_1437 : memref<1x128xi32, #tpu.memory_space<vmem>> -> memref<128xi32, #tpu.memory_space<vmem>>
      %dma_wait3A_1439 = arith.constant 0 : i32
      %dma_wait3A_1440 = arith.constant 0 : i32
      %dma_wait3A_1441 = tpu.memref_slice %arg9[%dma_wait3A_1439, %dma_wait3A_1440] : memref<51200x16xf32, #tpu.memory_space<vmem_shared>> -> memref<51200x16xf32, #tpu.memory_space<vmem_shared>>
      tpu.wait_indirect_dma semaphore(%arg12 : memref<!tpu.dma_semaphore, #tpu.memory_space<semaphore_mem>>) src(%dma_wait3A_1435 : memref<128x16xf32, #tpu.memory_space<vmem>>) dst(%dma_wait3A_1441 : memref<51200x16xf32, #tpu.memory_space<vmem_shared>>)
      %dma_wait3A_1442 = arith.constant 14 : i32
      %dma_wait3A_1443 = arith.constant 14 : i32
      %dma_wait3A_1444 = arith.constant 0 : i32
      %dma_wait3A_1445 = arith.constant 0 : i32
      %dma_wait3A_1446 = tpu.memref_slice %arg8[%dma_wait3A_1442, %dma_wait3A_1444, %dma_wait3A_1445] : memref<16x128x16xf32, #tpu.memory_space<vmem>> -> memref<1x128x16xf32, #tpu.memory_space<vmem>>
      %dma_wait3A_1447 = tpu.memref_squeeze %dma_wait3A_1446 : memref<1x128x16xf32, #tpu.memory_space<vmem>> -> memref<128x16xf32, #tpu.memory_space<vmem>>
      %dma_wait3A_1448 = arith.constant 0 : i32
      %dma_wait3A_1449 = tpu.memref_slice %arg7[%dma_wait3A_1443, %dma_wait3A_1448] : memref<16x128xi32, #tpu.memory_space<vmem>> -> memref<1x128xi32, #tpu.memory_space<vmem>>
      %dma_wait3A_1450 = tpu.memref_squeeze %dma_wait3A_1449 : memref<1x128xi32, #tpu.memory_space<vmem>> -> memref<128xi32, #tpu.memory_space<vmem>>
      %dma_wait3A_1451 = arith.constant 0 : i32
      %dma_wait3A_1452 = arith.constant 0 : i32
      %dma_wait3A_1453 = tpu.memref_slice %arg9[%dma_wait3A_1451, %dma_wait3A_1452] : memref<51200x16xf32, #tpu.memory_space<vmem_shared>> -> memref<51200x16xf32, #tpu.memory_space<vmem_shared>>
      tpu.wait_indirect_dma semaphore(%arg12 : memref<!tpu.dma_semaphore, #tpu.memory_space<semaphore_mem>>) src(%dma_wait3A_1447 : memref<128x16xf32, #tpu.memory_space<vmem>>) dst(%dma_wait3A_1453 : memref<51200x16xf32, #tpu.memory_space<vmem_shared>>)
      %dma_wait3A_1454 = arith.constant 15 : i32
      %dma_wait3A_1455 = arith.constant 15 : i32
      %dma_wait3A_1456 = arith.constant 0 : i32
      %dma_wait3A_1457 = arith.constant 0 : i32
      %dma_wait3A_1458 = tpu.memref_slice %arg8[%dma_wait3A_1454, %dma_wait3A_1456, %dma_wait3A_1457] : memref<16x128x16xf32, #tpu.memory_space<vmem>> -> memref<1x128x16xf32, #tpu.memory_space<vmem>>
      %dma_wait3A_1459 = tpu.memref_squeeze %dma_wait3A_1458 : memref<1x128x16xf32, #tpu.memory_space<vmem>> -> memref<128x16xf32, #tpu.memory_space<vmem>>
      %dma_wait3A_1460 = arith.constant 0 : i32
      %dma_wait3A_1461 = tpu.memref_slice %arg7[%dma_wait3A_1455, %dma_wait3A_1460] : memref<16x128xi32, #tpu.memory_space<vmem>> -> memref<1x128xi32, #tpu.memory_space<vmem>>
      %dma_wait3A_1462 = tpu.memref_squeeze %dma_wait3A_1461 : memref<1x128xi32, #tpu.memory_space<vmem>> -> memref<128xi32, #tpu.memory_space<vmem>>
      %dma_wait3A_1463 = arith.constant 0 : i32
      %dma_wait3A_1464 = arith.constant 0 : i32
      %dma_wait3A_1465 = tpu.memref_slice %arg9[%dma_wait3A_1463, %dma_wait3A_1464] : memref<51200x16xf32, #tpu.memory_space<vmem_shared>> -> memref<51200x16xf32, #tpu.memory_space<vmem_shared>>
      tpu.wait_indirect_dma semaphore(%arg12 : memref<!tpu.dma_semaphore, #tpu.memory_space<semaphore_mem>>) src(%dma_wait3A_1459 : memref<128x16xf32, #tpu.memory_space<vmem>>) dst(%dma_wait3A_1465 : memref<51200x16xf32, #tpu.memory_space<vmem_shared>>)
    }
    %scan3A_17 = arith.constant 49 : i32
    %barrier3A_18 = arith.constant 0 : index
    tpu.barrier barrier_id(%barrier3A_18)
    %mul3A_19 = arith.constant 3200 : i32
    %mul3A_20 = arith.muli %arg1, %mul3A_19 : i32
    %mul3A_21 = arith.constant 3200 : i32
    %mul3A_22 = arith.muli %arg1, %mul3A_21 : i32
    "tpu.region"() ({
      %run_scoped3A = tpu.sem_alloc : memref<!tpu.dma_semaphore, #tpu.memory_space<semaphore_mem>>
      %dma_start3A = arith.constant 0 : i32
      %dma_start3A_23 = tpu.memref_slice %arg5[%arg0, %mul3A_22, %dma_start3A] : memref<2x51200x16xf32, #tpu.memory_space<hbm>> -> memref<1x3200x16xf32, #tpu.memory_space<hbm>>
      %dma_start3A_24 = tpu.memref_squeeze %dma_start3A_23 : memref<1x3200x16xf32, #tpu.memory_space<hbm>> -> memref<3200x16xf32, #tpu.memory_space<hbm>>
      %dma_start3A_25 = arith.constant 0 : i32
      %dma_start3A_26 = tpu.memref_slice %arg9[%mul3A_20, %dma_start3A_25] : memref<51200x16xf32, #tpu.memory_space<vmem_shared>> -> memref<3200x16xf32, #tpu.memory_space<vmem_shared>>
      tpu.enqueue_dma source(%dma_start3A_26 : memref<3200x16xf32, #tpu.memory_space<vmem_shared>>) target(%dma_start3A_24 : memref<3200x16xf32, #tpu.memory_space<hbm>>) target_semaphore(%run_scoped3A : memref<!tpu.dma_semaphore, #tpu.memory_space<semaphore_mem>>)
      %dma_wait3A = arith.constant 0 : i32
      %dma_wait3A_27 = tpu.memref_slice %arg5[%arg0, %mul3A_22, %dma_wait3A] : memref<2x51200x16xf32, #tpu.memory_space<hbm>> -> memref<1x3200x16xf32, #tpu.memory_space<hbm>>
      %dma_wait3A_28 = tpu.memref_squeeze %dma_wait3A_27 : memref<1x3200x16xf32, #tpu.memory_space<hbm>> -> memref<3200x16xf32, #tpu.memory_space<hbm>>
      %dma_wait3A_29 = arith.constant 0 : i32
      %dma_wait3A_30 = tpu.memref_slice %arg9[%mul3A_20, %dma_wait3A_29] : memref<51200x16xf32, #tpu.memory_space<vmem_shared>> -> memref<3200x16xf32, #tpu.memory_space<vmem_shared>>
      tpu.wait_dma2 semaphore(%run_scoped3A : memref<!tpu.dma_semaphore, #tpu.memory_space<semaphore_mem>>) src(%dma_wait3A_30 : memref<3200x16xf32, #tpu.memory_space<vmem_shared>>) dst(%dma_wait3A_28 : memref<3200x16xf32, #tpu.memory_space<hbm>>)
      tpu.yield
    }) : () -> ()
    return
  }
}

module attributes {stable_mosaic.version = 14 : i64} {
  func.func @_feat_body(%arg0: i32, %arg1: memref<2000x4xf32, #tpu.memory_space<vmem>>, %arg2: memref<4x16xf32, #tpu.memory_space<vmem>>, %arg3: memref<4x16xf32, #tpu.memory_space<vmem>>, %arg4: memref<1x16xf32, #tpu.memory_space<vmem>>, %arg5: memref<1x16xf32, #tpu.memory_space<vmem>>, %arg6: memref<2000x16xf32, #tpu.memory_space<vmem>>) attributes {dimension_semantics = [#tpu.dimension_semantics<arbitrary>], iteration_bounds = array<i64: 50>, scalar_prefetch = 0 : i64, scratch_operands = 0 : i64, tpu.core_type = #tpu.core_type<tc>, window_params = [{transform_indices = @transform_0, window_bounds = array<i64: 2000, 4>}, {pipeline_mode = #tpu.pipeline_mode<synchronous>, transform_indices = @transform_1, window_bounds = array<i64: 4, 16>}, {pipeline_mode = #tpu.pipeline_mode<synchronous>, transform_indices = @transform_2, window_bounds = array<i64: 4, 16>}, {pipeline_mode = #tpu.pipeline_mode<synchronous>, transform_indices = @transform_3, window_bounds = array<i64: 1, 16>}, {pipeline_mode = #tpu.pipeline_mode<synchronous>, transform_indices = @transform_4, window_bounds = array<i64: 1, 16>}, {transform_indices = @transform_5, window_bounds = array<i64: 2000, 16>}]} {
    %get3A = arith.constant 0 : index
    %get3A_0 = arith.constant 0 : index
    %get3A_1 = vector.load %arg1[%get3A, %get3A_0] : memref<2000x4xf32, #tpu.memory_space<vmem>>, vector<2000x4xf32>
    %get3A_2 = arith.constant 0 : index
    %get3A_3 = arith.constant 0 : index
    %get3A_4 = vector.load %arg2[%get3A_2, %get3A_3] : memref<4x16xf32, #tpu.memory_space<vmem>>, vector<4x16xf32>
    %dot_general3A = arith.constant dense<0.000000e+00> : vector<2000x16xf32>
    %dot_general3A_5 = tpu.matmul %get3A_1, %get3A_4, %dot_general3A {dimension_numbers = #tpu.dot_dimension_numbers<[1], [0], [0], [1], [0, 0, 1, 1], [], []>, precision = #tpu.contract_precision<fp32>, transpose_lhs_hint = false} : vector<2000x4xf32>, vector<4x16xf32>, vector<2000x16xf32> -> vector<2000x16xf32>
    %get3A_6 = arith.constant 0 : index
    %get3A_7 = arith.constant 0 : index
    %get3A_8 = vector.load %arg4[%get3A_6, %get3A_7] : memref<1x16xf32, #tpu.memory_space<vmem>>, vector<1x16xf32>
    %add3A = vector.broadcast %get3A_8 : vector<1x16xf32> to vector<2000x16xf32>
    %add3A_9 = arith.addf %dot_general3A_5, %add3A : vector<2000x16xf32>
    %get3A_10 = arith.constant 0 : index
    %get3A_11 = arith.constant 0 : index
    %get3A_12 = vector.load %arg3[%get3A_10, %get3A_11] : memref<4x16xf32, #tpu.memory_space<vmem>>, vector<4x16xf32>
    %dot_general3A_13 = arith.constant dense<0.000000e+00> : vector<2000x16xf32>
    %dot_general3A_14 = tpu.matmul %get3A_1, %get3A_12, %dot_general3A_13 {dimension_numbers = #tpu.dot_dimension_numbers<[1], [0], [0], [1], [0, 0, 1, 1], [], []>, precision = #tpu.contract_precision<fp32>, transpose_lhs_hint = false} : vector<2000x4xf32>, vector<4x16xf32>, vector<2000x16xf32> -> vector<2000x16xf32>
    %get3A_15 = arith.constant 0 : index
    %get3A_16 = arith.constant 0 : index
    %get3A_17 = vector.load %arg5[%get3A_15, %get3A_16] : memref<1x16xf32, #tpu.memory_space<vmem>>, vector<1x16xf32>
    %add3A_18 = vector.broadcast %get3A_17 : vector<1x16xf32> to vector<2000x16xf32>
    %add3A_19 = arith.addf %dot_general3A_14, %add3A_18 : vector<2000x16xf32>
    %mul3A = arith.mulf %add3A_9, %add3A_19 : vector<2000x16xf32>
    %swap3A = arith.constant 0 : index
    %swap3A_20 = arith.constant 0 : index
    %swap3A_21 = vector.load %arg6[%swap3A, %swap3A_20] : memref<2000x16xf32, #tpu.memory_space<vmem>>, vector<2000x16xf32>
    tpu.vector_store %arg6[%swap3A, %swap3A_20], %mul3A {strides = array<i32>} : memref<2000x16xf32, #tpu.memory_space<vmem>>, vector<2000x16xf32>,
    return
  }
  func.func @transform_0(%arg0: i32) -> (i32, i32) {
    %c0_i32 = arith.constant 0 : i32
    %c0_i32_0 = arith.constant 0 : i32
    return %arg0, %c0_i32 : i32, i32
  }
  func.func @transform_1(%arg0: i32) -> (i32, i32) {
    %c0_i32 = arith.constant 0 : i32
    %c0_i32_0 = arith.constant 0 : i32
    %c0_i32_1 = arith.constant 0 : i32
    return %c0_i32, %c0_i32_0 : i32, i32
  }
  func.func @transform_2(%arg0: i32) -> (i32, i32) {
    %c0_i32 = arith.constant 0 : i32
    %c0_i32_0 = arith.constant 0 : i32
    %c0_i32_1 = arith.constant 0 : i32
    return %c0_i32, %c0_i32_0 : i32, i32
  }
  func.func @transform_3(%arg0: i32) -> (i32, i32) {
    %c0_i32 = arith.constant 0 : i32
    %c0_i32_0 = arith.constant 0 : i32
    %c0_i32_1 = arith.constant 0 : i32
    return %c0_i32, %c0_i32_0 : i32, i32
  }
  func.func @transform_4(%arg0: i32) -> (i32, i32) {
    %c0_i32 = arith.constant 0 : i32
    %c0_i32_0 = arith.constant 0 : i32
    %c0_i32_1 = arith.constant 0 : i32
    return %c0_i32, %c0_i32_0 : i32, i32
  }
  func.func @transform_5(%arg0: i32) -> (i32, i32) {
    %c0_i32 = arith.constant 0 : i32
    %c0_i32_0 = arith.constant 0 : i32
    return %arg0, %c0_i32 : i32, i32
  }
}

module attributes {stable_mosaic.version = 14 : i64} {
  func.func @_finish_body(%arg0: i32, %arg1: memref<2000x16xf32, #tpu.memory_space<vmem>>, %arg2: memref<2000x16xf32, #tpu.memory_space<vmem>>, %arg3: memref<2000x4xf32, #tpu.memory_space<vmem>>, %arg4: memref<2000x4xf32, #tpu.memory_space<vmem>>, %arg5: memref<2000x1xf32, #tpu.memory_space<vmem>>, %arg6: memref<2000x9xf32, #tpu.memory_space<vmem>>) attributes {dimension_semantics = [#tpu.dimension_semantics<arbitrary>], iteration_bounds = array<i64: 25>, scalar_prefetch = 0 : i64, scratch_operands = 0 : i64, tpu.core_type = #tpu.core_type<tc>, window_params = [{transform_indices = @transform_0, window_bounds = array<i64: 2000, 16>}, {transform_indices = @transform_1, window_bounds = array<i64: 2000, 16>}, {transform_indices = @transform_2, window_bounds = array<i64: 2000, 4>}, {transform_indices = @transform_3, window_bounds = array<i64: 2000, 4>}, {transform_indices = @transform_4, window_bounds = array<i64: 2000, 1>}, {transform_indices = @transform_5, window_bounds = array<i64: 2000, 9>}]} {
    %get3A = arith.constant 0 : index
    %get3A_0 = arith.constant 0 : index
    %get3A_1 = vector.load %arg1[%get3A, %get3A_0] : memref<2000x16xf32, #tpu.memory_space<vmem>>, vector<2000x16xf32>
    %get3A_2 = arith.constant 0 : index
    %get3A_3 = arith.constant 0 : index
    %get3A_4 = vector.load %arg2[%get3A_2, %get3A_3] : memref<2000x16xf32, #tpu.memory_space<vmem>>, vector<2000x16xf32>
    %add3A = arith.addf %get3A_1, %get3A_4 : vector<2000x16xf32>
    %slice3A = vector.extract_strided_slice %add3A {offsets = [0, 4], sizes = [2000, 1], strides = [1, 1]} : vector<2000x16xf32> to vector<2000x1xf32>
    %gt3A = arith.constant 5.000000e-01 : f32
    %gt3A_5 = vector.broadcast %gt3A : f32 to vector<2000x1xf32>
    %gt3A_6 = arith.cmpf ogt, %slice3A, %gt3A_5 : vector<2000x1xf32>
    %jit3A = arith.constant 1.000000e+00 : f32
    %broadcast_in_dim3A = vector.broadcast %jit3A : f32 to vector<2000x1xf32>
    %select_n3A = arith.select %gt3A_6, %slice3A, %broadcast_in_dim3A : vector<2000x1xi1>, vector<2000x1xf32>
    %slice3A_7 = vector.extract_strided_slice %add3A {offsets = [0, 0], sizes = [2000, 4], strides = [1, 1]} : vector<2000x16xf32> to vector<2000x4xf32>
    %div3A = vector.broadcast %select_n3A : vector<2000x1xf32> to vector<2000x4xf32>
    %div3A_8 = arith.divf %slice3A_7, %div3A : vector<2000x4xf32>
    %get3A_9 = arith.constant 0 : index
    %get3A_10 = arith.constant 0 : index
    %get3A_11 = vector.load %arg3[%get3A_9, %get3A_10] : memref<2000x4xf32, #tpu.memory_space<vmem>>, vector<2000x4xf32>
    %broadcast_in_dim3A_12 = vector.shape_cast %gt3A_6 : vector<2000x1xi1> to vector<2000x1xi1>
    %broadcast_in_dim3A_13 = vector.broadcast %broadcast_in_dim3A_12 : vector<2000x1xi1> to vector<2000x4xi1>
    %select_n3A_14 = arith.select %broadcast_in_dim3A_13, %div3A_8, %get3A_11 : vector<2000x4xi1>, vector<2000x4xf32>
    %swap3A = arith.constant 0 : index
    %swap3A_15 = arith.constant 0 : index
    %swap3A_16 = vector.load %arg4[%swap3A, %swap3A_15] : memref<2000x4xf32, #tpu.memory_space<vmem>>, vector<2000x4xf32>
    tpu.vector_store %arg4[%swap3A, %swap3A_15], %select_n3A_14 {strides = array<i32>} : memref<2000x4xf32, #tpu.memory_space<vmem>>, vector<2000x4xf32>,
    %swap3A_17 = arith.constant 0 : index
    %swap3A_18 = arith.constant 0 : index
    %swap3A_19 = vector.load %arg5[%swap3A_17, %swap3A_18] : memref<2000x1xf32, #tpu.memory_space<vmem>>, vector<2000x1xf32>
    tpu.vector_store %arg5[%swap3A_17, %swap3A_18], %slice3A {strides = array<i32>} : memref<2000x1xf32, #tpu.memory_space<vmem>>, vector<2000x1xf32>,
    %max3A = arith.constant 1.000000e+00 : f32
    %max3A_20 = vector.broadcast %max3A : f32 to vector<2000x1xf32>
    %max3A_21 = arith.maximumf %slice3A, %max3A_20 : vector<2000x1xf32>
    %slice3A_22 = vector.extract_strided_slice %div3A_8 {offsets = [0, 1], sizes = [2000, 1], strides = [1, 1]} : vector<2000x4xf32> to vector<2000x1xf32>
    %slice3A_23 = vector.extract_strided_slice %div3A_8 {offsets = [0, 2], sizes = [2000, 1], strides = [1, 1]} : vector<2000x4xf32> to vector<2000x1xf32>
    %slice3A_24 = vector.extract_strided_slice %div3A_8 {offsets = [0, 3], sizes = [2000, 1], strides = [1, 1]} : vector<2000x4xf32> to vector<2000x1xf32>
    %slice3A_25 = vector.extract_strided_slice %add3A {offsets = [0, 5], sizes = [2000, 1], strides = [1, 1]} : vector<2000x16xf32> to vector<2000x1xf32>
    %mul3A = arith.mulf %slice3A, %slice3A_22 : vector<2000x1xf32>
    %mul3A_26 = arith.mulf %mul3A, %slice3A_22 : vector<2000x1xf32>
    %sub3A = arith.subf %slice3A_25, %mul3A_26 : vector<2000x1xf32>
    %div3A_27 = arith.divf %sub3A, %max3A_21 : vector<2000x1xf32>
    %slice3A_28 = vector.extract_strided_slice %add3A {offsets = [0, 6], sizes = [2000, 1], strides = [1, 1]} : vector<2000x16xf32> to vector<2000x1xf32>
    %mul3A_29 = arith.mulf %slice3A, %slice3A_22 : vector<2000x1xf32>
    %mul3A_30 = arith.mulf %mul3A_29, %slice3A_23 : vector<2000x1xf32>
    %sub3A_31 = arith.subf %slice3A_28, %mul3A_30 : vector<2000x1xf32>
    %div3A_32 = arith.divf %sub3A_31, %max3A_21 : vector<2000x1xf32>
    %slice3A_33 = vector.extract_strided_slice %add3A {offsets = [0, 7], sizes = [2000, 1], strides = [1, 1]} : vector<2000x16xf32> to vector<2000x1xf32>
    %mul3A_34 = arith.mulf %slice3A, %slice3A_22 : vector<2000x1xf32>
    %mul3A_35 = arith.mulf %mul3A_34, %slice3A_24 : vector<2000x1xf32>
    %sub3A_36 = arith.subf %slice3A_33, %mul3A_35 : vector<2000x1xf32>
    %div3A_37 = arith.divf %sub3A_36, %max3A_21 : vector<2000x1xf32>
    %slice3A_38 = vector.extract_strided_slice %add3A {offsets = [0, 8], sizes = [2000, 1], strides = [1, 1]} : vector<2000x16xf32> to vector<2000x1xf32>
    %mul3A_39 = arith.mulf %slice3A, %slice3A_23 : vector<2000x1xf32>
    %mul3A_40 = arith.mulf %mul3A_39, %slice3A_23 : vector<2000x1xf32>
    %sub3A_41 = arith.subf %slice3A_38, %mul3A_40 : vector<2000x1xf32>
    %div3A_42 = arith.divf %sub3A_41, %max3A_21 : vector<2000x1xf32>
    %slice3A_43 = vector.extract_strided_slice %add3A {offsets = [0, 9], sizes = [2000, 1], strides = [1, 1]} : vector<2000x16xf32> to vector<2000x1xf32>
    %mul3A_44 = arith.mulf %slice3A, %slice3A_23 : vector<2000x1xf32>
    %mul3A_45 = arith.mulf %mul3A_44, %slice3A_24 : vector<2000x1xf32>
    %sub3A_46 = arith.subf %slice3A_43, %mul3A_45 : vector<2000x1xf32>
    %div3A_47 = arith.divf %sub3A_46, %max3A_21 : vector<2000x1xf32>
    %slice3A_48 = vector.extract_strided_slice %add3A {offsets = [0, 10], sizes = [2000, 1], strides = [1, 1]} : vector<2000x16xf32> to vector<2000x1xf32>
    %mul3A_49 = arith.mulf %slice3A, %slice3A_24 : vector<2000x1xf32>
    %mul3A_50 = arith.mulf %mul3A_49, %slice3A_24 : vector<2000x1xf32>
    %sub3A_51 = arith.subf %slice3A_48, %mul3A_50 : vector<2000x1xf32>
    %div3A_52 = arith.divf %sub3A_51, %max3A_21 : vector<2000x1xf32>
    %swap3A_53 = arith.constant 0 : index
    %swap3A_54 = arith.constant 0 : index
    %swap3A_55 = vector.load %arg6[%swap3A_53, %swap3A_54] : memref<2000x9xf32, #tpu.memory_space<vmem>>, vector<2000x1xf32>
    tpu.vector_store %arg6[%swap3A_53, %swap3A_54], %div3A_27 {strides = array<i32>} : memref<2000x9xf32, #tpu.memory_space<vmem>>, vector<2000x1xf32>,
    %swap3A_56 = arith.constant 0 : index
    %swap3A_57 = arith.constant 1 : index
    %swap3A_58 = vector.load %arg6[%swap3A_56, %swap3A_57] : memref<2000x9xf32, #tpu.memory_space<vmem>>, vector<2000x1xf32>
    tpu.vector_store %arg6[%swap3A_56, %swap3A_57], %div3A_32 {strides = array<i32>} : memref<2000x9xf32, #tpu.memory_space<vmem>>, vector<2000x1xf32>,
    %swap3A_59 = arith.constant 0 : index
    %swap3A_60 = arith.constant 2 : index
    %swap3A_61 = vector.load %arg6[%swap3A_59, %swap3A_60] : memref<2000x9xf32, #tpu.memory_space<vmem>>, vector<2000x1xf32>
    tpu.vector_store %arg6[%swap3A_59, %swap3A_60], %div3A_37 {strides = array<i32>} : memref<2000x9xf32, #tpu.memory_space<vmem>>, vector<2000x1xf32>,
    %swap3A_62 = arith.constant 0 : index
    %swap3A_63 = arith.constant 3 : index
    %swap3A_64 = vector.load %arg6[%swap3A_62, %swap3A_63] : memref<2000x9xf32, #tpu.memory_space<vmem>>, vector<2000x1xf32>
    tpu.vector_store %arg6[%swap3A_62, %swap3A_63], %div3A_32 {strides = array<i32>} : memref<2000x9xf32, #tpu.memory_space<vmem>>, vector<2000x1xf32>,
    %swap3A_65 = arith.constant 0 : index
    %swap3A_66 = arith.constant 4 : index
    %swap3A_67 = vector.load %arg6[%swap3A_65, %swap3A_66] : memref<2000x9xf32, #tpu.memory_space<vmem>>, vector<2000x1xf32>
    tpu.vector_store %arg6[%swap3A_65, %swap3A_66], %div3A_42 {strides = array<i32>} : memref<2000x9xf32, #tpu.memory_space<vmem>>, vector<2000x1xf32>,
    %swap3A_68 = arith.constant 0 : index
    %swap3A_69 = arith.constant 5 : index
    %swap3A_70 = vector.load %arg6[%swap3A_68, %swap3A_69] : memref<2000x9xf32, #tpu.memory_space<vmem>>, vector<2000x1xf32>
    tpu.vector_store %arg6[%swap3A_68, %swap3A_69], %div3A_47 {strides = array<i32>} : memref<2000x9xf32, #tpu.memory_space<vmem>>, vector<2000x1xf32>,
    %swap3A_71 = arith.constant 0 : index
    %swap3A_72 = arith.constant 6 : index
    %swap3A_73 = vector.load %arg6[%swap3A_71, %swap3A_72] : memref<2000x9xf32, #tpu.memory_space<vmem>>, vector<2000x1xf32>
    tpu.vector_store %arg6[%swap3A_71, %swap3A_72], %div3A_37 {strides = array<i32>} : memref<2000x9xf32, #tpu.memory_space<vmem>>, vector<2000x1xf32>,
    %swap3A_74 = arith.constant 0 : index
    %swap3A_75 = arith.constant 7 : index
    %swap3A_76 = vector.load %arg6[%swap3A_74, %swap3A_75] : memref<2000x9xf32, #tpu.memory_space<vmem>>, vector<2000x1xf32>
    tpu.vector_store %arg6[%swap3A_74, %swap3A_75], %div3A_47 {strides = array<i32>} : memref<2000x9xf32, #tpu.memory_space<vmem>>, vector<2000x1xf32>,
    %swap3A_77 = arith.constant 0 : index
    %swap3A_78 = arith.constant 8 : index
    %swap3A_79 = vector.load %arg6[%swap3A_77, %swap3A_78] : memref<2000x9xf32, #tpu.memory_space<vmem>>, vector<2000x1xf32>
    tpu.vector_store %arg6[%swap3A_77, %swap3A_78], %div3A_52 {strides = array<i32>} : memref<2000x9xf32, #tpu.memory_space<vmem>>, vector<2000x1xf32>,
    return
  }
  func.func @transform_0(%arg0: i32) -> (i32, i32) {
    %c0_i32 = arith.constant 0 : i32
    %c0_i32_0 = arith.constant 0 : i32
    return %arg0, %c0_i32 : i32, i32
  }
  func.func @transform_1(%arg0: i32) -> (i32, i32) {
    %c0_i32 = arith.constant 0 : i32
    %c0_i32_0 = arith.constant 0 : i32
    return %arg0, %c0_i32 : i32, i32
  }
  func.func @transform_2(%arg0: i32) -> (i32, i32) {
    %c0_i32 = arith.constant 0 : i32
    %c0_i32_0 = arith.constant 0 : i32
    return %arg0, %c0_i32 : i32, i32
  }
  func.func @transform_3(%arg0: i32) -> (i32, i32) {
    %c0_i32 = arith.constant 0 : i32
    %c0_i32_0 = arith.constant 0 : i32
    return %arg0, %c0_i32 : i32, i32
  }
  func.func @transform_4(%arg0: i32) -> (i32, i32) {
    %c0_i32 = arith.constant 0 : i32
    %c0_i32_0 = arith.constant 0 : i32
    return %arg0, %c0_i32 : i32, i32
  }
  func.func @transform_5(%arg0: i32) -> (i32, i32) {
    %c0_i32 = arith.constant 0 : i32
    %c0_i32_0 = arith.constant 0 : i32
    return %arg0, %c0_i32 : i32, i32
  }
}

module attributes {stable_mosaic.version = 14 : i64} {
  func.func @_eigh_body(%arg0: i32, %arg1: memref<9x32x128xf32, #tpu.memory_space<vmem>>, %arg2: memref<3x32x128xf32, #tpu.memory_space<vmem>>, %arg3: memref<9x32x128xf32, #tpu.memory_space<vmem>>) attributes {dimension_semantics = [#tpu.dimension_semantics<arbitrary>], iteration_bounds = array<i64: 13>, scalar_prefetch = 0 : i64, scratch_operands = 0 : i64, tpu.core_type = #tpu.core_type<tc>, window_params = [{transform_indices = @transform_0, window_bounds = array<i64: 9, 32, 128>}, {transform_indices = @transform_1, window_bounds = array<i64: 3, 32, 128>}, {transform_indices = @transform_2, window_bounds = array<i64: 9, 32, 128>}]} {
    %get3A = arith.constant 0 : index
    %get3A_0 = arith.constant 0 : index
    %get3A_1 = arith.constant 0 : index
    %get3A_2 = vector.load %arg1[%get3A, %get3A_0, %get3A_1] : memref<9x32x128xf32, #tpu.memory_space<vmem>>, vector<1x32x128xf32>
    %get3A_3 = vector.shape_cast %get3A_2 : vector<1x32x128xf32> to vector<32x128xf32>
    %get3A_4 = arith.constant 1 : index
    %get3A_5 = arith.constant 0 : index
    %get3A_6 = arith.constant 0 : index
    %get3A_7 = vector.load %arg1[%get3A_4, %get3A_5, %get3A_6] : memref<9x32x128xf32, #tpu.memory_space<vmem>>, vector<1x32x128xf32>
    %get3A_8 = vector.shape_cast %get3A_7 : vector<1x32x128xf32> to vector<32x128xf32>
    %get3A_9 = arith.constant 2 : index
    %get3A_10 = arith.constant 0 : index
    %get3A_11 = arith.constant 0 : index
    %get3A_12 = vector.load %arg1[%get3A_9, %get3A_10, %get3A_11] : memref<9x32x128xf32, #tpu.memory_space<vmem>>, vector<1x32x128xf32>
    %get3A_13 = vector.shape_cast %get3A_12 : vector<1x32x128xf32> to vector<32x128xf32>
    %get3A_14 = arith.constant 4 : index
    %get3A_15 = arith.constant 0 : index
    %get3A_16 = arith.constant 0 : index
    %get3A_17 = vector.load %arg1[%get3A_14, %get3A_15, %get3A_16] : memref<9x32x128xf32, #tpu.memory_space<vmem>>, vector<1x32x128xf32>
    %get3A_18 = vector.shape_cast %get3A_17 : vector<1x32x128xf32> to vector<32x128xf32>
    %get3A_19 = arith.constant 5 : index
    %get3A_20 = arith.constant 0 : index
    %get3A_21 = arith.constant 0 : index
    %get3A_22 = vector.load %arg1[%get3A_19, %get3A_20, %get3A_21] : memref<9x32x128xf32, #tpu.memory_space<vmem>>, vector<1x32x128xf32>
    %get3A_23 = vector.shape_cast %get3A_22 : vector<1x32x128xf32> to vector<32x128xf32>
    %get3A_24 = arith.constant 8 : index
    %get3A_25 = arith.constant 0 : index
    %get3A_26 = arith.constant 0 : index
    %get3A_27 = vector.load %arg1[%get3A_24, %get3A_25, %get3A_26] : memref<9x32x128xf32, #tpu.memory_space<vmem>>, vector<1x32x128xf32>
    %get3A_28 = vector.shape_cast %get3A_27 : vector<1x32x128xf32> to vector<32x128xf32>
    %broadcast_in_dim3A = arith.constant 1.000000e+00 : f32
    %broadcast_in_dim3A_29 = vector.broadcast %broadcast_in_dim3A : f32 to vector<32x128xf32>
    %broadcast_in_dim3A_30 = arith.constant 0.000000e+00 : f32
    %broadcast_in_dim3A_31 = vector.broadcast %broadcast_in_dim3A_30 : f32 to vector<32x128xf32>
    %sub3A = arith.subf %get3A_28, %get3A_3 : vector<32x128xf32>
    %mul3A = arith.constant 2.000000e+00 : f32
    %mul3A_32 = vector.broadcast %mul3A : f32 to vector<32x128xf32>
    %mul3A_33 = arith.mulf %mul3A_32, %get3A_13 : vector<32x128xf32>
    %div3A = arith.divf %sub3A, %mul3A_33 : vector<32x128xf32>
    %abs3A = math.absf %div3A : vector<32x128xf32>
    %mul3A_34 = arith.mulf %div3A, %div3A : vector<32x128xf32>
    %add3A = arith.constant 1.000000e+00 : f32
    %add3A_35 = vector.broadcast %add3A : f32 to vector<32x128xf32>
    %add3A_36 = arith.addf %add3A_35, %mul3A_34 : vector<32x128xf32>
    %sqrt3A = math.sqrt %add3A_36 : vector<32x128xf32>
    %add3A_37 = arith.addf %abs3A, %sqrt3A : vector<32x128xf32>
    %sign3A = tpu.bitcast %div3A : vector<32x128xf32> -> vector<32x128xi32>
    %sign3A_38 = arith.constant -2147483648 : i32
    %sign3A_39 = vector.broadcast %sign3A_38 : i32 to vector<32x128xi32>
    %sign3A_40 = arith.andi %sign3A, %sign3A_39 : vector<32x128xi32>
    %sign3A_41 = arith.constant 1065353216 : i32
    %sign3A_42 = vector.broadcast %sign3A_41 : i32 to vector<32x128xi32>
    %sign3A_43 = arith.ori %sign3A_42, %sign3A_40 : vector<32x128xi32>
    %sign3A_44 = tpu.bitcast %sign3A_43 : vector<32x128xi32> -> vector<32x128xf32>
    %sign3A_45 = math.absf %div3A : vector<32x128xf32>
    %sign3A_46 = arith.constant 0.000000e+00 : f32
    %sign3A_47 = vector.broadcast %sign3A_46 : f32 to vector<32x128xf32>
    %sign3A_48 = arith.cmpf ogt, %sign3A_45, %sign3A_47 : vector<32x128xf32>
    %sign3A_49 = arith.select %sign3A_48, %sign3A_44, %div3A : vector<32x128xi1>, vector<32x128xf32>
    %div3A_50 = arith.divf %sign3A_49, %add3A_37 : vector<32x128xf32>
    %eq3A = arith.constant 0.000000e+00 : f32
    %eq3A_51 = vector.broadcast %eq3A : f32 to vector<32x128xf32>
    %eq3A_52 = arith.cmpf oeq, %div3A, %eq3A_51 : vector<32x128xf32>
    %div3A_53 = arith.constant 1.000000e+00 : f32
    %div3A_54 = vector.broadcast %div3A_53 : f32 to vector<32x128xf32>
    %div3A_55 = arith.divf %div3A_54, %add3A_37 : vector<32x128xf32>
    %select_n3A = arith.select %eq3A_52, %div3A_55, %div3A_50 : vector<32x128xi1>, vector<32x128xf32>
    %mul3A_56 = arith.mulf %select_n3A, %select_n3A : vector<32x128xf32>
    %add3A_57 = arith.constant 1.000000e+00 : f32
    %add3A_58 = vector.broadcast %add3A_57 : f32 to vector<32x128xf32>
    %add3A_59 = arith.addf %add3A_58, %mul3A_56 : vector<32x128xf32>
    %sqrt3A_60 = math.sqrt %add3A_59 : vector<32x128xf32>
    %div3A_61 = arith.constant 1.000000e+00 : f32
    %div3A_62 = vector.broadcast %div3A_61 : f32 to vector<32x128xf32>
    %div3A_63 = arith.divf %div3A_62, %sqrt3A_60 : vector<32x128xf32>
    %mul3A_64 = arith.mulf %select_n3A, %div3A_63 : vector<32x128xf32>
    %eq3A_65 = arith.constant 0.000000e+00 : f32
    %eq3A_66 = vector.broadcast %eq3A_65 : f32 to vector<32x128xf32>
    %eq3A_67 = arith.cmpf oeq, %get3A_13, %eq3A_66 : vector<32x128xf32>
    %jit3A = arith.constant 1.000000e+00 : f32
    %broadcast_in_dim3A_68 = vector.broadcast %jit3A : f32 to vector<32x128xf32>
    %select_n3A_69 = arith.select %eq3A_67, %broadcast_in_dim3A_68, %div3A_63 : vector<32x128xi1>, vector<32x128xf32>
    %jit3A_70 = arith.constant 0.000000e+00 : f32
    %broadcast_in_dim3A_71 = vector.broadcast %jit3A_70 : f32 to vector<32x128xf32>
    %select_n3A_72 = arith.select %eq3A_67, %broadcast_in_dim3A_71, %mul3A_64 : vector<32x128xi1>, vector<32x128xf32>
    %mul3A_73 = arith.mulf %select_n3A_72, %select_n3A_69 : vector<32x128xf32>
    %mul3A_74 = arith.mulf %select_n3A_69, %select_n3A_69 : vector<32x128xf32>
    %mul3A_75 = arith.mulf %mul3A_74, %get3A_3 : vector<32x128xf32>
    %mul3A_76 = arith.mulf %mul3A_73, %get3A_13 : vector<32x128xf32>
    %mul3A_77 = arith.constant 2.000000e+00 : f32
    %mul3A_78 = vector.broadcast %mul3A_77 : f32 to vector<32x128xf32>
    %mul3A_79 = arith.mulf %mul3A_78, %mul3A_76 : vector<32x128xf32>
    %sub3A_80 = arith.subf %mul3A_75, %mul3A_79 : vector<32x128xf32>
    %mul3A_81 = arith.mulf %select_n3A_72, %select_n3A_72 : vector<32x128xf32>
    %mul3A_82 = arith.mulf %mul3A_81, %get3A_28 : vector<32x128xf32>
    %add3A_83 = arith.addf %sub3A_80, %mul3A_82 : vector<32x128xf32>
    %mul3A_84 = arith.mulf %select_n3A_72, %select_n3A_72 : vector<32x128xf32>
    %mul3A_85 = arith.mulf %mul3A_84, %get3A_3 : vector<32x128xf32>
    %mul3A_86 = arith.mulf %mul3A_73, %get3A_13 : vector<32x128xf32>
    %mul3A_87 = arith.constant 2.000000e+00 : f32
    %mul3A_88 = vector.broadcast %mul3A_87 : f32 to vector<32x128xf32>
    %mul3A_89 = arith.mulf %mul3A_88, %mul3A_86 : vector<32x128xf32>
    %add3A_90 = arith.addf %mul3A_85, %mul3A_89 : vector<32x128xf32>
    %mul3A_91 = arith.mulf %select_n3A_69, %select_n3A_69 : vector<32x128xf32>
    %mul3A_92 = arith.mulf %mul3A_91, %get3A_28 : vector<32x128xf32>
    %add3A_93 = arith.addf %add3A_90, %mul3A_92 : vector<32x128xf32>
    %sub3A_94 = arith.subf %get3A_3, %get3A_28 : vector<32x128xf32>
    %mul3A_95 = arith.mulf %mul3A_73, %sub3A_94 : vector<32x128xf32>
    %mul3A_96 = arith.mulf %select_n3A_69, %select_n3A_69 : vector<32x128xf32>
    %mul3A_97 = arith.mulf %select_n3A_72, %select_n3A_72 : vector<32x128xf32>
    %sub3A_98 = arith.subf %mul3A_96, %mul3A_97 : vector<32x128xf32>
    %mul3A_99 = arith.mulf %sub3A_98, %get3A_13 : vector<32x128xf32>
    %add3A_100 = arith.addf %mul3A_95, %mul3A_99 : vector<32x128xf32>
    %mul3A_101 = arith.mulf %select_n3A_69, %get3A_8 : vector<32x128xf32>
    %mul3A_102 = arith.mulf %select_n3A_72, %get3A_23 : vector<32x128xf32>
    %sub3A_103 = arith.subf %mul3A_101, %mul3A_102 : vector<32x128xf32>
    %mul3A_104 = arith.mulf %select_n3A_72, %get3A_8 : vector<32x128xf32>
    %mul3A_105 = arith.mulf %select_n3A_69, %get3A_23 : vector<32x128xf32>
    %add3A_106 = arith.addf %mul3A_104, %mul3A_105 : vector<32x128xf32>
    %mul3A_107 = arith.mulf %select_n3A_69, %broadcast_in_dim3A_29 : vector<32x128xf32>
    %mul3A_108 = arith.mulf %select_n3A_72, %broadcast_in_dim3A_31 : vector<32x128xf32>
    %sub3A_109 = arith.subf %mul3A_107, %mul3A_108 : vector<32x128xf32>
    %mul3A_110 = arith.mulf %select_n3A_72, %broadcast_in_dim3A_29 : vector<32x128xf32>
    %mul3A_111 = arith.mulf %select_n3A_69, %broadcast_in_dim3A_31 : vector<32x128xf32>
    %add3A_112 = arith.addf %mul3A_110, %mul3A_111 : vector<32x128xf32>
    %mul3A_113 = arith.mulf %select_n3A_69, %broadcast_in_dim3A_31 : vector<32x128xf32>
    %mul3A_114 = arith.mulf %select_n3A_72, %broadcast_in_dim3A_31 : vector<32x128xf32>
    %sub3A_115 = arith.subf %mul3A_113, %mul3A_114 : vector<32x128xf32>
    %mul3A_116 = arith.mulf %select_n3A_72, %broadcast_in_dim3A_31 : vector<32x128xf32>
    %mul3A_117 = arith.mulf %select_n3A_69, %broadcast_in_dim3A_31 : vector<32x128xf32>
    %add3A_118 = arith.addf %mul3A_116, %mul3A_117 : vector<32x128xf32>
    %mul3A_119 = arith.mulf %select_n3A_69, %broadcast_in_dim3A_31 : vector<32x128xf32>
    %mul3A_120 = arith.mulf %select_n3A_72, %broadcast_in_dim3A_29 : vector<32x128xf32>
    %sub3A_121 = arith.subf %mul3A_119, %mul3A_120 : vector<32x128xf32>
    %mul3A_122 = arith.mulf %select_n3A_72, %broadcast_in_dim3A_31 : vector<32x128xf32>
    %mul3A_123 = arith.mulf %select_n3A_69, %broadcast_in_dim3A_29 : vector<32x128xf32>
    %add3A_124 = arith.addf %mul3A_122, %mul3A_123 : vector<32x128xf32>
    %sub3A_125 = arith.subf %add3A_93, %get3A_18 : vector<32x128xf32>
    %mul3A_126 = arith.constant 2.000000e+00 : f32
    %mul3A_127 = vector.broadcast %mul3A_126 : f32 to vector<32x128xf32>
    %mul3A_128 = arith.mulf %mul3A_127, %add3A_106 : vector<32x128xf32>
    %div3A_129 = arith.divf %sub3A_125, %mul3A_128 : vector<32x128xf32>
    %abs3A_130 = math.absf %div3A_129 : vector<32x128xf32>
    %mul3A_131 = arith.mulf %div3A_129, %div3A_129 : vector<32x128xf32>
    %add3A_132 = arith.constant 1.000000e+00 : f32
    %add3A_133 = vector.broadcast %add3A_132 : f32 to vector<32x128xf32>
    %add3A_134 = arith.addf %add3A_133, %mul3A_131 : vector<32x128xf32>
    %sqrt3A_135 = math.sqrt %add3A_134 : vector<32x128xf32>
    %add3A_136 = arith.addf %abs3A_130, %sqrt3A_135 : vector<32x128xf32>
    %sign3A_137 = tpu.bitcast %div3A_129 : vector<32x128xf32> -> vector<32x128xi32>
    %sign3A_138 = arith.constant -2147483648 : i32
    %sign3A_139 = vector.broadcast %sign3A_138 : i32 to vector<32x128xi32>
    %sign3A_140 = arith.andi %sign3A_137, %sign3A_139 : vector<32x128xi32>
    %sign3A_141 = arith.constant 1065353216 : i32
    %sign3A_142 = vector.broadcast %sign3A_141 : i32 to vector<32x128xi32>
    %sign3A_143 = arith.ori %sign3A_142, %sign3A_140 : vector<32x128xi32>
    %sign3A_144 = tpu.bitcast %sign3A_143 : vector<32x128xi32> -> vector<32x128xf32>
    %sign3A_145 = math.absf %div3A_129 : vector<32x128xf32>
    %sign3A_146 = arith.constant 0.000000e+00 : f32
    %sign3A_147 = vector.broadcast %sign3A_146 : f32 to vector<32x128xf32>
    %sign3A_148 = arith.cmpf ogt, %sign3A_145, %sign3A_147 : vector<32x128xf32>
    %sign3A_149 = arith.select %sign3A_148, %sign3A_144, %div3A_129 : vector<32x128xi1>, vector<32x128xf32>
    %div3A_150 = arith.divf %sign3A_149, %add3A_136 : vector<32x128xf32>
    %eq3A_151 = arith.constant 0.000000e+00 : f32
    %eq3A_152 = vector.broadcast %eq3A_151 : f32 to vector<32x128xf32>
    %eq3A_153 = arith.cmpf oeq, %div3A_129, %eq3A_152 : vector<32x128xf32>
    %div3A_154 = arith.constant 1.000000e+00 : f32
    %div3A_155 = vector.broadcast %div3A_154 : f32 to vector<32x128xf32>
    %div3A_156 = arith.divf %div3A_155, %add3A_136 : vector<32x128xf32>
    %select_n3A_157 = arith.select %eq3A_153, %div3A_156, %div3A_150 : vector<32x128xi1>, vector<32x128xf32>
    %mul3A_158 = arith.mulf %select_n3A_157, %select_n3A_157 : vector<32x128xf32>
    %add3A_159 = arith.constant 1.000000e+00 : f32
    %add3A_160 = vector.broadcast %add3A_159 : f32 to vector<32x128xf32>
    %add3A_161 = arith.addf %add3A_160, %mul3A_158 : vector<32x128xf32>
    %sqrt3A_162 = math.sqrt %add3A_161 : vector<32x128xf32>
    %div3A_163 = arith.constant 1.000000e+00 : f32
    %div3A_164 = vector.broadcast %div3A_163 : f32 to vector<32x128xf32>
    %div3A_165 = arith.divf %div3A_164, %sqrt3A_162 : vector<32x128xf32>
    %mul3A_166 = arith.mulf %select_n3A_157, %div3A_165 : vector<32x128xf32>
    %eq3A_167 = arith.constant 0.000000e+00 : f32
    %eq3A_168 = vector.broadcast %eq3A_167 : f32 to vector<32x128xf32>
    %eq3A_169 = arith.cmpf oeq, %add3A_106, %eq3A_168 : vector<32x128xf32>
    %jit3A_170 = arith.constant 1.000000e+00 : f32
    %broadcast_in_dim3A_171 = vector.broadcast %jit3A_170 : f32 to vector<32x128xf32>
    %select_n3A_172 = arith.select %eq3A_169, %broadcast_in_dim3A_171, %div3A_165 : vector<32x128xi1>, vector<32x128xf32>
    %jit3A_173 = arith.constant 0.000000e+00 : f32
    %broadcast_in_dim3A_174 = vector.broadcast %jit3A_173 : f32 to vector<32x128xf32>
    %select_n3A_175 = arith.select %eq3A_169, %broadcast_in_dim3A_174, %mul3A_166 : vector<32x128xi1>, vector<32x128xf32>
    %mul3A_176 = arith.mulf %select_n3A_175, %select_n3A_172 : vector<32x128xf32>
    %mul3A_177 = arith.mulf %select_n3A_172, %select_n3A_172 : vector<32x128xf32>
    %mul3A_178 = arith.mulf %mul3A_177, %get3A_18 : vector<32x128xf32>
    %mul3A_179 = arith.mulf %mul3A_176, %add3A_106 : vector<32x128xf32>
    %mul3A_180 = arith.constant 2.000000e+00 : f32
    %mul3A_181 = vector.broadcast %mul3A_180 : f32 to vector<32x128xf32>
    %mul3A_182 = arith.mulf %mul3A_181, %mul3A_179 : vector<32x128xf32>
    %sub3A_183 = arith.subf %mul3A_178, %mul3A_182 : vector<32x128xf32>
    %mul3A_184 = arith.mulf %select_n3A_175, %select_n3A_175 : vector<32x128xf32>
    %mul3A_185 = arith.mulf %mul3A_184, %add3A_93 : vector<32x128xf32>
    %add3A_186 = arith.addf %sub3A_183, %mul3A_185 : vector<32x128xf32>
    %mul3A_187 = arith.mulf %select_n3A_175, %select_n3A_175 : vector<32x128xf32>
    %mul3A_188 = arith.mulf %mul3A_187, %get3A_18 : vector<32x128xf32>
    %mul3A_189 = arith.mulf %mul3A_176, %add3A_106 : vector<32x128xf32>
    %mul3A_190 = arith.constant 2.000000e+00 : f32
    %mul3A_191 = vector.broadcast %mul3A_190 : f32 to vector<32x128xf32>
    %mul3A_192 = arith.mulf %mul3A_191, %mul3A_189 : vector<32x128xf32>
    %add3A_193 = arith.addf %mul3A_188, %mul3A_192 : vector<32x128xf32>
    %mul3A_194 = arith.mulf %select_n3A_172, %select_n3A_172 : vector<32x128xf32>
    %mul3A_195 = arith.mulf %mul3A_194, %add3A_93 : vector<32x128xf32>
    %add3A_196 = arith.addf %add3A_193, %mul3A_195 : vector<32x128xf32>
    %sub3A_197 = arith.subf %get3A_18, %add3A_93 : vector<32x128xf32>
    %mul3A_198 = arith.mulf %mul3A_176, %sub3A_197 : vector<32x128xf32>
    %mul3A_199 = arith.mulf %select_n3A_172, %select_n3A_172 : vector<32x128xf32>
    %mul3A_200 = arith.mulf %select_n3A_175, %select_n3A_175 : vector<32x128xf32>
    %sub3A_201 = arith.subf %mul3A_199, %mul3A_200 : vector<32x128xf32>
    %mul3A_202 = arith.mulf %sub3A_201, %add3A_106 : vector<32x128xf32>
    %add3A_203 = arith.addf %mul3A_198, %mul3A_202 : vector<32x128xf32>
    %mul3A_204 = arith.mulf %select_n3A_172, %sub3A_103 : vector<32x128xf32>
    %mul3A_205 = arith.mulf %select_n3A_175, %add3A_100 : vector<32x128xf32>
    %sub3A_206 = arith.subf %mul3A_204, %mul3A_205 : vector<32x128xf32>
    %mul3A_207 = arith.mulf %select_n3A_175, %sub3A_103 : vector<32x128xf32>
    %mul3A_208 = arith.mulf %select_n3A_172, %add3A_100 : vector<32x128xf32>
    %add3A_209 = arith.addf %mul3A_207, %mul3A_208 : vector<32x128xf32>
    %mul3A_210 = arith.mulf %select_n3A_172, %broadcast_in_dim3A_31 : vector<32x128xf32>
    %mul3A_211 = arith.mulf %select_n3A_175, %add3A_112 : vector<32x128xf32>
    %sub3A_212 = arith.subf %mul3A_210, %mul3A_211 : vector<32x128xf32>
    %mul3A_213 = arith.mulf %select_n3A_175, %broadcast_in_dim3A_31 : vector<32x128xf32>
    %mul3A_214 = arith.mulf %select_n3A_172, %add3A_112 : vector<32x128xf32>
    %add3A_215 = arith.addf %mul3A_213, %mul3A_214 : vector<32x128xf32>
    %mul3A_216 = arith.mulf %select_n3A_172, %broadcast_in_dim3A_29 : vector<32x128xf32>
    %mul3A_217 = arith.mulf %select_n3A_175, %add3A_118 : vector<32x128xf32>
    %sub3A_218 = arith.subf %mul3A_216, %mul3A_217 : vector<32x128xf32>
    %mul3A_219 = arith.mulf %select_n3A_175, %broadcast_in_dim3A_29 : vector<32x128xf32>
    %mul3A_220 = arith.mulf %select_n3A_172, %add3A_118 : vector<32x128xf32>
    %add3A_221 = arith.addf %mul3A_219, %mul3A_220 : vector<32x128xf32>
    %mul3A_222 = arith.mulf %select_n3A_172, %broadcast_in_dim3A_31 : vector<32x128xf32>
    %mul3A_223 = arith.mulf %select_n3A_175, %add3A_124 : vector<32x128xf32>
    %sub3A_224 = arith.subf %mul3A_222, %mul3A_223 : vector<32x128xf32>
    %mul3A_225 = arith.mulf %select_n3A_175, %broadcast_in_dim3A_31 : vector<32x128xf32>
    %mul3A_226 = arith.mulf %select_n3A_172, %add3A_124 : vector<32x128xf32>
    %add3A_227 = arith.addf %mul3A_225, %mul3A_226 : vector<32x128xf32>
    %sub3A_228 = arith.subf %add3A_186, %add3A_83 : vector<32x128xf32>
    %mul3A_229 = arith.constant 2.000000e+00 : f32
    %mul3A_230 = vector.broadcast %mul3A_229 : f32 to vector<32x128xf32>
    %mul3A_231 = arith.mulf %mul3A_230, %sub3A_206 : vector<32x128xf32>
    %div3A_232 = arith.divf %sub3A_228, %mul3A_231 : vector<32x128xf32>
    %abs3A_233 = math.absf %div3A_232 : vector<32x128xf32>
    %mul3A_234 = arith.mulf %div3A_232, %div3A_232 : vector<32x128xf32>
    %add3A_235 = arith.constant 1.000000e+00 : f32
    %add3A_236 = vector.broadcast %add3A_235 : f32 to vector<32x128xf32>
    %add3A_237 = arith.addf %add3A_236, %mul3A_234 : vector<32x128xf32>
    %sqrt3A_238 = math.sqrt %add3A_237 : vector<32x128xf32>
    %add3A_239 = arith.addf %abs3A_233, %sqrt3A_238 : vector<32x128xf32>
    %sign3A_240 = tpu.bitcast %div3A_232 : vector<32x128xf32> -> vector<32x128xi32>
    %sign3A_241 = arith.constant -2147483648 : i32
    %sign3A_242 = vector.broadcast %sign3A_241 : i32 to vector<32x128xi32>
    %sign3A_243 = arith.andi %sign3A_240, %sign3A_242 : vector<32x128xi32>
    %sign3A_244 = arith.constant 1065353216 : i32
    %sign3A_245 = vector.broadcast %sign3A_244 : i32 to vector<32x128xi32>
    %sign3A_246 = arith.ori %sign3A_245, %sign3A_243 : vector<32x128xi32>
    %sign3A_247 = tpu.bitcast %sign3A_246 : vector<32x128xi32> -> vector<32x128xf32>
    %sign3A_248 = math.absf %div3A_232 : vector<32x128xf32>
    %sign3A_249 = arith.constant 0.000000e+00 : f32
    %sign3A_250 = vector.broadcast %sign3A_249 : f32 to vector<32x128xf32>
    %sign3A_251 = arith.cmpf ogt, %sign3A_248, %sign3A_250 : vector<32x128xf32>
    %sign3A_252 = arith.select %sign3A_251, %sign3A_247, %div3A_232 : vector<32x128xi1>, vector<32x128xf32>
    %div3A_253 = arith.divf %sign3A_252, %add3A_239 : vector<32x128xf32>
    %eq3A_254 = arith.constant 0.000000e+00 : f32
    %eq3A_255 = vector.broadcast %eq3A_254 : f32 to vector<32x128xf32>
    %eq3A_256 = arith.cmpf oeq, %div3A_232, %eq3A_255 : vector<32x128xf32>
    %div3A_257 = arith.constant 1.000000e+00 : f32
    %div3A_258 = vector.broadcast %div3A_257 : f32 to vector<32x128xf32>
    %div3A_259 = arith.divf %div3A_258, %add3A_239 : vector<32x128xf32>
    %select_n3A_260 = arith.select %eq3A_256, %div3A_259, %div3A_253 : vector<32x128xi1>, vector<32x128xf32>
    %mul3A_261 = arith.mulf %select_n3A_260, %select_n3A_260 : vector<32x128xf32>
    %add3A_262 = arith.constant 1.000000e+00 : f32
    %add3A_263 = vector.broadcast %add3A_262 : f32 to vector<32x128xf32>
    %add3A_264 = arith.addf %add3A_263, %mul3A_261 : vector<32x128xf32>
    %sqrt3A_265 = math.sqrt %add3A_264 : vector<32x128xf32>
    %div3A_266 = arith.constant 1.000000e+00 : f32
    %div3A_267 = vector.broadcast %div3A_266 : f32 to vector<32x128xf32>
    %div3A_268 = arith.divf %div3A_267, %sqrt3A_265 : vector<32x128xf32>
    %mul3A_269 = arith.mulf %select_n3A_260, %div3A_268 : vector<32x128xf32>
    %eq3A_270 = arith.constant 0.000000e+00 : f32
    %eq3A_271 = vector.broadcast %eq3A_270 : f32 to vector<32x128xf32>
    %eq3A_272 = arith.cmpf oeq, %sub3A_206, %eq3A_271 : vector<32x128xf32>
    %jit3A_273 = arith.constant 1.000000e+00 : f32
    %broadcast_in_dim3A_274 = vector.broadcast %jit3A_273 : f32 to vector<32x128xf32>
    %select_n3A_275 = arith.select %eq3A_272, %broadcast_in_dim3A_274, %div3A_268 : vector<32x128xi1>, vector<32x128xf32>
    %jit3A_276 = arith.constant 0.000000e+00 : f32
    %broadcast_in_dim3A_277 = vector.broadcast %jit3A_276 : f32 to vector<32x128xf32>
    %select_n3A_278 = arith.select %eq3A_272, %broadcast_in_dim3A_277, %mul3A_269 : vector<32x128xi1>, vector<32x128xf32>
    %mul3A_279 = arith.mulf %select_n3A_278, %select_n3A_275 : vector<32x128xf32>
    %mul3A_280 = arith.mulf %select_n3A_275, %select_n3A_275 : vector<32x128xf32>
    %mul3A_281 = arith.mulf %mul3A_280, %add3A_83 : vector<32x128xf32>
    %mul3A_282 = arith.mulf %mul3A_279, %sub3A_206 : vector<32x128xf32>
    %mul3A_283 = arith.constant 2.000000e+00 : f32
    %mul3A_284 = vector.broadcast %mul3A_283 : f32 to vector<32x128xf32>
    %mul3A_285 = arith.mulf %mul3A_284, %mul3A_282 : vector<32x128xf32>
    %sub3A_286 = arith.subf %mul3A_281, %mul3A_285 : vector<32x128xf32>
    %mul3A_287 = arith.mulf %select_n3A_278, %select_n3A_278 : vector<32x128xf32>
    %mul3A_288 = arith.mulf %mul3A_287, %add3A_186 : vector<32x128xf32>
    %add3A_289 = arith.addf %sub3A_286, %mul3A_288 : vector<32x128xf32>
    %mul3A_290 = arith.mulf %select_n3A_278, %select_n3A_278 : vector<32x128xf32>
    %mul3A_291 = arith.mulf %mul3A_290, %add3A_83 : vector<32x128xf32>
    %mul3A_292 = arith.mulf %mul3A_279, %sub3A_206 : vector<32x128xf32>
    %mul3A_293 = arith.constant 2.000000e+00 : f32
    %mul3A_294 = vector.broadcast %mul3A_293 : f32 to vector<32x128xf32>
    %mul3A_295 = arith.mulf %mul3A_294, %mul3A_292 : vector<32x128xf32>
    %add3A_296 = arith.addf %mul3A_291, %mul3A_295 : vector<32x128xf32>
    %mul3A_297 = arith.mulf %select_n3A_275, %select_n3A_275 : vector<32x128xf32>
    %mul3A_298 = arith.mulf %mul3A_297, %add3A_186 : vector<32x128xf32>
    %add3A_299 = arith.addf %add3A_296, %mul3A_298 : vector<32x128xf32>
    %sub3A_300 = arith.subf %add3A_83, %add3A_186 : vector<32x128xf32>
    %mul3A_301 = arith.mulf %mul3A_279, %sub3A_300 : vector<32x128xf32>
    %mul3A_302 = arith.mulf %select_n3A_275, %select_n3A_275 : vector<32x128xf32>
    %mul3A_303 = arith.mulf %select_n3A_278, %select_n3A_278 : vector<32x128xf32>
    %sub3A_304 = arith.subf %mul3A_302, %mul3A_303 : vector<32x128xf32>
    %mul3A_305 = arith.mulf %sub3A_304, %sub3A_206 : vector<32x128xf32>
    %add3A_306 = arith.addf %mul3A_301, %mul3A_305 : vector<32x128xf32>
    %mul3A_307 = arith.mulf %select_n3A_275, %add3A_209 : vector<32x128xf32>
    %mul3A_308 = arith.mulf %select_n3A_278, %add3A_203 : vector<32x128xf32>
    %sub3A_309 = arith.subf %mul3A_307, %mul3A_308 : vector<32x128xf32>
    %mul3A_310 = arith.mulf %select_n3A_278, %add3A_209 : vector<32x128xf32>
    %mul3A_311 = arith.mulf %select_n3A_275, %add3A_203 : vector<32x128xf32>
    %add3A_312 = arith.addf %mul3A_310, %mul3A_311 : vector<32x128xf32>
    %mul3A_313 = arith.mulf %select_n3A_275, %sub3A_109 : vector<32x128xf32>
    %mul3A_314 = arith.mulf %select_n3A_278, %sub3A_212 : vector<32x128xf32>
    %sub3A_315 = arith.subf %mul3A_313, %mul3A_314 : vector<32x128xf32>
    %mul3A_316 = arith.mulf %select_n3A_278, %sub3A_109 : vector<32x128xf32>
    %mul3A_317 = arith.mulf %select_n3A_275, %sub3A_212 : vector<32x128xf32>
    %add3A_318 = arith.addf %mul3A_316, %mul3A_317 : vector<32x128xf32>
    %mul3A_319 = arith.mulf %select_n3A_275, %sub3A_115 : vector<32x128xf32>
    %mul3A_320 = arith.mulf %select_n3A_278, %sub3A_218 : vector<32x128xf32>
    %sub3A_321 = arith.subf %mul3A_319, %mul3A_320 : vector<32x128xf32>
    %mul3A_322 = arith.mulf %select_n3A_278, %sub3A_115 : vector<32x128xf32>
    %mul3A_323 = arith.mulf %select_n3A_275, %sub3A_218 : vector<32x128xf32>
    %add3A_324 = arith.addf %mul3A_322, %mul3A_323 : vector<32x128xf32>
    %mul3A_325 = arith.mulf %select_n3A_275, %sub3A_121 : vector<32x128xf32>
    %mul3A_326 = arith.mulf %select_n3A_278, %sub3A_224 : vector<32x128xf32>
    %sub3A_327 = arith.subf %mul3A_325, %mul3A_326 : vector<32x128xf32>
    %mul3A_328 = arith.mulf %select_n3A_278, %sub3A_121 : vector<32x128xf32>
    %mul3A_329 = arith.mulf %select_n3A_275, %sub3A_224 : vector<32x128xf32>
    %add3A_330 = arith.addf %mul3A_328, %mul3A_329 : vector<32x128xf32>
    %sub3A_331 = arith.subf %add3A_196, %add3A_289 : vector<32x128xf32>
    %mul3A_332 = arith.constant 2.000000e+00 : f32
    %mul3A_333 = vector.broadcast %mul3A_332 : f32 to vector<32x128xf32>
    %mul3A_334 = arith.mulf %mul3A_333, %sub3A_309 : vector<32x128xf32>
    %div3A_335 = arith.divf %sub3A_331, %mul3A_334 : vector<32x128xf32>
    %abs3A_336 = math.absf %div3A_335 : vector<32x128xf32>
    %mul3A_337 = arith.mulf %div3A_335, %div3A_335 : vector<32x128xf32>
    %add3A_338 = arith.constant 1.000000e+00 : f32
    %add3A_339 = vector.broadcast %add3A_338 : f32 to vector<32x128xf32>
    %add3A_340 = arith.addf %add3A_339, %mul3A_337 : vector<32x128xf32>
    %sqrt3A_341 = math.sqrt %add3A_340 : vector<32x128xf32>
    %add3A_342 = arith.addf %abs3A_336, %sqrt3A_341 : vector<32x128xf32>
    %sign3A_343 = tpu.bitcast %div3A_335 : vector<32x128xf32> -> vector<32x128xi32>
    %sign3A_344 = arith.constant -2147483648 : i32
    %sign3A_345 = vector.broadcast %sign3A_344 : i32 to vector<32x128xi32>
    %sign3A_346 = arith.andi %sign3A_343, %sign3A_345 : vector<32x128xi32>
    %sign3A_347 = arith.constant 1065353216 : i32
    %sign3A_348 = vector.broadcast %sign3A_347 : i32 to vector<32x128xi32>
    %sign3A_349 = arith.ori %sign3A_348, %sign3A_346 : vector<32x128xi32>
    %sign3A_350 = tpu.bitcast %sign3A_349 : vector<32x128xi32> -> vector<32x128xf32>
    %sign3A_351 = math.absf %div3A_335 : vector<32x128xf32>
    %sign3A_352 = arith.constant 0.000000e+00 : f32
    %sign3A_353 = vector.broadcast %sign3A_352 : f32 to vector<32x128xf32>
    %sign3A_354 = arith.cmpf ogt, %sign3A_351, %sign3A_353 : vector<32x128xf32>
    %sign3A_355 = arith.select %sign3A_354, %sign3A_350, %div3A_335 : vector<32x128xi1>, vector<32x128xf32>
    %div3A_356 = arith.divf %sign3A_355, %add3A_342 : vector<32x128xf32>
    %eq3A_357 = arith.constant 0.000000e+00 : f32
    %eq3A_358 = vector.broadcast %eq3A_357 : f32 to vector<32x128xf32>
    %eq3A_359 = arith.cmpf oeq, %div3A_335, %eq3A_358 : vector<32x128xf32>
    %div3A_360 = arith.constant 1.000000e+00 : f32
    %div3A_361 = vector.broadcast %div3A_360 : f32 to vector<32x128xf32>
    %div3A_362 = arith.divf %div3A_361, %add3A_342 : vector<32x128xf32>
    %select_n3A_363 = arith.select %eq3A_359, %div3A_362, %div3A_356 : vector<32x128xi1>, vector<32x128xf32>
    %mul3A_364 = arith.mulf %select_n3A_363, %select_n3A_363 : vector<32x128xf32>
    %add3A_365 = arith.constant 1.000000e+00 : f32
    %add3A_366 = vector.broadcast %add3A_365 : f32 to vector<32x128xf32>
    %add3A_367 = arith.addf %add3A_366, %mul3A_364 : vector<32x128xf32>
    %sqrt3A_368 = math.sqrt %add3A_367 : vector<32x128xf32>
    %div3A_369 = arith.constant 1.000000e+00 : f32
    %div3A_370 = vector.broadcast %div3A_369 : f32 to vector<32x128xf32>
    %div3A_371 = arith.divf %div3A_370, %sqrt3A_368 : vector<32x128xf32>
    %mul3A_372 = arith.mulf %select_n3A_363, %div3A_371 : vector<32x128xf32>
    %eq3A_373 = arith.constant 0.000000e+00 : f32
    %eq3A_374 = vector.broadcast %eq3A_373 : f32 to vector<32x128xf32>
    %eq3A_375 = arith.cmpf oeq, %sub3A_309, %eq3A_374 : vector<32x128xf32>
    %jit3A_376 = arith.constant 1.000000e+00 : f32
    %broadcast_in_dim3A_377 = vector.broadcast %jit3A_376 : f32 to vector<32x128xf32>
    %select_n3A_378 = arith.select %eq3A_375, %broadcast_in_dim3A_377, %div3A_371 : vector<32x128xi1>, vector<32x128xf32>
    %jit3A_379 = arith.constant 0.000000e+00 : f32
    %broadcast_in_dim3A_380 = vector.broadcast %jit3A_379 : f32 to vector<32x128xf32>
    %select_n3A_381 = arith.select %eq3A_375, %broadcast_in_dim3A_380, %mul3A_372 : vector<32x128xi1>, vector<32x128xf32>
    %mul3A_382 = arith.mulf %select_n3A_381, %select_n3A_378 : vector<32x128xf32>
    %mul3A_383 = arith.mulf %select_n3A_378, %select_n3A_378 : vector<32x128xf32>
    %mul3A_384 = arith.mulf %mul3A_383, %add3A_289 : vector<32x128xf32>
    %mul3A_385 = arith.mulf %mul3A_382, %sub3A_309 : vector<32x128xf32>
    %mul3A_386 = arith.constant 2.000000e+00 : f32
    %mul3A_387 = vector.broadcast %mul3A_386 : f32 to vector<32x128xf32>
    %mul3A_388 = arith.mulf %mul3A_387, %mul3A_385 : vector<32x128xf32>
    %sub3A_389 = arith.subf %mul3A_384, %mul3A_388 : vector<32x128xf32>
    %mul3A_390 = arith.mulf %select_n3A_381, %select_n3A_381 : vector<32x128xf32>
    %mul3A_391 = arith.mulf %mul3A_390, %add3A_196 : vector<32x128xf32>
    %add3A_392 = arith.addf %sub3A_389, %mul3A_391 : vector<32x128xf32>
    %mul3A_393 = arith.mulf %select_n3A_381, %select_n3A_381 : vector<32x128xf32>
    %mul3A_394 = arith.mulf %mul3A_393, %add3A_289 : vector<32x128xf32>
    %mul3A_395 = arith.mulf %mul3A_382, %sub3A_309 : vector<32x128xf32>
    %mul3A_396 = arith.constant 2.000000e+00 : f32
    %mul3A_397 = vector.broadcast %mul3A_396 : f32 to vector<32x128xf32>
    %mul3A_398 = arith.mulf %mul3A_397, %mul3A_395 : vector<32x128xf32>
    %add3A_399 = arith.addf %mul3A_394, %mul3A_398 : vector<32x128xf32>
    %mul3A_400 = arith.mulf %select_n3A_378, %select_n3A_378 : vector<32x128xf32>
    %mul3A_401 = arith.mulf %mul3A_400, %add3A_196 : vector<32x128xf32>
    %add3A_402 = arith.addf %add3A_399, %mul3A_401 : vector<32x128xf32>
    %sub3A_403 = arith.subf %add3A_289, %add3A_196 : vector<32x128xf32>
    %mul3A_404 = arith.mulf %mul3A_382, %sub3A_403 : vector<32x128xf32>
    %mul3A_405 = arith.mulf %select_n3A_378, %select_n3A_378 : vector<32x128xf32>
    %mul3A_406 = arith.mulf %select_n3A_381, %select_n3A_381 : vector<32x128xf32>
    %sub3A_407 = arith.subf %mul3A_405, %mul3A_406 : vector<32x128xf32>
    %mul3A_408 = arith.mulf %sub3A_407, %sub3A_309 : vector<32x128xf32>
    %add3A_409 = arith.addf %mul3A_404, %mul3A_408 : vector<32x128xf32>
    %mul3A_410 = arith.mulf %select_n3A_378, %add3A_306 : vector<32x128xf32>
    %mul3A_411 = arith.mulf %select_n3A_381, %add3A_312 : vector<32x128xf32>
    %sub3A_412 = arith.subf %mul3A_410, %mul3A_411 : vector<32x128xf32>
    %mul3A_413 = arith.mulf %select_n3A_381, %add3A_306 : vector<32x128xf32>
    %mul3A_414 = arith.mulf %select_n3A_378, %add3A_312 : vector<32x128xf32>
    %add3A_415 = arith.addf %mul3A_413, %mul3A_414 : vector<32x128xf32>
    %mul3A_416 = arith.mulf %select_n3A_378, %sub3A_315 : vector<32x128xf32>
    %mul3A_417 = arith.mulf %select_n3A_381, %add3A_215 : vector<32x128xf32>
    %sub3A_418 = arith.subf %mul3A_416, %mul3A_417 : vector<32x128xf32>
    %mul3A_419 = arith.mulf %select_n3A_381, %sub3A_315 : vector<32x128xf32>
    %mul3A_420 = arith.mulf %select_n3A_378, %add3A_215 : vector<32x128xf32>
    %add3A_421 = arith.addf %mul3A_419, %mul3A_420 : vector<32x128xf32>
    %mul3A_422 = arith.mulf %select_n3A_378, %sub3A_321 : vector<32x128xf32>
    %mul3A_423 = arith.mulf %select_n3A_381, %add3A_221 : vector<32x128xf32>
    %sub3A_424 = arith.subf %mul3A_422, %mul3A_423 : vector<32x128xf32>
    %mul3A_425 = arith.mulf %select_n3A_381, %sub3A_321 : vector<32x128xf32>
    %mul3A_426 = arith.mulf %select_n3A_378, %add3A_221 : vector<32x128xf32>
    %add3A_427 = arith.addf %mul3A_425, %mul3A_426 : vector<32x128xf32>
    %mul3A_428 = arith.mulf %select_n3A_378, %sub3A_327 : vector<32x128xf32>
    %mul3A_429 = arith.mulf %select_n3A_381, %add3A_227 : vector<32x128xf32>
    %sub3A_430 = arith.subf %mul3A_428, %mul3A_429 : vector<32x128xf32>
    %mul3A_431 = arith.mulf %select_n3A_381, %sub3A_327 : vector<32x128xf32>
    %mul3A_432 = arith.mulf %select_n3A_378, %add3A_227 : vector<32x128xf32>
    %add3A_433 = arith.addf %mul3A_431, %mul3A_432 : vector<32x128xf32>
    %sub3A_434 = arith.subf %add3A_402, %add3A_299 : vector<32x128xf32>
    %mul3A_435 = arith.constant 2.000000e+00 : f32
    %mul3A_436 = vector.broadcast %mul3A_435 : f32 to vector<32x128xf32>
    %mul3A_437 = arith.mulf %mul3A_436, %add3A_415 : vector<32x128xf32>
    %div3A_438 = arith.divf %sub3A_434, %mul3A_437 : vector<32x128xf32>
    %abs3A_439 = math.absf %div3A_438 : vector<32x128xf32>
    %mul3A_440 = arith.mulf %div3A_438, %div3A_438 : vector<32x128xf32>
    %add3A_441 = arith.constant 1.000000e+00 : f32
    %add3A_442 = vector.broadcast %add3A_441 : f32 to vector<32x128xf32>
    %add3A_443 = arith.addf %add3A_442, %mul3A_440 : vector<32x128xf32>
    %sqrt3A_444 = math.sqrt %add3A_443 : vector<32x128xf32>
    %add3A_445 = arith.addf %abs3A_439, %sqrt3A_444 : vector<32x128xf32>
    %sign3A_446 = tpu.bitcast %div3A_438 : vector<32x128xf32> -> vector<32x128xi32>
    %sign3A_447 = arith.constant -2147483648 : i32
    %sign3A_448 = vector.broadcast %sign3A_447 : i32 to vector<32x128xi32>
    %sign3A_449 = arith.andi %sign3A_446, %sign3A_448 : vector<32x128xi32>
    %sign3A_450 = arith.constant 1065353216 : i32
    %sign3A_451 = vector.broadcast %sign3A_450 : i32 to vector<32x128xi32>
    %sign3A_452 = arith.ori %sign3A_451, %sign3A_449 : vector<32x128xi32>
    %sign3A_453 = tpu.bitcast %sign3A_452 : vector<32x128xi32> -> vector<32x128xf32>
    %sign3A_454 = math.absf %div3A_438 : vector<32x128xf32>
    %sign3A_455 = arith.constant 0.000000e+00 : f32
    %sign3A_456 = vector.broadcast %sign3A_455 : f32 to vector<32x128xf32>
    %sign3A_457 = arith.cmpf ogt, %sign3A_454, %sign3A_456 : vector<32x128xf32>
    %sign3A_458 = arith.select %sign3A_457, %sign3A_453, %div3A_438 : vector<32x128xi1>, vector<32x128xf32>
    %div3A_459 = arith.divf %sign3A_458, %add3A_445 : vector<32x128xf32>
    %eq3A_460 = arith.constant 0.000000e+00 : f32
    %eq3A_461 = vector.broadcast %eq3A_460 : f32 to vector<32x128xf32>
    %eq3A_462 = arith.cmpf oeq, %div3A_438, %eq3A_461 : vector<32x128xf32>
    %div3A_463 = arith.constant 1.000000e+00 : f32
    %div3A_464 = vector.broadcast %div3A_463 : f32 to vector<32x128xf32>
    %div3A_465 = arith.divf %div3A_464, %add3A_445 : vector<32x128xf32>
    %select_n3A_466 = arith.select %eq3A_462, %div3A_465, %div3A_459 : vector<32x128xi1>, vector<32x128xf32>
    %mul3A_467 = arith.mulf %select_n3A_466, %select_n3A_466 : vector<32x128xf32>
    %add3A_468 = arith.constant 1.000000e+00 : f32
    %add3A_469 = vector.broadcast %add3A_468 : f32 to vector<32x128xf32>
    %add3A_470 = arith.addf %add3A_469, %mul3A_467 : vector<32x128xf32>
    %sqrt3A_471 = math.sqrt %add3A_470 : vector<32x128xf32>
    %div3A_472 = arith.constant 1.000000e+00 : f32
    %div3A_473 = vector.broadcast %div3A_472 : f32 to vector<32x128xf32>
    %div3A_474 = arith.divf %div3A_473, %sqrt3A_471 : vector<32x128xf32>
    %mul3A_475 = arith.mulf %select_n3A_466, %div3A_474 : vector<32x128xf32>
    %eq3A_476 = arith.constant 0.000000e+00 : f32
    %eq3A_477 = vector.broadcast %eq3A_476 : f32 to vector<32x128xf32>
    %eq3A_478 = arith.cmpf oeq, %add3A_415, %eq3A_477 : vector<32x128xf32>
    %jit3A_479 = arith.constant 1.000000e+00 : f32
    %broadcast_in_dim3A_480 = vector.broadcast %jit3A_479 : f32 to vector<32x128xf32>
    %select_n3A_481 = arith.select %eq3A_478, %broadcast_in_dim3A_480, %div3A_474 : vector<32x128xi1>, vector<32x128xf32>
    %jit3A_482 = arith.constant 0.000000e+00 : f32
    %broadcast_in_dim3A_483 = vector.broadcast %jit3A_482 : f32 to vector<32x128xf32>
    %select_n3A_484 = arith.select %eq3A_478, %broadcast_in_dim3A_483, %mul3A_475 : vector<32x128xi1>, vector<32x128xf32>
    %mul3A_485 = arith.mulf %select_n3A_484, %select_n3A_481 : vector<32x128xf32>
    %mul3A_486 = arith.mulf %select_n3A_481, %select_n3A_481 : vector<32x128xf32>
    %mul3A_487 = arith.mulf %mul3A_486, %add3A_299 : vector<32x128xf32>
    %mul3A_488 = arith.mulf %mul3A_485, %add3A_415 : vector<32x128xf32>
    %mul3A_489 = arith.constant 2.000000e+00 : f32
    %mul3A_490 = vector.broadcast %mul3A_489 : f32 to vector<32x128xf32>
    %mul3A_491 = arith.mulf %mul3A_490, %mul3A_488 : vector<32x128xf32>
    %sub3A_492 = arith.subf %mul3A_487, %mul3A_491 : vector<32x128xf32>
    %mul3A_493 = arith.mulf %select_n3A_484, %select_n3A_484 : vector<32x128xf32>
    %mul3A_494 = arith.mulf %mul3A_493, %add3A_402 : vector<32x128xf32>
    %add3A_495 = arith.addf %sub3A_492, %mul3A_494 : vector<32x128xf32>
    %mul3A_496 = arith.mulf %select_n3A_484, %select_n3A_484 : vector<32x128xf32>
    %mul3A_497 = arith.mulf %mul3A_496, %add3A_299 : vector<32x128xf32>
    %mul3A_498 = arith.mulf %mul3A_485, %add3A_415 : vector<32x128xf32>
    %mul3A_499 = arith.constant 2.000000e+00 : f32
    %mul3A_500 = vector.broadcast %mul3A_499 : f32 to vector<32x128xf32>
    %mul3A_501 = arith.mulf %mul3A_500, %mul3A_498 : vector<32x128xf32>
    %add3A_502 = arith.addf %mul3A_497, %mul3A_501 : vector<32x128xf32>
    %mul3A_503 = arith.mulf %select_n3A_481, %select_n3A_481 : vector<32x128xf32>
    %mul3A_504 = arith.mulf %mul3A_503, %add3A_402 : vector<32x128xf32>
    %add3A_505 = arith.addf %add3A_502, %mul3A_504 : vector<32x128xf32>
    %sub3A_506 = arith.subf %add3A_299, %add3A_402 : vector<32x128xf32>
    %mul3A_507 = arith.mulf %mul3A_485, %sub3A_506 : vector<32x128xf32>
    %mul3A_508 = arith.mulf %select_n3A_481, %select_n3A_481 : vector<32x128xf32>
    %mul3A_509 = arith.mulf %select_n3A_484, %select_n3A_484 : vector<32x128xf32>
    %sub3A_510 = arith.subf %mul3A_508, %mul3A_509 : vector<32x128xf32>
    %mul3A_511 = arith.mulf %sub3A_510, %add3A_415 : vector<32x128xf32>
    %add3A_512 = arith.addf %mul3A_507, %mul3A_511 : vector<32x128xf32>
    %mul3A_513 = arith.mulf %select_n3A_481, %sub3A_412 : vector<32x128xf32>
    %mul3A_514 = arith.mulf %select_n3A_484, %add3A_409 : vector<32x128xf32>
    %sub3A_515 = arith.subf %mul3A_513, %mul3A_514 : vector<32x128xf32>
    %mul3A_516 = arith.mulf %select_n3A_484, %sub3A_412 : vector<32x128xf32>
    %mul3A_517 = arith.mulf %select_n3A_481, %add3A_409 : vector<32x128xf32>
    %add3A_518 = arith.addf %mul3A_516, %mul3A_517 : vector<32x128xf32>
    %mul3A_519 = arith.mulf %select_n3A_481, %add3A_318 : vector<32x128xf32>
    %mul3A_520 = arith.mulf %select_n3A_484, %add3A_421 : vector<32x128xf32>
    %sub3A_521 = arith.subf %mul3A_519, %mul3A_520 : vector<32x128xf32>
    %mul3A_522 = arith.mulf %select_n3A_484, %add3A_318 : vector<32x128xf32>
    %mul3A_523 = arith.mulf %select_n3A_481, %add3A_421 : vector<32x128xf32>
    %add3A_524 = arith.addf %mul3A_522, %mul3A_523 : vector<32x128xf32>
    %mul3A_525 = arith.mulf %select_n3A_481, %add3A_324 : vector<32x128xf32>
    %mul3A_526 = arith.mulf %select_n3A_484, %add3A_427 : vector<32x128xf32>
    %sub3A_527 = arith.subf %mul3A_525, %mul3A_526 : vector<32x128xf32>
    %mul3A_528 = arith.mulf %select_n3A_484, %add3A_324 : vector<32x128xf32>
    %mul3A_529 = arith.mulf %select_n3A_481, %add3A_427 : vector<32x128xf32>
    %add3A_530 = arith.addf %mul3A_528, %mul3A_529 : vector<32x128xf32>
    %mul3A_531 = arith.mulf %select_n3A_481, %add3A_330 : vector<32x128xf32>
    %mul3A_532 = arith.mulf %select_n3A_484, %add3A_433 : vector<32x128xf32>
    %sub3A_533 = arith.subf %mul3A_531, %mul3A_532 : vector<32x128xf32>
    %mul3A_534 = arith.mulf %select_n3A_484, %add3A_330 : vector<32x128xf32>
    %mul3A_535 = arith.mulf %select_n3A_481, %add3A_433 : vector<32x128xf32>
    %add3A_536 = arith.addf %mul3A_534, %mul3A_535 : vector<32x128xf32>
    %sub3A_537 = arith.subf %add3A_495, %add3A_392 : vector<32x128xf32>
    %mul3A_538 = arith.constant 2.000000e+00 : f32
    %mul3A_539 = vector.broadcast %mul3A_538 : f32 to vector<32x128xf32>
    %mul3A_540 = arith.mulf %mul3A_539, %sub3A_515 : vector<32x128xf32>
    %div3A_541 = arith.divf %sub3A_537, %mul3A_540 : vector<32x128xf32>
    %abs3A_542 = math.absf %div3A_541 : vector<32x128xf32>
    %mul3A_543 = arith.mulf %div3A_541, %div3A_541 : vector<32x128xf32>
    %add3A_544 = arith.constant 1.000000e+00 : f32
    %add3A_545 = vector.broadcast %add3A_544 : f32 to vector<32x128xf32>
    %add3A_546 = arith.addf %add3A_545, %mul3A_543 : vector<32x128xf32>
    %sqrt3A_547 = math.sqrt %add3A_546 : vector<32x128xf32>
    %add3A_548 = arith.addf %abs3A_542, %sqrt3A_547 : vector<32x128xf32>
    %sign3A_549 = tpu.bitcast %div3A_541 : vector<32x128xf32> -> vector<32x128xi32>
    %sign3A_550 = arith.constant -2147483648 : i32
    %sign3A_551 = vector.broadcast %sign3A_550 : i32 to vector<32x128xi32>
    %sign3A_552 = arith.andi %sign3A_549, %sign3A_551 : vector<32x128xi32>
    %sign3A_553 = arith.constant 1065353216 : i32
    %sign3A_554 = vector.broadcast %sign3A_553 : i32 to vector<32x128xi32>
    %sign3A_555 = arith.ori %sign3A_554, %sign3A_552 : vector<32x128xi32>
    %sign3A_556 = tpu.bitcast %sign3A_555 : vector<32x128xi32> -> vector<32x128xf32>
    %sign3A_557 = math.absf %div3A_541 : vector<32x128xf32>
    %sign3A_558 = arith.constant 0.000000e+00 : f32
    %sign3A_559 = vector.broadcast %sign3A_558 : f32 to vector<32x128xf32>
    %sign3A_560 = arith.cmpf ogt, %sign3A_557, %sign3A_559 : vector<32x128xf32>
    %sign3A_561 = arith.select %sign3A_560, %sign3A_556, %div3A_541 : vector<32x128xi1>, vector<32x128xf32>
    %div3A_562 = arith.divf %sign3A_561, %add3A_548 : vector<32x128xf32>
    %eq3A_563 = arith.constant 0.000000e+00 : f32
    %eq3A_564 = vector.broadcast %eq3A_563 : f32 to vector<32x128xf32>
    %eq3A_565 = arith.cmpf oeq, %div3A_541, %eq3A_564 : vector<32x128xf32>
    %div3A_566 = arith.constant 1.000000e+00 : f32
    %div3A_567 = vector.broadcast %div3A_566 : f32 to vector<32x128xf32>
    %div3A_568 = arith.divf %div3A_567, %add3A_548 : vector<32x128xf32>
    %select_n3A_569 = arith.select %eq3A_565, %div3A_568, %div3A_562 : vector<32x128xi1>, vector<32x128xf32>
    %mul3A_570 = arith.mulf %select_n3A_569, %select_n3A_569 : vector<32x128xf32>
    %add3A_571 = arith.constant 1.000000e+00 : f32
    %add3A_572 = vector.broadcast %add3A_571 : f32 to vector<32x128xf32>
    %add3A_573 = arith.addf %add3A_572, %mul3A_570 : vector<32x128xf32>
    %sqrt3A_574 = math.sqrt %add3A_573 : vector<32x128xf32>
    %div3A_575 = arith.constant 1.000000e+00 : f32
    %div3A_576 = vector.broadcast %div3A_575 : f32 to vector<32x128xf32>
    %div3A_577 = arith.divf %div3A_576, %sqrt3A_574 : vector<32x128xf32>
    %mul3A_578 = arith.mulf %select_n3A_569, %div3A_577 : vector<32x128xf32>
    %eq3A_579 = arith.constant 0.000000e+00 : f32
    %eq3A_580 = vector.broadcast %eq3A_579 : f32 to vector<32x128xf32>
    %eq3A_581 = arith.cmpf oeq, %sub3A_515, %eq3A_580 : vector<32x128xf32>
    %jit3A_582 = arith.constant 1.000000e+00 : f32
    %broadcast_in_dim3A_583 = vector.broadcast %jit3A_582 : f32 to vector<32x128xf32>
    %select_n3A_584 = arith.select %eq3A_581, %broadcast_in_dim3A_583, %div3A_577 : vector<32x128xi1>, vector<32x128xf32>
    %jit3A_585 = arith.constant 0.000000e+00 : f32
    %broadcast_in_dim3A_586 = vector.broadcast %jit3A_585 : f32 to vector<32x128xf32>
    %select_n3A_587 = arith.select %eq3A_581, %broadcast_in_dim3A_586, %mul3A_578 : vector<32x128xi1>, vector<32x128xf32>
    %mul3A_588 = arith.mulf %select_n3A_587, %select_n3A_584 : vector<32x128xf32>
    %mul3A_589 = arith.mulf %select_n3A_584, %select_n3A_584 : vector<32x128xf32>
    %mul3A_590 = arith.mulf %mul3A_589, %add3A_392 : vector<32x128xf32>
    %mul3A_591 = arith.mulf %mul3A_588, %sub3A_515 : vector<32x128xf32>
    %mul3A_592 = arith.constant 2.000000e+00 : f32
    %mul3A_593 = vector.broadcast %mul3A_592 : f32 to vector<32x128xf32>
    %mul3A_594 = arith.mulf %mul3A_593, %mul3A_591 : vector<32x128xf32>
    %sub3A_595 = arith.subf %mul3A_590, %mul3A_594 : vector<32x128xf32>
    %mul3A_596 = arith.mulf %select_n3A_587, %select_n3A_587 : vector<32x128xf32>
    %mul3A_597 = arith.mulf %mul3A_596, %add3A_495 : vector<32x128xf32>
    %add3A_598 = arith.addf %sub3A_595, %mul3A_597 : vector<32x128xf32>
    %mul3A_599 = arith.mulf %select_n3A_587, %select_n3A_587 : vector<32x128xf32>
    %mul3A_600 = arith.mulf %mul3A_599, %add3A_392 : vector<32x128xf32>
    %mul3A_601 = arith.mulf %mul3A_588, %sub3A_515 : vector<32x128xf32>
    %mul3A_602 = arith.constant 2.000000e+00 : f32
    %mul3A_603 = vector.broadcast %mul3A_602 : f32 to vector<32x128xf32>
    %mul3A_604 = arith.mulf %mul3A_603, %mul3A_601 : vector<32x128xf32>
    %add3A_605 = arith.addf %mul3A_600, %mul3A_604 : vector<32x128xf32>
    %mul3A_606 = arith.mulf %select_n3A_584, %select_n3A_584 : vector<32x128xf32>
    %mul3A_607 = arith.mulf %mul3A_606, %add3A_495 : vector<32x128xf32>
    %add3A_608 = arith.addf %add3A_605, %mul3A_607 : vector<32x128xf32>
    %sub3A_609 = arith.subf %add3A_392, %add3A_495 : vector<32x128xf32>
    %mul3A_610 = arith.mulf %mul3A_588, %sub3A_609 : vector<32x128xf32>
    %mul3A_611 = arith.mulf %select_n3A_584, %select_n3A_584 : vector<32x128xf32>
    %mul3A_612 = arith.mulf %select_n3A_587, %select_n3A_587 : vector<32x128xf32>
    %sub3A_613 = arith.subf %mul3A_611, %mul3A_612 : vector<32x128xf32>
    %mul3A_614 = arith.mulf %sub3A_613, %sub3A_515 : vector<32x128xf32>
    %add3A_615 = arith.addf %mul3A_610, %mul3A_614 : vector<32x128xf32>
    %mul3A_616 = arith.mulf %select_n3A_584, %add3A_518 : vector<32x128xf32>
    %mul3A_617 = arith.mulf %select_n3A_587, %add3A_512 : vector<32x128xf32>
    %sub3A_618 = arith.subf %mul3A_616, %mul3A_617 : vector<32x128xf32>
    %mul3A_619 = arith.mulf %select_n3A_587, %add3A_518 : vector<32x128xf32>
    %mul3A_620 = arith.mulf %select_n3A_584, %add3A_512 : vector<32x128xf32>
    %add3A_621 = arith.addf %mul3A_619, %mul3A_620 : vector<32x128xf32>
    %mul3A_622 = arith.mulf %select_n3A_584, %sub3A_418 : vector<32x128xf32>
    %mul3A_623 = arith.mulf %select_n3A_587, %sub3A_521 : vector<32x128xf32>
    %sub3A_624 = arith.subf %mul3A_622, %mul3A_623 : vector<32x128xf32>
    %mul3A_625 = arith.mulf %select_n3A_587, %sub3A_418 : vector<32x128xf32>
    %mul3A_626 = arith.mulf %select_n3A_584, %sub3A_521 : vector<32x128xf32>
    %add3A_627 = arith.addf %mul3A_625, %mul3A_626 : vector<32x128xf32>
    %mul3A_628 = arith.mulf %select_n3A_584, %sub3A_424 : vector<32x128xf32>
    %mul3A_629 = arith.mulf %select_n3A_587, %sub3A_527 : vector<32x128xf32>
    %sub3A_630 = arith.subf %mul3A_628, %mul3A_629 : vector<32x128xf32>
    %mul3A_631 = arith.mulf %select_n3A_587, %sub3A_424 : vector<32x128xf32>
    %mul3A_632 = arith.mulf %select_n3A_584, %sub3A_527 : vector<32x128xf32>
    %add3A_633 = arith.addf %mul3A_631, %mul3A_632 : vector<32x128xf32>
    %mul3A_634 = arith.mulf %select_n3A_584, %sub3A_430 : vector<32x128xf32>
    %mul3A_635 = arith.mulf %select_n3A_587, %sub3A_533 : vector<32x128xf32>
    %sub3A_636 = arith.subf %mul3A_634, %mul3A_635 : vector<32x128xf32>
    %mul3A_637 = arith.mulf %select_n3A_587, %sub3A_430 : vector<32x128xf32>
    %mul3A_638 = arith.mulf %select_n3A_584, %sub3A_533 : vector<32x128xf32>
    %add3A_639 = arith.addf %mul3A_637, %mul3A_638 : vector<32x128xf32>
    %sub3A_640 = arith.subf %add3A_505, %add3A_598 : vector<32x128xf32>
    %mul3A_641 = arith.constant 2.000000e+00 : f32
    %mul3A_642 = vector.broadcast %mul3A_641 : f32 to vector<32x128xf32>
    %mul3A_643 = arith.mulf %mul3A_642, %sub3A_618 : vector<32x128xf32>
    %div3A_644 = arith.divf %sub3A_640, %mul3A_643 : vector<32x128xf32>
    %abs3A_645 = math.absf %div3A_644 : vector<32x128xf32>
    %mul3A_646 = arith.mulf %div3A_644, %div3A_644 : vector<32x128xf32>
    %add3A_647 = arith.constant 1.000000e+00 : f32
    %add3A_648 = vector.broadcast %add3A_647 : f32 to vector<32x128xf32>
    %add3A_649 = arith.addf %add3A_648, %mul3A_646 : vector<32x128xf32>
    %sqrt3A_650 = math.sqrt %add3A_649 : vector<32x128xf32>
    %add3A_651 = arith.addf %abs3A_645, %sqrt3A_650 : vector<32x128xf32>
    %sign3A_652 = tpu.bitcast %div3A_644 : vector<32x128xf32> -> vector<32x128xi32>
    %sign3A_653 = arith.constant -2147483648 : i32
    %sign3A_654 = vector.broadcast %sign3A_653 : i32 to vector<32x128xi32>
    %sign3A_655 = arith.andi %sign3A_652, %sign3A_654 : vector<32x128xi32>
    %sign3A_656 = arith.constant 1065353216 : i32
    %sign3A_657 = vector.broadcast %sign3A_656 : i32 to vector<32x128xi32>
    %sign3A_658 = arith.ori %sign3A_657, %sign3A_655 : vector<32x128xi32>
    %sign3A_659 = tpu.bitcast %sign3A_658 : vector<32x128xi32> -> vector<32x128xf32>
    %sign3A_660 = math.absf %div3A_644 : vector<32x128xf32>
    %sign3A_661 = arith.constant 0.000000e+00 : f32
    %sign3A_662 = vector.broadcast %sign3A_661 : f32 to vector<32x128xf32>
    %sign3A_663 = arith.cmpf ogt, %sign3A_660, %sign3A_662 : vector<32x128xf32>
    %sign3A_664 = arith.select %sign3A_663, %sign3A_659, %div3A_644 : vector<32x128xi1>, vector<32x128xf32>
    %div3A_665 = arith.divf %sign3A_664, %add3A_651 : vector<32x128xf32>
    %eq3A_666 = arith.constant 0.000000e+00 : f32
    %eq3A_667 = vector.broadcast %eq3A_666 : f32 to vector<32x128xf32>
    %eq3A_668 = arith.cmpf oeq, %div3A_644, %eq3A_667 : vector<32x128xf32>
    %div3A_669 = arith.constant 1.000000e+00 : f32
    %div3A_670 = vector.broadcast %div3A_669 : f32 to vector<32x128xf32>
    %div3A_671 = arith.divf %div3A_670, %add3A_651 : vector<32x128xf32>
    %select_n3A_672 = arith.select %eq3A_668, %div3A_671, %div3A_665 : vector<32x128xi1>, vector<32x128xf32>
    %mul3A_673 = arith.mulf %select_n3A_672, %select_n3A_672 : vector<32x128xf32>
    %add3A_674 = arith.constant 1.000000e+00 : f32
    %add3A_675 = vector.broadcast %add3A_674 : f32 to vector<32x128xf32>
    %add3A_676 = arith.addf %add3A_675, %mul3A_673 : vector<32x128xf32>
    %sqrt3A_677 = math.sqrt %add3A_676 : vector<32x128xf32>
    %div3A_678 = arith.constant 1.000000e+00 : f32
    %div3A_679 = vector.broadcast %div3A_678 : f32 to vector<32x128xf32>
    %div3A_680 = arith.divf %div3A_679, %sqrt3A_677 : vector<32x128xf32>
    %mul3A_681 = arith.mulf %select_n3A_672, %div3A_680 : vector<32x128xf32>
    %eq3A_682 = arith.constant 0.000000e+00 : f32
    %eq3A_683 = vector.broadcast %eq3A_682 : f32 to vector<32x128xf32>
    %eq3A_684 = arith.cmpf oeq, %sub3A_618, %eq3A_683 : vector<32x128xf32>
    %jit3A_685 = arith.constant 1.000000e+00 : f32
    %broadcast_in_dim3A_686 = vector.broadcast %jit3A_685 : f32 to vector<32x128xf32>
    %select_n3A_687 = arith.select %eq3A_684, %broadcast_in_dim3A_686, %div3A_680 : vector<32x128xi1>, vector<32x128xf32>
    %jit3A_688 = arith.constant 0.000000e+00 : f32
    %broadcast_in_dim3A_689 = vector.broadcast %jit3A_688 : f32 to vector<32x128xf32>
    %select_n3A_690 = arith.select %eq3A_684, %broadcast_in_dim3A_689, %mul3A_681 : vector<32x128xi1>, vector<32x128xf32>
    %mul3A_691 = arith.mulf %select_n3A_690, %select_n3A_687 : vector<32x128xf32>
    %mul3A_692 = arith.mulf %select_n3A_687, %select_n3A_687 : vector<32x128xf32>
    %mul3A_693 = arith.mulf %mul3A_692, %add3A_598 : vector<32x128xf32>
    %mul3A_694 = arith.mulf %mul3A_691, %sub3A_618 : vector<32x128xf32>
    %mul3A_695 = arith.constant 2.000000e+00 : f32
    %mul3A_696 = vector.broadcast %mul3A_695 : f32 to vector<32x128xf32>
    %mul3A_697 = arith.mulf %mul3A_696, %mul3A_694 : vector<32x128xf32>
    %sub3A_698 = arith.subf %mul3A_693, %mul3A_697 : vector<32x128xf32>
    %mul3A_699 = arith.mulf %select_n3A_690, %select_n3A_690 : vector<32x128xf32>
    %mul3A_700 = arith.mulf %mul3A_699, %add3A_505 : vector<32x128xf32>
    %add3A_701 = arith.addf %sub3A_698, %mul3A_700 : vector<32x128xf32>
    %mul3A_702 = arith.mulf %select_n3A_690, %select_n3A_690 : vector<32x128xf32>
    %mul3A_703 = arith.mulf %mul3A_702, %add3A_598 : vector<32x128xf32>
    %mul3A_704 = arith.mulf %mul3A_691, %sub3A_618 : vector<32x128xf32>
    %mul3A_705 = arith.constant 2.000000e+00 : f32
    %mul3A_706 = vector.broadcast %mul3A_705 : f32 to vector<32x128xf32>
    %mul3A_707 = arith.mulf %mul3A_706, %mul3A_704 : vector<32x128xf32>
    %add3A_708 = arith.addf %mul3A_703, %mul3A_707 : vector<32x128xf32>
    %mul3A_709 = arith.mulf %select_n3A_687, %select_n3A_687 : vector<32x128xf32>
    %mul3A_710 = arith.mulf %mul3A_709, %add3A_505 : vector<32x128xf32>
    %add3A_711 = arith.addf %add3A_708, %mul3A_710 : vector<32x128xf32>
    %sub3A_712 = arith.subf %add3A_598, %add3A_505 : vector<32x128xf32>
    %mul3A_713 = arith.mulf %mul3A_691, %sub3A_712 : vector<32x128xf32>
    %mul3A_714 = arith.mulf %select_n3A_687, %select_n3A_687 : vector<32x128xf32>
    %mul3A_715 = arith.mulf %select_n3A_690, %select_n3A_690 : vector<32x128xf32>
    %sub3A_716 = arith.subf %mul3A_714, %mul3A_715 : vector<32x128xf32>
    %mul3A_717 = arith.mulf %sub3A_716, %sub3A_618 : vector<32x128xf32>
    %add3A_718 = arith.addf %mul3A_713, %mul3A_717 : vector<32x128xf32>
    %mul3A_719 = arith.mulf %select_n3A_687, %add3A_615 : vector<32x128xf32>
    %mul3A_720 = arith.mulf %select_n3A_690, %add3A_621 : vector<32x128xf32>
    %sub3A_721 = arith.subf %mul3A_719, %mul3A_720 : vector<32x128xf32>
    %mul3A_722 = arith.mulf %select_n3A_690, %add3A_615 : vector<32x128xf32>
    %mul3A_723 = arith.mulf %select_n3A_687, %add3A_621 : vector<32x128xf32>
    %add3A_724 = arith.addf %mul3A_722, %mul3A_723 : vector<32x128xf32>
    %mul3A_725 = arith.mulf %select_n3A_687, %sub3A_624 : vector<32x128xf32>
    %mul3A_726 = arith.mulf %select_n3A_690, %add3A_524 : vector<32x128xf32>
    %sub3A_727 = arith.subf %mul3A_725, %mul3A_726 : vector<32x128xf32>
    %mul3A_728 = arith.mulf %select_n3A_690, %sub3A_624 : vector<32x128xf32>
    %mul3A_729 = arith.mulf %select_n3A_687, %add3A_524 : vector<32x128xf32>
    %add3A_730 = arith.addf %mul3A_728, %mul3A_729 : vector<32x128xf32>
    %mul3A_731 = arith.mulf %select_n3A_687, %sub3A_630 : vector<32x128xf32>
    %mul3A_732 = arith.mulf %select_n3A_690, %add3A_530 : vector<32x128xf32>
    %sub3A_733 = arith.subf %mul3A_731, %mul3A_732 : vector<32x128xf32>
    %mul3A_734 = arith.mulf %select_n3A_690, %sub3A_630 : vector<32x128xf32>
    %mul3A_735 = arith.mulf %select_n3A_687, %add3A_530 : vector<32x128xf32>
    %add3A_736 = arith.addf %mul3A_734, %mul3A_735 : vector<32x128xf32>
    %mul3A_737 = arith.mulf %select_n3A_687, %sub3A_636 : vector<32x128xf32>
    %mul3A_738 = arith.mulf %select_n3A_690, %add3A_536 : vector<32x128xf32>
    %sub3A_739 = arith.subf %mul3A_737, %mul3A_738 : vector<32x128xf32>
    %mul3A_740 = arith.mulf %select_n3A_690, %sub3A_636 : vector<32x128xf32>
    %mul3A_741 = arith.mulf %select_n3A_687, %add3A_536 : vector<32x128xf32>
    %add3A_742 = arith.addf %mul3A_740, %mul3A_741 : vector<32x128xf32>
    %sub3A_743 = arith.subf %add3A_711, %add3A_608 : vector<32x128xf32>
    %mul3A_744 = arith.constant 2.000000e+00 : f32
    %mul3A_745 = vector.broadcast %mul3A_744 : f32 to vector<32x128xf32>
    %mul3A_746 = arith.mulf %mul3A_745, %add3A_724 : vector<32x128xf32>
    %div3A_747 = arith.divf %sub3A_743, %mul3A_746 : vector<32x128xf32>
    %abs3A_748 = math.absf %div3A_747 : vector<32x128xf32>
    %mul3A_749 = arith.mulf %div3A_747, %div3A_747 : vector<32x128xf32>
    %add3A_750 = arith.constant 1.000000e+00 : f32
    %add3A_751 = vector.broadcast %add3A_750 : f32 to vector<32x128xf32>
    %add3A_752 = arith.addf %add3A_751, %mul3A_749 : vector<32x128xf32>
    %sqrt3A_753 = math.sqrt %add3A_752 : vector<32x128xf32>
    %add3A_754 = arith.addf %abs3A_748, %sqrt3A_753 : vector<32x128xf32>
    %sign3A_755 = tpu.bitcast %div3A_747 : vector<32x128xf32> -> vector<32x128xi32>
    %sign3A_756 = arith.constant -2147483648 : i32
    %sign3A_757 = vector.broadcast %sign3A_756 : i32 to vector<32x128xi32>
    %sign3A_758 = arith.andi %sign3A_755, %sign3A_757 : vector<32x128xi32>
    %sign3A_759 = arith.constant 1065353216 : i32
    %sign3A_760 = vector.broadcast %sign3A_759 : i32 to vector<32x128xi32>
    %sign3A_761 = arith.ori %sign3A_760, %sign3A_758 : vector<32x128xi32>
    %sign3A_762 = tpu.bitcast %sign3A_761 : vector<32x128xi32> -> vector<32x128xf32>
    %sign3A_763 = math.absf %div3A_747 : vector<32x128xf32>
    %sign3A_764 = arith.constant 0.000000e+00 : f32
    %sign3A_765 = vector.broadcast %sign3A_764 : f32 to vector<32x128xf32>
    %sign3A_766 = arith.cmpf ogt, %sign3A_763, %sign3A_765 : vector<32x128xf32>
    %sign3A_767 = arith.select %sign3A_766, %sign3A_762, %div3A_747 : vector<32x128xi1>, vector<32x128xf32>
    %div3A_768 = arith.divf %sign3A_767, %add3A_754 : vector<32x128xf32>
    %eq3A_769 = arith.constant 0.000000e+00 : f32
    %eq3A_770 = vector.broadcast %eq3A_769 : f32 to vector<32x128xf32>
    %eq3A_771 = arith.cmpf oeq, %div3A_747, %eq3A_770 : vector<32x128xf32>
    %div3A_772 = arith.constant 1.000000e+00 : f32
    %div3A_773 = vector.broadcast %div3A_772 : f32 to vector<32x128xf32>
    %div3A_774 = arith.divf %div3A_773, %add3A_754 : vector<32x128xf32>
    %select_n3A_775 = arith.select %eq3A_771, %div3A_774, %div3A_768 : vector<32x128xi1>, vector<32x128xf32>
    %mul3A_776 = arith.mulf %select_n3A_775, %select_n3A_775 : vector<32x128xf32>
    %add3A_777 = arith.constant 1.000000e+00 : f32
    %add3A_778 = vector.broadcast %add3A_777 : f32 to vector<32x128xf32>
    %add3A_779 = arith.addf %add3A_778, %mul3A_776 : vector<32x128xf32>
    %sqrt3A_780 = math.sqrt %add3A_779 : vector<32x128xf32>
    %div3A_781 = arith.constant 1.000000e+00 : f32
    %div3A_782 = vector.broadcast %div3A_781 : f32 to vector<32x128xf32>
    %div3A_783 = arith.divf %div3A_782, %sqrt3A_780 : vector<32x128xf32>
    %mul3A_784 = arith.mulf %select_n3A_775, %div3A_783 : vector<32x128xf32>
    %eq3A_785 = arith.constant 0.000000e+00 : f32
    %eq3A_786 = vector.broadcast %eq3A_785 : f32 to vector<32x128xf32>
    %eq3A_787 = arith.cmpf oeq, %add3A_724, %eq3A_786 : vector<32x128xf32>
    %jit3A_788 = arith.constant 1.000000e+00 : f32
    %broadcast_in_dim3A_789 = vector.broadcast %jit3A_788 : f32 to vector<32x128xf32>
    %select_n3A_790 = arith.select %eq3A_787, %broadcast_in_dim3A_789, %div3A_783 : vector<32x128xi1>, vector<32x128xf32>
    %jit3A_791 = arith.constant 0.000000e+00 : f32
    %broadcast_in_dim3A_792 = vector.broadcast %jit3A_791 : f32 to vector<32x128xf32>
    %select_n3A_793 = arith.select %eq3A_787, %broadcast_in_dim3A_792, %mul3A_784 : vector<32x128xi1>, vector<32x128xf32>
    %mul3A_794 = arith.mulf %select_n3A_793, %select_n3A_790 : vector<32x128xf32>
    %mul3A_795 = arith.mulf %select_n3A_790, %select_n3A_790 : vector<32x128xf32>
    %mul3A_796 = arith.mulf %mul3A_795, %add3A_608 : vector<32x128xf32>
    %mul3A_797 = arith.mulf %mul3A_794, %add3A_724 : vector<32x128xf32>
    %mul3A_798 = arith.constant 2.000000e+00 : f32
    %mul3A_799 = vector.broadcast %mul3A_798 : f32 to vector<32x128xf32>
    %mul3A_800 = arith.mulf %mul3A_799, %mul3A_797 : vector<32x128xf32>
    %sub3A_801 = arith.subf %mul3A_796, %mul3A_800 : vector<32x128xf32>
    %mul3A_802 = arith.mulf %select_n3A_793, %select_n3A_793 : vector<32x128xf32>
    %mul3A_803 = arith.mulf %mul3A_802, %add3A_711 : vector<32x128xf32>
    %add3A_804 = arith.addf %sub3A_801, %mul3A_803 : vector<32x128xf32>
    %mul3A_805 = arith.mulf %select_n3A_793, %select_n3A_793 : vector<32x128xf32>
    %mul3A_806 = arith.mulf %mul3A_805, %add3A_608 : vector<32x128xf32>
    %mul3A_807 = arith.mulf %mul3A_794, %add3A_724 : vector<32x128xf32>
    %mul3A_808 = arith.constant 2.000000e+00 : f32
    %mul3A_809 = vector.broadcast %mul3A_808 : f32 to vector<32x128xf32>
    %mul3A_810 = arith.mulf %mul3A_809, %mul3A_807 : vector<32x128xf32>
    %add3A_811 = arith.addf %mul3A_806, %mul3A_810 : vector<32x128xf32>
    %mul3A_812 = arith.mulf %select_n3A_790, %select_n3A_790 : vector<32x128xf32>
    %mul3A_813 = arith.mulf %mul3A_812, %add3A_711 : vector<32x128xf32>
    %add3A_814 = arith.addf %add3A_811, %mul3A_813 : vector<32x128xf32>
    %sub3A_815 = arith.subf %add3A_608, %add3A_711 : vector<32x128xf32>
    %mul3A_816 = arith.mulf %mul3A_794, %sub3A_815 : vector<32x128xf32>
    %mul3A_817 = arith.mulf %select_n3A_790, %select_n3A_790 : vector<32x128xf32>
    %mul3A_818 = arith.mulf %select_n3A_793, %select_n3A_793 : vector<32x128xf32>
    %sub3A_819 = arith.subf %mul3A_817, %mul3A_818 : vector<32x128xf32>
    %mul3A_820 = arith.mulf %sub3A_819, %add3A_724 : vector<32x128xf32>
    %add3A_821 = arith.addf %mul3A_816, %mul3A_820 : vector<32x128xf32>
    %mul3A_822 = arith.mulf %select_n3A_790, %sub3A_721 : vector<32x128xf32>
    %mul3A_823 = arith.mulf %select_n3A_793, %add3A_718 : vector<32x128xf32>
    %sub3A_824 = arith.subf %mul3A_822, %mul3A_823 : vector<32x128xf32>
    %mul3A_825 = arith.mulf %select_n3A_793, %sub3A_721 : vector<32x128xf32>
    %mul3A_826 = arith.mulf %select_n3A_790, %add3A_718 : vector<32x128xf32>
    %add3A_827 = arith.addf %mul3A_825, %mul3A_826 : vector<32x128xf32>
    %mul3A_828 = arith.mulf %select_n3A_790, %add3A_627 : vector<32x128xf32>
    %mul3A_829 = arith.mulf %select_n3A_793, %add3A_730 : vector<32x128xf32>
    %sub3A_830 = arith.subf %mul3A_828, %mul3A_829 : vector<32x128xf32>
    %mul3A_831 = arith.mulf %select_n3A_793, %add3A_627 : vector<32x128xf32>
    %mul3A_832 = arith.mulf %select_n3A_790, %add3A_730 : vector<32x128xf32>
    %add3A_833 = arith.addf %mul3A_831, %mul3A_832 : vector<32x128xf32>
    %mul3A_834 = arith.mulf %select_n3A_790, %add3A_633 : vector<32x128xf32>
    %mul3A_835 = arith.mulf %select_n3A_793, %add3A_736 : vector<32x128xf32>
    %sub3A_836 = arith.subf %mul3A_834, %mul3A_835 : vector<32x128xf32>
    %mul3A_837 = arith.mulf %select_n3A_793, %add3A_633 : vector<32x128xf32>
    %mul3A_838 = arith.mulf %select_n3A_790, %add3A_736 : vector<32x128xf32>
    %add3A_839 = arith.addf %mul3A_837, %mul3A_838 : vector<32x128xf32>
    %mul3A_840 = arith.mulf %select_n3A_790, %add3A_639 : vector<32x128xf32>
    %mul3A_841 = arith.mulf %select_n3A_793, %add3A_742 : vector<32x128xf32>
    %sub3A_842 = arith.subf %mul3A_840, %mul3A_841 : vector<32x128xf32>
    %mul3A_843 = arith.mulf %select_n3A_793, %add3A_639 : vector<32x128xf32>
    %mul3A_844 = arith.mulf %select_n3A_790, %add3A_742 : vector<32x128xf32>
    %add3A_845 = arith.addf %mul3A_843, %mul3A_844 : vector<32x128xf32>
    %sub3A_846 = arith.subf %add3A_804, %add3A_701 : vector<32x128xf32>
    %mul3A_847 = arith.constant 2.000000e+00 : f32
    %mul3A_848 = vector.broadcast %mul3A_847 : f32 to vector<32x128xf32>
    %mul3A_849 = arith.mulf %mul3A_848, %sub3A_824 : vector<32x128xf32>
    %div3A_850 = arith.divf %sub3A_846, %mul3A_849 : vector<32x128xf32>
    %abs3A_851 = math.absf %div3A_850 : vector<32x128xf32>
    %mul3A_852 = arith.mulf %div3A_850, %div3A_850 : vector<32x128xf32>
    %add3A_853 = arith.constant 1.000000e+00 : f32
    %add3A_854 = vector.broadcast %add3A_853 : f32 to vector<32x128xf32>
    %add3A_855 = arith.addf %add3A_854, %mul3A_852 : vector<32x128xf32>
    %sqrt3A_856 = math.sqrt %add3A_855 : vector<32x128xf32>
    %add3A_857 = arith.addf %abs3A_851, %sqrt3A_856 : vector<32x128xf32>
    %sign3A_858 = tpu.bitcast %div3A_850 : vector<32x128xf32> -> vector<32x128xi32>
    %sign3A_859 = arith.constant -2147483648 : i32
    %sign3A_860 = vector.broadcast %sign3A_859 : i32 to vector<32x128xi32>
    %sign3A_861 = arith.andi %sign3A_858, %sign3A_860 : vector<32x128xi32>
    %sign3A_862 = arith.constant 1065353216 : i32
    %sign3A_863 = vector.broadcast %sign3A_862 : i32 to vector<32x128xi32>
    %sign3A_864 = arith.ori %sign3A_863, %sign3A_861 : vector<32x128xi32>
    %sign3A_865 = tpu.bitcast %sign3A_864 : vector<32x128xi32> -> vector<32x128xf32>
    %sign3A_866 = math.absf %div3A_850 : vector<32x128xf32>
    %sign3A_867 = arith.constant 0.000000e+00 : f32
    %sign3A_868 = vector.broadcast %sign3A_867 : f32 to vector<32x128xf32>
    %sign3A_869 = arith.cmpf ogt, %sign3A_866, %sign3A_868 : vector<32x128xf32>
    %sign3A_870 = arith.select %sign3A_869, %sign3A_865, %div3A_850 : vector<32x128xi1>, vector<32x128xf32>
    %div3A_871 = arith.divf %sign3A_870, %add3A_857 : vector<32x128xf32>
    %eq3A_872 = arith.constant 0.000000e+00 : f32
    %eq3A_873 = vector.broadcast %eq3A_872 : f32 to vector<32x128xf32>
    %eq3A_874 = arith.cmpf oeq, %div3A_850, %eq3A_873 : vector<32x128xf32>
    %div3A_875 = arith.constant 1.000000e+00 : f32
    %div3A_876 = vector.broadcast %div3A_875 : f32 to vector<32x128xf32>
    %div3A_877 = arith.divf %div3A_876, %add3A_857 : vector<32x128xf32>
    %select_n3A_878 = arith.select %eq3A_874, %div3A_877, %div3A_871 : vector<32x128xi1>, vector<32x128xf32>
    %mul3A_879 = arith.mulf %select_n3A_878, %select_n3A_878 : vector<32x128xf32>
    %add3A_880 = arith.constant 1.000000e+00 : f32
    %add3A_881 = vector.broadcast %add3A_880 : f32 to vector<32x128xf32>
    %add3A_882 = arith.addf %add3A_881, %mul3A_879 : vector<32x128xf32>
    %sqrt3A_883 = math.sqrt %add3A_882 : vector<32x128xf32>
    %div3A_884 = arith.constant 1.000000e+00 : f32
    %div3A_885 = vector.broadcast %div3A_884 : f32 to vector<32x128xf32>
    %div3A_886 = arith.divf %div3A_885, %sqrt3A_883 : vector<32x128xf32>
    %mul3A_887 = arith.mulf %select_n3A_878, %div3A_886 : vector<32x128xf32>
    %eq3A_888 = arith.constant 0.000000e+00 : f32
    %eq3A_889 = vector.broadcast %eq3A_888 : f32 to vector<32x128xf32>
    %eq3A_890 = arith.cmpf oeq, %sub3A_824, %eq3A_889 : vector<32x128xf32>
    %jit3A_891 = arith.constant 1.000000e+00 : f32
    %broadcast_in_dim3A_892 = vector.broadcast %jit3A_891 : f32 to vector<32x128xf32>
    %select_n3A_893 = arith.select %eq3A_890, %broadcast_in_dim3A_892, %div3A_886 : vector<32x128xi1>, vector<32x128xf32>
    %jit3A_894 = arith.constant 0.000000e+00 : f32
    %broadcast_in_dim3A_895 = vector.broadcast %jit3A_894 : f32 to vector<32x128xf32>
    %select_n3A_896 = arith.select %eq3A_890, %broadcast_in_dim3A_895, %mul3A_887 : vector<32x128xi1>, vector<32x128xf32>
    %mul3A_897 = arith.mulf %select_n3A_896, %select_n3A_893 : vector<32x128xf32>
    %mul3A_898 = arith.mulf %select_n3A_893, %select_n3A_893 : vector<32x128xf32>
    %mul3A_899 = arith.mulf %mul3A_898, %add3A_701 : vector<32x128xf32>
    %mul3A_900 = arith.mulf %mul3A_897, %sub3A_824 : vector<32x128xf32>
    %mul3A_901 = arith.constant 2.000000e+00 : f32
    %mul3A_902 = vector.broadcast %mul3A_901 : f32 to vector<32x128xf32>
    %mul3A_903 = arith.mulf %mul3A_902, %mul3A_900 : vector<32x128xf32>
    %sub3A_904 = arith.subf %mul3A_899, %mul3A_903 : vector<32x128xf32>
    %mul3A_905 = arith.mulf %select_n3A_896, %select_n3A_896 : vector<32x128xf32>
    %mul3A_906 = arith.mulf %mul3A_905, %add3A_804 : vector<32x128xf32>
    %add3A_907 = arith.addf %sub3A_904, %mul3A_906 : vector<32x128xf32>
    %mul3A_908 = arith.mulf %select_n3A_896, %select_n3A_896 : vector<32x128xf32>
    %mul3A_909 = arith.mulf %mul3A_908, %add3A_701 : vector<32x128xf32>
    %mul3A_910 = arith.mulf %mul3A_897, %sub3A_824 : vector<32x128xf32>
    %mul3A_911 = arith.constant 2.000000e+00 : f32
    %mul3A_912 = vector.broadcast %mul3A_911 : f32 to vector<32x128xf32>
    %mul3A_913 = arith.mulf %mul3A_912, %mul3A_910 : vector<32x128xf32>
    %add3A_914 = arith.addf %mul3A_909, %mul3A_913 : vector<32x128xf32>
    %mul3A_915 = arith.mulf %select_n3A_893, %select_n3A_893 : vector<32x128xf32>
    %mul3A_916 = arith.mulf %mul3A_915, %add3A_804 : vector<32x128xf32>
    %add3A_917 = arith.addf %add3A_914, %mul3A_916 : vector<32x128xf32>
    %sub3A_918 = arith.subf %add3A_701, %add3A_804 : vector<32x128xf32>
    %mul3A_919 = arith.mulf %mul3A_897, %sub3A_918 : vector<32x128xf32>
    %mul3A_920 = arith.mulf %select_n3A_893, %select_n3A_893 : vector<32x128xf32>
    %mul3A_921 = arith.mulf %select_n3A_896, %select_n3A_896 : vector<32x128xf32>
    %sub3A_922 = arith.subf %mul3A_920, %mul3A_921 : vector<32x128xf32>
    %mul3A_923 = arith.mulf %sub3A_922, %sub3A_824 : vector<32x128xf32>
    %add3A_924 = arith.addf %mul3A_919, %mul3A_923 : vector<32x128xf32>
    %mul3A_925 = arith.mulf %select_n3A_893, %add3A_827 : vector<32x128xf32>
    %mul3A_926 = arith.mulf %select_n3A_896, %add3A_821 : vector<32x128xf32>
    %sub3A_927 = arith.subf %mul3A_925, %mul3A_926 : vector<32x128xf32>
    %mul3A_928 = arith.mulf %select_n3A_896, %add3A_827 : vector<32x128xf32>
    %mul3A_929 = arith.mulf %select_n3A_893, %add3A_821 : vector<32x128xf32>
    %add3A_930 = arith.addf %mul3A_928, %mul3A_929 : vector<32x128xf32>
    %mul3A_931 = arith.mulf %select_n3A_893, %sub3A_727 : vector<32x128xf32>
    %mul3A_932 = arith.mulf %select_n3A_896, %sub3A_830 : vector<32x128xf32>
    %sub3A_933 = arith.subf %mul3A_931, %mul3A_932 : vector<32x128xf32>
    %mul3A_934 = arith.mulf %select_n3A_896, %sub3A_727 : vector<32x128xf32>
    %mul3A_935 = arith.mulf %select_n3A_893, %sub3A_830 : vector<32x128xf32>
    %add3A_936 = arith.addf %mul3A_934, %mul3A_935 : vector<32x128xf32>
    %mul3A_937 = arith.mulf %select_n3A_893, %sub3A_733 : vector<32x128xf32>
    %mul3A_938 = arith.mulf %select_n3A_896, %sub3A_836 : vector<32x128xf32>
    %sub3A_939 = arith.subf %mul3A_937, %mul3A_938 : vector<32x128xf32>
    %mul3A_940 = arith.mulf %select_n3A_896, %sub3A_733 : vector<32x128xf32>
    %mul3A_941 = arith.mulf %select_n3A_893, %sub3A_836 : vector<32x128xf32>
    %add3A_942 = arith.addf %mul3A_940, %mul3A_941 : vector<32x128xf32>
    %mul3A_943 = arith.mulf %select_n3A_893, %sub3A_739 : vector<32x128xf32>
    %mul3A_944 = arith.mulf %select_n3A_896, %sub3A_842 : vector<32x128xf32>
    %sub3A_945 = arith.subf %mul3A_943, %mul3A_944 : vector<32x128xf32>
    %mul3A_946 = arith.mulf %select_n3A_896, %sub3A_739 : vector<32x128xf32>
    %mul3A_947 = arith.mulf %select_n3A_893, %sub3A_842 : vector<32x128xf32>
    %add3A_948 = arith.addf %mul3A_946, %mul3A_947 : vector<32x128xf32>
    %sub3A_949 = arith.subf %add3A_814, %add3A_907 : vector<32x128xf32>
    %mul3A_950 = arith.constant 2.000000e+00 : f32
    %mul3A_951 = vector.broadcast %mul3A_950 : f32 to vector<32x128xf32>
    %mul3A_952 = arith.mulf %mul3A_951, %sub3A_927 : vector<32x128xf32>
    %div3A_953 = arith.divf %sub3A_949, %mul3A_952 : vector<32x128xf32>
    %abs3A_954 = math.absf %div3A_953 : vector<32x128xf32>
    %mul3A_955 = arith.mulf %div3A_953, %div3A_953 : vector<32x128xf32>
    %add3A_956 = arith.constant 1.000000e+00 : f32
    %add3A_957 = vector.broadcast %add3A_956 : f32 to vector<32x128xf32>
    %add3A_958 = arith.addf %add3A_957, %mul3A_955 : vector<32x128xf32>
    %sqrt3A_959 = math.sqrt %add3A_958 : vector<32x128xf32>
    %add3A_960 = arith.addf %abs3A_954, %sqrt3A_959 : vector<32x128xf32>
    %sign3A_961 = tpu.bitcast %div3A_953 : vector<32x128xf32> -> vector<32x128xi32>
    %sign3A_962 = arith.constant -2147483648 : i32
    %sign3A_963 = vector.broadcast %sign3A_962 : i32 to vector<32x128xi32>
    %sign3A_964 = arith.andi %sign3A_961, %sign3A_963 : vector<32x128xi32>
    %sign3A_965 = arith.constant 1065353216 : i32
    %sign3A_966 = vector.broadcast %sign3A_965 : i32 to vector<32x128xi32>
    %sign3A_967 = arith.ori %sign3A_966, %sign3A_964 : vector<32x128xi32>
    %sign3A_968 = tpu.bitcast %sign3A_967 : vector<32x128xi32> -> vector<32x128xf32>
    %sign3A_969 = math.absf %div3A_953 : vector<32x128xf32>
    %sign3A_970 = arith.constant 0.000000e+00 : f32
    %sign3A_971 = vector.broadcast %sign3A_970 : f32 to vector<32x128xf32>
    %sign3A_972 = arith.cmpf ogt, %sign3A_969, %sign3A_971 : vector<32x128xf32>
    %sign3A_973 = arith.select %sign3A_972, %sign3A_968, %div3A_953 : vector<32x128xi1>, vector<32x128xf32>
    %div3A_974 = arith.divf %sign3A_973, %add3A_960 : vector<32x128xf32>
    %eq3A_975 = arith.constant 0.000000e+00 : f32
    %eq3A_976 = vector.broadcast %eq3A_975 : f32 to vector<32x128xf32>
    %eq3A_977 = arith.cmpf oeq, %div3A_953, %eq3A_976 : vector<32x128xf32>
    %div3A_978 = arith.constant 1.000000e+00 : f32
    %div3A_979 = vector.broadcast %div3A_978 : f32 to vector<32x128xf32>
    %div3A_980 = arith.divf %div3A_979, %add3A_960 : vector<32x128xf32>
    %select_n3A_981 = arith.select %eq3A_977, %div3A_980, %div3A_974 : vector<32x128xi1>, vector<32x128xf32>
    %mul3A_982 = arith.mulf %select_n3A_981, %select_n3A_981 : vector<32x128xf32>
    %add3A_983 = arith.constant 1.000000e+00 : f32
    %add3A_984 = vector.broadcast %add3A_983 : f32 to vector<32x128xf32>
    %add3A_985 = arith.addf %add3A_984, %mul3A_982 : vector<32x128xf32>
    %sqrt3A_986 = math.sqrt %add3A_985 : vector<32x128xf32>
    %div3A_987 = arith.constant 1.000000e+00 : f32
    %div3A_988 = vector.broadcast %div3A_987 : f32 to vector<32x128xf32>
    %div3A_989 = arith.divf %div3A_988, %sqrt3A_986 : vector<32x128xf32>
    %mul3A_990 = arith.mulf %select_n3A_981, %div3A_989 : vector<32x128xf32>
    %eq3A_991 = arith.constant 0.000000e+00 : f32
    %eq3A_992 = vector.broadcast %eq3A_991 : f32 to vector<32x128xf32>
    %eq3A_993 = arith.cmpf oeq, %sub3A_927, %eq3A_992 : vector<32x128xf32>
    %jit3A_994 = arith.constant 1.000000e+00 : f32
    %broadcast_in_dim3A_995 = vector.broadcast %jit3A_994 : f32 to vector<32x128xf32>
    %select_n3A_996 = arith.select %eq3A_993, %broadcast_in_dim3A_995, %div3A_989 : vector<32x128xi1>, vector<32x128xf32>
    %jit3A_997 = arith.constant 0.000000e+00 : f32
    %broadcast_in_dim3A_998 = vector.broadcast %jit3A_997 : f32 to vector<32x128xf32>
    %select_n3A_999 = arith.select %eq3A_993, %broadcast_in_dim3A_998, %mul3A_990 : vector<32x128xi1>, vector<32x128xf32>
    %mul3A_1000 = arith.mulf %select_n3A_999, %select_n3A_996 : vector<32x128xf32>
    %mul3A_1001 = arith.mulf %select_n3A_996, %select_n3A_996 : vector<32x128xf32>
    %mul3A_1002 = arith.mulf %mul3A_1001, %add3A_907 : vector<32x128xf32>
    %mul3A_1003 = arith.mulf %mul3A_1000, %sub3A_927 : vector<32x128xf32>
    %mul3A_1004 = arith.constant 2.000000e+00 : f32
    %mul3A_1005 = vector.broadcast %mul3A_1004 : f32 to vector<32x128xf32>
    %mul3A_1006 = arith.mulf %mul3A_1005, %mul3A_1003 : vector<32x128xf32>
    %sub3A_1007 = arith.subf %mul3A_1002, %mul3A_1006 : vector<32x128xf32>
    %mul3A_1008 = arith.mulf %select_n3A_999, %select_n3A_999 : vector<32x128xf32>
    %mul3A_1009 = arith.mulf %mul3A_1008, %add3A_814 : vector<32x128xf32>
    %add3A_1010 = arith.addf %sub3A_1007, %mul3A_1009 : vector<32x128xf32>
    %mul3A_1011 = arith.mulf %select_n3A_999, %select_n3A_999 : vector<32x128xf32>
    %mul3A_1012 = arith.mulf %mul3A_1011, %add3A_907 : vector<32x128xf32>
    %mul3A_1013 = arith.mulf %mul3A_1000, %sub3A_927 : vector<32x128xf32>
    %mul3A_1014 = arith.constant 2.000000e+00 : f32
    %mul3A_1015 = vector.broadcast %mul3A_1014 : f32 to vector<32x128xf32>
    %mul3A_1016 = arith.mulf %mul3A_1015, %mul3A_1013 : vector<32x128xf32>
    %add3A_1017 = arith.addf %mul3A_1012, %mul3A_1016 : vector<32x128xf32>
    %mul3A_1018 = arith.mulf %select_n3A_996, %select_n3A_996 : vector<32x128xf32>
    %mul3A_1019 = arith.mulf %mul3A_1018, %add3A_814 : vector<32x128xf32>
    %add3A_1020 = arith.addf %add3A_1017, %mul3A_1019 : vector<32x128xf32>
    %sub3A_1021 = arith.subf %add3A_907, %add3A_814 : vector<32x128xf32>
    %mul3A_1022 = arith.mulf %mul3A_1000, %sub3A_1021 : vector<32x128xf32>
    %mul3A_1023 = arith.mulf %select_n3A_996, %select_n3A_996 : vector<32x128xf32>
    %mul3A_1024 = arith.mulf %select_n3A_999, %select_n3A_999 : vector<32x128xf32>
    %sub3A_1025 = arith.subf %mul3A_1023, %mul3A_1024 : vector<32x128xf32>
    %mul3A_1026 = arith.mulf %sub3A_1025, %sub3A_927 : vector<32x128xf32>
    %add3A_1027 = arith.addf %mul3A_1022, %mul3A_1026 : vector<32x128xf32>
    %mul3A_1028 = arith.mulf %select_n3A_996, %add3A_924 : vector<32x128xf32>
    %mul3A_1029 = arith.mulf %select_n3A_999, %add3A_930 : vector<32x128xf32>
    %sub3A_1030 = arith.subf %mul3A_1028, %mul3A_1029 : vector<32x128xf32>
    %mul3A_1031 = arith.mulf %select_n3A_999, %add3A_924 : vector<32x128xf32>
    %mul3A_1032 = arith.mulf %select_n3A_996, %add3A_930 : vector<32x128xf32>
    %add3A_1033 = arith.addf %mul3A_1031, %mul3A_1032 : vector<32x128xf32>
    %mul3A_1034 = arith.mulf %select_n3A_996, %sub3A_933 : vector<32x128xf32>
    %mul3A_1035 = arith.mulf %select_n3A_999, %add3A_833 : vector<32x128xf32>
    %sub3A_1036 = arith.subf %mul3A_1034, %mul3A_1035 : vector<32x128xf32>
    %mul3A_1037 = arith.mulf %select_n3A_999, %sub3A_933 : vector<32x128xf32>
    %mul3A_1038 = arith.mulf %select_n3A_996, %add3A_833 : vector<32x128xf32>
    %add3A_1039 = arith.addf %mul3A_1037, %mul3A_1038 : vector<32x128xf32>
    %mul3A_1040 = arith.mulf %select_n3A_996, %sub3A_939 : vector<32x128xf32>
    %mul3A_1041 = arith.mulf %select_n3A_999, %add3A_839 : vector<32x128xf32>
    %sub3A_1042 = arith.subf %mul3A_1040, %mul3A_1041 : vector<32x128xf32>
    %mul3A_1043 = arith.mulf %select_n3A_999, %sub3A_939 : vector<32x128xf32>
    %mul3A_1044 = arith.mulf %select_n3A_996, %add3A_839 : vector<32x128xf32>
    %add3A_1045 = arith.addf %mul3A_1043, %mul3A_1044 : vector<32x128xf32>
    %mul3A_1046 = arith.mulf %select_n3A_996, %sub3A_945 : vector<32x128xf32>
    %mul3A_1047 = arith.mulf %select_n3A_999, %add3A_845 : vector<32x128xf32>
    %sub3A_1048 = arith.subf %mul3A_1046, %mul3A_1047 : vector<32x128xf32>
    %mul3A_1049 = arith.mulf %select_n3A_999, %sub3A_945 : vector<32x128xf32>
    %mul3A_1050 = arith.mulf %select_n3A_996, %add3A_845 : vector<32x128xf32>
    %add3A_1051 = arith.addf %mul3A_1049, %mul3A_1050 : vector<32x128xf32>
    %sub3A_1052 = arith.subf %add3A_1020, %add3A_917 : vector<32x128xf32>
    %mul3A_1053 = arith.constant 2.000000e+00 : f32
    %mul3A_1054 = vector.broadcast %mul3A_1053 : f32 to vector<32x128xf32>
    %mul3A_1055 = arith.mulf %mul3A_1054, %add3A_1033 : vector<32x128xf32>
    %div3A_1056 = arith.divf %sub3A_1052, %mul3A_1055 : vector<32x128xf32>
    %abs3A_1057 = math.absf %div3A_1056 : vector<32x128xf32>
    %mul3A_1058 = arith.mulf %div3A_1056, %div3A_1056 : vector<32x128xf32>
    %add3A_1059 = arith.constant 1.000000e+00 : f32
    %add3A_1060 = vector.broadcast %add3A_1059 : f32 to vector<32x128xf32>
    %add3A_1061 = arith.addf %add3A_1060, %mul3A_1058 : vector<32x128xf32>
    %sqrt3A_1062 = math.sqrt %add3A_1061 : vector<32x128xf32>
    %add3A_1063 = arith.addf %abs3A_1057, %sqrt3A_1062 : vector<32x128xf32>
    %sign3A_1064 = tpu.bitcast %div3A_1056 : vector<32x128xf32> -> vector<32x128xi32>
    %sign3A_1065 = arith.constant -2147483648 : i32
    %sign3A_1066 = vector.broadcast %sign3A_1065 : i32 to vector<32x128xi32>
    %sign3A_1067 = arith.andi %sign3A_1064, %sign3A_1066 : vector<32x128xi32>
    %sign3A_1068 = arith.constant 1065353216 : i32
    %sign3A_1069 = vector.broadcast %sign3A_1068 : i32 to vector<32x128xi32>
    %sign3A_1070 = arith.ori %sign3A_1069, %sign3A_1067 : vector<32x128xi32>
    %sign3A_1071 = tpu.bitcast %sign3A_1070 : vector<32x128xi32> -> vector<32x128xf32>
    %sign3A_1072 = math.absf %div3A_1056 : vector<32x128xf32>
    %sign3A_1073 = arith.constant 0.000000e+00 : f32
    %sign3A_1074 = vector.broadcast %sign3A_1073 : f32 to vector<32x128xf32>
    %sign3A_1075 = arith.cmpf ogt, %sign3A_1072, %sign3A_1074 : vector<32x128xf32>
    %sign3A_1076 = arith.select %sign3A_1075, %sign3A_1071, %div3A_1056 : vector<32x128xi1>, vector<32x128xf32>
    %div3A_1077 = arith.divf %sign3A_1076, %add3A_1063 : vector<32x128xf32>
    %eq3A_1078 = arith.constant 0.000000e+00 : f32
    %eq3A_1079 = vector.broadcast %eq3A_1078 : f32 to vector<32x128xf32>
    %eq3A_1080 = arith.cmpf oeq, %div3A_1056, %eq3A_1079 : vector<32x128xf32>
    %div3A_1081 = arith.constant 1.000000e+00 : f32
    %div3A_1082 = vector.broadcast %div3A_1081 : f32 to vector<32x128xf32>
    %div3A_1083 = arith.divf %div3A_1082, %add3A_1063 : vector<32x128xf32>
    %select_n3A_1084 = arith.select %eq3A_1080, %div3A_1083, %div3A_1077 : vector<32x128xi1>, vector<32x128xf32>
    %mul3A_1085 = arith.mulf %select_n3A_1084, %select_n3A_1084 : vector<32x128xf32>
    %add3A_1086 = arith.constant 1.000000e+00 : f32
    %add3A_1087 = vector.broadcast %add3A_1086 : f32 to vector<32x128xf32>
    %add3A_1088 = arith.addf %add3A_1087, %mul3A_1085 : vector<32x128xf32>
    %sqrt3A_1089 = math.sqrt %add3A_1088 : vector<32x128xf32>
    %div3A_1090 = arith.constant 1.000000e+00 : f32
    %div3A_1091 = vector.broadcast %div3A_1090 : f32 to vector<32x128xf32>
    %div3A_1092 = arith.divf %div3A_1091, %sqrt3A_1089 : vector<32x128xf32>
    %mul3A_1093 = arith.mulf %select_n3A_1084, %div3A_1092 : vector<32x128xf32>
    %eq3A_1094 = arith.constant 0.000000e+00 : f32
    %eq3A_1095 = vector.broadcast %eq3A_1094 : f32 to vector<32x128xf32>
    %eq3A_1096 = arith.cmpf oeq, %add3A_1033, %eq3A_1095 : vector<32x128xf32>
    %jit3A_1097 = arith.constant 1.000000e+00 : f32
    %broadcast_in_dim3A_1098 = vector.broadcast %jit3A_1097 : f32 to vector<32x128xf32>
    %select_n3A_1099 = arith.select %eq3A_1096, %broadcast_in_dim3A_1098, %div3A_1092 : vector<32x128xi1>, vector<32x128xf32>
    %jit3A_1100 = arith.constant 0.000000e+00 : f32
    %broadcast_in_dim3A_1101 = vector.broadcast %jit3A_1100 : f32 to vector<32x128xf32>
    %select_n3A_1102 = arith.select %eq3A_1096, %broadcast_in_dim3A_1101, %mul3A_1093 : vector<32x128xi1>, vector<32x128xf32>
    %mul3A_1103 = arith.mulf %select_n3A_1102, %select_n3A_1099 : vector<32x128xf32>
    %mul3A_1104 = arith.mulf %select_n3A_1099, %select_n3A_1099 : vector<32x128xf32>
    %mul3A_1105 = arith.mulf %mul3A_1104, %add3A_917 : vector<32x128xf32>
    %mul3A_1106 = arith.mulf %mul3A_1103, %add3A_1033 : vector<32x128xf32>
    %mul3A_1107 = arith.constant 2.000000e+00 : f32
    %mul3A_1108 = vector.broadcast %mul3A_1107 : f32 to vector<32x128xf32>
    %mul3A_1109 = arith.mulf %mul3A_1108, %mul3A_1106 : vector<32x128xf32>
    %sub3A_1110 = arith.subf %mul3A_1105, %mul3A_1109 : vector<32x128xf32>
    %mul3A_1111 = arith.mulf %select_n3A_1102, %select_n3A_1102 : vector<32x128xf32>
    %mul3A_1112 = arith.mulf %mul3A_1111, %add3A_1020 : vector<32x128xf32>
    %add3A_1113 = arith.addf %sub3A_1110, %mul3A_1112 : vector<32x128xf32>
    %mul3A_1114 = arith.mulf %select_n3A_1102, %select_n3A_1102 : vector<32x128xf32>
    %mul3A_1115 = arith.mulf %mul3A_1114, %add3A_917 : vector<32x128xf32>
    %mul3A_1116 = arith.mulf %mul3A_1103, %add3A_1033 : vector<32x128xf32>
    %mul3A_1117 = arith.constant 2.000000e+00 : f32
    %mul3A_1118 = vector.broadcast %mul3A_1117 : f32 to vector<32x128xf32>
    %mul3A_1119 = arith.mulf %mul3A_1118, %mul3A_1116 : vector<32x128xf32>
    %add3A_1120 = arith.addf %mul3A_1115, %mul3A_1119 : vector<32x128xf32>
    %mul3A_1121 = arith.mulf %select_n3A_1099, %select_n3A_1099 : vector<32x128xf32>
    %mul3A_1122 = arith.mulf %mul3A_1121, %add3A_1020 : vector<32x128xf32>
    %add3A_1123 = arith.addf %add3A_1120, %mul3A_1122 : vector<32x128xf32>
    %sub3A_1124 = arith.subf %add3A_917, %add3A_1020 : vector<32x128xf32>
    %mul3A_1125 = arith.mulf %mul3A_1103, %sub3A_1124 : vector<32x128xf32>
    %mul3A_1126 = arith.mulf %select_n3A_1099, %select_n3A_1099 : vector<32x128xf32>
    %mul3A_1127 = arith.mulf %select_n3A_1102, %select_n3A_1102 : vector<32x128xf32>
    %sub3A_1128 = arith.subf %mul3A_1126, %mul3A_1127 : vector<32x128xf32>
    %mul3A_1129 = arith.mulf %sub3A_1128, %add3A_1033 : vector<32x128xf32>
    %add3A_1130 = arith.addf %mul3A_1125, %mul3A_1129 : vector<32x128xf32>
    %mul3A_1131 = arith.mulf %select_n3A_1099, %sub3A_1030 : vector<32x128xf32>
    %mul3A_1132 = arith.mulf %select_n3A_1102, %add3A_1027 : vector<32x128xf32>
    %sub3A_1133 = arith.subf %mul3A_1131, %mul3A_1132 : vector<32x128xf32>
    %mul3A_1134 = arith.mulf %select_n3A_1102, %sub3A_1030 : vector<32x128xf32>
    %mul3A_1135 = arith.mulf %select_n3A_1099, %add3A_1027 : vector<32x128xf32>
    %add3A_1136 = arith.addf %mul3A_1134, %mul3A_1135 : vector<32x128xf32>
    %mul3A_1137 = arith.mulf %select_n3A_1099, %add3A_936 : vector<32x128xf32>
    %mul3A_1138 = arith.mulf %select_n3A_1102, %add3A_1039 : vector<32x128xf32>
    %sub3A_1139 = arith.subf %mul3A_1137, %mul3A_1138 : vector<32x128xf32>
    %mul3A_1140 = arith.mulf %select_n3A_1102, %add3A_936 : vector<32x128xf32>
    %mul3A_1141 = arith.mulf %select_n3A_1099, %add3A_1039 : vector<32x128xf32>
    %add3A_1142 = arith.addf %mul3A_1140, %mul3A_1141 : vector<32x128xf32>
    %mul3A_1143 = arith.mulf %select_n3A_1099, %add3A_942 : vector<32x128xf32>
    %mul3A_1144 = arith.mulf %select_n3A_1102, %add3A_1045 : vector<32x128xf32>
    %sub3A_1145 = arith.subf %mul3A_1143, %mul3A_1144 : vector<32x128xf32>
    %mul3A_1146 = arith.mulf %select_n3A_1102, %add3A_942 : vector<32x128xf32>
    %mul3A_1147 = arith.mulf %select_n3A_1099, %add3A_1045 : vector<32x128xf32>
    %add3A_1148 = arith.addf %mul3A_1146, %mul3A_1147 : vector<32x128xf32>
    %mul3A_1149 = arith.mulf %select_n3A_1099, %add3A_948 : vector<32x128xf32>
    %mul3A_1150 = arith.mulf %select_n3A_1102, %add3A_1051 : vector<32x128xf32>
    %sub3A_1151 = arith.subf %mul3A_1149, %mul3A_1150 : vector<32x128xf32>
    %mul3A_1152 = arith.mulf %select_n3A_1102, %add3A_948 : vector<32x128xf32>
    %mul3A_1153 = arith.mulf %select_n3A_1099, %add3A_1051 : vector<32x128xf32>
    %add3A_1154 = arith.addf %mul3A_1152, %mul3A_1153 : vector<32x128xf32>
    %sub3A_1155 = arith.subf %add3A_1113, %add3A_1010 : vector<32x128xf32>
    %mul3A_1156 = arith.constant 2.000000e+00 : f32
    %mul3A_1157 = vector.broadcast %mul3A_1156 : f32 to vector<32x128xf32>
    %mul3A_1158 = arith.mulf %mul3A_1157, %sub3A_1133 : vector<32x128xf32>
    %div3A_1159 = arith.divf %sub3A_1155, %mul3A_1158 : vector<32x128xf32>
    %abs3A_1160 = math.absf %div3A_1159 : vector<32x128xf32>
    %mul3A_1161 = arith.mulf %div3A_1159, %div3A_1159 : vector<32x128xf32>
    %add3A_1162 = arith.constant 1.000000e+00 : f32
    %add3A_1163 = vector.broadcast %add3A_1162 : f32 to vector<32x128xf32>
    %add3A_1164 = arith.addf %add3A_1163, %mul3A_1161 : vector<32x128xf32>
    %sqrt3A_1165 = math.sqrt %add3A_1164 : vector<32x128xf32>
    %add3A_1166 = arith.addf %abs3A_1160, %sqrt3A_1165 : vector<32x128xf32>
    %sign3A_1167 = tpu.bitcast %div3A_1159 : vector<32x128xf32> -> vector<32x128xi32>
    %sign3A_1168 = arith.constant -2147483648 : i32
    %sign3A_1169 = vector.broadcast %sign3A_1168 : i32 to vector<32x128xi32>
    %sign3A_1170 = arith.andi %sign3A_1167, %sign3A_1169 : vector<32x128xi32>
    %sign3A_1171 = arith.constant 1065353216 : i32
    %sign3A_1172 = vector.broadcast %sign3A_1171 : i32 to vector<32x128xi32>
    %sign3A_1173 = arith.ori %sign3A_1172, %sign3A_1170 : vector<32x128xi32>
    %sign3A_1174 = tpu.bitcast %sign3A_1173 : vector<32x128xi32> -> vector<32x128xf32>
    %sign3A_1175 = math.absf %div3A_1159 : vector<32x128xf32>
    %sign3A_1176 = arith.constant 0.000000e+00 : f32
    %sign3A_1177 = vector.broadcast %sign3A_1176 : f32 to vector<32x128xf32>
    %sign3A_1178 = arith.cmpf ogt, %sign3A_1175, %sign3A_1177 : vector<32x128xf32>
    %sign3A_1179 = arith.select %sign3A_1178, %sign3A_1174, %div3A_1159 : vector<32x128xi1>, vector<32x128xf32>
    %div3A_1180 = arith.divf %sign3A_1179, %add3A_1166 : vector<32x128xf32>
    %eq3A_1181 = arith.constant 0.000000e+00 : f32
    %eq3A_1182 = vector.broadcast %eq3A_1181 : f32 to vector<32x128xf32>
    %eq3A_1183 = arith.cmpf oeq, %div3A_1159, %eq3A_1182 : vector<32x128xf32>
    %div3A_1184 = arith.constant 1.000000e+00 : f32
    %div3A_1185 = vector.broadcast %div3A_1184 : f32 to vector<32x128xf32>
    %div3A_1186 = arith.divf %div3A_1185, %add3A_1166 : vector<32x128xf32>
    %select_n3A_1187 = arith.select %eq3A_1183, %div3A_1186, %div3A_1180 : vector<32x128xi1>, vector<32x128xf32>
    %mul3A_1188 = arith.mulf %select_n3A_1187, %select_n3A_1187 : vector<32x128xf32>
    %add3A_1189 = arith.constant 1.000000e+00 : f32
    %add3A_1190 = vector.broadcast %add3A_1189 : f32 to vector<32x128xf32>
    %add3A_1191 = arith.addf %add3A_1190, %mul3A_1188 : vector<32x128xf32>
    %sqrt3A_1192 = math.sqrt %add3A_1191 : vector<32x128xf32>
    %div3A_1193 = arith.constant 1.000000e+00 : f32
    %div3A_1194 = vector.broadcast %div3A_1193 : f32 to vector<32x128xf32>
    %div3A_1195 = arith.divf %div3A_1194, %sqrt3A_1192 : vector<32x128xf32>
    %mul3A_1196 = arith.mulf %select_n3A_1187, %div3A_1195 : vector<32x128xf32>
    %eq3A_1197 = arith.constant 0.000000e+00 : f32
    %eq3A_1198 = vector.broadcast %eq3A_1197 : f32 to vector<32x128xf32>
    %eq3A_1199 = arith.cmpf oeq, %sub3A_1133, %eq3A_1198 : vector<32x128xf32>
    %jit3A_1200 = arith.constant 1.000000e+00 : f32
    %broadcast_in_dim3A_1201 = vector.broadcast %jit3A_1200 : f32 to vector<32x128xf32>
    %select_n3A_1202 = arith.select %eq3A_1199, %broadcast_in_dim3A_1201, %div3A_1195 : vector<32x128xi1>, vector<32x128xf32>
    %jit3A_1203 = arith.constant 0.000000e+00 : f32
    %broadcast_in_dim3A_1204 = vector.broadcast %jit3A_1203 : f32 to vector<32x128xf32>
    %select_n3A_1205 = arith.select %eq3A_1199, %broadcast_in_dim3A_1204, %mul3A_1196 : vector<32x128xi1>, vector<32x128xf32>
    %mul3A_1206 = arith.mulf %select_n3A_1205, %select_n3A_1202 : vector<32x128xf32>
    %mul3A_1207 = arith.mulf %select_n3A_1202, %select_n3A_1202 : vector<32x128xf32>
    %mul3A_1208 = arith.mulf %mul3A_1207, %add3A_1010 : vector<32x128xf32>
    %mul3A_1209 = arith.mulf %mul3A_1206, %sub3A_1133 : vector<32x128xf32>
    %mul3A_1210 = arith.constant 2.000000e+00 : f32
    %mul3A_1211 = vector.broadcast %mul3A_1210 : f32 to vector<32x128xf32>
    %mul3A_1212 = arith.mulf %mul3A_1211, %mul3A_1209 : vector<32x128xf32>
    %sub3A_1213 = arith.subf %mul3A_1208, %mul3A_1212 : vector<32x128xf32>
    %mul3A_1214 = arith.mulf %select_n3A_1205, %select_n3A_1205 : vector<32x128xf32>
    %mul3A_1215 = arith.mulf %mul3A_1214, %add3A_1113 : vector<32x128xf32>
    %add3A_1216 = arith.addf %sub3A_1213, %mul3A_1215 : vector<32x128xf32>
    %mul3A_1217 = arith.mulf %select_n3A_1205, %select_n3A_1205 : vector<32x128xf32>
    %mul3A_1218 = arith.mulf %mul3A_1217, %add3A_1010 : vector<32x128xf32>
    %mul3A_1219 = arith.mulf %mul3A_1206, %sub3A_1133 : vector<32x128xf32>
    %mul3A_1220 = arith.constant 2.000000e+00 : f32
    %mul3A_1221 = vector.broadcast %mul3A_1220 : f32 to vector<32x128xf32>
    %mul3A_1222 = arith.mulf %mul3A_1221, %mul3A_1219 : vector<32x128xf32>
    %add3A_1223 = arith.addf %mul3A_1218, %mul3A_1222 : vector<32x128xf32>
    %mul3A_1224 = arith.mulf %select_n3A_1202, %select_n3A_1202 : vector<32x128xf32>
    %mul3A_1225 = arith.mulf %mul3A_1224, %add3A_1113 : vector<32x128xf32>
    %add3A_1226 = arith.addf %add3A_1223, %mul3A_1225 : vector<32x128xf32>
    %sub3A_1227 = arith.subf %add3A_1010, %add3A_1113 : vector<32x128xf32>
    %mul3A_1228 = arith.mulf %mul3A_1206, %sub3A_1227 : vector<32x128xf32>
    %mul3A_1229 = arith.mulf %select_n3A_1202, %select_n3A_1202 : vector<32x128xf32>
    %mul3A_1230 = arith.mulf %select_n3A_1205, %select_n3A_1205 : vector<32x128xf32>
    %sub3A_1231 = arith.subf %mul3A_1229, %mul3A_1230 : vector<32x128xf32>
    %mul3A_1232 = arith.mulf %sub3A_1231, %sub3A_1133 : vector<32x128xf32>
    %add3A_1233 = arith.addf %mul3A_1228, %mul3A_1232 : vector<32x128xf32>
    %mul3A_1234 = arith.mulf %select_n3A_1202, %add3A_1136 : vector<32x128xf32>
    %mul3A_1235 = arith.mulf %select_n3A_1205, %add3A_1130 : vector<32x128xf32>
    %sub3A_1236 = arith.subf %mul3A_1234, %mul3A_1235 : vector<32x128xf32>
    %mul3A_1237 = arith.mulf %select_n3A_1205, %add3A_1136 : vector<32x128xf32>
    %mul3A_1238 = arith.mulf %select_n3A_1202, %add3A_1130 : vector<32x128xf32>
    %add3A_1239 = arith.addf %mul3A_1237, %mul3A_1238 : vector<32x128xf32>
    %mul3A_1240 = arith.mulf %select_n3A_1202, %sub3A_1036 : vector<32x128xf32>
    %mul3A_1241 = arith.mulf %select_n3A_1205, %sub3A_1139 : vector<32x128xf32>
    %sub3A_1242 = arith.subf %mul3A_1240, %mul3A_1241 : vector<32x128xf32>
    %mul3A_1243 = arith.mulf %select_n3A_1205, %sub3A_1036 : vector<32x128xf32>
    %mul3A_1244 = arith.mulf %select_n3A_1202, %sub3A_1139 : vector<32x128xf32>
    %add3A_1245 = arith.addf %mul3A_1243, %mul3A_1244 : vector<32x128xf32>
    %mul3A_1246 = arith.mulf %select_n3A_1202, %sub3A_1042 : vector<32x128xf32>
    %mul3A_1247 = arith.mulf %select_n3A_1205, %sub3A_1145 : vector<32x128xf32>
    %sub3A_1248 = arith.subf %mul3A_1246, %mul3A_1247 : vector<32x128xf32>
    %mul3A_1249 = arith.mulf %select_n3A_1205, %sub3A_1042 : vector<32x128xf32>
    %mul3A_1250 = arith.mulf %select_n3A_1202, %sub3A_1145 : vector<32x128xf32>
    %add3A_1251 = arith.addf %mul3A_1249, %mul3A_1250 : vector<32x128xf32>
    %mul3A_1252 = arith.mulf %select_n3A_1202, %sub3A_1048 : vector<32x128xf32>
    %mul3A_1253 = arith.mulf %select_n3A_1205, %sub3A_1151 : vector<32x128xf32>
    %sub3A_1254 = arith.subf %mul3A_1252, %mul3A_1253 : vector<32x128xf32>
    %mul3A_1255 = arith.mulf %select_n3A_1205, %sub3A_1048 : vector<32x128xf32>
    %mul3A_1256 = arith.mulf %select_n3A_1202, %sub3A_1151 : vector<32x128xf32>
    %add3A_1257 = arith.addf %mul3A_1255, %mul3A_1256 : vector<32x128xf32>
    %sub3A_1258 = arith.subf %add3A_1123, %add3A_1216 : vector<32x128xf32>
    %mul3A_1259 = arith.constant 2.000000e+00 : f32
    %mul3A_1260 = vector.broadcast %mul3A_1259 : f32 to vector<32x128xf32>
    %mul3A_1261 = arith.mulf %mul3A_1260, %sub3A_1236 : vector<32x128xf32>
    %div3A_1262 = arith.divf %sub3A_1258, %mul3A_1261 : vector<32x128xf32>
    %abs3A_1263 = math.absf %div3A_1262 : vector<32x128xf32>
    %mul3A_1264 = arith.mulf %div3A_1262, %div3A_1262 : vector<32x128xf32>
    %add3A_1265 = arith.constant 1.000000e+00 : f32
    %add3A_1266 = vector.broadcast %add3A_1265 : f32 to vector<32x128xf32>
    %add3A_1267 = arith.addf %add3A_1266, %mul3A_1264 : vector<32x128xf32>
    %sqrt3A_1268 = math.sqrt %add3A_1267 : vector<32x128xf32>
    %add3A_1269 = arith.addf %abs3A_1263, %sqrt3A_1268 : vector<32x128xf32>
    %sign3A_1270 = tpu.bitcast %div3A_1262 : vector<32x128xf32> -> vector<32x128xi32>
    %sign3A_1271 = arith.constant -2147483648 : i32
    %sign3A_1272 = vector.broadcast %sign3A_1271 : i32 to vector<32x128xi32>
    %sign3A_1273 = arith.andi %sign3A_1270, %sign3A_1272 : vector<32x128xi32>
    %sign3A_1274 = arith.constant 1065353216 : i32
    %sign3A_1275 = vector.broadcast %sign3A_1274 : i32 to vector<32x128xi32>
    %sign3A_1276 = arith.ori %sign3A_1275, %sign3A_1273 : vector<32x128xi32>
    %sign3A_1277 = tpu.bitcast %sign3A_1276 : vector<32x128xi32> -> vector<32x128xf32>
    %sign3A_1278 = math.absf %div3A_1262 : vector<32x128xf32>
    %sign3A_1279 = arith.constant 0.000000e+00 : f32
    %sign3A_1280 = vector.broadcast %sign3A_1279 : f32 to vector<32x128xf32>
    %sign3A_1281 = arith.cmpf ogt, %sign3A_1278, %sign3A_1280 : vector<32x128xf32>
    %sign3A_1282 = arith.select %sign3A_1281, %sign3A_1277, %div3A_1262 : vector<32x128xi1>, vector<32x128xf32>
    %div3A_1283 = arith.divf %sign3A_1282, %add3A_1269 : vector<32x128xf32>
    %eq3A_1284 = arith.constant 0.000000e+00 : f32
    %eq3A_1285 = vector.broadcast %eq3A_1284 : f32 to vector<32x128xf32>
    %eq3A_1286 = arith.cmpf oeq, %div3A_1262, %eq3A_1285 : vector<32x128xf32>
    %div3A_1287 = arith.constant 1.000000e+00 : f32
    %div3A_1288 = vector.broadcast %div3A_1287 : f32 to vector<32x128xf32>
    %div3A_1289 = arith.divf %div3A_1288, %add3A_1269 : vector<32x128xf32>
    %select_n3A_1290 = arith.select %eq3A_1286, %div3A_1289, %div3A_1283 : vector<32x128xi1>, vector<32x128xf32>
    %mul3A_1291 = arith.mulf %select_n3A_1290, %select_n3A_1290 : vector<32x128xf32>
    %add3A_1292 = arith.constant 1.000000e+00 : f32
    %add3A_1293 = vector.broadcast %add3A_1292 : f32 to vector<32x128xf32>
    %add3A_1294 = arith.addf %add3A_1293, %mul3A_1291 : vector<32x128xf32>
    %sqrt3A_1295 = math.sqrt %add3A_1294 : vector<32x128xf32>
    %div3A_1296 = arith.constant 1.000000e+00 : f32
    %div3A_1297 = vector.broadcast %div3A_1296 : f32 to vector<32x128xf32>
    %div3A_1298 = arith.divf %div3A_1297, %sqrt3A_1295 : vector<32x128xf32>
    %mul3A_1299 = arith.mulf %select_n3A_1290, %div3A_1298 : vector<32x128xf32>
    %eq3A_1300 = arith.constant 0.000000e+00 : f32
    %eq3A_1301 = vector.broadcast %eq3A_1300 : f32 to vector<32x128xf32>
    %eq3A_1302 = arith.cmpf oeq, %sub3A_1236, %eq3A_1301 : vector<32x128xf32>
    %jit3A_1303 = arith.constant 1.000000e+00 : f32
    %broadcast_in_dim3A_1304 = vector.broadcast %jit3A_1303 : f32 to vector<32x128xf32>
    %select_n3A_1305 = arith.select %eq3A_1302, %broadcast_in_dim3A_1304, %div3A_1298 : vector<32x128xi1>, vector<32x128xf32>
    %jit3A_1306 = arith.constant 0.000000e+00 : f32
    %broadcast_in_dim3A_1307 = vector.broadcast %jit3A_1306 : f32 to vector<32x128xf32>
    %select_n3A_1308 = arith.select %eq3A_1302, %broadcast_in_dim3A_1307, %mul3A_1299 : vector<32x128xi1>, vector<32x128xf32>
    %mul3A_1309 = arith.mulf %select_n3A_1308, %select_n3A_1305 : vector<32x128xf32>
    %mul3A_1310 = arith.mulf %select_n3A_1305, %select_n3A_1305 : vector<32x128xf32>
    %mul3A_1311 = arith.mulf %mul3A_1310, %add3A_1216 : vector<32x128xf32>
    %mul3A_1312 = arith.mulf %mul3A_1309, %sub3A_1236 : vector<32x128xf32>
    %mul3A_1313 = arith.constant 2.000000e+00 : f32
    %mul3A_1314 = vector.broadcast %mul3A_1313 : f32 to vector<32x128xf32>
    %mul3A_1315 = arith.mulf %mul3A_1314, %mul3A_1312 : vector<32x128xf32>
    %sub3A_1316 = arith.subf %mul3A_1311, %mul3A_1315 : vector<32x128xf32>
    %mul3A_1317 = arith.mulf %select_n3A_1308, %select_n3A_1308 : vector<32x128xf32>
    %mul3A_1318 = arith.mulf %mul3A_1317, %add3A_1123 : vector<32x128xf32>
    %add3A_1319 = arith.addf %sub3A_1316, %mul3A_1318 : vector<32x128xf32>
    %mul3A_1320 = arith.mulf %select_n3A_1308, %select_n3A_1308 : vector<32x128xf32>
    %mul3A_1321 = arith.mulf %mul3A_1320, %add3A_1216 : vector<32x128xf32>
    %mul3A_1322 = arith.mulf %mul3A_1309, %sub3A_1236 : vector<32x128xf32>
    %mul3A_1323 = arith.constant 2.000000e+00 : f32
    %mul3A_1324 = vector.broadcast %mul3A_1323 : f32 to vector<32x128xf32>
    %mul3A_1325 = arith.mulf %mul3A_1324, %mul3A_1322 : vector<32x128xf32>
    %add3A_1326 = arith.addf %mul3A_1321, %mul3A_1325 : vector<32x128xf32>
    %mul3A_1327 = arith.mulf %select_n3A_1305, %select_n3A_1305 : vector<32x128xf32>
    %mul3A_1328 = arith.mulf %mul3A_1327, %add3A_1123 : vector<32x128xf32>
    %add3A_1329 = arith.addf %add3A_1326, %mul3A_1328 : vector<32x128xf32>
    %sub3A_1330 = arith.subf %add3A_1216, %add3A_1123 : vector<32x128xf32>
    %mul3A_1331 = arith.mulf %mul3A_1309, %sub3A_1330 : vector<32x128xf32>
    %mul3A_1332 = arith.mulf %select_n3A_1305, %select_n3A_1305 : vector<32x128xf32>
    %mul3A_1333 = arith.mulf %select_n3A_1308, %select_n3A_1308 : vector<32x128xf32>
    %sub3A_1334 = arith.subf %mul3A_1332, %mul3A_1333 : vector<32x128xf32>
    %mul3A_1335 = arith.mulf %sub3A_1334, %sub3A_1236 : vector<32x128xf32>
    %add3A_1336 = arith.addf %mul3A_1331, %mul3A_1335 : vector<32x128xf32>
    %mul3A_1337 = arith.mulf %select_n3A_1305, %add3A_1233 : vector<32x128xf32>
    %mul3A_1338 = arith.mulf %select_n3A_1308, %add3A_1239 : vector<32x128xf32>
    %sub3A_1339 = arith.subf %mul3A_1337, %mul3A_1338 : vector<32x128xf32>
    %mul3A_1340 = arith.mulf %select_n3A_1308, %add3A_1233 : vector<32x128xf32>
    %mul3A_1341 = arith.mulf %select_n3A_1305, %add3A_1239 : vector<32x128xf32>
    %add3A_1342 = arith.addf %mul3A_1340, %mul3A_1341 : vector<32x128xf32>
    %mul3A_1343 = arith.mulf %select_n3A_1305, %sub3A_1242 : vector<32x128xf32>
    %mul3A_1344 = arith.mulf %select_n3A_1308, %add3A_1142 : vector<32x128xf32>
    %sub3A_1345 = arith.subf %mul3A_1343, %mul3A_1344 : vector<32x128xf32>
    %mul3A_1346 = arith.mulf %select_n3A_1308, %sub3A_1242 : vector<32x128xf32>
    %mul3A_1347 = arith.mulf %select_n3A_1305, %add3A_1142 : vector<32x128xf32>
    %add3A_1348 = arith.addf %mul3A_1346, %mul3A_1347 : vector<32x128xf32>
    %mul3A_1349 = arith.mulf %select_n3A_1305, %sub3A_1248 : vector<32x128xf32>
    %mul3A_1350 = arith.mulf %select_n3A_1308, %add3A_1148 : vector<32x128xf32>
    %sub3A_1351 = arith.subf %mul3A_1349, %mul3A_1350 : vector<32x128xf32>
    %mul3A_1352 = arith.mulf %select_n3A_1308, %sub3A_1248 : vector<32x128xf32>
    %mul3A_1353 = arith.mulf %select_n3A_1305, %add3A_1148 : vector<32x128xf32>
    %add3A_1354 = arith.addf %mul3A_1352, %mul3A_1353 : vector<32x128xf32>
    %mul3A_1355 = arith.mulf %select_n3A_1305, %sub3A_1254 : vector<32x128xf32>
    %mul3A_1356 = arith.mulf %select_n3A_1308, %add3A_1154 : vector<32x128xf32>
    %sub3A_1357 = arith.subf %mul3A_1355, %mul3A_1356 : vector<32x128xf32>
    %mul3A_1358 = arith.mulf %select_n3A_1308, %sub3A_1254 : vector<32x128xf32>
    %mul3A_1359 = arith.mulf %select_n3A_1305, %add3A_1154 : vector<32x128xf32>
    %add3A_1360 = arith.addf %mul3A_1358, %mul3A_1359 : vector<32x128xf32>
    %sub3A_1361 = arith.subf %add3A_1329, %add3A_1226 : vector<32x128xf32>
    %mul3A_1362 = arith.constant 2.000000e+00 : f32
    %mul3A_1363 = vector.broadcast %mul3A_1362 : f32 to vector<32x128xf32>
    %mul3A_1364 = arith.mulf %mul3A_1363, %add3A_1342 : vector<32x128xf32>
    %div3A_1365 = arith.divf %sub3A_1361, %mul3A_1364 : vector<32x128xf32>
    %abs3A_1366 = math.absf %div3A_1365 : vector<32x128xf32>
    %mul3A_1367 = arith.mulf %div3A_1365, %div3A_1365 : vector<32x128xf32>
    %add3A_1368 = arith.constant 1.000000e+00 : f32
    %add3A_1369 = vector.broadcast %add3A_1368 : f32 to vector<32x128xf32>
    %add3A_1370 = arith.addf %add3A_1369, %mul3A_1367 : vector<32x128xf32>
    %sqrt3A_1371 = math.sqrt %add3A_1370 : vector<32x128xf32>
    %add3A_1372 = arith.addf %abs3A_1366, %sqrt3A_1371 : vector<32x128xf32>
    %sign3A_1373 = tpu.bitcast %div3A_1365 : vector<32x128xf32> -> vector<32x128xi32>
    %sign3A_1374 = arith.constant -2147483648 : i32
    %sign3A_1375 = vector.broadcast %sign3A_1374 : i32 to vector<32x128xi32>
    %sign3A_1376 = arith.andi %sign3A_1373, %sign3A_1375 : vector<32x128xi32>
    %sign3A_1377 = arith.constant 1065353216 : i32
    %sign3A_1378 = vector.broadcast %sign3A_1377 : i32 to vector<32x128xi32>
    %sign3A_1379 = arith.ori %sign3A_1378, %sign3A_1376 : vector<32x128xi32>
    %sign3A_1380 = tpu.bitcast %sign3A_1379 : vector<32x128xi32> -> vector<32x128xf32>
    %sign3A_1381 = math.absf %div3A_1365 : vector<32x128xf32>
    %sign3A_1382 = arith.constant 0.000000e+00 : f32
    %sign3A_1383 = vector.broadcast %sign3A_1382 : f32 to vector<32x128xf32>
    %sign3A_1384 = arith.cmpf ogt, %sign3A_1381, %sign3A_1383 : vector<32x128xf32>
    %sign3A_1385 = arith.select %sign3A_1384, %sign3A_1380, %div3A_1365 : vector<32x128xi1>, vector<32x128xf32>
    %div3A_1386 = arith.divf %sign3A_1385, %add3A_1372 : vector<32x128xf32>
    %eq3A_1387 = arith.constant 0.000000e+00 : f32
    %eq3A_1388 = vector.broadcast %eq3A_1387 : f32 to vector<32x128xf32>
    %eq3A_1389 = arith.cmpf oeq, %div3A_1365, %eq3A_1388 : vector<32x128xf32>
    %div3A_1390 = arith.constant 1.000000e+00 : f32
    %div3A_1391 = vector.broadcast %div3A_1390 : f32 to vector<32x128xf32>
    %div3A_1392 = arith.divf %div3A_1391, %add3A_1372 : vector<32x128xf32>
    %select_n3A_1393 = arith.select %eq3A_1389, %div3A_1392, %div3A_1386 : vector<32x128xi1>, vector<32x128xf32>
    %mul3A_1394 = arith.mulf %select_n3A_1393, %select_n3A_1393 : vector<32x128xf32>
    %add3A_1395 = arith.constant 1.000000e+00 : f32
    %add3A_1396 = vector.broadcast %add3A_1395 : f32 to vector<32x128xf32>
    %add3A_1397 = arith.addf %add3A_1396, %mul3A_1394 : vector<32x128xf32>
    %sqrt3A_1398 = math.sqrt %add3A_1397 : vector<32x128xf32>
    %div3A_1399 = arith.constant 1.000000e+00 : f32
    %div3A_1400 = vector.broadcast %div3A_1399 : f32 to vector<32x128xf32>
    %div3A_1401 = arith.divf %div3A_1400, %sqrt3A_1398 : vector<32x128xf32>
    %mul3A_1402 = arith.mulf %select_n3A_1393, %div3A_1401 : vector<32x128xf32>
    %eq3A_1403 = arith.constant 0.000000e+00 : f32
    %eq3A_1404 = vector.broadcast %eq3A_1403 : f32 to vector<32x128xf32>
    %eq3A_1405 = arith.cmpf oeq, %add3A_1342, %eq3A_1404 : vector<32x128xf32>
    %jit3A_1406 = arith.constant 1.000000e+00 : f32
    %broadcast_in_dim3A_1407 = vector.broadcast %jit3A_1406 : f32 to vector<32x128xf32>
    %select_n3A_1408 = arith.select %eq3A_1405, %broadcast_in_dim3A_1407, %div3A_1401 : vector<32x128xi1>, vector<32x128xf32>
    %jit3A_1409 = arith.constant 0.000000e+00 : f32
    %broadcast_in_dim3A_1410 = vector.broadcast %jit3A_1409 : f32 to vector<32x128xf32>
    %select_n3A_1411 = arith.select %eq3A_1405, %broadcast_in_dim3A_1410, %mul3A_1402 : vector<32x128xi1>, vector<32x128xf32>
    %mul3A_1412 = arith.mulf %select_n3A_1411, %select_n3A_1408 : vector<32x128xf32>
    %mul3A_1413 = arith.mulf %select_n3A_1408, %select_n3A_1408 : vector<32x128xf32>
    %mul3A_1414 = arith.mulf %mul3A_1413, %add3A_1226 : vector<32x128xf32>
    %mul3A_1415 = arith.mulf %mul3A_1412, %add3A_1342 : vector<32x128xf32>
    %mul3A_1416 = arith.constant 2.000000e+00 : f32
    %mul3A_1417 = vector.broadcast %mul3A_1416 : f32 to vector<32x128xf32>
    %mul3A_1418 = arith.mulf %mul3A_1417, %mul3A_1415 : vector<32x128xf32>
    %sub3A_1419 = arith.subf %mul3A_1414, %mul3A_1418 : vector<32x128xf32>
    %mul3A_1420 = arith.mulf %select_n3A_1411, %select_n3A_1411 : vector<32x128xf32>
    %mul3A_1421 = arith.mulf %mul3A_1420, %add3A_1329 : vector<32x128xf32>
    %add3A_1422 = arith.addf %sub3A_1419, %mul3A_1421 : vector<32x128xf32>
    %mul3A_1423 = arith.mulf %select_n3A_1411, %select_n3A_1411 : vector<32x128xf32>
    %mul3A_1424 = arith.mulf %mul3A_1423, %add3A_1226 : vector<32x128xf32>
    %mul3A_1425 = arith.mulf %mul3A_1412, %add3A_1342 : vector<32x128xf32>
    %mul3A_1426 = arith.constant 2.000000e+00 : f32
    %mul3A_1427 = vector.broadcast %mul3A_1426 : f32 to vector<32x128xf32>
    %mul3A_1428 = arith.mulf %mul3A_1427, %mul3A_1425 : vector<32x128xf32>
    %add3A_1429 = arith.addf %mul3A_1424, %mul3A_1428 : vector<32x128xf32>
    %mul3A_1430 = arith.mulf %select_n3A_1408, %select_n3A_1408 : vector<32x128xf32>
    %mul3A_1431 = arith.mulf %mul3A_1430, %add3A_1329 : vector<32x128xf32>
    %add3A_1432 = arith.addf %add3A_1429, %mul3A_1431 : vector<32x128xf32>
    %sub3A_1433 = arith.subf %add3A_1226, %add3A_1329 : vector<32x128xf32>
    %mul3A_1434 = arith.mulf %mul3A_1412, %sub3A_1433 : vector<32x128xf32>
    %mul3A_1435 = arith.mulf %select_n3A_1408, %select_n3A_1408 : vector<32x128xf32>
    %mul3A_1436 = arith.mulf %select_n3A_1411, %select_n3A_1411 : vector<32x128xf32>
    %sub3A_1437 = arith.subf %mul3A_1435, %mul3A_1436 : vector<32x128xf32>
    %mul3A_1438 = arith.mulf %sub3A_1437, %add3A_1342 : vector<32x128xf32>
    %add3A_1439 = arith.addf %mul3A_1434, %mul3A_1438 : vector<32x128xf32>
    %mul3A_1440 = arith.mulf %select_n3A_1408, %sub3A_1339 : vector<32x128xf32>
    %mul3A_1441 = arith.mulf %select_n3A_1411, %add3A_1336 : vector<32x128xf32>
    %sub3A_1442 = arith.subf %mul3A_1440, %mul3A_1441 : vector<32x128xf32>
    %mul3A_1443 = arith.mulf %select_n3A_1411, %sub3A_1339 : vector<32x128xf32>
    %mul3A_1444 = arith.mulf %select_n3A_1408, %add3A_1336 : vector<32x128xf32>
    %add3A_1445 = arith.addf %mul3A_1443, %mul3A_1444 : vector<32x128xf32>
    %mul3A_1446 = arith.mulf %select_n3A_1408, %add3A_1245 : vector<32x128xf32>
    %mul3A_1447 = arith.mulf %select_n3A_1411, %add3A_1348 : vector<32x128xf32>
    %sub3A_1448 = arith.subf %mul3A_1446, %mul3A_1447 : vector<32x128xf32>
    %mul3A_1449 = arith.mulf %select_n3A_1411, %add3A_1245 : vector<32x128xf32>
    %mul3A_1450 = arith.mulf %select_n3A_1408, %add3A_1348 : vector<32x128xf32>
    %add3A_1451 = arith.addf %mul3A_1449, %mul3A_1450 : vector<32x128xf32>
    %mul3A_1452 = arith.mulf %select_n3A_1408, %add3A_1251 : vector<32x128xf32>
    %mul3A_1453 = arith.mulf %select_n3A_1411, %add3A_1354 : vector<32x128xf32>
    %sub3A_1454 = arith.subf %mul3A_1452, %mul3A_1453 : vector<32x128xf32>
    %mul3A_1455 = arith.mulf %select_n3A_1411, %add3A_1251 : vector<32x128xf32>
    %mul3A_1456 = arith.mulf %select_n3A_1408, %add3A_1354 : vector<32x128xf32>
    %add3A_1457 = arith.addf %mul3A_1455, %mul3A_1456 : vector<32x128xf32>
    %mul3A_1458 = arith.mulf %select_n3A_1408, %add3A_1257 : vector<32x128xf32>
    %mul3A_1459 = arith.mulf %select_n3A_1411, %add3A_1360 : vector<32x128xf32>
    %sub3A_1460 = arith.subf %mul3A_1458, %mul3A_1459 : vector<32x128xf32>
    %mul3A_1461 = arith.mulf %select_n3A_1411, %add3A_1257 : vector<32x128xf32>
    %mul3A_1462 = arith.mulf %select_n3A_1408, %add3A_1360 : vector<32x128xf32>
    %add3A_1463 = arith.addf %mul3A_1461, %mul3A_1462 : vector<32x128xf32>
    %sub3A_1464 = arith.subf %add3A_1422, %add3A_1319 : vector<32x128xf32>
    %mul3A_1465 = arith.constant 2.000000e+00 : f32
    %mul3A_1466 = vector.broadcast %mul3A_1465 : f32 to vector<32x128xf32>
    %mul3A_1467 = arith.mulf %mul3A_1466, %sub3A_1442 : vector<32x128xf32>
    %div3A_1468 = arith.divf %sub3A_1464, %mul3A_1467 : vector<32x128xf32>
    %abs3A_1469 = math.absf %div3A_1468 : vector<32x128xf32>
    %mul3A_1470 = arith.mulf %div3A_1468, %div3A_1468 : vector<32x128xf32>
    %add3A_1471 = arith.constant 1.000000e+00 : f32
    %add3A_1472 = vector.broadcast %add3A_1471 : f32 to vector<32x128xf32>
    %add3A_1473 = arith.addf %add3A_1472, %mul3A_1470 : vector<32x128xf32>
    %sqrt3A_1474 = math.sqrt %add3A_1473 : vector<32x128xf32>
    %add3A_1475 = arith.addf %abs3A_1469, %sqrt3A_1474 : vector<32x128xf32>
    %sign3A_1476 = tpu.bitcast %div3A_1468 : vector<32x128xf32> -> vector<32x128xi32>
    %sign3A_1477 = arith.constant -2147483648 : i32
    %sign3A_1478 = vector.broadcast %sign3A_1477 : i32 to vector<32x128xi32>
    %sign3A_1479 = arith.andi %sign3A_1476, %sign3A_1478 : vector<32x128xi32>
    %sign3A_1480 = arith.constant 1065353216 : i32
    %sign3A_1481 = vector.broadcast %sign3A_1480 : i32 to vector<32x128xi32>
    %sign3A_1482 = arith.ori %sign3A_1481, %sign3A_1479 : vector<32x128xi32>
    %sign3A_1483 = tpu.bitcast %sign3A_1482 : vector<32x128xi32> -> vector<32x128xf32>
    %sign3A_1484 = math.absf %div3A_1468 : vector<32x128xf32>
    %sign3A_1485 = arith.constant 0.000000e+00 : f32
    %sign3A_1486 = vector.broadcast %sign3A_1485 : f32 to vector<32x128xf32>
    %sign3A_1487 = arith.cmpf ogt, %sign3A_1484, %sign3A_1486 : vector<32x128xf32>
    %sign3A_1488 = arith.select %sign3A_1487, %sign3A_1483, %div3A_1468 : vector<32x128xi1>, vector<32x128xf32>
    %div3A_1489 = arith.divf %sign3A_1488, %add3A_1475 : vector<32x128xf32>
    %eq3A_1490 = arith.constant 0.000000e+00 : f32
    %eq3A_1491 = vector.broadcast %eq3A_1490 : f32 to vector<32x128xf32>
    %eq3A_1492 = arith.cmpf oeq, %div3A_1468, %eq3A_1491 : vector<32x128xf32>
    %div3A_1493 = arith.constant 1.000000e+00 : f32
    %div3A_1494 = vector.broadcast %div3A_1493 : f32 to vector<32x128xf32>
    %div3A_1495 = arith.divf %div3A_1494, %add3A_1475 : vector<32x128xf32>
    %select_n3A_1496 = arith.select %eq3A_1492, %div3A_1495, %div3A_1489 : vector<32x128xi1>, vector<32x128xf32>
    %mul3A_1497 = arith.mulf %select_n3A_1496, %select_n3A_1496 : vector<32x128xf32>
    %add3A_1498 = arith.constant 1.000000e+00 : f32
    %add3A_1499 = vector.broadcast %add3A_1498 : f32 to vector<32x128xf32>
    %add3A_1500 = arith.addf %add3A_1499, %mul3A_1497 : vector<32x128xf32>
    %sqrt3A_1501 = math.sqrt %add3A_1500 : vector<32x128xf32>
    %div3A_1502 = arith.constant 1.000000e+00 : f32
    %div3A_1503 = vector.broadcast %div3A_1502 : f32 to vector<32x128xf32>
    %div3A_1504 = arith.divf %div3A_1503, %sqrt3A_1501 : vector<32x128xf32>
    %mul3A_1505 = arith.mulf %select_n3A_1496, %div3A_1504 : vector<32x128xf32>
    %eq3A_1506 = arith.constant 0.000000e+00 : f32
    %eq3A_1507 = vector.broadcast %eq3A_1506 : f32 to vector<32x128xf32>
    %eq3A_1508 = arith.cmpf oeq, %sub3A_1442, %eq3A_1507 : vector<32x128xf32>
    %jit3A_1509 = arith.constant 1.000000e+00 : f32
    %broadcast_in_dim3A_1510 = vector.broadcast %jit3A_1509 : f32 to vector<32x128xf32>
    %select_n3A_1511 = arith.select %eq3A_1508, %broadcast_in_dim3A_1510, %div3A_1504 : vector<32x128xi1>, vector<32x128xf32>
    %jit3A_1512 = arith.constant 0.000000e+00 : f32
    %broadcast_in_dim3A_1513 = vector.broadcast %jit3A_1512 : f32 to vector<32x128xf32>
    %select_n3A_1514 = arith.select %eq3A_1508, %broadcast_in_dim3A_1513, %mul3A_1505 : vector<32x128xi1>, vector<32x128xf32>
    %mul3A_1515 = arith.mulf %select_n3A_1514, %select_n3A_1511 : vector<32x128xf32>
    %mul3A_1516 = arith.mulf %select_n3A_1511, %select_n3A_1511 : vector<32x128xf32>
    %mul3A_1517 = arith.mulf %mul3A_1516, %add3A_1319 : vector<32x128xf32>
    %mul3A_1518 = arith.mulf %mul3A_1515, %sub3A_1442 : vector<32x128xf32>
    %mul3A_1519 = arith.constant 2.000000e+00 : f32
    %mul3A_1520 = vector.broadcast %mul3A_1519 : f32 to vector<32x128xf32>
    %mul3A_1521 = arith.mulf %mul3A_1520, %mul3A_1518 : vector<32x128xf32>
    %sub3A_1522 = arith.subf %mul3A_1517, %mul3A_1521 : vector<32x128xf32>
    %mul3A_1523 = arith.mulf %select_n3A_1514, %select_n3A_1514 : vector<32x128xf32>
    %mul3A_1524 = arith.mulf %mul3A_1523, %add3A_1422 : vector<32x128xf32>
    %add3A_1525 = arith.addf %sub3A_1522, %mul3A_1524 : vector<32x128xf32>
    %mul3A_1526 = arith.mulf %select_n3A_1514, %select_n3A_1514 : vector<32x128xf32>
    %mul3A_1527 = arith.mulf %mul3A_1526, %add3A_1319 : vector<32x128xf32>
    %mul3A_1528 = arith.mulf %mul3A_1515, %sub3A_1442 : vector<32x128xf32>
    %mul3A_1529 = arith.constant 2.000000e+00 : f32
    %mul3A_1530 = vector.broadcast %mul3A_1529 : f32 to vector<32x128xf32>
    %mul3A_1531 = arith.mulf %mul3A_1530, %mul3A_1528 : vector<32x128xf32>
    %add3A_1532 = arith.addf %mul3A_1527, %mul3A_1531 : vector<32x128xf32>
    %mul3A_1533 = arith.mulf %select_n3A_1511, %select_n3A_1511 : vector<32x128xf32>
    %mul3A_1534 = arith.mulf %mul3A_1533, %add3A_1422 : vector<32x128xf32>
    %add3A_1535 = arith.addf %add3A_1532, %mul3A_1534 : vector<32x128xf32>
    %sub3A_1536 = arith.subf %add3A_1319, %add3A_1422 : vector<32x128xf32>
    %mul3A_1537 = arith.mulf %mul3A_1515, %sub3A_1536 : vector<32x128xf32>
    %mul3A_1538 = arith.mulf %select_n3A_1511, %select_n3A_1511 : vector<32x128xf32>
    %mul3A_1539 = arith.mulf %select_n3A_1514, %select_n3A_1514 : vector<32x128xf32>
    %sub3A_1540 = arith.subf %mul3A_1538, %mul3A_1539 : vector<32x128xf32>
    %mul3A_1541 = arith.mulf %sub3A_1540, %sub3A_1442 : vector<32x128xf32>
    %add3A_1542 = arith.addf %mul3A_1537, %mul3A_1541 : vector<32x128xf32>
    %mul3A_1543 = arith.mulf %select_n3A_1511, %add3A_1445 : vector<32x128xf32>
    %mul3A_1544 = arith.mulf %select_n3A_1514, %add3A_1439 : vector<32x128xf32>
    %sub3A_1545 = arith.subf %mul3A_1543, %mul3A_1544 : vector<32x128xf32>
    %mul3A_1546 = arith.mulf %select_n3A_1514, %add3A_1445 : vector<32x128xf32>
    %mul3A_1547 = arith.mulf %select_n3A_1511, %add3A_1439 : vector<32x128xf32>
    %add3A_1548 = arith.addf %mul3A_1546, %mul3A_1547 : vector<32x128xf32>
    %mul3A_1549 = arith.mulf %select_n3A_1511, %sub3A_1345 : vector<32x128xf32>
    %mul3A_1550 = arith.mulf %select_n3A_1514, %sub3A_1448 : vector<32x128xf32>
    %sub3A_1551 = arith.subf %mul3A_1549, %mul3A_1550 : vector<32x128xf32>
    %mul3A_1552 = arith.mulf %select_n3A_1514, %sub3A_1345 : vector<32x128xf32>
    %mul3A_1553 = arith.mulf %select_n3A_1511, %sub3A_1448 : vector<32x128xf32>
    %add3A_1554 = arith.addf %mul3A_1552, %mul3A_1553 : vector<32x128xf32>
    %mul3A_1555 = arith.mulf %select_n3A_1511, %sub3A_1351 : vector<32x128xf32>
    %mul3A_1556 = arith.mulf %select_n3A_1514, %sub3A_1454 : vector<32x128xf32>
    %sub3A_1557 = arith.subf %mul3A_1555, %mul3A_1556 : vector<32x128xf32>
    %mul3A_1558 = arith.mulf %select_n3A_1514, %sub3A_1351 : vector<32x128xf32>
    %mul3A_1559 = arith.mulf %select_n3A_1511, %sub3A_1454 : vector<32x128xf32>
    %add3A_1560 = arith.addf %mul3A_1558, %mul3A_1559 : vector<32x128xf32>
    %mul3A_1561 = arith.mulf %select_n3A_1511, %sub3A_1357 : vector<32x128xf32>
    %mul3A_1562 = arith.mulf %select_n3A_1514, %sub3A_1460 : vector<32x128xf32>
    %sub3A_1563 = arith.subf %mul3A_1561, %mul3A_1562 : vector<32x128xf32>
    %mul3A_1564 = arith.mulf %select_n3A_1514, %sub3A_1357 : vector<32x128xf32>
    %mul3A_1565 = arith.mulf %select_n3A_1511, %sub3A_1460 : vector<32x128xf32>
    %add3A_1566 = arith.addf %mul3A_1564, %mul3A_1565 : vector<32x128xf32>
    %sub3A_1567 = arith.subf %add3A_1432, %add3A_1525 : vector<32x128xf32>
    %mul3A_1568 = arith.constant 2.000000e+00 : f32
    %mul3A_1569 = vector.broadcast %mul3A_1568 : f32 to vector<32x128xf32>
    %mul3A_1570 = arith.mulf %mul3A_1569, %sub3A_1545 : vector<32x128xf32>
    %div3A_1571 = arith.divf %sub3A_1567, %mul3A_1570 : vector<32x128xf32>
    %abs3A_1572 = math.absf %div3A_1571 : vector<32x128xf32>
    %mul3A_1573 = arith.mulf %div3A_1571, %div3A_1571 : vector<32x128xf32>
    %add3A_1574 = arith.constant 1.000000e+00 : f32
    %add3A_1575 = vector.broadcast %add3A_1574 : f32 to vector<32x128xf32>
    %add3A_1576 = arith.addf %add3A_1575, %mul3A_1573 : vector<32x128xf32>
    %sqrt3A_1577 = math.sqrt %add3A_1576 : vector<32x128xf32>
    %add3A_1578 = arith.addf %abs3A_1572, %sqrt3A_1577 : vector<32x128xf32>
    %sign3A_1579 = tpu.bitcast %div3A_1571 : vector<32x128xf32> -> vector<32x128xi32>
    %sign3A_1580 = arith.constant -2147483648 : i32
    %sign3A_1581 = vector.broadcast %sign3A_1580 : i32 to vector<32x128xi32>
    %sign3A_1582 = arith.andi %sign3A_1579, %sign3A_1581 : vector<32x128xi32>
    %sign3A_1583 = arith.constant 1065353216 : i32
    %sign3A_1584 = vector.broadcast %sign3A_1583 : i32 to vector<32x128xi32>
    %sign3A_1585 = arith.ori %sign3A_1584, %sign3A_1582 : vector<32x128xi32>
    %sign3A_1586 = tpu.bitcast %sign3A_1585 : vector<32x128xi32> -> vector<32x128xf32>
    %sign3A_1587 = math.absf %div3A_1571 : vector<32x128xf32>
    %sign3A_1588 = arith.constant 0.000000e+00 : f32
    %sign3A_1589 = vector.broadcast %sign3A_1588 : f32 to vector<32x128xf32>
    %sign3A_1590 = arith.cmpf ogt, %sign3A_1587, %sign3A_1589 : vector<32x128xf32>
    %sign3A_1591 = arith.select %sign3A_1590, %sign3A_1586, %div3A_1571 : vector<32x128xi1>, vector<32x128xf32>
    %div3A_1592 = arith.divf %sign3A_1591, %add3A_1578 : vector<32x128xf32>
    %eq3A_1593 = arith.constant 0.000000e+00 : f32
    %eq3A_1594 = vector.broadcast %eq3A_1593 : f32 to vector<32x128xf32>
    %eq3A_1595 = arith.cmpf oeq, %div3A_1571, %eq3A_1594 : vector<32x128xf32>
    %div3A_1596 = arith.constant 1.000000e+00 : f32
    %div3A_1597 = vector.broadcast %div3A_1596 : f32 to vector<32x128xf32>
    %div3A_1598 = arith.divf %div3A_1597, %add3A_1578 : vector<32x128xf32>
    %select_n3A_1599 = arith.select %eq3A_1595, %div3A_1598, %div3A_1592 : vector<32x128xi1>, vector<32x128xf32>
    %mul3A_1600 = arith.mulf %select_n3A_1599, %select_n3A_1599 : vector<32x128xf32>
    %add3A_1601 = arith.constant 1.000000e+00 : f32
    %add3A_1602 = vector.broadcast %add3A_1601 : f32 to vector<32x128xf32>
    %add3A_1603 = arith.addf %add3A_1602, %mul3A_1600 : vector<32x128xf32>
    %sqrt3A_1604 = math.sqrt %add3A_1603 : vector<32x128xf32>
    %div3A_1605 = arith.constant 1.000000e+00 : f32
    %div3A_1606 = vector.broadcast %div3A_1605 : f32 to vector<32x128xf32>
    %div3A_1607 = arith.divf %div3A_1606, %sqrt3A_1604 : vector<32x128xf32>
    %mul3A_1608 = arith.mulf %select_n3A_1599, %div3A_1607 : vector<32x128xf32>
    %eq3A_1609 = arith.constant 0.000000e+00 : f32
    %eq3A_1610 = vector.broadcast %eq3A_1609 : f32 to vector<32x128xf32>
    %eq3A_1611 = arith.cmpf oeq, %sub3A_1545, %eq3A_1610 : vector<32x128xf32>
    %jit3A_1612 = arith.constant 1.000000e+00 : f32
    %broadcast_in_dim3A_1613 = vector.broadcast %jit3A_1612 : f32 to vector<32x128xf32>
    %select_n3A_1614 = arith.select %eq3A_1611, %broadcast_in_dim3A_1613, %div3A_1607 : vector<32x128xi1>, vector<32x128xf32>
    %jit3A_1615 = arith.constant 0.000000e+00 : f32
    %broadcast_in_dim3A_1616 = vector.broadcast %jit3A_1615 : f32 to vector<32x128xf32>
    %select_n3A_1617 = arith.select %eq3A_1611, %broadcast_in_dim3A_1616, %mul3A_1608 : vector<32x128xi1>, vector<32x128xf32>
    %mul3A_1618 = arith.mulf %select_n3A_1617, %select_n3A_1614 : vector<32x128xf32>
    %mul3A_1619 = arith.mulf %select_n3A_1614, %select_n3A_1614 : vector<32x128xf32>
    %mul3A_1620 = arith.mulf %mul3A_1619, %add3A_1525 : vector<32x128xf32>
    %mul3A_1621 = arith.mulf %mul3A_1618, %sub3A_1545 : vector<32x128xf32>
    %mul3A_1622 = arith.constant 2.000000e+00 : f32
    %mul3A_1623 = vector.broadcast %mul3A_1622 : f32 to vector<32x128xf32>
    %mul3A_1624 = arith.mulf %mul3A_1623, %mul3A_1621 : vector<32x128xf32>
    %sub3A_1625 = arith.subf %mul3A_1620, %mul3A_1624 : vector<32x128xf32>
    %mul3A_1626 = arith.mulf %select_n3A_1617, %select_n3A_1617 : vector<32x128xf32>
    %mul3A_1627 = arith.mulf %mul3A_1626, %add3A_1432 : vector<32x128xf32>
    %add3A_1628 = arith.addf %sub3A_1625, %mul3A_1627 : vector<32x128xf32>
    %mul3A_1629 = arith.mulf %select_n3A_1617, %select_n3A_1617 : vector<32x128xf32>
    %mul3A_1630 = arith.mulf %mul3A_1629, %add3A_1525 : vector<32x128xf32>
    %mul3A_1631 = arith.mulf %mul3A_1618, %sub3A_1545 : vector<32x128xf32>
    %mul3A_1632 = arith.constant 2.000000e+00 : f32
    %mul3A_1633 = vector.broadcast %mul3A_1632 : f32 to vector<32x128xf32>
    %mul3A_1634 = arith.mulf %mul3A_1633, %mul3A_1631 : vector<32x128xf32>
    %add3A_1635 = arith.addf %mul3A_1630, %mul3A_1634 : vector<32x128xf32>
    %mul3A_1636 = arith.mulf %select_n3A_1614, %select_n3A_1614 : vector<32x128xf32>
    %mul3A_1637 = arith.mulf %mul3A_1636, %add3A_1432 : vector<32x128xf32>
    %add3A_1638 = arith.addf %add3A_1635, %mul3A_1637 : vector<32x128xf32>
    %sub3A_1639 = arith.subf %add3A_1525, %add3A_1432 : vector<32x128xf32>
    %mul3A_1640 = arith.mulf %mul3A_1618, %sub3A_1639 : vector<32x128xf32>
    %mul3A_1641 = arith.mulf %select_n3A_1614, %select_n3A_1614 : vector<32x128xf32>
    %mul3A_1642 = arith.mulf %select_n3A_1617, %select_n3A_1617 : vector<32x128xf32>
    %sub3A_1643 = arith.subf %mul3A_1641, %mul3A_1642 : vector<32x128xf32>
    %mul3A_1644 = arith.mulf %sub3A_1643, %sub3A_1545 : vector<32x128xf32>
    %add3A_1645 = arith.addf %mul3A_1640, %mul3A_1644 : vector<32x128xf32>
    %mul3A_1646 = arith.mulf %select_n3A_1614, %add3A_1542 : vector<32x128xf32>
    %mul3A_1647 = arith.mulf %select_n3A_1617, %add3A_1548 : vector<32x128xf32>
    %sub3A_1648 = arith.subf %mul3A_1646, %mul3A_1647 : vector<32x128xf32>
    %mul3A_1649 = arith.mulf %select_n3A_1617, %add3A_1542 : vector<32x128xf32>
    %mul3A_1650 = arith.mulf %select_n3A_1614, %add3A_1548 : vector<32x128xf32>
    %add3A_1651 = arith.addf %mul3A_1649, %mul3A_1650 : vector<32x128xf32>
    %mul3A_1652 = arith.mulf %select_n3A_1614, %sub3A_1551 : vector<32x128xf32>
    %mul3A_1653 = arith.mulf %select_n3A_1617, %add3A_1451 : vector<32x128xf32>
    %sub3A_1654 = arith.subf %mul3A_1652, %mul3A_1653 : vector<32x128xf32>
    %mul3A_1655 = arith.mulf %select_n3A_1617, %sub3A_1551 : vector<32x128xf32>
    %mul3A_1656 = arith.mulf %select_n3A_1614, %add3A_1451 : vector<32x128xf32>
    %add3A_1657 = arith.addf %mul3A_1655, %mul3A_1656 : vector<32x128xf32>
    %mul3A_1658 = arith.mulf %select_n3A_1614, %sub3A_1557 : vector<32x128xf32>
    %mul3A_1659 = arith.mulf %select_n3A_1617, %add3A_1457 : vector<32x128xf32>
    %sub3A_1660 = arith.subf %mul3A_1658, %mul3A_1659 : vector<32x128xf32>
    %mul3A_1661 = arith.mulf %select_n3A_1617, %sub3A_1557 : vector<32x128xf32>
    %mul3A_1662 = arith.mulf %select_n3A_1614, %add3A_1457 : vector<32x128xf32>
    %add3A_1663 = arith.addf %mul3A_1661, %mul3A_1662 : vector<32x128xf32>
    %mul3A_1664 = arith.mulf %select_n3A_1614, %sub3A_1563 : vector<32x128xf32>
    %mul3A_1665 = arith.mulf %select_n3A_1617, %add3A_1463 : vector<32x128xf32>
    %sub3A_1666 = arith.subf %mul3A_1664, %mul3A_1665 : vector<32x128xf32>
    %mul3A_1667 = arith.mulf %select_n3A_1617, %sub3A_1563 : vector<32x128xf32>
    %mul3A_1668 = arith.mulf %select_n3A_1614, %add3A_1463 : vector<32x128xf32>
    %add3A_1669 = arith.addf %mul3A_1667, %mul3A_1668 : vector<32x128xf32>
    %sub3A_1670 = arith.subf %add3A_1638, %add3A_1535 : vector<32x128xf32>
    %mul3A_1671 = arith.constant 2.000000e+00 : f32
    %mul3A_1672 = vector.broadcast %mul3A_1671 : f32 to vector<32x128xf32>
    %mul3A_1673 = arith.mulf %mul3A_1672, %add3A_1651 : vector<32x128xf32>
    %div3A_1674 = arith.divf %sub3A_1670, %mul3A_1673 : vector<32x128xf32>
    %abs3A_1675 = math.absf %div3A_1674 : vector<32x128xf32>
    %mul3A_1676 = arith.mulf %div3A_1674, %div3A_1674 : vector<32x128xf32>
    %add3A_1677 = arith.constant 1.000000e+00 : f32
    %add3A_1678 = vector.broadcast %add3A_1677 : f32 to vector<32x128xf32>
    %add3A_1679 = arith.addf %add3A_1678, %mul3A_1676 : vector<32x128xf32>
    %sqrt3A_1680 = math.sqrt %add3A_1679 : vector<32x128xf32>
    %add3A_1681 = arith.addf %abs3A_1675, %sqrt3A_1680 : vector<32x128xf32>
    %sign3A_1682 = tpu.bitcast %div3A_1674 : vector<32x128xf32> -> vector<32x128xi32>
    %sign3A_1683 = arith.constant -2147483648 : i32
    %sign3A_1684 = vector.broadcast %sign3A_1683 : i32 to vector<32x128xi32>
    %sign3A_1685 = arith.andi %sign3A_1682, %sign3A_1684 : vector<32x128xi32>
    %sign3A_1686 = arith.constant 1065353216 : i32
    %sign3A_1687 = vector.broadcast %sign3A_1686 : i32 to vector<32x128xi32>
    %sign3A_1688 = arith.ori %sign3A_1687, %sign3A_1685 : vector<32x128xi32>
    %sign3A_1689 = tpu.bitcast %sign3A_1688 : vector<32x128xi32> -> vector<32x128xf32>
    %sign3A_1690 = math.absf %div3A_1674 : vector<32x128xf32>
    %sign3A_1691 = arith.constant 0.000000e+00 : f32
    %sign3A_1692 = vector.broadcast %sign3A_1691 : f32 to vector<32x128xf32>
    %sign3A_1693 = arith.cmpf ogt, %sign3A_1690, %sign3A_1692 : vector<32x128xf32>
    %sign3A_1694 = arith.select %sign3A_1693, %sign3A_1689, %div3A_1674 : vector<32x128xi1>, vector<32x128xf32>
    %div3A_1695 = arith.divf %sign3A_1694, %add3A_1681 : vector<32x128xf32>
    %eq3A_1696 = arith.constant 0.000000e+00 : f32
    %eq3A_1697 = vector.broadcast %eq3A_1696 : f32 to vector<32x128xf32>
    %eq3A_1698 = arith.cmpf oeq, %div3A_1674, %eq3A_1697 : vector<32x128xf32>
    %div3A_1699 = arith.constant 1.000000e+00 : f32
    %div3A_1700 = vector.broadcast %div3A_1699 : f32 to vector<32x128xf32>
    %div3A_1701 = arith.divf %div3A_1700, %add3A_1681 : vector<32x128xf32>
    %select_n3A_1702 = arith.select %eq3A_1698, %div3A_1701, %div3A_1695 : vector<32x128xi1>, vector<32x128xf32>
    %mul3A_1703 = arith.mulf %select_n3A_1702, %select_n3A_1702 : vector<32x128xf32>
    %add3A_1704 = arith.constant 1.000000e+00 : f32
    %add3A_1705 = vector.broadcast %add3A_1704 : f32 to vector<32x128xf32>
    %add3A_1706 = arith.addf %add3A_1705, %mul3A_1703 : vector<32x128xf32>
    %sqrt3A_1707 = math.sqrt %add3A_1706 : vector<32x128xf32>
    %div3A_1708 = arith.constant 1.000000e+00 : f32
    %div3A_1709 = vector.broadcast %div3A_1708 : f32 to vector<32x128xf32>
    %div3A_1710 = arith.divf %div3A_1709, %sqrt3A_1707 : vector<32x128xf32>
    %mul3A_1711 = arith.mulf %select_n3A_1702, %div3A_1710 : vector<32x128xf32>
    %eq3A_1712 = arith.constant 0.000000e+00 : f32
    %eq3A_1713 = vector.broadcast %eq3A_1712 : f32 to vector<32x128xf32>
    %eq3A_1714 = arith.cmpf oeq, %add3A_1651, %eq3A_1713 : vector<32x128xf32>
    %jit3A_1715 = arith.constant 1.000000e+00 : f32
    %broadcast_in_dim3A_1716 = vector.broadcast %jit3A_1715 : f32 to vector<32x128xf32>
    %select_n3A_1717 = arith.select %eq3A_1714, %broadcast_in_dim3A_1716, %div3A_1710 : vector<32x128xi1>, vector<32x128xf32>
    %jit3A_1718 = arith.constant 0.000000e+00 : f32
    %broadcast_in_dim3A_1719 = vector.broadcast %jit3A_1718 : f32 to vector<32x128xf32>
    %select_n3A_1720 = arith.select %eq3A_1714, %broadcast_in_dim3A_1719, %mul3A_1711 : vector<32x128xi1>, vector<32x128xf32>
    %mul3A_1721 = arith.mulf %select_n3A_1720, %select_n3A_1717 : vector<32x128xf32>
    %mul3A_1722 = arith.mulf %select_n3A_1717, %select_n3A_1717 : vector<32x128xf32>
    %mul3A_1723 = arith.mulf %mul3A_1722, %add3A_1535 : vector<32x128xf32>
    %mul3A_1724 = arith.mulf %mul3A_1721, %add3A_1651 : vector<32x128xf32>
    %mul3A_1725 = arith.constant 2.000000e+00 : f32
    %mul3A_1726 = vector.broadcast %mul3A_1725 : f32 to vector<32x128xf32>
    %mul3A_1727 = arith.mulf %mul3A_1726, %mul3A_1724 : vector<32x128xf32>
    %sub3A_1728 = arith.subf %mul3A_1723, %mul3A_1727 : vector<32x128xf32>
    %mul3A_1729 = arith.mulf %select_n3A_1720, %select_n3A_1720 : vector<32x128xf32>
    %mul3A_1730 = arith.mulf %mul3A_1729, %add3A_1638 : vector<32x128xf32>
    %add3A_1731 = arith.addf %sub3A_1728, %mul3A_1730 : vector<32x128xf32>
    %mul3A_1732 = arith.mulf %select_n3A_1720, %select_n3A_1720 : vector<32x128xf32>
    %mul3A_1733 = arith.mulf %mul3A_1732, %add3A_1535 : vector<32x128xf32>
    %mul3A_1734 = arith.mulf %mul3A_1721, %add3A_1651 : vector<32x128xf32>
    %mul3A_1735 = arith.constant 2.000000e+00 : f32
    %mul3A_1736 = vector.broadcast %mul3A_1735 : f32 to vector<32x128xf32>
    %mul3A_1737 = arith.mulf %mul3A_1736, %mul3A_1734 : vector<32x128xf32>
    %add3A_1738 = arith.addf %mul3A_1733, %mul3A_1737 : vector<32x128xf32>
    %mul3A_1739 = arith.mulf %select_n3A_1717, %select_n3A_1717 : vector<32x128xf32>
    %mul3A_1740 = arith.mulf %mul3A_1739, %add3A_1638 : vector<32x128xf32>
    %add3A_1741 = arith.addf %add3A_1738, %mul3A_1740 : vector<32x128xf32>
    %sub3A_1742 = arith.subf %add3A_1535, %add3A_1638 : vector<32x128xf32>
    %mul3A_1743 = arith.mulf %mul3A_1721, %sub3A_1742 : vector<32x128xf32>
    %mul3A_1744 = arith.mulf %select_n3A_1717, %select_n3A_1717 : vector<32x128xf32>
    %mul3A_1745 = arith.mulf %select_n3A_1720, %select_n3A_1720 : vector<32x128xf32>
    %sub3A_1746 = arith.subf %mul3A_1744, %mul3A_1745 : vector<32x128xf32>
    %mul3A_1747 = arith.mulf %sub3A_1746, %add3A_1651 : vector<32x128xf32>
    %add3A_1748 = arith.addf %mul3A_1743, %mul3A_1747 : vector<32x128xf32>
    %mul3A_1749 = arith.mulf %select_n3A_1717, %sub3A_1648 : vector<32x128xf32>
    %mul3A_1750 = arith.mulf %select_n3A_1720, %add3A_1645 : vector<32x128xf32>
    %sub3A_1751 = arith.subf %mul3A_1749, %mul3A_1750 : vector<32x128xf32>
    %mul3A_1752 = arith.mulf %select_n3A_1720, %sub3A_1648 : vector<32x128xf32>
    %mul3A_1753 = arith.mulf %select_n3A_1717, %add3A_1645 : vector<32x128xf32>
    %add3A_1754 = arith.addf %mul3A_1752, %mul3A_1753 : vector<32x128xf32>
    %mul3A_1755 = arith.mulf %select_n3A_1717, %add3A_1554 : vector<32x128xf32>
    %mul3A_1756 = arith.mulf %select_n3A_1720, %add3A_1657 : vector<32x128xf32>
    %sub3A_1757 = arith.subf %mul3A_1755, %mul3A_1756 : vector<32x128xf32>
    %mul3A_1758 = arith.mulf %select_n3A_1720, %add3A_1554 : vector<32x128xf32>
    %mul3A_1759 = arith.mulf %select_n3A_1717, %add3A_1657 : vector<32x128xf32>
    %add3A_1760 = arith.addf %mul3A_1758, %mul3A_1759 : vector<32x128xf32>
    %mul3A_1761 = arith.mulf %select_n3A_1717, %add3A_1560 : vector<32x128xf32>
    %mul3A_1762 = arith.mulf %select_n3A_1720, %add3A_1663 : vector<32x128xf32>
    %sub3A_1763 = arith.subf %mul3A_1761, %mul3A_1762 : vector<32x128xf32>
    %mul3A_1764 = arith.mulf %select_n3A_1720, %add3A_1560 : vector<32x128xf32>
    %mul3A_1765 = arith.mulf %select_n3A_1717, %add3A_1663 : vector<32x128xf32>
    %add3A_1766 = arith.addf %mul3A_1764, %mul3A_1765 : vector<32x128xf32>
    %mul3A_1767 = arith.mulf %select_n3A_1717, %add3A_1566 : vector<32x128xf32>
    %mul3A_1768 = arith.mulf %select_n3A_1720, %add3A_1669 : vector<32x128xf32>
    %sub3A_1769 = arith.subf %mul3A_1767, %mul3A_1768 : vector<32x128xf32>
    %mul3A_1770 = arith.mulf %select_n3A_1720, %add3A_1566 : vector<32x128xf32>
    %mul3A_1771 = arith.mulf %select_n3A_1717, %add3A_1669 : vector<32x128xf32>
    %add3A_1772 = arith.addf %mul3A_1770, %mul3A_1771 : vector<32x128xf32>
    %sub3A_1773 = arith.subf %add3A_1731, %add3A_1628 : vector<32x128xf32>
    %mul3A_1774 = arith.constant 2.000000e+00 : f32
    %mul3A_1775 = vector.broadcast %mul3A_1774 : f32 to vector<32x128xf32>
    %mul3A_1776 = arith.mulf %mul3A_1775, %sub3A_1751 : vector<32x128xf32>
    %div3A_1777 = arith.divf %sub3A_1773, %mul3A_1776 : vector<32x128xf32>
    %abs3A_1778 = math.absf %div3A_1777 : vector<32x128xf32>
    %mul3A_1779 = arith.mulf %div3A_1777, %div3A_1777 : vector<32x128xf32>
    %add3A_1780 = arith.constant 1.000000e+00 : f32
    %add3A_1781 = vector.broadcast %add3A_1780 : f32 to vector<32x128xf32>
    %add3A_1782 = arith.addf %add3A_1781, %mul3A_1779 : vector<32x128xf32>
    %sqrt3A_1783 = math.sqrt %add3A_1782 : vector<32x128xf32>
    %add3A_1784 = arith.addf %abs3A_1778, %sqrt3A_1783 : vector<32x128xf32>
    %sign3A_1785 = tpu.bitcast %div3A_1777 : vector<32x128xf32> -> vector<32x128xi32>
    %sign3A_1786 = arith.constant -2147483648 : i32
    %sign3A_1787 = vector.broadcast %sign3A_1786 : i32 to vector<32x128xi32>
    %sign3A_1788 = arith.andi %sign3A_1785, %sign3A_1787 : vector<32x128xi32>
    %sign3A_1789 = arith.constant 1065353216 : i32
    %sign3A_1790 = vector.broadcast %sign3A_1789 : i32 to vector<32x128xi32>
    %sign3A_1791 = arith.ori %sign3A_1790, %sign3A_1788 : vector<32x128xi32>
    %sign3A_1792 = tpu.bitcast %sign3A_1791 : vector<32x128xi32> -> vector<32x128xf32>
    %sign3A_1793 = math.absf %div3A_1777 : vector<32x128xf32>
    %sign3A_1794 = arith.constant 0.000000e+00 : f32
    %sign3A_1795 = vector.broadcast %sign3A_1794 : f32 to vector<32x128xf32>
    %sign3A_1796 = arith.cmpf ogt, %sign3A_1793, %sign3A_1795 : vector<32x128xf32>
    %sign3A_1797 = arith.select %sign3A_1796, %sign3A_1792, %div3A_1777 : vector<32x128xi1>, vector<32x128xf32>
    %div3A_1798 = arith.divf %sign3A_1797, %add3A_1784 : vector<32x128xf32>
    %eq3A_1799 = arith.constant 0.000000e+00 : f32
    %eq3A_1800 = vector.broadcast %eq3A_1799 : f32 to vector<32x128xf32>
    %eq3A_1801 = arith.cmpf oeq, %div3A_1777, %eq3A_1800 : vector<32x128xf32>
    %div3A_1802 = arith.constant 1.000000e+00 : f32
    %div3A_1803 = vector.broadcast %div3A_1802 : f32 to vector<32x128xf32>
    %div3A_1804 = arith.divf %div3A_1803, %add3A_1784 : vector<32x128xf32>
    %select_n3A_1805 = arith.select %eq3A_1801, %div3A_1804, %div3A_1798 : vector<32x128xi1>, vector<32x128xf32>
    %mul3A_1806 = arith.mulf %select_n3A_1805, %select_n3A_1805 : vector<32x128xf32>
    %add3A_1807 = arith.constant 1.000000e+00 : f32
    %add3A_1808 = vector.broadcast %add3A_1807 : f32 to vector<32x128xf32>
    %add3A_1809 = arith.addf %add3A_1808, %mul3A_1806 : vector<32x128xf32>
    %sqrt3A_1810 = math.sqrt %add3A_1809 : vector<32x128xf32>
    %div3A_1811 = arith.constant 1.000000e+00 : f32
    %div3A_1812 = vector.broadcast %div3A_1811 : f32 to vector<32x128xf32>
    %div3A_1813 = arith.divf %div3A_1812, %sqrt3A_1810 : vector<32x128xf32>
    %mul3A_1814 = arith.mulf %select_n3A_1805, %div3A_1813 : vector<32x128xf32>
    %eq3A_1815 = arith.constant 0.000000e+00 : f32
    %eq3A_1816 = vector.broadcast %eq3A_1815 : f32 to vector<32x128xf32>
    %eq3A_1817 = arith.cmpf oeq, %sub3A_1751, %eq3A_1816 : vector<32x128xf32>
    %jit3A_1818 = arith.constant 1.000000e+00 : f32
    %broadcast_in_dim3A_1819 = vector.broadcast %jit3A_1818 : f32 to vector<32x128xf32>
    %select_n3A_1820 = arith.select %eq3A_1817, %broadcast_in_dim3A_1819, %div3A_1813 : vector<32x128xi1>, vector<32x128xf32>
    %jit3A_1821 = arith.constant 0.000000e+00 : f32
    %broadcast_in_dim3A_1822 = vector.broadcast %jit3A_1821 : f32 to vector<32x128xf32>
    %select_n3A_1823 = arith.select %eq3A_1817, %broadcast_in_dim3A_1822, %mul3A_1814 : vector<32x128xi1>, vector<32x128xf32>
    %mul3A_1824 = arith.mulf %select_n3A_1823, %select_n3A_1820 : vector<32x128xf32>
    %mul3A_1825 = arith.mulf %select_n3A_1820, %select_n3A_1820 : vector<32x128xf32>
    %mul3A_1826 = arith.mulf %mul3A_1825, %add3A_1628 : vector<32x128xf32>
    %mul3A_1827 = arith.mulf %mul3A_1824, %sub3A_1751 : vector<32x128xf32>
    %mul3A_1828 = arith.constant 2.000000e+00 : f32
    %mul3A_1829 = vector.broadcast %mul3A_1828 : f32 to vector<32x128xf32>
    %mul3A_1830 = arith.mulf %mul3A_1829, %mul3A_1827 : vector<32x128xf32>
    %sub3A_1831 = arith.subf %mul3A_1826, %mul3A_1830 : vector<32x128xf32>
    %mul3A_1832 = arith.mulf %select_n3A_1823, %select_n3A_1823 : vector<32x128xf32>
    %mul3A_1833 = arith.mulf %mul3A_1832, %add3A_1731 : vector<32x128xf32>
    %add3A_1834 = arith.addf %sub3A_1831, %mul3A_1833 : vector<32x128xf32>
    %mul3A_1835 = arith.mulf %select_n3A_1823, %select_n3A_1823 : vector<32x128xf32>
    %mul3A_1836 = arith.mulf %mul3A_1835, %add3A_1628 : vector<32x128xf32>
    %mul3A_1837 = arith.mulf %mul3A_1824, %sub3A_1751 : vector<32x128xf32>
    %mul3A_1838 = arith.constant 2.000000e+00 : f32
    %mul3A_1839 = vector.broadcast %mul3A_1838 : f32 to vector<32x128xf32>
    %mul3A_1840 = arith.mulf %mul3A_1839, %mul3A_1837 : vector<32x128xf32>
    %add3A_1841 = arith.addf %mul3A_1836, %mul3A_1840 : vector<32x128xf32>
    %mul3A_1842 = arith.mulf %select_n3A_1820, %select_n3A_1820 : vector<32x128xf32>
    %mul3A_1843 = arith.mulf %mul3A_1842, %add3A_1731 : vector<32x128xf32>
    %add3A_1844 = arith.addf %add3A_1841, %mul3A_1843 : vector<32x128xf32>
    %sub3A_1845 = arith.subf %add3A_1628, %add3A_1731 : vector<32x128xf32>
    %mul3A_1846 = arith.mulf %mul3A_1824, %sub3A_1845 : vector<32x128xf32>
    %mul3A_1847 = arith.mulf %select_n3A_1820, %select_n3A_1820 : vector<32x128xf32>
    %mul3A_1848 = arith.mulf %select_n3A_1823, %select_n3A_1823 : vector<32x128xf32>
    %sub3A_1849 = arith.subf %mul3A_1847, %mul3A_1848 : vector<32x128xf32>
    %mul3A_1850 = arith.mulf %sub3A_1849, %sub3A_1751 : vector<32x128xf32>
    %add3A_1851 = arith.addf %mul3A_1846, %mul3A_1850 : vector<32x128xf32>
    %mul3A_1852 = arith.mulf %select_n3A_1820, %add3A_1754 : vector<32x128xf32>
    %mul3A_1853 = arith.mulf %select_n3A_1823, %add3A_1748 : vector<32x128xf32>
    %sub3A_1854 = arith.subf %mul3A_1852, %mul3A_1853 : vector<32x128xf32>
    %mul3A_1855 = arith.mulf %select_n3A_1823, %add3A_1754 : vector<32x128xf32>
    %mul3A_1856 = arith.mulf %select_n3A_1820, %add3A_1748 : vector<32x128xf32>
    %add3A_1857 = arith.addf %mul3A_1855, %mul3A_1856 : vector<32x128xf32>
    %mul3A_1858 = arith.mulf %select_n3A_1820, %sub3A_1654 : vector<32x128xf32>
    %mul3A_1859 = arith.mulf %select_n3A_1823, %sub3A_1757 : vector<32x128xf32>
    %sub3A_1860 = arith.subf %mul3A_1858, %mul3A_1859 : vector<32x128xf32>
    %mul3A_1861 = arith.mulf %select_n3A_1823, %sub3A_1654 : vector<32x128xf32>
    %mul3A_1862 = arith.mulf %select_n3A_1820, %sub3A_1757 : vector<32x128xf32>
    %add3A_1863 = arith.addf %mul3A_1861, %mul3A_1862 : vector<32x128xf32>
    %mul3A_1864 = arith.mulf %select_n3A_1820, %sub3A_1660 : vector<32x128xf32>
    %mul3A_1865 = arith.mulf %select_n3A_1823, %sub3A_1763 : vector<32x128xf32>
    %sub3A_1866 = arith.subf %mul3A_1864, %mul3A_1865 : vector<32x128xf32>
    %mul3A_1867 = arith.mulf %select_n3A_1823, %sub3A_1660 : vector<32x128xf32>
    %mul3A_1868 = arith.mulf %select_n3A_1820, %sub3A_1763 : vector<32x128xf32>
    %add3A_1869 = arith.addf %mul3A_1867, %mul3A_1868 : vector<32x128xf32>
    %mul3A_1870 = arith.mulf %select_n3A_1820, %sub3A_1666 : vector<32x128xf32>
    %mul3A_1871 = arith.mulf %select_n3A_1823, %sub3A_1769 : vector<32x128xf32>
    %sub3A_1872 = arith.subf %mul3A_1870, %mul3A_1871 : vector<32x128xf32>
    %mul3A_1873 = arith.mulf %select_n3A_1823, %sub3A_1666 : vector<32x128xf32>
    %mul3A_1874 = arith.mulf %select_n3A_1820, %sub3A_1769 : vector<32x128xf32>
    %add3A_1875 = arith.addf %mul3A_1873, %mul3A_1874 : vector<32x128xf32>
    %sub3A_1876 = arith.subf %add3A_1741, %add3A_1834 : vector<32x128xf32>
    %mul3A_1877 = arith.constant 2.000000e+00 : f32
    %mul3A_1878 = vector.broadcast %mul3A_1877 : f32 to vector<32x128xf32>
    %mul3A_1879 = arith.mulf %mul3A_1878, %sub3A_1854 : vector<32x128xf32>
    %div3A_1880 = arith.divf %sub3A_1876, %mul3A_1879 : vector<32x128xf32>
    %abs3A_1881 = math.absf %div3A_1880 : vector<32x128xf32>
    %mul3A_1882 = arith.mulf %div3A_1880, %div3A_1880 : vector<32x128xf32>
    %add3A_1883 = arith.constant 1.000000e+00 : f32
    %add3A_1884 = vector.broadcast %add3A_1883 : f32 to vector<32x128xf32>
    %add3A_1885 = arith.addf %add3A_1884, %mul3A_1882 : vector<32x128xf32>
    %sqrt3A_1886 = math.sqrt %add3A_1885 : vector<32x128xf32>
    %add3A_1887 = arith.addf %abs3A_1881, %sqrt3A_1886 : vector<32x128xf32>
    %sign3A_1888 = tpu.bitcast %div3A_1880 : vector<32x128xf32> -> vector<32x128xi32>
    %sign3A_1889 = arith.constant -2147483648 : i32
    %sign3A_1890 = vector.broadcast %sign3A_1889 : i32 to vector<32x128xi32>
    %sign3A_1891 = arith.andi %sign3A_1888, %sign3A_1890 : vector<32x128xi32>
    %sign3A_1892 = arith.constant 1065353216 : i32
    %sign3A_1893 = vector.broadcast %sign3A_1892 : i32 to vector<32x128xi32>
    %sign3A_1894 = arith.ori %sign3A_1893, %sign3A_1891 : vector<32x128xi32>
    %sign3A_1895 = tpu.bitcast %sign3A_1894 : vector<32x128xi32> -> vector<32x128xf32>
    %sign3A_1896 = math.absf %div3A_1880 : vector<32x128xf32>
    %sign3A_1897 = arith.constant 0.000000e+00 : f32
    %sign3A_1898 = vector.broadcast %sign3A_1897 : f32 to vector<32x128xf32>
    %sign3A_1899 = arith.cmpf ogt, %sign3A_1896, %sign3A_1898 : vector<32x128xf32>
    %sign3A_1900 = arith.select %sign3A_1899, %sign3A_1895, %div3A_1880 : vector<32x128xi1>, vector<32x128xf32>
    %div3A_1901 = arith.divf %sign3A_1900, %add3A_1887 : vector<32x128xf32>
    %eq3A_1902 = arith.constant 0.000000e+00 : f32
    %eq3A_1903 = vector.broadcast %eq3A_1902 : f32 to vector<32x128xf32>
    %eq3A_1904 = arith.cmpf oeq, %div3A_1880, %eq3A_1903 : vector<32x128xf32>
    %div3A_1905 = arith.constant 1.000000e+00 : f32
    %div3A_1906 = vector.broadcast %div3A_1905 : f32 to vector<32x128xf32>
    %div3A_1907 = arith.divf %div3A_1906, %add3A_1887 : vector<32x128xf32>
    %select_n3A_1908 = arith.select %eq3A_1904, %div3A_1907, %div3A_1901 : vector<32x128xi1>, vector<32x128xf32>
    %mul3A_1909 = arith.mulf %select_n3A_1908, %select_n3A_1908 : vector<32x128xf32>
    %add3A_1910 = arith.constant 1.000000e+00 : f32
    %add3A_1911 = vector.broadcast %add3A_1910 : f32 to vector<32x128xf32>
    %add3A_1912 = arith.addf %add3A_1911, %mul3A_1909 : vector<32x128xf32>
    %sqrt3A_1913 = math.sqrt %add3A_1912 : vector<32x128xf32>
    %div3A_1914 = arith.constant 1.000000e+00 : f32
    %div3A_1915 = vector.broadcast %div3A_1914 : f32 to vector<32x128xf32>
    %div3A_1916 = arith.divf %div3A_1915, %sqrt3A_1913 : vector<32x128xf32>
    %mul3A_1917 = arith.mulf %select_n3A_1908, %div3A_1916 : vector<32x128xf32>
    %eq3A_1918 = arith.constant 0.000000e+00 : f32
    %eq3A_1919 = vector.broadcast %eq3A_1918 : f32 to vector<32x128xf32>
    %eq3A_1920 = arith.cmpf oeq, %sub3A_1854, %eq3A_1919 : vector<32x128xf32>
    %jit3A_1921 = arith.constant 1.000000e+00 : f32
    %broadcast_in_dim3A_1922 = vector.broadcast %jit3A_1921 : f32 to vector<32x128xf32>
    %select_n3A_1923 = arith.select %eq3A_1920, %broadcast_in_dim3A_1922, %div3A_1916 : vector<32x128xi1>, vector<32x128xf32>
    %jit3A_1924 = arith.constant 0.000000e+00 : f32
    %broadcast_in_dim3A_1925 = vector.broadcast %jit3A_1924 : f32 to vector<32x128xf32>
    %select_n3A_1926 = arith.select %eq3A_1920, %broadcast_in_dim3A_1925, %mul3A_1917 : vector<32x128xi1>, vector<32x128xf32>
    %mul3A_1927 = arith.mulf %select_n3A_1926, %select_n3A_1923 : vector<32x128xf32>
    %mul3A_1928 = arith.mulf %select_n3A_1923, %select_n3A_1923 : vector<32x128xf32>
    %mul3A_1929 = arith.mulf %mul3A_1928, %add3A_1834 : vector<32x128xf32>
    %mul3A_1930 = arith.mulf %mul3A_1927, %sub3A_1854 : vector<32x128xf32>
    %mul3A_1931 = arith.constant 2.000000e+00 : f32
    %mul3A_1932 = vector.broadcast %mul3A_1931 : f32 to vector<32x128xf32>
    %mul3A_1933 = arith.mulf %mul3A_1932, %mul3A_1930 : vector<32x128xf32>
    %sub3A_1934 = arith.subf %mul3A_1929, %mul3A_1933 : vector<32x128xf32>
    %mul3A_1935 = arith.mulf %select_n3A_1926, %select_n3A_1926 : vector<32x128xf32>
    %mul3A_1936 = arith.mulf %mul3A_1935, %add3A_1741 : vector<32x128xf32>
    %add3A_1937 = arith.addf %sub3A_1934, %mul3A_1936 : vector<32x128xf32>
    %mul3A_1938 = arith.mulf %select_n3A_1926, %select_n3A_1926 : vector<32x128xf32>
    %mul3A_1939 = arith.mulf %mul3A_1938, %add3A_1834 : vector<32x128xf32>
    %mul3A_1940 = arith.mulf %mul3A_1927, %sub3A_1854 : vector<32x128xf32>
    %mul3A_1941 = arith.constant 2.000000e+00 : f32
    %mul3A_1942 = vector.broadcast %mul3A_1941 : f32 to vector<32x128xf32>
    %mul3A_1943 = arith.mulf %mul3A_1942, %mul3A_1940 : vector<32x128xf32>
    %add3A_1944 = arith.addf %mul3A_1939, %mul3A_1943 : vector<32x128xf32>
    %mul3A_1945 = arith.mulf %select_n3A_1923, %select_n3A_1923 : vector<32x128xf32>
    %mul3A_1946 = arith.mulf %mul3A_1945, %add3A_1741 : vector<32x128xf32>
    %add3A_1947 = arith.addf %add3A_1944, %mul3A_1946 : vector<32x128xf32>
    %sub3A_1948 = arith.subf %add3A_1834, %add3A_1741 : vector<32x128xf32>
    %mul3A_1949 = arith.mulf %mul3A_1927, %sub3A_1948 : vector<32x128xf32>
    %mul3A_1950 = arith.mulf %select_n3A_1923, %select_n3A_1923 : vector<32x128xf32>
    %mul3A_1951 = arith.mulf %select_n3A_1926, %select_n3A_1926 : vector<32x128xf32>
    %sub3A_1952 = arith.subf %mul3A_1950, %mul3A_1951 : vector<32x128xf32>
    %mul3A_1953 = arith.mulf %sub3A_1952, %sub3A_1854 : vector<32x128xf32>
    %add3A_1954 = arith.addf %mul3A_1949, %mul3A_1953 : vector<32x128xf32>
    %mul3A_1955 = arith.mulf %select_n3A_1923, %add3A_1851 : vector<32x128xf32>
    %mul3A_1956 = arith.mulf %select_n3A_1926, %add3A_1857 : vector<32x128xf32>
    %sub3A_1957 = arith.subf %mul3A_1955, %mul3A_1956 : vector<32x128xf32>
    %mul3A_1958 = arith.mulf %select_n3A_1926, %add3A_1851 : vector<32x128xf32>
    %mul3A_1959 = arith.mulf %select_n3A_1923, %add3A_1857 : vector<32x128xf32>
    %add3A_1960 = arith.addf %mul3A_1958, %mul3A_1959 : vector<32x128xf32>
    %mul3A_1961 = arith.mulf %select_n3A_1923, %sub3A_1860 : vector<32x128xf32>
    %mul3A_1962 = arith.mulf %select_n3A_1926, %add3A_1760 : vector<32x128xf32>
    %sub3A_1963 = arith.subf %mul3A_1961, %mul3A_1962 : vector<32x128xf32>
    %mul3A_1964 = arith.mulf %select_n3A_1926, %sub3A_1860 : vector<32x128xf32>
    %mul3A_1965 = arith.mulf %select_n3A_1923, %add3A_1760 : vector<32x128xf32>
    %add3A_1966 = arith.addf %mul3A_1964, %mul3A_1965 : vector<32x128xf32>
    %mul3A_1967 = arith.mulf %select_n3A_1923, %sub3A_1866 : vector<32x128xf32>
    %mul3A_1968 = arith.mulf %select_n3A_1926, %add3A_1766 : vector<32x128xf32>
    %sub3A_1969 = arith.subf %mul3A_1967, %mul3A_1968 : vector<32x128xf32>
    %mul3A_1970 = arith.mulf %select_n3A_1926, %sub3A_1866 : vector<32x128xf32>
    %mul3A_1971 = arith.mulf %select_n3A_1923, %add3A_1766 : vector<32x128xf32>
    %add3A_1972 = arith.addf %mul3A_1970, %mul3A_1971 : vector<32x128xf32>
    %mul3A_1973 = arith.mulf %select_n3A_1923, %sub3A_1872 : vector<32x128xf32>
    %mul3A_1974 = arith.mulf %select_n3A_1926, %add3A_1772 : vector<32x128xf32>
    %sub3A_1975 = arith.subf %mul3A_1973, %mul3A_1974 : vector<32x128xf32>
    %mul3A_1976 = arith.mulf %select_n3A_1926, %sub3A_1872 : vector<32x128xf32>
    %mul3A_1977 = arith.mulf %select_n3A_1923, %add3A_1772 : vector<32x128xf32>
    %add3A_1978 = arith.addf %mul3A_1976, %mul3A_1977 : vector<32x128xf32>
    %sub3A_1979 = arith.subf %add3A_1947, %add3A_1844 : vector<32x128xf32>
    %mul3A_1980 = arith.constant 2.000000e+00 : f32
    %mul3A_1981 = vector.broadcast %mul3A_1980 : f32 to vector<32x128xf32>
    %mul3A_1982 = arith.mulf %mul3A_1981, %add3A_1960 : vector<32x128xf32>
    %div3A_1983 = arith.divf %sub3A_1979, %mul3A_1982 : vector<32x128xf32>
    %abs3A_1984 = math.absf %div3A_1983 : vector<32x128xf32>
    %mul3A_1985 = arith.mulf %div3A_1983, %div3A_1983 : vector<32x128xf32>
    %add3A_1986 = arith.constant 1.000000e+00 : f32
    %add3A_1987 = vector.broadcast %add3A_1986 : f32 to vector<32x128xf32>
    %add3A_1988 = arith.addf %add3A_1987, %mul3A_1985 : vector<32x128xf32>
    %sqrt3A_1989 = math.sqrt %add3A_1988 : vector<32x128xf32>
    %add3A_1990 = arith.addf %abs3A_1984, %sqrt3A_1989 : vector<32x128xf32>
    %sign3A_1991 = tpu.bitcast %div3A_1983 : vector<32x128xf32> -> vector<32x128xi32>
    %sign3A_1992 = arith.constant -2147483648 : i32
    %sign3A_1993 = vector.broadcast %sign3A_1992 : i32 to vector<32x128xi32>
    %sign3A_1994 = arith.andi %sign3A_1991, %sign3A_1993 : vector<32x128xi32>
    %sign3A_1995 = arith.constant 1065353216 : i32
    %sign3A_1996 = vector.broadcast %sign3A_1995 : i32 to vector<32x128xi32>
    %sign3A_1997 = arith.ori %sign3A_1996, %sign3A_1994 : vector<32x128xi32>
    %sign3A_1998 = tpu.bitcast %sign3A_1997 : vector<32x128xi32> -> vector<32x128xf32>
    %sign3A_1999 = math.absf %div3A_1983 : vector<32x128xf32>
    %sign3A_2000 = arith.constant 0.000000e+00 : f32
    %sign3A_2001 = vector.broadcast %sign3A_2000 : f32 to vector<32x128xf32>
    %sign3A_2002 = arith.cmpf ogt, %sign3A_1999, %sign3A_2001 : vector<32x128xf32>
    %sign3A_2003 = arith.select %sign3A_2002, %sign3A_1998, %div3A_1983 : vector<32x128xi1>, vector<32x128xf32>
    %div3A_2004 = arith.divf %sign3A_2003, %add3A_1990 : vector<32x128xf32>
    %eq3A_2005 = arith.constant 0.000000e+00 : f32
    %eq3A_2006 = vector.broadcast %eq3A_2005 : f32 to vector<32x128xf32>
    %eq3A_2007 = arith.cmpf oeq, %div3A_1983, %eq3A_2006 : vector<32x128xf32>
    %div3A_2008 = arith.constant 1.000000e+00 : f32
    %div3A_2009 = vector.broadcast %div3A_2008 : f32 to vector<32x128xf32>
    %div3A_2010 = arith.divf %div3A_2009, %add3A_1990 : vector<32x128xf32>
    %select_n3A_2011 = arith.select %eq3A_2007, %div3A_2010, %div3A_2004 : vector<32x128xi1>, vector<32x128xf32>
    %mul3A_2012 = arith.mulf %select_n3A_2011, %select_n3A_2011 : vector<32x128xf32>
    %add3A_2013 = arith.constant 1.000000e+00 : f32
    %add3A_2014 = vector.broadcast %add3A_2013 : f32 to vector<32x128xf32>
    %add3A_2015 = arith.addf %add3A_2014, %mul3A_2012 : vector<32x128xf32>
    %sqrt3A_2016 = math.sqrt %add3A_2015 : vector<32x128xf32>
    %div3A_2017 = arith.constant 1.000000e+00 : f32
    %div3A_2018 = vector.broadcast %div3A_2017 : f32 to vector<32x128xf32>
    %div3A_2019 = arith.divf %div3A_2018, %sqrt3A_2016 : vector<32x128xf32>
    %mul3A_2020 = arith.mulf %select_n3A_2011, %div3A_2019 : vector<32x128xf32>
    %eq3A_2021 = arith.constant 0.000000e+00 : f32
    %eq3A_2022 = vector.broadcast %eq3A_2021 : f32 to vector<32x128xf32>
    %eq3A_2023 = arith.cmpf oeq, %add3A_1960, %eq3A_2022 : vector<32x128xf32>
    %jit3A_2024 = arith.constant 1.000000e+00 : f32
    %broadcast_in_dim3A_2025 = vector.broadcast %jit3A_2024 : f32 to vector<32x128xf32>
    %select_n3A_2026 = arith.select %eq3A_2023, %broadcast_in_dim3A_2025, %div3A_2019 : vector<32x128xi1>, vector<32x128xf32>
    %jit3A_2027 = arith.constant 0.000000e+00 : f32
    %broadcast_in_dim3A_2028 = vector.broadcast %jit3A_2027 : f32 to vector<32x128xf32>
    %select_n3A_2029 = arith.select %eq3A_2023, %broadcast_in_dim3A_2028, %mul3A_2020 : vector<32x128xi1>, vector<32x128xf32>
    %mul3A_2030 = arith.mulf %select_n3A_2029, %select_n3A_2026 : vector<32x128xf32>
    %mul3A_2031 = arith.mulf %select_n3A_2026, %select_n3A_2026 : vector<32x128xf32>
    %mul3A_2032 = arith.mulf %mul3A_2031, %add3A_1844 : vector<32x128xf32>
    %mul3A_2033 = arith.mulf %mul3A_2030, %add3A_1960 : vector<32x128xf32>
    %mul3A_2034 = arith.constant 2.000000e+00 : f32
    %mul3A_2035 = vector.broadcast %mul3A_2034 : f32 to vector<32x128xf32>
    %mul3A_2036 = arith.mulf %mul3A_2035, %mul3A_2033 : vector<32x128xf32>
    %sub3A_2037 = arith.subf %mul3A_2032, %mul3A_2036 : vector<32x128xf32>
    %mul3A_2038 = arith.mulf %select_n3A_2029, %select_n3A_2029 : vector<32x128xf32>
    %mul3A_2039 = arith.mulf %mul3A_2038, %add3A_1947 : vector<32x128xf32>
    %add3A_2040 = arith.addf %sub3A_2037, %mul3A_2039 : vector<32x128xf32>
    %mul3A_2041 = arith.mulf %select_n3A_2029, %select_n3A_2029 : vector<32x128xf32>
    %mul3A_2042 = arith.mulf %mul3A_2041, %add3A_1844 : vector<32x128xf32>
    %mul3A_2043 = arith.mulf %mul3A_2030, %add3A_1960 : vector<32x128xf32>
    %mul3A_2044 = arith.constant 2.000000e+00 : f32
    %mul3A_2045 = vector.broadcast %mul3A_2044 : f32 to vector<32x128xf32>
    %mul3A_2046 = arith.mulf %mul3A_2045, %mul3A_2043 : vector<32x128xf32>
    %add3A_2047 = arith.addf %mul3A_2042, %mul3A_2046 : vector<32x128xf32>
    %mul3A_2048 = arith.mulf %select_n3A_2026, %select_n3A_2026 : vector<32x128xf32>
    %mul3A_2049 = arith.mulf %mul3A_2048, %add3A_1947 : vector<32x128xf32>
    %add3A_2050 = arith.addf %add3A_2047, %mul3A_2049 : vector<32x128xf32>
    %sub3A_2051 = arith.subf %add3A_1844, %add3A_1947 : vector<32x128xf32>
    %mul3A_2052 = arith.mulf %mul3A_2030, %sub3A_2051 : vector<32x128xf32>
    %mul3A_2053 = arith.mulf %select_n3A_2026, %select_n3A_2026 : vector<32x128xf32>
    %mul3A_2054 = arith.mulf %select_n3A_2029, %select_n3A_2029 : vector<32x128xf32>
    %sub3A_2055 = arith.subf %mul3A_2053, %mul3A_2054 : vector<32x128xf32>
    %mul3A_2056 = arith.mulf %sub3A_2055, %add3A_1960 : vector<32x128xf32>
    %add3A_2057 = arith.addf %mul3A_2052, %mul3A_2056 : vector<32x128xf32>
    %mul3A_2058 = arith.mulf %select_n3A_2026, %sub3A_1957 : vector<32x128xf32>
    %mul3A_2059 = arith.mulf %select_n3A_2029, %add3A_1954 : vector<32x128xf32>
    %sub3A_2060 = arith.subf %mul3A_2058, %mul3A_2059 : vector<32x128xf32>
    %mul3A_2061 = arith.mulf %select_n3A_2029, %sub3A_1957 : vector<32x128xf32>
    %mul3A_2062 = arith.mulf %select_n3A_2026, %add3A_1954 : vector<32x128xf32>
    %add3A_2063 = arith.addf %mul3A_2061, %mul3A_2062 : vector<32x128xf32>
    %mul3A_2064 = arith.mulf %select_n3A_2026, %add3A_1863 : vector<32x128xf32>
    %mul3A_2065 = arith.mulf %select_n3A_2029, %add3A_1966 : vector<32x128xf32>
    %sub3A_2066 = arith.subf %mul3A_2064, %mul3A_2065 : vector<32x128xf32>
    %mul3A_2067 = arith.mulf %select_n3A_2029, %add3A_1863 : vector<32x128xf32>
    %mul3A_2068 = arith.mulf %select_n3A_2026, %add3A_1966 : vector<32x128xf32>
    %add3A_2069 = arith.addf %mul3A_2067, %mul3A_2068 : vector<32x128xf32>
    %mul3A_2070 = arith.mulf %select_n3A_2026, %add3A_1869 : vector<32x128xf32>
    %mul3A_2071 = arith.mulf %select_n3A_2029, %add3A_1972 : vector<32x128xf32>
    %sub3A_2072 = arith.subf %mul3A_2070, %mul3A_2071 : vector<32x128xf32>
    %mul3A_2073 = arith.mulf %select_n3A_2029, %add3A_1869 : vector<32x128xf32>
    %mul3A_2074 = arith.mulf %select_n3A_2026, %add3A_1972 : vector<32x128xf32>
    %add3A_2075 = arith.addf %mul3A_2073, %mul3A_2074 : vector<32x128xf32>
    %mul3A_2076 = arith.mulf %select_n3A_2026, %add3A_1875 : vector<32x128xf32>
    %mul3A_2077 = arith.mulf %select_n3A_2029, %add3A_1978 : vector<32x128xf32>
    %sub3A_2078 = arith.subf %mul3A_2076, %mul3A_2077 : vector<32x128xf32>
    %mul3A_2079 = arith.mulf %select_n3A_2029, %add3A_1875 : vector<32x128xf32>
    %mul3A_2080 = arith.mulf %select_n3A_2026, %add3A_1978 : vector<32x128xf32>
    %add3A_2081 = arith.addf %mul3A_2079, %mul3A_2080 : vector<32x128xf32>
    %sub3A_2082 = arith.subf %add3A_2040, %add3A_1937 : vector<32x128xf32>
    %mul3A_2083 = arith.constant 2.000000e+00 : f32
    %mul3A_2084 = vector.broadcast %mul3A_2083 : f32 to vector<32x128xf32>
    %mul3A_2085 = arith.mulf %mul3A_2084, %sub3A_2060 : vector<32x128xf32>
    %div3A_2086 = arith.divf %sub3A_2082, %mul3A_2085 : vector<32x128xf32>
    %abs3A_2087 = math.absf %div3A_2086 : vector<32x128xf32>
    %mul3A_2088 = arith.mulf %div3A_2086, %div3A_2086 : vector<32x128xf32>
    %add3A_2089 = arith.constant 1.000000e+00 : f32
    %add3A_2090 = vector.broadcast %add3A_2089 : f32 to vector<32x128xf32>
    %add3A_2091 = arith.addf %add3A_2090, %mul3A_2088 : vector<32x128xf32>
    %sqrt3A_2092 = math.sqrt %add3A_2091 : vector<32x128xf32>
    %add3A_2093 = arith.addf %abs3A_2087, %sqrt3A_2092 : vector<32x128xf32>
    %sign3A_2094 = tpu.bitcast %div3A_2086 : vector<32x128xf32> -> vector<32x128xi32>
    %sign3A_2095 = arith.constant -2147483648 : i32
    %sign3A_2096 = vector.broadcast %sign3A_2095 : i32 to vector<32x128xi32>
    %sign3A_2097 = arith.andi %sign3A_2094, %sign3A_2096 : vector<32x128xi32>
    %sign3A_2098 = arith.constant 1065353216 : i32
    %sign3A_2099 = vector.broadcast %sign3A_2098 : i32 to vector<32x128xi32>
    %sign3A_2100 = arith.ori %sign3A_2099, %sign3A_2097 : vector<32x128xi32>
    %sign3A_2101 = tpu.bitcast %sign3A_2100 : vector<32x128xi32> -> vector<32x128xf32>
    %sign3A_2102 = math.absf %div3A_2086 : vector<32x128xf32>
    %sign3A_2103 = arith.constant 0.000000e+00 : f32
    %sign3A_2104 = vector.broadcast %sign3A_2103 : f32 to vector<32x128xf32>
    %sign3A_2105 = arith.cmpf ogt, %sign3A_2102, %sign3A_2104 : vector<32x128xf32>
    %sign3A_2106 = arith.select %sign3A_2105, %sign3A_2101, %div3A_2086 : vector<32x128xi1>, vector<32x128xf32>
    %div3A_2107 = arith.divf %sign3A_2106, %add3A_2093 : vector<32x128xf32>
    %eq3A_2108 = arith.constant 0.000000e+00 : f32
    %eq3A_2109 = vector.broadcast %eq3A_2108 : f32 to vector<32x128xf32>
    %eq3A_2110 = arith.cmpf oeq, %div3A_2086, %eq3A_2109 : vector<32x128xf32>
    %div3A_2111 = arith.constant 1.000000e+00 : f32
    %div3A_2112 = vector.broadcast %div3A_2111 : f32 to vector<32x128xf32>
    %div3A_2113 = arith.divf %div3A_2112, %add3A_2093 : vector<32x128xf32>
    %select_n3A_2114 = arith.select %eq3A_2110, %div3A_2113, %div3A_2107 : vector<32x128xi1>, vector<32x128xf32>
    %mul3A_2115 = arith.mulf %select_n3A_2114, %select_n3A_2114 : vector<32x128xf32>
    %add3A_2116 = arith.constant 1.000000e+00 : f32
    %add3A_2117 = vector.broadcast %add3A_2116 : f32 to vector<32x128xf32>
    %add3A_2118 = arith.addf %add3A_2117, %mul3A_2115 : vector<32x128xf32>
    %sqrt3A_2119 = math.sqrt %add3A_2118 : vector<32x128xf32>
    %div3A_2120 = arith.constant 1.000000e+00 : f32
    %div3A_2121 = vector.broadcast %div3A_2120 : f32 to vector<32x128xf32>
    %div3A_2122 = arith.divf %div3A_2121, %sqrt3A_2119 : vector<32x128xf32>
    %mul3A_2123 = arith.mulf %select_n3A_2114, %div3A_2122 : vector<32x128xf32>
    %eq3A_2124 = arith.constant 0.000000e+00 : f32
    %eq3A_2125 = vector.broadcast %eq3A_2124 : f32 to vector<32x128xf32>
    %eq3A_2126 = arith.cmpf oeq, %sub3A_2060, %eq3A_2125 : vector<32x128xf32>
    %jit3A_2127 = arith.constant 1.000000e+00 : f32
    %broadcast_in_dim3A_2128 = vector.broadcast %jit3A_2127 : f32 to vector<32x128xf32>
    %select_n3A_2129 = arith.select %eq3A_2126, %broadcast_in_dim3A_2128, %div3A_2122 : vector<32x128xi1>, vector<32x128xf32>
    %jit3A_2130 = arith.constant 0.000000e+00 : f32
    %broadcast_in_dim3A_2131 = vector.broadcast %jit3A_2130 : f32 to vector<32x128xf32>
    %select_n3A_2132 = arith.select %eq3A_2126, %broadcast_in_dim3A_2131, %mul3A_2123 : vector<32x128xi1>, vector<32x128xf32>
    %mul3A_2133 = arith.mulf %select_n3A_2132, %select_n3A_2129 : vector<32x128xf32>
    %mul3A_2134 = arith.mulf %select_n3A_2129, %select_n3A_2129 : vector<32x128xf32>
    %mul3A_2135 = arith.mulf %mul3A_2134, %add3A_1937 : vector<32x128xf32>
    %mul3A_2136 = arith.mulf %mul3A_2133, %sub3A_2060 : vector<32x128xf32>
    %mul3A_2137 = arith.constant 2.000000e+00 : f32
    %mul3A_2138 = vector.broadcast %mul3A_2137 : f32 to vector<32x128xf32>
    %mul3A_2139 = arith.mulf %mul3A_2138, %mul3A_2136 : vector<32x128xf32>
    %sub3A_2140 = arith.subf %mul3A_2135, %mul3A_2139 : vector<32x128xf32>
    %mul3A_2141 = arith.mulf %select_n3A_2132, %select_n3A_2132 : vector<32x128xf32>
    %mul3A_2142 = arith.mulf %mul3A_2141, %add3A_2040 : vector<32x128xf32>
    %add3A_2143 = arith.addf %sub3A_2140, %mul3A_2142 : vector<32x128xf32>
    %mul3A_2144 = arith.mulf %select_n3A_2132, %select_n3A_2132 : vector<32x128xf32>
    %mul3A_2145 = arith.mulf %mul3A_2144, %add3A_1937 : vector<32x128xf32>
    %mul3A_2146 = arith.mulf %mul3A_2133, %sub3A_2060 : vector<32x128xf32>
    %mul3A_2147 = arith.constant 2.000000e+00 : f32
    %mul3A_2148 = vector.broadcast %mul3A_2147 : f32 to vector<32x128xf32>
    %mul3A_2149 = arith.mulf %mul3A_2148, %mul3A_2146 : vector<32x128xf32>
    %add3A_2150 = arith.addf %mul3A_2145, %mul3A_2149 : vector<32x128xf32>
    %mul3A_2151 = arith.mulf %select_n3A_2129, %select_n3A_2129 : vector<32x128xf32>
    %mul3A_2152 = arith.mulf %mul3A_2151, %add3A_2040 : vector<32x128xf32>
    %add3A_2153 = arith.addf %add3A_2150, %mul3A_2152 : vector<32x128xf32>
    %sub3A_2154 = arith.subf %add3A_1937, %add3A_2040 : vector<32x128xf32>
    %mul3A_2155 = arith.mulf %mul3A_2133, %sub3A_2154 : vector<32x128xf32>
    %mul3A_2156 = arith.mulf %select_n3A_2129, %select_n3A_2129 : vector<32x128xf32>
    %mul3A_2157 = arith.mulf %select_n3A_2132, %select_n3A_2132 : vector<32x128xf32>
    %sub3A_2158 = arith.subf %mul3A_2156, %mul3A_2157 : vector<32x128xf32>
    %mul3A_2159 = arith.mulf %sub3A_2158, %sub3A_2060 : vector<32x128xf32>
    %add3A_2160 = arith.addf %mul3A_2155, %mul3A_2159 : vector<32x128xf32>
    %mul3A_2161 = arith.mulf %select_n3A_2129, %add3A_2063 : vector<32x128xf32>
    %mul3A_2162 = arith.mulf %select_n3A_2132, %add3A_2057 : vector<32x128xf32>
    %sub3A_2163 = arith.subf %mul3A_2161, %mul3A_2162 : vector<32x128xf32>
    %mul3A_2164 = arith.mulf %select_n3A_2132, %add3A_2063 : vector<32x128xf32>
    %mul3A_2165 = arith.mulf %select_n3A_2129, %add3A_2057 : vector<32x128xf32>
    %add3A_2166 = arith.addf %mul3A_2164, %mul3A_2165 : vector<32x128xf32>
    %mul3A_2167 = arith.mulf %select_n3A_2129, %sub3A_1963 : vector<32x128xf32>
    %mul3A_2168 = arith.mulf %select_n3A_2132, %sub3A_2066 : vector<32x128xf32>
    %sub3A_2169 = arith.subf %mul3A_2167, %mul3A_2168 : vector<32x128xf32>
    %mul3A_2170 = arith.mulf %select_n3A_2132, %sub3A_1963 : vector<32x128xf32>
    %mul3A_2171 = arith.mulf %select_n3A_2129, %sub3A_2066 : vector<32x128xf32>
    %add3A_2172 = arith.addf %mul3A_2170, %mul3A_2171 : vector<32x128xf32>
    %mul3A_2173 = arith.mulf %select_n3A_2129, %sub3A_1969 : vector<32x128xf32>
    %mul3A_2174 = arith.mulf %select_n3A_2132, %sub3A_2072 : vector<32x128xf32>
    %sub3A_2175 = arith.subf %mul3A_2173, %mul3A_2174 : vector<32x128xf32>
    %mul3A_2176 = arith.mulf %select_n3A_2132, %sub3A_1969 : vector<32x128xf32>
    %mul3A_2177 = arith.mulf %select_n3A_2129, %sub3A_2072 : vector<32x128xf32>
    %add3A_2178 = arith.addf %mul3A_2176, %mul3A_2177 : vector<32x128xf32>
    %mul3A_2179 = arith.mulf %select_n3A_2129, %sub3A_1975 : vector<32x128xf32>
    %mul3A_2180 = arith.mulf %select_n3A_2132, %sub3A_2078 : vector<32x128xf32>
    %sub3A_2181 = arith.subf %mul3A_2179, %mul3A_2180 : vector<32x128xf32>
    %mul3A_2182 = arith.mulf %select_n3A_2132, %sub3A_1975 : vector<32x128xf32>
    %mul3A_2183 = arith.mulf %select_n3A_2129, %sub3A_2078 : vector<32x128xf32>
    %add3A_2184 = arith.addf %mul3A_2182, %mul3A_2183 : vector<32x128xf32>
    %sub3A_2185 = arith.subf %add3A_2050, %add3A_2143 : vector<32x128xf32>
    %mul3A_2186 = arith.constant 2.000000e+00 : f32
    %mul3A_2187 = vector.broadcast %mul3A_2186 : f32 to vector<32x128xf32>
    %mul3A_2188 = arith.mulf %mul3A_2187, %sub3A_2163 : vector<32x128xf32>
    %div3A_2189 = arith.divf %sub3A_2185, %mul3A_2188 : vector<32x128xf32>
    %abs3A_2190 = math.absf %div3A_2189 : vector<32x128xf32>
    %mul3A_2191 = arith.mulf %div3A_2189, %div3A_2189 : vector<32x128xf32>
    %add3A_2192 = arith.constant 1.000000e+00 : f32
    %add3A_2193 = vector.broadcast %add3A_2192 : f32 to vector<32x128xf32>
    %add3A_2194 = arith.addf %add3A_2193, %mul3A_2191 : vector<32x128xf32>
    %sqrt3A_2195 = math.sqrt %add3A_2194 : vector<32x128xf32>
    %add3A_2196 = arith.addf %abs3A_2190, %sqrt3A_2195 : vector<32x128xf32>
    %sign3A_2197 = tpu.bitcast %div3A_2189 : vector<32x128xf32> -> vector<32x128xi32>
    %sign3A_2198 = arith.constant -2147483648 : i32
    %sign3A_2199 = vector.broadcast %sign3A_2198 : i32 to vector<32x128xi32>
    %sign3A_2200 = arith.andi %sign3A_2197, %sign3A_2199 : vector<32x128xi32>
    %sign3A_2201 = arith.constant 1065353216 : i32
    %sign3A_2202 = vector.broadcast %sign3A_2201 : i32 to vector<32x128xi32>
    %sign3A_2203 = arith.ori %sign3A_2202, %sign3A_2200 : vector<32x128xi32>
    %sign3A_2204 = tpu.bitcast %sign3A_2203 : vector<32x128xi32> -> vector<32x128xf32>
    %sign3A_2205 = math.absf %div3A_2189 : vector<32x128xf32>
    %sign3A_2206 = arith.constant 0.000000e+00 : f32
    %sign3A_2207 = vector.broadcast %sign3A_2206 : f32 to vector<32x128xf32>
    %sign3A_2208 = arith.cmpf ogt, %sign3A_2205, %sign3A_2207 : vector<32x128xf32>
    %sign3A_2209 = arith.select %sign3A_2208, %sign3A_2204, %div3A_2189 : vector<32x128xi1>, vector<32x128xf32>
    %div3A_2210 = arith.divf %sign3A_2209, %add3A_2196 : vector<32x128xf32>
    %eq3A_2211 = arith.constant 0.000000e+00 : f32
    %eq3A_2212 = vector.broadcast %eq3A_2211 : f32 to vector<32x128xf32>
    %eq3A_2213 = arith.cmpf oeq, %div3A_2189, %eq3A_2212 : vector<32x128xf32>
    %div3A_2214 = arith.constant 1.000000e+00 : f32
    %div3A_2215 = vector.broadcast %div3A_2214 : f32 to vector<32x128xf32>
    %div3A_2216 = arith.divf %div3A_2215, %add3A_2196 : vector<32x128xf32>
    %select_n3A_2217 = arith.select %eq3A_2213, %div3A_2216, %div3A_2210 : vector<32x128xi1>, vector<32x128xf32>
    %mul3A_2218 = arith.mulf %select_n3A_2217, %select_n3A_2217 : vector<32x128xf32>
    %add3A_2219 = arith.constant 1.000000e+00 : f32
    %add3A_2220 = vector.broadcast %add3A_2219 : f32 to vector<32x128xf32>
    %add3A_2221 = arith.addf %add3A_2220, %mul3A_2218 : vector<32x128xf32>
    %sqrt3A_2222 = math.sqrt %add3A_2221 : vector<32x128xf32>
    %div3A_2223 = arith.constant 1.000000e+00 : f32
    %div3A_2224 = vector.broadcast %div3A_2223 : f32 to vector<32x128xf32>
    %div3A_2225 = arith.divf %div3A_2224, %sqrt3A_2222 : vector<32x128xf32>
    %mul3A_2226 = arith.mulf %select_n3A_2217, %div3A_2225 : vector<32x128xf32>
    %eq3A_2227 = arith.constant 0.000000e+00 : f32
    %eq3A_2228 = vector.broadcast %eq3A_2227 : f32 to vector<32x128xf32>
    %eq3A_2229 = arith.cmpf oeq, %sub3A_2163, %eq3A_2228 : vector<32x128xf32>
    %jit3A_2230 = arith.constant 1.000000e+00 : f32
    %broadcast_in_dim3A_2231 = vector.broadcast %jit3A_2230 : f32 to vector<32x128xf32>
    %select_n3A_2232 = arith.select %eq3A_2229, %broadcast_in_dim3A_2231, %div3A_2225 : vector<32x128xi1>, vector<32x128xf32>
    %jit3A_2233 = arith.constant 0.000000e+00 : f32
    %broadcast_in_dim3A_2234 = vector.broadcast %jit3A_2233 : f32 to vector<32x128xf32>
    %select_n3A_2235 = arith.select %eq3A_2229, %broadcast_in_dim3A_2234, %mul3A_2226 : vector<32x128xi1>, vector<32x128xf32>
    %mul3A_2236 = arith.mulf %select_n3A_2235, %select_n3A_2232 : vector<32x128xf32>
    %mul3A_2237 = arith.mulf %select_n3A_2232, %select_n3A_2232 : vector<32x128xf32>
    %mul3A_2238 = arith.mulf %mul3A_2237, %add3A_2143 : vector<32x128xf32>
    %mul3A_2239 = arith.mulf %mul3A_2236, %sub3A_2163 : vector<32x128xf32>
    %mul3A_2240 = arith.constant 2.000000e+00 : f32
    %mul3A_2241 = vector.broadcast %mul3A_2240 : f32 to vector<32x128xf32>
    %mul3A_2242 = arith.mulf %mul3A_2241, %mul3A_2239 : vector<32x128xf32>
    %sub3A_2243 = arith.subf %mul3A_2238, %mul3A_2242 : vector<32x128xf32>
    %mul3A_2244 = arith.mulf %select_n3A_2235, %select_n3A_2235 : vector<32x128xf32>
    %mul3A_2245 = arith.mulf %mul3A_2244, %add3A_2050 : vector<32x128xf32>
    %add3A_2246 = arith.addf %sub3A_2243, %mul3A_2245 : vector<32x128xf32>
    %mul3A_2247 = arith.mulf %select_n3A_2235, %select_n3A_2235 : vector<32x128xf32>
    %mul3A_2248 = arith.mulf %mul3A_2247, %add3A_2143 : vector<32x128xf32>
    %mul3A_2249 = arith.mulf %mul3A_2236, %sub3A_2163 : vector<32x128xf32>
    %mul3A_2250 = arith.constant 2.000000e+00 : f32
    %mul3A_2251 = vector.broadcast %mul3A_2250 : f32 to vector<32x128xf32>
    %mul3A_2252 = arith.mulf %mul3A_2251, %mul3A_2249 : vector<32x128xf32>
    %add3A_2253 = arith.addf %mul3A_2248, %mul3A_2252 : vector<32x128xf32>
    %mul3A_2254 = arith.mulf %select_n3A_2232, %select_n3A_2232 : vector<32x128xf32>
    %mul3A_2255 = arith.mulf %mul3A_2254, %add3A_2050 : vector<32x128xf32>
    %add3A_2256 = arith.addf %add3A_2253, %mul3A_2255 : vector<32x128xf32>
    %sub3A_2257 = arith.subf %add3A_2143, %add3A_2050 : vector<32x128xf32>
    %mul3A_2258 = arith.mulf %mul3A_2236, %sub3A_2257 : vector<32x128xf32>
    %mul3A_2259 = arith.mulf %select_n3A_2232, %select_n3A_2232 : vector<32x128xf32>
    %mul3A_2260 = arith.mulf %select_n3A_2235, %select_n3A_2235 : vector<32x128xf32>
    %sub3A_2261 = arith.subf %mul3A_2259, %mul3A_2260 : vector<32x128xf32>
    %mul3A_2262 = arith.mulf %sub3A_2261, %sub3A_2163 : vector<32x128xf32>
    %add3A_2263 = arith.addf %mul3A_2258, %mul3A_2262 : vector<32x128xf32>
    %mul3A_2264 = arith.mulf %select_n3A_2232, %add3A_2160 : vector<32x128xf32>
    %mul3A_2265 = arith.mulf %select_n3A_2235, %add3A_2166 : vector<32x128xf32>
    %sub3A_2266 = arith.subf %mul3A_2264, %mul3A_2265 : vector<32x128xf32>
    %mul3A_2267 = arith.mulf %select_n3A_2235, %add3A_2160 : vector<32x128xf32>
    %mul3A_2268 = arith.mulf %select_n3A_2232, %add3A_2166 : vector<32x128xf32>
    %add3A_2269 = arith.addf %mul3A_2267, %mul3A_2268 : vector<32x128xf32>
    %mul3A_2270 = arith.mulf %select_n3A_2232, %sub3A_2169 : vector<32x128xf32>
    %mul3A_2271 = arith.mulf %select_n3A_2235, %add3A_2069 : vector<32x128xf32>
    %sub3A_2272 = arith.subf %mul3A_2270, %mul3A_2271 : vector<32x128xf32>
    %mul3A_2273 = arith.mulf %select_n3A_2235, %sub3A_2169 : vector<32x128xf32>
    %mul3A_2274 = arith.mulf %select_n3A_2232, %add3A_2069 : vector<32x128xf32>
    %add3A_2275 = arith.addf %mul3A_2273, %mul3A_2274 : vector<32x128xf32>
    %mul3A_2276 = arith.mulf %select_n3A_2232, %sub3A_2175 : vector<32x128xf32>
    %mul3A_2277 = arith.mulf %select_n3A_2235, %add3A_2075 : vector<32x128xf32>
    %sub3A_2278 = arith.subf %mul3A_2276, %mul3A_2277 : vector<32x128xf32>
    %mul3A_2279 = arith.mulf %select_n3A_2235, %sub3A_2175 : vector<32x128xf32>
    %mul3A_2280 = arith.mulf %select_n3A_2232, %add3A_2075 : vector<32x128xf32>
    %add3A_2281 = arith.addf %mul3A_2279, %mul3A_2280 : vector<32x128xf32>
    %mul3A_2282 = arith.mulf %select_n3A_2232, %sub3A_2181 : vector<32x128xf32>
    %mul3A_2283 = arith.mulf %select_n3A_2235, %add3A_2081 : vector<32x128xf32>
    %sub3A_2284 = arith.subf %mul3A_2282, %mul3A_2283 : vector<32x128xf32>
    %mul3A_2285 = arith.mulf %select_n3A_2235, %sub3A_2181 : vector<32x128xf32>
    %mul3A_2286 = arith.mulf %select_n3A_2232, %add3A_2081 : vector<32x128xf32>
    %add3A_2287 = arith.addf %mul3A_2285, %mul3A_2286 : vector<32x128xf32>
    %sub3A_2288 = arith.subf %add3A_2256, %add3A_2153 : vector<32x128xf32>
    %mul3A_2289 = arith.constant 2.000000e+00 : f32
    %mul3A_2290 = vector.broadcast %mul3A_2289 : f32 to vector<32x128xf32>
    %mul3A_2291 = arith.mulf %mul3A_2290, %add3A_2269 : vector<32x128xf32>
    %div3A_2292 = arith.divf %sub3A_2288, %mul3A_2291 : vector<32x128xf32>
    %abs3A_2293 = math.absf %div3A_2292 : vector<32x128xf32>
    %mul3A_2294 = arith.mulf %div3A_2292, %div3A_2292 : vector<32x128xf32>
    %add3A_2295 = arith.constant 1.000000e+00 : f32
    %add3A_2296 = vector.broadcast %add3A_2295 : f32 to vector<32x128xf32>
    %add3A_2297 = arith.addf %add3A_2296, %mul3A_2294 : vector<32x128xf32>
    %sqrt3A_2298 = math.sqrt %add3A_2297 : vector<32x128xf32>
    %add3A_2299 = arith.addf %abs3A_2293, %sqrt3A_2298 : vector<32x128xf32>
    %sign3A_2300 = tpu.bitcast %div3A_2292 : vector<32x128xf32> -> vector<32x128xi32>
    %sign3A_2301 = arith.constant -2147483648 : i32
    %sign3A_2302 = vector.broadcast %sign3A_2301 : i32 to vector<32x128xi32>
    %sign3A_2303 = arith.andi %sign3A_2300, %sign3A_2302 : vector<32x128xi32>
    %sign3A_2304 = arith.constant 1065353216 : i32
    %sign3A_2305 = vector.broadcast %sign3A_2304 : i32 to vector<32x128xi32>
    %sign3A_2306 = arith.ori %sign3A_2305, %sign3A_2303 : vector<32x128xi32>
    %sign3A_2307 = tpu.bitcast %sign3A_2306 : vector<32x128xi32> -> vector<32x128xf32>
    %sign3A_2308 = math.absf %div3A_2292 : vector<32x128xf32>
    %sign3A_2309 = arith.constant 0.000000e+00 : f32
    %sign3A_2310 = vector.broadcast %sign3A_2309 : f32 to vector<32x128xf32>
    %sign3A_2311 = arith.cmpf ogt, %sign3A_2308, %sign3A_2310 : vector<32x128xf32>
    %sign3A_2312 = arith.select %sign3A_2311, %sign3A_2307, %div3A_2292 : vector<32x128xi1>, vector<32x128xf32>
    %div3A_2313 = arith.divf %sign3A_2312, %add3A_2299 : vector<32x128xf32>
    %eq3A_2314 = arith.constant 0.000000e+00 : f32
    %eq3A_2315 = vector.broadcast %eq3A_2314 : f32 to vector<32x128xf32>
    %eq3A_2316 = arith.cmpf oeq, %div3A_2292, %eq3A_2315 : vector<32x128xf32>
    %div3A_2317 = arith.constant 1.000000e+00 : f32
    %div3A_2318 = vector.broadcast %div3A_2317 : f32 to vector<32x128xf32>
    %div3A_2319 = arith.divf %div3A_2318, %add3A_2299 : vector<32x128xf32>
    %select_n3A_2320 = arith.select %eq3A_2316, %div3A_2319, %div3A_2313 : vector<32x128xi1>, vector<32x128xf32>
    %mul3A_2321 = arith.mulf %select_n3A_2320, %select_n3A_2320 : vector<32x128xf32>
    %add3A_2322 = arith.constant 1.000000e+00 : f32
    %add3A_2323 = vector.broadcast %add3A_2322 : f32 to vector<32x128xf32>
    %add3A_2324 = arith.addf %add3A_2323, %mul3A_2321 : vector<32x128xf32>
    %sqrt3A_2325 = math.sqrt %add3A_2324 : vector<32x128xf32>
    %div3A_2326 = arith.constant 1.000000e+00 : f32
    %div3A_2327 = vector.broadcast %div3A_2326 : f32 to vector<32x128xf32>
    %div3A_2328 = arith.divf %div3A_2327, %sqrt3A_2325 : vector<32x128xf32>
    %mul3A_2329 = arith.mulf %select_n3A_2320, %div3A_2328 : vector<32x128xf32>
    %eq3A_2330 = arith.constant 0.000000e+00 : f32
    %eq3A_2331 = vector.broadcast %eq3A_2330 : f32 to vector<32x128xf32>
    %eq3A_2332 = arith.cmpf oeq, %add3A_2269, %eq3A_2331 : vector<32x128xf32>
    %jit3A_2333 = arith.constant 1.000000e+00 : f32
    %broadcast_in_dim3A_2334 = vector.broadcast %jit3A_2333 : f32 to vector<32x128xf32>
    %select_n3A_2335 = arith.select %eq3A_2332, %broadcast_in_dim3A_2334, %div3A_2328 : vector<32x128xi1>, vector<32x128xf32>
    %jit3A_2336 = arith.constant 0.000000e+00 : f32
    %broadcast_in_dim3A_2337 = vector.broadcast %jit3A_2336 : f32 to vector<32x128xf32>
    %select_n3A_2338 = arith.select %eq3A_2332, %broadcast_in_dim3A_2337, %mul3A_2329 : vector<32x128xi1>, vector<32x128xf32>
    %mul3A_2339 = arith.mulf %select_n3A_2338, %select_n3A_2335 : vector<32x128xf32>
    %mul3A_2340 = arith.mulf %select_n3A_2335, %select_n3A_2335 : vector<32x128xf32>
    %mul3A_2341 = arith.mulf %mul3A_2340, %add3A_2153 : vector<32x128xf32>
    %mul3A_2342 = arith.mulf %mul3A_2339, %add3A_2269 : vector<32x128xf32>
    %mul3A_2343 = arith.constant 2.000000e+00 : f32
    %mul3A_2344 = vector.broadcast %mul3A_2343 : f32 to vector<32x128xf32>
    %mul3A_2345 = arith.mulf %mul3A_2344, %mul3A_2342 : vector<32x128xf32>
    %sub3A_2346 = arith.subf %mul3A_2341, %mul3A_2345 : vector<32x128xf32>
    %mul3A_2347 = arith.mulf %select_n3A_2338, %select_n3A_2338 : vector<32x128xf32>
    %mul3A_2348 = arith.mulf %mul3A_2347, %add3A_2256 : vector<32x128xf32>
    %add3A_2349 = arith.addf %sub3A_2346, %mul3A_2348 : vector<32x128xf32>
    %mul3A_2350 = arith.mulf %select_n3A_2338, %select_n3A_2338 : vector<32x128xf32>
    %mul3A_2351 = arith.mulf %mul3A_2350, %add3A_2153 : vector<32x128xf32>
    %mul3A_2352 = arith.mulf %mul3A_2339, %add3A_2269 : vector<32x128xf32>
    %mul3A_2353 = arith.constant 2.000000e+00 : f32
    %mul3A_2354 = vector.broadcast %mul3A_2353 : f32 to vector<32x128xf32>
    %mul3A_2355 = arith.mulf %mul3A_2354, %mul3A_2352 : vector<32x128xf32>
    %add3A_2356 = arith.addf %mul3A_2351, %mul3A_2355 : vector<32x128xf32>
    %mul3A_2357 = arith.mulf %select_n3A_2335, %select_n3A_2335 : vector<32x128xf32>
    %mul3A_2358 = arith.mulf %mul3A_2357, %add3A_2256 : vector<32x128xf32>
    %add3A_2359 = arith.addf %add3A_2356, %mul3A_2358 : vector<32x128xf32>
    %mul3A_2360 = arith.mulf %select_n3A_2335, %sub3A_2266 : vector<32x128xf32>
    %mul3A_2361 = arith.mulf %select_n3A_2338, %add3A_2263 : vector<32x128xf32>
    %sub3A_2362 = arith.subf %mul3A_2360, %mul3A_2361 : vector<32x128xf32>
    %mul3A_2363 = arith.mulf %select_n3A_2335, %add3A_2172 : vector<32x128xf32>
    %mul3A_2364 = arith.mulf %select_n3A_2338, %add3A_2275 : vector<32x128xf32>
    %sub3A_2365 = arith.subf %mul3A_2363, %mul3A_2364 : vector<32x128xf32>
    %mul3A_2366 = arith.mulf %select_n3A_2338, %add3A_2172 : vector<32x128xf32>
    %mul3A_2367 = arith.mulf %select_n3A_2335, %add3A_2275 : vector<32x128xf32>
    %add3A_2368 = arith.addf %mul3A_2366, %mul3A_2367 : vector<32x128xf32>
    %mul3A_2369 = arith.mulf %select_n3A_2335, %add3A_2178 : vector<32x128xf32>
    %mul3A_2370 = arith.mulf %select_n3A_2338, %add3A_2281 : vector<32x128xf32>
    %sub3A_2371 = arith.subf %mul3A_2369, %mul3A_2370 : vector<32x128xf32>
    %mul3A_2372 = arith.mulf %select_n3A_2338, %add3A_2178 : vector<32x128xf32>
    %mul3A_2373 = arith.mulf %select_n3A_2335, %add3A_2281 : vector<32x128xf32>
    %add3A_2374 = arith.addf %mul3A_2372, %mul3A_2373 : vector<32x128xf32>
    %mul3A_2375 = arith.mulf %select_n3A_2335, %add3A_2184 : vector<32x128xf32>
    %mul3A_2376 = arith.mulf %select_n3A_2338, %add3A_2287 : vector<32x128xf32>
    %sub3A_2377 = arith.subf %mul3A_2375, %mul3A_2376 : vector<32x128xf32>
    %mul3A_2378 = arith.mulf %select_n3A_2338, %add3A_2184 : vector<32x128xf32>
    %mul3A_2379 = arith.mulf %select_n3A_2335, %add3A_2287 : vector<32x128xf32>
    %add3A_2380 = arith.addf %mul3A_2378, %mul3A_2379 : vector<32x128xf32>
    %sub3A_2381 = arith.subf %add3A_2349, %add3A_2246 : vector<32x128xf32>
    %mul3A_2382 = arith.constant 2.000000e+00 : f32
    %mul3A_2383 = vector.broadcast %mul3A_2382 : f32 to vector<32x128xf32>
    %mul3A_2384 = arith.mulf %mul3A_2383, %sub3A_2362 : vector<32x128xf32>
    %div3A_2385 = arith.divf %sub3A_2381, %mul3A_2384 : vector<32x128xf32>
    %abs3A_2386 = math.absf %div3A_2385 : vector<32x128xf32>
    %mul3A_2387 = arith.mulf %div3A_2385, %div3A_2385 : vector<32x128xf32>
    %add3A_2388 = arith.constant 1.000000e+00 : f32
    %add3A_2389 = vector.broadcast %add3A_2388 : f32 to vector<32x128xf32>
    %add3A_2390 = arith.addf %add3A_2389, %mul3A_2387 : vector<32x128xf32>
    %sqrt3A_2391 = math.sqrt %add3A_2390 : vector<32x128xf32>
    %add3A_2392 = arith.addf %abs3A_2386, %sqrt3A_2391 : vector<32x128xf32>
    %sign3A_2393 = tpu.bitcast %div3A_2385 : vector<32x128xf32> -> vector<32x128xi32>
    %sign3A_2394 = arith.constant -2147483648 : i32
    %sign3A_2395 = vector.broadcast %sign3A_2394 : i32 to vector<32x128xi32>
    %sign3A_2396 = arith.andi %sign3A_2393, %sign3A_2395 : vector<32x128xi32>
    %sign3A_2397 = arith.constant 1065353216 : i32
    %sign3A_2398 = vector.broadcast %sign3A_2397 : i32 to vector<32x128xi32>
    %sign3A_2399 = arith.ori %sign3A_2398, %sign3A_2396 : vector<32x128xi32>
    %sign3A_2400 = tpu.bitcast %sign3A_2399 : vector<32x128xi32> -> vector<32x128xf32>
    %sign3A_2401 = math.absf %div3A_2385 : vector<32x128xf32>
    %sign3A_2402 = arith.constant 0.000000e+00 : f32
    %sign3A_2403 = vector.broadcast %sign3A_2402 : f32 to vector<32x128xf32>
    %sign3A_2404 = arith.cmpf ogt, %sign3A_2401, %sign3A_2403 : vector<32x128xf32>
    %sign3A_2405 = arith.select %sign3A_2404, %sign3A_2400, %div3A_2385 : vector<32x128xi1>, vector<32x128xf32>
    %div3A_2406 = arith.divf %sign3A_2405, %add3A_2392 : vector<32x128xf32>
    %eq3A_2407 = arith.constant 0.000000e+00 : f32
    %eq3A_2408 = vector.broadcast %eq3A_2407 : f32 to vector<32x128xf32>
    %eq3A_2409 = arith.cmpf oeq, %div3A_2385, %eq3A_2408 : vector<32x128xf32>
    %div3A_2410 = arith.constant 1.000000e+00 : f32
    %div3A_2411 = vector.broadcast %div3A_2410 : f32 to vector<32x128xf32>
    %div3A_2412 = arith.divf %div3A_2411, %add3A_2392 : vector<32x128xf32>
    %select_n3A_2413 = arith.select %eq3A_2409, %div3A_2412, %div3A_2406 : vector<32x128xi1>, vector<32x128xf32>
    %mul3A_2414 = arith.mulf %select_n3A_2413, %select_n3A_2413 : vector<32x128xf32>
    %add3A_2415 = arith.constant 1.000000e+00 : f32
    %add3A_2416 = vector.broadcast %add3A_2415 : f32 to vector<32x128xf32>
    %add3A_2417 = arith.addf %add3A_2416, %mul3A_2414 : vector<32x128xf32>
    %sqrt3A_2418 = math.sqrt %add3A_2417 : vector<32x128xf32>
    %div3A_2419 = arith.constant 1.000000e+00 : f32
    %div3A_2420 = vector.broadcast %div3A_2419 : f32 to vector<32x128xf32>
    %div3A_2421 = arith.divf %div3A_2420, %sqrt3A_2418 : vector<32x128xf32>
    %mul3A_2422 = arith.mulf %select_n3A_2413, %div3A_2421 : vector<32x128xf32>
    %eq3A_2423 = arith.constant 0.000000e+00 : f32
    %eq3A_2424 = vector.broadcast %eq3A_2423 : f32 to vector<32x128xf32>
    %eq3A_2425 = arith.cmpf oeq, %sub3A_2362, %eq3A_2424 : vector<32x128xf32>
    %jit3A_2426 = arith.constant 1.000000e+00 : f32
    %broadcast_in_dim3A_2427 = vector.broadcast %jit3A_2426 : f32 to vector<32x128xf32>
    %select_n3A_2428 = arith.select %eq3A_2425, %broadcast_in_dim3A_2427, %div3A_2421 : vector<32x128xi1>, vector<32x128xf32>
    %jit3A_2429 = arith.constant 0.000000e+00 : f32
    %broadcast_in_dim3A_2430 = vector.broadcast %jit3A_2429 : f32 to vector<32x128xf32>
    %select_n3A_2431 = arith.select %eq3A_2425, %broadcast_in_dim3A_2430, %mul3A_2422 : vector<32x128xi1>, vector<32x128xf32>
    %mul3A_2432 = arith.mulf %select_n3A_2431, %select_n3A_2428 : vector<32x128xf32>
    %mul3A_2433 = arith.mulf %select_n3A_2428, %select_n3A_2428 : vector<32x128xf32>
    %mul3A_2434 = arith.mulf %mul3A_2433, %add3A_2246 : vector<32x128xf32>
    %mul3A_2435 = arith.mulf %mul3A_2432, %sub3A_2362 : vector<32x128xf32>
    %mul3A_2436 = arith.constant 2.000000e+00 : f32
    %mul3A_2437 = vector.broadcast %mul3A_2436 : f32 to vector<32x128xf32>
    %mul3A_2438 = arith.mulf %mul3A_2437, %mul3A_2435 : vector<32x128xf32>
    %sub3A_2439 = arith.subf %mul3A_2434, %mul3A_2438 : vector<32x128xf32>
    %mul3A_2440 = arith.mulf %select_n3A_2431, %select_n3A_2431 : vector<32x128xf32>
    %mul3A_2441 = arith.mulf %mul3A_2440, %add3A_2349 : vector<32x128xf32>
    %add3A_2442 = arith.addf %sub3A_2439, %mul3A_2441 : vector<32x128xf32>
    %mul3A_2443 = arith.mulf %select_n3A_2431, %select_n3A_2431 : vector<32x128xf32>
    %mul3A_2444 = arith.mulf %mul3A_2443, %add3A_2246 : vector<32x128xf32>
    %mul3A_2445 = arith.mulf %mul3A_2432, %sub3A_2362 : vector<32x128xf32>
    %mul3A_2446 = arith.constant 2.000000e+00 : f32
    %mul3A_2447 = vector.broadcast %mul3A_2446 : f32 to vector<32x128xf32>
    %mul3A_2448 = arith.mulf %mul3A_2447, %mul3A_2445 : vector<32x128xf32>
    %add3A_2449 = arith.addf %mul3A_2444, %mul3A_2448 : vector<32x128xf32>
    %mul3A_2450 = arith.mulf %select_n3A_2428, %select_n3A_2428 : vector<32x128xf32>
    %mul3A_2451 = arith.mulf %mul3A_2450, %add3A_2349 : vector<32x128xf32>
    %add3A_2452 = arith.addf %add3A_2449, %mul3A_2451 : vector<32x128xf32>
    %mul3A_2453 = arith.mulf %select_n3A_2428, %sub3A_2272 : vector<32x128xf32>
    %mul3A_2454 = arith.mulf %select_n3A_2431, %sub3A_2365 : vector<32x128xf32>
    %sub3A_2455 = arith.subf %mul3A_2453, %mul3A_2454 : vector<32x128xf32>
    %mul3A_2456 = arith.mulf %select_n3A_2431, %sub3A_2272 : vector<32x128xf32>
    %mul3A_2457 = arith.mulf %select_n3A_2428, %sub3A_2365 : vector<32x128xf32>
    %add3A_2458 = arith.addf %mul3A_2456, %mul3A_2457 : vector<32x128xf32>
    %mul3A_2459 = arith.mulf %select_n3A_2428, %sub3A_2278 : vector<32x128xf32>
    %mul3A_2460 = arith.mulf %select_n3A_2431, %sub3A_2371 : vector<32x128xf32>
    %sub3A_2461 = arith.subf %mul3A_2459, %mul3A_2460 : vector<32x128xf32>
    %mul3A_2462 = arith.mulf %select_n3A_2431, %sub3A_2278 : vector<32x128xf32>
    %mul3A_2463 = arith.mulf %select_n3A_2428, %sub3A_2371 : vector<32x128xf32>
    %add3A_2464 = arith.addf %mul3A_2462, %mul3A_2463 : vector<32x128xf32>
    %mul3A_2465 = arith.mulf %select_n3A_2428, %sub3A_2284 : vector<32x128xf32>
    %mul3A_2466 = arith.mulf %select_n3A_2431, %sub3A_2377 : vector<32x128xf32>
    %sub3A_2467 = arith.subf %mul3A_2465, %mul3A_2466 : vector<32x128xf32>
    %mul3A_2468 = arith.mulf %select_n3A_2431, %sub3A_2284 : vector<32x128xf32>
    %mul3A_2469 = arith.mulf %select_n3A_2428, %sub3A_2377 : vector<32x128xf32>
    %add3A_2470 = arith.addf %mul3A_2468, %mul3A_2469 : vector<32x128xf32>
    %bitcast_convert_type3A = tpu.bitcast %add3A_2442 : vector<32x128xf32> -> vector<32x128xi32>
    %lt3A = arith.constant 0 : i32
    %lt3A_2471 = vector.broadcast %lt3A : i32 to vector<32x128xi32>
    %lt3A_2472 = arith.cmpi slt, %bitcast_convert_type3A, %lt3A_2471 : vector<32x128xi32>
    %xor3A = arith.constant 2147483647 : i32
    %xor3A_2473 = vector.broadcast %xor3A : i32 to vector<32x128xi32>
    %xor3A_2474 = arith.xori %xor3A_2473, %bitcast_convert_type3A : vector<32x128xi32>
    %select_n3A_2475 = arith.select %lt3A_2472, %xor3A_2474, %bitcast_convert_type3A : vector<32x128xi1>, vector<32x128xi32>
    %bitcast_convert_type3A_2476 = tpu.bitcast %add3A_2452 : vector<32x128xf32> -> vector<32x128xi32>
    %lt3A_2477 = arith.constant 0 : i32
    %lt3A_2478 = vector.broadcast %lt3A_2477 : i32 to vector<32x128xi32>
    %lt3A_2479 = arith.cmpi slt, %bitcast_convert_type3A_2476, %lt3A_2478 : vector<32x128xi32>
    %xor3A_2480 = arith.constant 2147483647 : i32
    %xor3A_2481 = vector.broadcast %xor3A_2480 : i32 to vector<32x128xi32>
    %xor3A_2482 = arith.xori %xor3A_2481, %bitcast_convert_type3A_2476 : vector<32x128xi32>
    %select_n3A_2483 = arith.select %lt3A_2479, %xor3A_2482, %bitcast_convert_type3A_2476 : vector<32x128xi1>, vector<32x128xi32>
    %bitcast_convert_type3A_2484 = tpu.bitcast %add3A_2359 : vector<32x128xf32> -> vector<32x128xi32>
    %lt3A_2485 = arith.constant 0 : i32
    %lt3A_2486 = vector.broadcast %lt3A_2485 : i32 to vector<32x128xi32>
    %lt3A_2487 = arith.cmpi slt, %bitcast_convert_type3A_2484, %lt3A_2486 : vector<32x128xi32>
    %xor3A_2488 = arith.constant 2147483647 : i32
    %xor3A_2489 = vector.broadcast %xor3A_2488 : i32 to vector<32x128xi32>
    %xor3A_2490 = arith.xori %xor3A_2489, %bitcast_convert_type3A_2484 : vector<32x128xi32>
    %select_n3A_2491 = arith.select %lt3A_2487, %xor3A_2490, %bitcast_convert_type3A_2484 : vector<32x128xi1>, vector<32x128xi32>
    %lt3A_2492 = arith.cmpi slt, %select_n3A_2483, %select_n3A_2475 : vector<32x128xi32>
    %select_n3A_2493 = arith.select %lt3A_2492, %select_n3A_2483, %select_n3A_2475 : vector<32x128xi1>, vector<32x128xi32>
    %select_n3A_2494 = arith.select %lt3A_2492, %add3A_2452, %add3A_2442 : vector<32x128xi1>, vector<32x128xf32>
    %select_n3A_2495 = arith.select %lt3A_2492, %add3A_2458, %sub3A_2455 : vector<32x128xi1>, vector<32x128xf32>
    %select_n3A_2496 = arith.select %lt3A_2492, %add3A_2464, %sub3A_2461 : vector<32x128xi1>, vector<32x128xf32>
    %select_n3A_2497 = arith.select %lt3A_2492, %add3A_2470, %sub3A_2467 : vector<32x128xi1>, vector<32x128xf32>
    %select_n3A_2498 = arith.select %lt3A_2492, %select_n3A_2475, %select_n3A_2483 : vector<32x128xi1>, vector<32x128xi32>
    %select_n3A_2499 = arith.select %lt3A_2492, %add3A_2442, %add3A_2452 : vector<32x128xi1>, vector<32x128xf32>
    %select_n3A_2500 = arith.select %lt3A_2492, %sub3A_2455, %add3A_2458 : vector<32x128xi1>, vector<32x128xf32>
    %select_n3A_2501 = arith.select %lt3A_2492, %sub3A_2461, %add3A_2464 : vector<32x128xi1>, vector<32x128xf32>
    %select_n3A_2502 = arith.select %lt3A_2492, %sub3A_2467, %add3A_2470 : vector<32x128xi1>, vector<32x128xf32>
    %lt3A_2503 = arith.cmpi slt, %select_n3A_2491, %select_n3A_2498 : vector<32x128xi32>
    %select_n3A_2504 = arith.select %lt3A_2503, %select_n3A_2491, %select_n3A_2498 : vector<32x128xi1>, vector<32x128xi32>
    %select_n3A_2505 = arith.select %lt3A_2503, %add3A_2359, %select_n3A_2499 : vector<32x128xi1>, vector<32x128xf32>
    %select_n3A_2506 = arith.select %lt3A_2503, %add3A_2368, %select_n3A_2500 : vector<32x128xi1>, vector<32x128xf32>
    %select_n3A_2507 = arith.select %lt3A_2503, %add3A_2374, %select_n3A_2501 : vector<32x128xi1>, vector<32x128xf32>
    %select_n3A_2508 = arith.select %lt3A_2503, %add3A_2380, %select_n3A_2502 : vector<32x128xi1>, vector<32x128xf32>
    %select_n3A_2509 = arith.select %lt3A_2503, %select_n3A_2499, %add3A_2359 : vector<32x128xi1>, vector<32x128xf32>
    %select_n3A_2510 = arith.select %lt3A_2503, %select_n3A_2500, %add3A_2368 : vector<32x128xi1>, vector<32x128xf32>
    %select_n3A_2511 = arith.select %lt3A_2503, %select_n3A_2501, %add3A_2374 : vector<32x128xi1>, vector<32x128xf32>
    %select_n3A_2512 = arith.select %lt3A_2503, %select_n3A_2502, %add3A_2380 : vector<32x128xi1>, vector<32x128xf32>
    %lt3A_2513 = arith.cmpi slt, %select_n3A_2504, %select_n3A_2493 : vector<32x128xi32>
    %select_n3A_2514 = arith.select %lt3A_2513, %select_n3A_2505, %select_n3A_2494 : vector<32x128xi1>, vector<32x128xf32>
    %select_n3A_2515 = arith.select %lt3A_2513, %select_n3A_2506, %select_n3A_2495 : vector<32x128xi1>, vector<32x128xf32>
    %select_n3A_2516 = arith.select %lt3A_2513, %select_n3A_2507, %select_n3A_2496 : vector<32x128xi1>, vector<32x128xf32>
    %select_n3A_2517 = arith.select %lt3A_2513, %select_n3A_2508, %select_n3A_2497 : vector<32x128xi1>, vector<32x128xf32>
    %select_n3A_2518 = arith.select %lt3A_2513, %select_n3A_2494, %select_n3A_2505 : vector<32x128xi1>, vector<32x128xf32>
    %select_n3A_2519 = arith.select %lt3A_2513, %select_n3A_2495, %select_n3A_2506 : vector<32x128xi1>, vector<32x128xf32>
    %select_n3A_2520 = arith.select %lt3A_2513, %select_n3A_2496, %select_n3A_2507 : vector<32x128xi1>, vector<32x128xf32>
    %select_n3A_2521 = arith.select %lt3A_2513, %select_n3A_2497, %select_n3A_2508 : vector<32x128xi1>, vector<32x128xf32>
    %swap3A = arith.constant 0 : index
    %swap3A_2522 = arith.constant 0 : index
    %swap3A_2523 = arith.constant 0 : index
    %swap3A_2524 = vector.load %arg2[%swap3A, %swap3A_2522, %swap3A_2523] : memref<3x32x128xf32, #tpu.memory_space<vmem>>, vector<1x32x128xf32>
    %swap3A_2525 = vector.shape_cast %swap3A_2524 : vector<1x32x128xf32> to vector<32x128xf32>
    %swap3A_2526 = vector.shape_cast %select_n3A_2514 : vector<32x128xf32> to vector<1x32x128xf32>
    tpu.vector_store %arg2[%swap3A, %swap3A_2522, %swap3A_2523], %swap3A_2526 {strides = array<i32>} : memref<3x32x128xf32, #tpu.memory_space<vmem>>, vector<1x32x128xf32>,
    %swap3A_2527 = arith.constant 0 : index
    %swap3A_2528 = arith.constant 0 : index
    %swap3A_2529 = arith.constant 0 : index
    %swap3A_2530 = vector.load %arg3[%swap3A_2527, %swap3A_2528, %swap3A_2529] : memref<9x32x128xf32, #tpu.memory_space<vmem>>, vector<1x32x128xf32>
    %swap3A_2531 = vector.shape_cast %swap3A_2530 : vector<1x32x128xf32> to vector<32x128xf32>
    %swap3A_2532 = vector.shape_cast %select_n3A_2515 : vector<32x128xf32> to vector<1x32x128xf32>
    tpu.vector_store %arg3[%swap3A_2527, %swap3A_2528, %swap3A_2529], %swap3A_2532 {strides = array<i32>} : memref<9x32x128xf32, #tpu.memory_space<vmem>>, vector<1x32x128xf32>,
    %swap3A_2533 = arith.constant 3 : index
    %swap3A_2534 = arith.constant 0 : index
    %swap3A_2535 = arith.constant 0 : index
    %swap3A_2536 = vector.load %arg3[%swap3A_2533, %swap3A_2534, %swap3A_2535] : memref<9x32x128xf32, #tpu.memory_space<vmem>>, vector<1x32x128xf32>
    %swap3A_2537 = vector.shape_cast %swap3A_2536 : vector<1x32x128xf32> to vector<32x128xf32>
    %swap3A_2538 = vector.shape_cast %select_n3A_2516 : vector<32x128xf32> to vector<1x32x128xf32>
    tpu.vector_store %arg3[%swap3A_2533, %swap3A_2534, %swap3A_2535], %swap3A_2538 {strides = array<i32>} : memref<9x32x128xf32, #tpu.memory_space<vmem>>, vector<1x32x128xf32>,
    %swap3A_2539 = arith.constant 6 : index
    %swap3A_2540 = arith.constant 0 : index
    %swap3A_2541 = arith.constant 0 : index
    %swap3A_2542 = vector.load %arg3[%swap3A_2539, %swap3A_2540, %swap3A_2541] : memref<9x32x128xf32, #tpu.memory_space<vmem>>, vector<1x32x128xf32>
    %swap3A_2543 = vector.shape_cast %swap3A_2542 : vector<1x32x128xf32> to vector<32x128xf32>
    %swap3A_2544 = vector.shape_cast %select_n3A_2517 : vector<32x128xf32> to vector<1x32x128xf32>
    tpu.vector_store %arg3[%swap3A_2539, %swap3A_2540, %swap3A_2541], %swap3A_2544 {strides = array<i32>} : memref<9x32x128xf32, #tpu.memory_space<vmem>>, vector<1x32x128xf32>,
    %swap3A_2545 = arith.constant 1 : index
    %swap3A_2546 = arith.constant 0 : index
    %swap3A_2547 = arith.constant 0 : index
    %swap3A_2548 = vector.load %arg2[%swap3A_2545, %swap3A_2546, %swap3A_2547] : memref<3x32x128xf32, #tpu.memory_space<vmem>>, vector<1x32x128xf32>
    %swap3A_2549 = vector.shape_cast %swap3A_2548 : vector<1x32x128xf32> to vector<32x128xf32>
    %swap3A_2550 = vector.shape_cast %select_n3A_2518 : vector<32x128xf32> to vector<1x32x128xf32>
    tpu.vector_store %arg2[%swap3A_2545, %swap3A_2546, %swap3A_2547], %swap3A_2550 {strides = array<i32>} : memref<3x32x128xf32, #tpu.memory_space<vmem>>, vector<1x32x128xf32>,
    %swap3A_2551 = arith.constant 1 : index
    %swap3A_2552 = arith.constant 0 : index
    %swap3A_2553 = arith.constant 0 : index
    %swap3A_2554 = vector.load %arg3[%swap3A_2551, %swap3A_2552, %swap3A_2553] : memref<9x32x128xf32, #tpu.memory_space<vmem>>, vector<1x32x128xf32>
    %swap3A_2555 = vector.shape_cast %swap3A_2554 : vector<1x32x128xf32> to vector<32x128xf32>
    %swap3A_2556 = vector.shape_cast %select_n3A_2519 : vector<32x128xf32> to vector<1x32x128xf32>
    tpu.vector_store %arg3[%swap3A_2551, %swap3A_2552, %swap3A_2553], %swap3A_2556 {strides = array<i32>} : memref<9x32x128xf32, #tpu.memory_space<vmem>>, vector<1x32x128xf32>,
    %swap3A_2557 = arith.constant 4 : index
    %swap3A_2558 = arith.constant 0 : index
    %swap3A_2559 = arith.constant 0 : index
    %swap3A_2560 = vector.load %arg3[%swap3A_2557, %swap3A_2558, %swap3A_2559] : memref<9x32x128xf32, #tpu.memory_space<vmem>>, vector<1x32x128xf32>
    %swap3A_2561 = vector.shape_cast %swap3A_2560 : vector<1x32x128xf32> to vector<32x128xf32>
    %swap3A_2562 = vector.shape_cast %select_n3A_2520 : vector<32x128xf32> to vector<1x32x128xf32>
    tpu.vector_store %arg3[%swap3A_2557, %swap3A_2558, %swap3A_2559], %swap3A_2562 {strides = array<i32>} : memref<9x32x128xf32, #tpu.memory_space<vmem>>, vector<1x32x128xf32>,
    %swap3A_2563 = arith.constant 7 : index
    %swap3A_2564 = arith.constant 0 : index
    %swap3A_2565 = arith.constant 0 : index
    %swap3A_2566 = vector.load %arg3[%swap3A_2563, %swap3A_2564, %swap3A_2565] : memref<9x32x128xf32, #tpu.memory_space<vmem>>, vector<1x32x128xf32>
    %swap3A_2567 = vector.shape_cast %swap3A_2566 : vector<1x32x128xf32> to vector<32x128xf32>
    %swap3A_2568 = vector.shape_cast %select_n3A_2521 : vector<32x128xf32> to vector<1x32x128xf32>
    tpu.vector_store %arg3[%swap3A_2563, %swap3A_2564, %swap3A_2565], %swap3A_2568 {strides = array<i32>} : memref<9x32x128xf32, #tpu.memory_space<vmem>>, vector<1x32x128xf32>,
    %swap3A_2569 = arith.constant 2 : index
    %swap3A_2570 = arith.constant 0 : index
    %swap3A_2571 = arith.constant 0 : index
    %swap3A_2572 = vector.load %arg2[%swap3A_2569, %swap3A_2570, %swap3A_2571] : memref<3x32x128xf32, #tpu.memory_space<vmem>>, vector<1x32x128xf32>
    %swap3A_2573 = vector.shape_cast %swap3A_2572 : vector<1x32x128xf32> to vector<32x128xf32>
    %swap3A_2574 = vector.shape_cast %select_n3A_2509 : vector<32x128xf32> to vector<1x32x128xf32>
    tpu.vector_store %arg2[%swap3A_2569, %swap3A_2570, %swap3A_2571], %swap3A_2574 {strides = array<i32>} : memref<3x32x128xf32, #tpu.memory_space<vmem>>, vector<1x32x128xf32>,
    %swap3A_2575 = arith.constant 2 : index
    %swap3A_2576 = arith.constant 0 : index
    %swap3A_2577 = arith.constant 0 : index
    %swap3A_2578 = vector.load %arg3[%swap3A_2575, %swap3A_2576, %swap3A_2577] : memref<9x32x128xf32, #tpu.memory_space<vmem>>, vector<1x32x128xf32>
    %swap3A_2579 = vector.shape_cast %swap3A_2578 : vector<1x32x128xf32> to vector<32x128xf32>
    %swap3A_2580 = vector.shape_cast %select_n3A_2510 : vector<32x128xf32> to vector<1x32x128xf32>
    tpu.vector_store %arg3[%swap3A_2575, %swap3A_2576, %swap3A_2577], %swap3A_2580 {strides = array<i32>} : memref<9x32x128xf32, #tpu.memory_space<vmem>>, vector<1x32x128xf32>,
    %swap3A_2581 = arith.constant 5 : index
    %swap3A_2582 = arith.constant 0 : index
    %swap3A_2583 = arith.constant 0 : index
    %swap3A_2584 = vector.load %arg3[%swap3A_2581, %swap3A_2582, %swap3A_2583] : memref<9x32x128xf32, #tpu.memory_space<vmem>>, vector<1x32x128xf32>
    %swap3A_2585 = vector.shape_cast %swap3A_2584 : vector<1x32x128xf32> to vector<32x128xf32>
    %swap3A_2586 = vector.shape_cast %select_n3A_2511 : vector<32x128xf32> to vector<1x32x128xf32>
    tpu.vector_store %arg3[%swap3A_2581, %swap3A_2582, %swap3A_2583], %swap3A_2586 {strides = array<i32>} : memref<9x32x128xf32, #tpu.memory_space<vmem>>, vector<1x32x128xf32>,
    %swap3A_2587 = arith.constant 8 : index
    %swap3A_2588 = arith.constant 0 : index
    %swap3A_2589 = arith.constant 0 : index
    %swap3A_2590 = vector.load %arg3[%swap3A_2587, %swap3A_2588, %swap3A_2589] : memref<9x32x128xf32, #tpu.memory_space<vmem>>, vector<1x32x128xf32>
    %swap3A_2591 = vector.shape_cast %swap3A_2590 : vector<1x32x128xf32> to vector<32x128xf32>
    %swap3A_2592 = vector.shape_cast %select_n3A_2512 : vector<32x128xf32> to vector<1x32x128xf32>
    tpu.vector_store %arg3[%swap3A_2587, %swap3A_2588, %swap3A_2589], %swap3A_2592 {strides = array<i32>} : memref<9x32x128xf32, #tpu.memory_space<vmem>>, vector<1x32x128xf32>,
    return
  }
  func.func @transform_0(%arg0: i32) -> (i32, i32, i32) {
    %c0_i32 = arith.constant 0 : i32
    %c0_i32_0 = arith.constant 0 : i32
    %c0_i32_1 = arith.constant 0 : i32
    return %c0_i32, %arg0, %c0_i32_0 : i32, i32, i32
  }
  func.func @transform_1(%arg0: i32) -> (i32, i32, i32) {
    %c0_i32 = arith.constant 0 : i32
    %c0_i32_0 = arith.constant 0 : i32
    %c0_i32_1 = arith.constant 0 : i32
    return %c0_i32, %arg0, %c0_i32_0 : i32, i32, i32
  }
  func.func @transform_2(%arg0: i32) -> (i32, i32, i32) {
    %c0_i32 = arith.constant 0 : i32
    %c0_i32_0 = arith.constant 0 : i32
    %c0_i32_1 = arith.constant 0 : i32
    return %c0_i32, %arg0, %c0_i32_0 : i32, i32, i32
  }
}

</mosaic_0001>

<sc_bundles>
// kernel: kernel.6.cloned.1.call-start
scs
__scs_entry_jumppad:
0x0: {  	(pc) =	sbr.rel $0x88, $3  }
0x1: {  	(tag) =	ssettag $0x0;
	lr =	simm.s32 $0x1  }
0x2: {  	[smem:$0x3F9D] =	sst lr;
	_ =	strace $0xD0000000  }
0x3: {  	_ = 	snop  }
0x4: {  	_ = 	snop  }
0x5: {  	_ = 	snop  }
0x6: {  	_ = 	snop  }
0x7: {  	_ = 	snop  }
__scs_overlays_trampoline_lowered:
0x8: {  	[smem:$0x3FAC] =	sst s0  }
0x9: {  	[smem:$0x3FAD] =	sst s1  }
0xa: {  	[smem:$0x3FAE] =	sst s2  }
0xb: {  	[smem:$0x3FAF] =	sst s3  }
0xc: {  	[smem:$0x3FB0] =	sst s4  }
0xd: {  	[smem:$0x3FB1] =	sst s5  }
0xe: {  	[smem:$0x3FB2] =	sst s6  }
0xf: {  	[smem:$0x3FB3] =	sst s7  }
0x10: {  	[smem:$0x3FB4] =	sst s8  }
0x11: {  	[smem:$0x3FB5] =	sst s9;
	s0 =	simm.s32 @!p0 $0x0  }
0x12: {  	s1 =	sld [smem:$0x3F9B];
	s0 =	simm.s32 @p0 $0x1  }
0x13: {  	[smem:$0x3FB6] =	sst s0;
	s0 =	simm.s32 @!p1 $0x0  }
0x14: {  	s2 =	sld [smem:$0x3F9A];
	s0 =	simm.s32 @p1 $0x1  }
0x15: {  	[smem:$0x3FB7] =	sst s0;
	s0 =	simm.s32 @!p2 $0x0  }
0x16: {  	s3 =	sld [smem:$0x3FDB];
	s0 =	simm.s32 @p2 $0x1  }
0x17: {  	s4 =	simm.s32 $0x1BF5;
	[smem:$0x3FB9] =	sst s0  }
0x18: {  	s0 =	sld [smem:$0x3F9C];
	_ =	swait.ge [sflag:s4], $0x0  }
0x19: {  	s7 =	sld [smem:$0x3F9D]  }
0x1a: {  	s8 =	sadd.s32 $0xFFFFE003, lr  }
0x1b: {  	s9 =	sadd.s32 $0xFFFFFEF7, lr;
	s5 =	simm.s32 $0xFFFFFFFF;
	p2 =	slt.u32 s8, $0xFFFFF086  }
0x1c: {  	p1 =	slt.u32 s9, $0xF7A;
	s5 =	simm.s32 @!p2 $0x0  }
0x1d: {  	s5 =	simm.s32 @p1 $0x1;
	p0 =	seq.s32 s7, s2  }
0x1e: {  	s7 =	smul.u32 @!p0 $0xF7A, s2;
	p2 =	seq.s32 @!p0 s5, $0x0  }
0x1f: {  	s9 =	smul.u32 $0xF7A, s1;
	s8 =	simm.s32 @!p0 $0x1BF5;
	p2 =	por !p2, p0  }
0x20: {  	[sflag:s8] =	ssyncset.s32 @!p0 $0xFFFFF086;
	s6 =	sadd.s32 @!p0 s3, s7;
	s7 =	simm.s32 @!p0 $0x108  }
0x21: {  	s3 =	sadd.s32 s3, s9;
	s6 =	sadd.s32 @!p0 $0x88, s6;
	s7 =	simm.s32 @p2 $0x1082  }
0x22: {  	[simem:s7], [sflag:s8] =	dma.local @!p0 [hbm:s6], $0xF7A  }
0x23: {  	s9 =	sor.u32 $0xD0000000, s2;
	s6 =	simm.s32 $0x108;
	_ =	swait.ge @!p0 [sflag:s8], $0x0  }
0x24: {  	s3 =	sadd.s32 $0x88, s3;
	s6 =	simm.s32 @!p1 $0x1082;
	[sflag:s4] =	ssyncset.s32 $0xFFFFF086  }
0x25: {  	[simem:s6], [sflag:s4] =	dma.local [hbm:s3], $0xF7A  }
0x26: {  	[smem:$0x3F9D] =	sst s1;
	(tag) =	ssettag s2;
	_ =	strace s9  }
0x27: {  	s1 =	sld [smem:$0x3FAD]  }
0x28: {  	s2 =	sld [smem:$0x3FAE]  }
0x29: {  	s4 =	sld [smem:$0x3FB0]  }
0x2a: {  	p0 =	seq.s32 s5, $0x0;
	s5 =	sld [smem:$0x3FB1]  }
0x2b: {  	s6 =	sld [smem:$0x3FB2]  }
0x2c: {  	s7 =	sld [smem:$0x3FB3]  }
0x2d: {  	s3 =	simm.s32 $0x108;
	s8 =	sld [smem:$0x3FB4]  }
0x2e: {  	s3 =	simm.s32 @!p0 $0x1082;
	s9 =	sld [smem:$0x3FB5]  }
0x2f: {  	lr =	sadd.s32 s0, s3;
	s0 =	sld [smem:$0x3FAC]  }
0x30: {  	s3 =	sld [smem:$0x3FAF]  }
0x31: {  	[smem:$0x3FB8] =	sst s10  }
0x32: {  	s10 =	sld [smem:$0x3FB6];
	_ =	sdelay $0x3  }
0x33: {  	p0 =	seq.s32 s10, $0x1;
	s10 =	sld [smem:$0x3FB8];
	_ =	sdelay $0x3  }
0x34: {  	[smem:$0x3FB8] =	sst s10  }
0x35: {  	s10 =	sld [smem:$0x3FB7];
	_ =	sdelay $0x3  }
0x36: {  	p1 =	seq.s32 s10, $0x1;
	s10 =	sld [smem:$0x3FB8];
	_ =	sdelay $0x3  }
0x37: {  	[smem:$0x3FB8] =	sst s10  }
0x38: {  	s10 =	sld [smem:$0x3FB9]  }
0x39: {  	_ = 	snop;
	(pc) =	sbr.ind lr, $3  }
0x3a: {  	_ = 	snop  }
0x3b: {  	_ = 	snop  }
0x3c: {  	p2 =	seq.s32 s10, $0x1;
	s10 =	sld [smem:$0x3FB8]  }
0x3d: {  	_ =	shalt  }
0x3e: {  	_ =	shalt  }
0x3f: {  	_ =	shalt  }
0x40: {  	_ =	shalt  }
0x41: {  	_ =	shalt  }
0x42: {  	_ =	shalt  }
0x43: {  	_ =	shalt  }
0x44: {  	_ =	shalt  }
0x45: {  	_ =	shalt  }
0x46: {  	_ =	shalt  }
0x47: {  	_ =	shalt  }
0x48: {  	_ =	shalt  }
0x49: {  	_ =	shalt  }
0x4a: {  	_ =	shalt  }
0x4b: {  	_ =	shalt  }
0x4c: {  	_ =	shalt  }
0x4d: {  	_ =	shalt  }
0x4e: {  	_ =	shalt  }
0x4f: {  	_ =	shalt  }
0x50: {  	_ =	shalt  }
0x51: {  	_ =	shalt  }
0x52: {  	_ =	shalt  }
0x53: {  	_ =	shalt  }
0x54: {  	_ =	shalt  }
0x55: {  	_ =	shalt  }
0x56: {  	_ =	shalt  }
0x57: {  	_ =	shalt  }
0x58: {  	_ =	shalt  }
0x59: {  	_ =	shalt  }
0x5a: {  	_ =	shalt  }
0x5b: {  	_ =	shalt  }
0x5c: {  	_ =	shalt  }
0x5d: {  	_ =	shalt  }
0x5e: {  	_ =	shalt  }
0x5f: {  	_ =	shalt  }
0x60: {  	_ =	shalt  }
0x61: {  	_ =	shalt  }
0x62: {  	_ =	shalt  }
0x63: {  	_ =	shalt  }
0x64: {  	_ =	shalt  }
0x65: {  	_ =	shalt  }
0x66: {  	_ =	shalt  }
0x67: {  	_ =	shalt  }
0x68: {  	_ =	shalt  }
0x69: {  	_ =	shalt  }
0x6a: {  	_ =	shalt  }
0x6b: {  	_ =	shalt  }
0x6c: {  	_ =	shalt  }
0x6d: {  	_ =	shalt  }
0x6e: {  	_ =	shalt  }
0x6f: {  	_ =	shalt  }
0x70: {  	_ =	shalt  }
0x71: {  	_ =	shalt  }
0x72: {  	_ =	shalt  }
0x73: {  	_ =	shalt  }
0x74: {  	_ =	shalt  }
0x75: {  	_ =	shalt  }
0x76: {  	_ =	shalt  }
0x77: {  	_ =	shalt  }
0x78: {  	_ =	shalt  }
0x79: {  	_ =	shalt  }
0x7a: {  	_ =	shalt  }
0x7b: {  	_ =	shalt  }
0x7c: {  	_ =	shalt  }
0x7d: {  	_ =	shalt  }
0x7e: {  	_ =	shalt  }
0x7f: {  	_ =	shalt  }
0x80: {  	_ =	shalt  }
0x81: {  	_ =	shalt  }
0x82: {  	_ =	shalt  }
0x83: {  	_ =	shalt  }
0x84: {  	_ =	shalt  }
0x85: {  	_ =	shalt  }
0x86: {  	_ =	shalt  }
0x87: {  	_ =	shalt  }
.Lfunc_end0:
.L_simem_size_0:
called_computation_lowered:
.L_overlay_start_0:
0x88: {  	s2 =	sld [smem:$0x3FD9]  }
0x89: {  	s3 =	sld [smem:$0x3FFE];
	_ =	sdelay $0x1  }
0x8a: {  	s1 =	srdreg.scid  }
0x8b: {  	s0 =	sand.u32 $0x1, s1  }
0x8c: {  	s16 =	sshll.u32 s0, $0xA;
	s2 =	sadd.s32 s3, s2  }
0x8d: {  	s2 =	sadd.s32 s2, s16  }
0x8e: {  	[smem:$0x3FC4] =	sst s2  }
0x8f: {  	_ = 	snop  }
0x90: {  	(tm) =	ssettm $0x1  }
0x91: {  	s17 =	sld [smem:$0x3FFB];
	_ =	sdelay $0x3  }
0x92: {  	_ =	strace s17  }
0x93: {  	s2 =	sld [smem:$0x3FFC];
	_ =	sdelay $0x3  }
0x94: {  	_ =	strace s2  }
0x95: {  	s2 =	sld [smem:$0x3FFD];
	_ =	sdelay $0x3  }
0x96: {  	_ =	strace s2  }
0x97: {  	_ =	strace $0x8FFFFFFF  }
0x98: {  	s18 =	sld [smem:$0x3FDB];
	_ =	sdelay $0x1  }
0x99: {  	s19 =	simm.s32 $_scs_section_size  }
0x9a: {  	s4 =	simm.s32 $_size__tile_overlayer_lowered;
	s5 =	simm.s32 $_tile_overlayer_lowered  }
0x9b: {  	s22 =	simm.s32 $0x1BFF;
	s21 =	sshll.u32 s5, $0x1;
	s2 =	sadd.s32 s19, s18  }
0x9c: {  	s6 =	simm.s32 $0x0;
	s20 =	sshll.u32 s4, $0x1;
	s4 =	sadd.s32 s21, s2  }
0x9d: {  	[timem:s6], [sflag:s22] =	dma.local [hbm:s4], s20  }
0x9e: {  	_ =	swait.ge [sflag:s22], s20  }
0x9f: {  	s3 =	ssub.s32 $0x0, s20;
	[sflag:s22] =	ssyncset.done $0x0  }
0xa0: {  	[sflag:s22] =	ssyncadd.s32 s3;
	_ =	sdelay $0x1  }
0xa1: {  	s23 =	simm.s32 $0x1B8B  }
0xa2: {  	_ =	swait.ge [sflag:s23], $0x1  }
0xa3: {  	[sflag:s23] =	ssyncset.done $0x0  }
0xa4: {  	s25 =	simm.s32 $0x1B8E;
	s24 =	sld [smem:$0x3FFE];
	[sflag:s23] =	ssyncadd.s32 $0xFFFFFFFF  }
0xa5: {  	s26 =	simm.s32 $execute0_lowered;
	[smem:$0x3FD2] =	sst s25  }
0xa6: {  	s4 =	sshll.u32 s26, $0x1;
	_ =	strace $0x80000046;
	[dreg:$0x1] =	wrdreg $0xFFFFFFFF  }
0xa7: {  	s28 =	simm.s32 $_size_execute0_lowered;
	s2 =	sadd.s32 s2, s4;
	[dreg:$0x0] =	wrdreg $0x0  }
0xa8: {  	s4 =	sshll.u32 s28, $0x1;
	[dreg:$0x2] =	wrdreg s2  }
0xa9: {  	[dreg:$0x3] =	wrdreg s4  }
0xaa: {  	[dreg:$0x4] =	wrdreg $0xC0  }
0xab: {  	_ =	task [dreg:s6], $0x5FFFF  }
0xac: {  	[dreg:$0x1] =	wrdreg $0xFFFFFFFF  }
0xad: {  	[dreg:$0x0] =	wrdreg $0x60  }
0xae: {  	[dreg:$0x2] =	wrdreg s24  }
0xaf: {  	[dreg:$0x3] =	wrdreg $0x90000  }
0xb0: {  	[dreg:$0x4] =	wrdreg $0x9  }
0xb1: {  	_ =	task.clear_ibuf [dreg:s6], $0x5FFFF;
	_ =	strace $0x90000046  }
0xb2: {  	s29 =	simm.s32 $0x9;
	_ =	strace $0x80000048  }
0xb3: {  	_ =	swait.ge [sflag:s29], $0x1  }
0xb4: {  	[sflag:s29] =	ssyncadd.s32 $0xFFFFFFFF  }
0xb5: {  	_ =	strace $0x90000048  }
0xb6: {  	_ =	sfence  }
0xb7: {  	s30 =	sld [smem:$0x0];
	_ =	sdelay $0x2  }
0xb8: {  	s31 =	sshll.u32 s1, $0xD;
	s1 =	sshrl.u32 s1, $0x2  }
0xb9: {  	s3 =	sand.u32 $0x4000, s31;
	s1 =	sadd.s32 s1, s30  }
0xba: {  	s0 =	sor.u32 s3, s0;
	s1 =	sshll.u32 s1, $0x11  }
0xbb: {  	s0 =	sor.u32 s1, s0  }
0xbc: {  	s0 =	sadd.s32 $0x8F2B, s0  }
0xbd: {  	[sflag:s0] =	ssyncadd.remote.s32 $0x1  }
0xbe: {  	_ =	sfence.sel $0xFFFF  }
0xbf: {  	[dreg:$0x0] =	wrdreg $0xFFFFFFFF;
	(pc) =	sbr.abs _section_cstart, $3  }
0xc0: {  	[dreg:$0x1] =	wrdreg $0xFFFFFFFF  }
0xc1: {  	_ =	task.clear_ibuf [dreg:s6], $0x2FFFF;
	_ =	strace $0x9FFFFFFF  }
0xc2: {  	(tm) =	ssettm $0x7FFFFFFF  }
0xc3: {  	_ =	shalt  }
tec
execute0_lowered:
.L_overlay_start_1:
0x0: {  	(tag) =	ssettag $0x1  }
0x1: {  	s0 =	rddreg [dreg:$0x0]  }
0x2: {  	s1 =	srdreg.scid;
	s6 =	rddreg [dreg:$0x1]  }
0x3: {  	s2 =	stileid.u32;
	s3 =	simm.s32 $0x0;
	s30 =	simm.s32 $0x4  }
0x4: {  	s10 =	simm.s32 $0x80;
	s13 =	simm.s32 $0x100;
	s14 =	simm.s32 $0x180  }
0x5: {  	s15 =	simm.s32 $0x200;
	s16 =	simm.s32 $0x280;
	s17 =	simm.s32 $0x300  }
0x6: {  	s18 =	simm.s32 $0x380;
	s19 =	simm.s32 $0x400;
	s20 =	simm.s32 $0x480  }
0x7: {  	s21 =	simm.s32 $0x500;
	s22 =	simm.s32 $0x580;
	s5 =	smul.u32 $0x18800, s2  }
0x8: {  	s23 =	simm.s32 $0x600;
	s24 =	simm.s32 $0x680;
	s7 =	smul.u32 $0xC800, s2  }
0x9: {  	s28 =	simm.s32 $0x700;
	s1 =	sand.u32 $0x1, s1;
	s2 =	smul.u32 $0x32000, s2  }
0xa: {  	s29 =	simm.s32 $0x780;
	s31 =	simm.s32 $0xA00;
	s4 =	smul.u32 $0x188000, s1  }
0xb: {  	[smem:$0x7FF] =	sst s3;
	s8 =	smul.u32 $0xC8000, s1;
	s1 =	ssub.s32 $0x2, s1  }
0xc: {  	_ =	strace $0x80000047;
	s9 =	sshrl.u32 s1, $0x1;
	s2 =	sshrl.u32 s2, $0x2  }
0xd: {  	s11 =	sadd.s32 s7, s6;
	s5 =	sadd.s32 s5, s4;
	s4 =	sadd.s32 $0x4E00, s0  }
0xe: {  	s8 =	sadd.s32 s7, s8;
	s1 =	ssub.s32 s1, s9;
	s12 =	sadd.s32 s2, s6  }
0xf: {  	s5 =	sshrl.u32 s5, $0x3;
	s8 =	sshrl.u32 s8, $0x3;
	s1 =	smax.u32 s1, $0x1  }
0x10: {  	[dreg:$0x5] =	wrdreg s12;
	s5 =	sadd.s32 s5, s0;
	s0 =	sadd.s32 s8, s0  }
0x11: {  	s9 =	simm.s32 $0x1000;
	[dreg:$0x7] =	wrdreg s1;
	s0 =	sadd.s32 $0xF9C00, s0  }
0x12: {  	s2 =	simm.s32 $0x980;
	s25 =	sadd.s32 $0x35C00, s5;
	[dreg:$0x6] =	wrdreg s0  }
0x13: {  	s7 =	simm.s32 $0x2;
	s26 =	sadd.s32 $0x97C00, s5;
	[dreg:$0x3] =	wrdreg s25  }
0x14: {  	s1 =	simm.s32 $0x880;
	s8 =	simm.s32 $0x900;
	[dreg:$0x4] =	wrdreg s26  }
0x15: {  	s0 =	sshrl.u32 s11, $0x3;
	s26 =	simm.s32 $0x1;
	s25 =	simm.s32 $0x3  }
0x16: {  	v0 =	vimm.f32 $0.0e+00;
	s11 =	simm.s32 $0x0;
	[dreg:$0x8] =	wrdreg s0;
	s0 =	simm.s32 $0x800  }
.LBB2_1:
0x17: {  	[dreg:$0x9] =	wrdreg s11;
	s5 =	simm.s32 $0x0  }
.LBB2_2:
0x18: {  	p0 =	sne.s32 s5, $0x1FC0  }
.Ltmp0:
0x19: {  	_ = 	snop;
	(pc) =	sbr.rel @p0 .LBB2_2-.Ltmp0, $3  }
0x1a: {  	_ =	sdelay $0x1  }
0x1b: {  	s11 =	sshra.s32 s5, $0x2  }
0x1c: {  	s5 =	sadd.s32 $0x40, s5;
	[tilespmem:s11+$0x1000] =	vst v0  }
0x1d: {  	s5 =	sadd.s32 $0x0, s12  }
0x1e: {  	[spmem:s5] =	stream.linear.scatter [tilespmem:s9], [sflag:$0x4], $0x800, $0x38;
	[tilespmem:$0x15800] =	vst v63  }
0x1f: {  	s5 =	simm.s32 $0x2000;
	_ =	swait.ge [sflag:s30], $0x800  }
.LBB2_4:
0x20: {  	s11 =	sshra.s32 s5, $0x2;
	[sflag:s30] =	ssyncset.done $0x0;
	p0 =	sne.s32 s5, $0x30000  }
.Ltmp1:
0x21: {  	s11 =	sadd.s32 s11, s12;
	[sflag:s30] =	ssyncadd.s32 $0xFFFFF800;
	(pc) =	sbr.rel @p0 .LBB2_4-.Ltmp1, $3  }
0x22: {  	[spmem:s11] =	stream.linear.scatter [tilespmem:s9], [sflag:$0x4], $0x800, $0x38;
	[tilespmem:$0x15800] =	vst v63  }
0x23: {  	s5 =	sadd.s32 $0x2000, s5;
	_ =	sdelay $0x1  }
0x24: {  	_ =	swait.ge [sflag:s30], $0x800  }
0x25: {  	[sflag:s30] =	ssyncset.done $0x0  }
0x26: {  	[sflag:s30] =	ssyncadd.s32 $0xFFFFF800  }
0x27: {  	[bflag:$0x0] =	sbarrier.arrive $0xFFFF  }
0x28: {  	s5 =	rddreg [dreg:$0x3]  }
0x29: {  	s5 =	sadd.s32 $0x0, s5  }
0x2a: {  	[tilespmem:s3], [sflag:$0x1] =	stream.linear.gather [hbm4b:s5+s3], $0x80, $0x38;
	[tilespmem:$0x15800] =	vst v63  }
0x2b: {  	s11 =	sadd.s32 $0x10, s5  }
0x2c: {  	[tilespmem:s10], [sflag:$0x1] =	stream.linear.gather [hbm4b:s11+s3], $0x80, $0x38;
	[tilespmem:$0x15800] =	vst v63  }
0x2d: {  	s30 =	sadd.s32 $0x20, s5  }
0x2e: {  	[tilespmem:s13], [sflag:$0x1] =	stream.linear.gather [hbm4b:s30+s3], $0x80, $0x38;
	[tilespmem:$0x15800] =	vst v63  }
0x2f: {  	s12 =	sadd.s32 $0x30, s5  }
0x30: {  	[tilespmem:s14], [sflag:$0x1] =	stream.linear.gather [hbm4b:s12+s3], $0x80, $0x38;
	[tilespmem:$0x15800] =	vst v63  }
0x31: {  	s30 =	sadd.s32 $0x40, s5  }
0x32: {  	[tilespmem:s15], [sflag:$0x1] =	stream.linear.gather [hbm4b:s30+s3], $0x80, $0x38;
	[tilespmem:$0x15800] =	vst v63  }
0x33: {  	s12 =	sadd.s32 $0x50, s5  }
0x34: {  	[tilespmem:s16], [sflag:$0x1] =	stream.linear.gather [hbm4b:s12+s3], $0x80, $0x38;
	[tilespmem:$0x15800] =	vst v63  }
0x35: {  	s30 =	sadd.s32 $0x60, s5  }
0x36: {  	[tilespmem:s17], [sflag:$0x1] =	stream.linear.gather [hbm4b:s30+s3], $0x80, $0x38;
	[tilespmem:$0x15800] =	vst v63  }
0x37: {  	s12 =	sadd.s32 $0x70, s5  }
0x38: {  	[tilespmem:s18], [sflag:$0x1] =	stream.linear.gather [hbm4b:s12+s3], $0x80, $0x38;
	[tilespmem:$0x15800] =	vst v63  }
0x39: {  	s30 =	sadd.s32 $0x80, s5  }
0x3a: {  	[tilespmem:s19], [sflag:$0x1] =	stream.linear.gather [hbm4b:s30+s3], $0x80, $0x38;
	[tilespmem:$0x15800] =	vst v63  }
0x3b: {  	s12 =	sadd.s32 $0x90, s5  }
0x3c: {  	[tilespmem:s20], [sflag:$0x1] =	stream.linear.gather [hbm4b:s12+s3], $0x80, $0x38;
	[tilespmem:$0x15800] =	vst v63  }
0x3d: {  	s30 =	sadd.s32 $0xA0, s5  }
0x3e: {  	[tilespmem:s21], [sflag:$0x1] =	stream.linear.gather [hbm4b:s30+s3], $0x80, $0x38;
	[tilespmem:$0x15800] =	vst v63  }
0x3f: {  	s12 =	sadd.s32 $0xB0, s5  }
0x40: {  	[tilespmem:s22], [sflag:$0x1] =	stream.linear.gather [hbm4b:s12+s3], $0x80, $0x38;
	[tilespmem:$0x15800] =	vst v63  }
0x41: {  	s30 =	sadd.s32 $0xC0, s5  }
0x42: {  	[tilespmem:s23], [sflag:$0x1] =	stream.linear.gather [hbm4b:s30+s3], $0x80, $0x38;
	[tilespmem:$0x15800] =	vst v63  }
0x43: {  	s12 =	sadd.s32 $0xD0, s5  }
0x44: {  	[tilespmem:s24], [sflag:$0x1] =	stream.linear.gather [hbm4b:s12+s3], $0x80, $0x38;
	[tilespmem:$0x15800] =	vst v63  }
0x45: {  	s30 =	sadd.s32 $0xE0, s5  }
0x46: {  	[tilespmem:s28], [sflag:$0x1] =	stream.linear.gather [hbm4b:s30+s3], $0x80, $0x38;
	[tilespmem:$0x15800] =	vst v63  }
0x47: {  	s5 =	sadd.s32 $0xF0, s5  }
0x48: {  	[tilespmem:s29], [sflag:$0x1] =	stream.linear.gather [hbm4b:s5+s3], $0x80, $0x38;
	[tilespmem:$0x15800] =	vst v63  }
0x49: {  	_ =	swait.ge [sflag:s26], $0x80  }
0x4a: {  	[sflag:s26] =	ssyncset.done $0x0  }
0x4b: {  	[sflag:s26] =	ssyncadd.s32 $0xFFFFFF80  }
0x4c: {  	_ =	swait.ge [sflag:s26], $0x80  }
0x4d: {  	[sflag:s26] =	ssyncset.done $0x0  }
0x4e: {  	[sflag:s26] =	ssyncadd.s32 $0xFFFFFF80  }
0x4f: {  	_ =	swait.ge [sflag:s26], $0x80  }
0x50: {  	[sflag:s26] =	ssyncset.done $0x0  }
0x51: {  	[sflag:s26] =	ssyncadd.s32 $0xFFFFFF80  }
0x52: {  	_ =	swait.ge [sflag:s26], $0x80  }
0x53: {  	[sflag:s26] =	ssyncset.done $0x0  }
0x54: {  	[sflag:s26] =	ssyncadd.s32 $0xFFFFFF80  }
0x55: {  	_ =	swait.ge [sflag:s26], $0x80  }
0x56: {  	[sflag:s26] =	ssyncset.done $0x0  }
0x57: {  	[sflag:s26] =	ssyncadd.s32 $0xFFFFFF80  }
0x58: {  	_ =	swait.ge [sflag:s26], $0x80  }
0x59: {  	[sflag:s26] =	ssyncset.done $0x0  }
0x5a: {  	[sflag:s26] =	ssyncadd.s32 $0xFFFFFF80  }
0x5b: {  	_ =	swait.ge [sflag:s26], $0x80  }
0x5c: {  	[sflag:s26] =	ssyncset.done $0x0  }
0x5d: {  	[sflag:s26] =	ssyncadd.s32 $0xFFFFFF80  }
0x5e: {  	_ =	swait.ge [sflag:s26], $0x80  }
0x5f: {  	[sflag:s26] =	ssyncset.done $0x0  }
0x60: {  	[sflag:s26] =	ssyncadd.s32 $0xFFFFFF80  }
0x61: {  	_ =	swait.ge [sflag:s26], $0x80  }
0x62: {  	[sflag:s26] =	ssyncset.done $0x0  }
0x63: {  	[sflag:s26] =	ssyncadd.s32 $0xFFFFFF80  }
0x64: {  	_ =	swait.ge [sflag:s26], $0x80  }
0x65: {  	[sflag:s26] =	ssyncset.done $0x0  }
0x66: {  	[sflag:s26] =	ssyncadd.s32 $0xFFFFFF80  }
0x67: {  	_ =	swait.ge [sflag:s26], $0x80  }
0x68: {  	[sflag:s26] =	ssyncset.done $0x0  }
0x69: {  	[sflag:s26] =	ssyncadd.s32 $0xFFFFFF80  }
0x6a: {  	_ =	swait.ge [sflag:s26], $0x80  }
0x6b: {  	[sflag:s26] =	ssyncset.done $0x0  }
0x6c: {  	[sflag:s26] =	ssyncadd.s32 $0xFFFFFF80  }
0x6d: {  	_ =	swait.ge [sflag:s26], $0x80  }
0x6e: {  	[sflag:s26] =	ssyncset.done $0x0  }
0x6f: {  	[sflag:s26] =	ssyncadd.s32 $0xFFFFFF80  }
0x70: {  	_ =	swait.ge [sflag:s26], $0x80  }
0x71: {  	[sflag:s26] =	ssyncset.done $0x0  }
0x72: {  	[sflag:s26] =	ssyncadd.s32 $0xFFFFFF80  }
0x73: {  	_ =	swait.ge [sflag:s26], $0x80  }
0x74: {  	[sflag:s26] =	ssyncset.done $0x0  }
0x75: {  	[sflag:s26] =	ssyncadd.s32 $0xFFFFFF80  }
0x76: {  	_ =	swait.ge [sflag:s26], $0x80  }
0x77: {  	s11 =	rddreg [dreg:$0x4];
	[sflag:s26] =	ssyncset.done $0x0  }
0x78: {  	[sflag:s26] =	ssyncadd.s32 $0xFFFFFF80;
	s5 =	sadd.s32 $0x0, s11  }
0x79: {  	[tilespmem:s0], [sflag:$0x1] =	stream.linear.gather [hbm4b:s5+s3], $0x80, $0x38;
	[tilespmem:$0x15800] =	vst v63  }
0x7a: {  	s12 =	sadd.s32 $0x10, s5  }
0x7b: {  	[tilespmem:s1], [sflag:$0x1] =	stream.linear.gather [hbm4b:s12+s3], $0x80, $0x38;
	[tilespmem:$0x15800] =	vst v63  }
0x7c: {  	s30 =	sadd.s32 $0x20, s5  }
0x7d: {  	[tilespmem:s8], [sflag:$0x1] =	stream.linear.gather [hbm4b:s30+s3], $0x80, $0x38;
	[tilespmem:$0x15800] =	vst v63  }
0x7e: {  	s1 =	sadd.s32 $0x30, s5  }
0x7f: {  	[tilespmem:s2], [sflag:$0x1] =	stream.linear.gather [hbm4b:s1+s3], $0x80, $0x38;
	[tilespmem:$0x15800] =	vst v63  }
0x80: {  	s12 =	sadd.s32 $0x40, s5  }
0x81: {  	[tilespmem:s31], [sflag:$0x1] =	stream.linear.gather [hbm4b:s12+s3], $0x80, $0x38;
	[tilespmem:$0x15800] =	vst v63  }
0x82: {  	s30 =	sadd.s32 $0x50, s5;
	s12 =	simm.s32 $0xA80  }
0x83: {  	[tilespmem:s12], [sflag:$0x1] =	stream.linear.gather [hbm4b:s30+s3], $0x80, $0x38;
	[tilespmem:$0x15800] =	vst v63  }
0x84: {  	s1 =	sadd.s32 $0x60, s5;
	s2 =	simm.s32 $0xB00  }
0x85: {  	[tilespmem:s2], [sflag:$0x1] =	stream.linear.gather [hbm4b:s1+s3], $0x80, $0x38;
	[tilespmem:$0x15800] =	vst v63  }
0x86: {  	s12 =	sadd.s32 $0x70, s5;
	s30 =	simm.s32 $0xB80  }
0x87: {  	[tilespmem:s30], [sflag:$0x1] =	stream.linear.gather [hbm4b:s12+s3], $0x80, $0x38;
	[tilespmem:$0x15800] =	vst v63  }
0x88: {  	s1 =	sadd.s32 $0x80, s5;
	s2 =	simm.s32 $0xC00  }
0x89: {  	[tilespmem:s2], [sflag:$0x1] =	stream.linear.gather [hbm4b:s1+s3], $0x80, $0x38;
	[tilespmem:$0x15800] =	vst v63  }
0x8a: {  	s12 =	sadd.s32 $0x90, s5;
	s30 =	simm.s32 $0xC80  }
0x8b: {  	[tilespmem:s30], [sflag:$0x1] =	stream.linear.gather [hbm4b:s12+s3], $0x80, $0x38;
	[tilespmem:$0x15800] =	vst v63  }
0x8c: {  	s1 =	sadd.s32 $0xA0, s5;
	s2 =	simm.s32 $0xD00  }
0x8d: {  	[tilespmem:s2], [sflag:$0x1] =	stream.linear.gather [hbm4b:s1+s3], $0x80, $0x38;
	[tilespmem:$0x15800] =	vst v63  }
0x8e: {  	s12 =	sadd.s32 $0xB0, s5;
	s30 =	simm.s32 $0xD80  }
0x8f: {  	[tilespmem:s30], [sflag:$0x1] =	stream.linear.gather [hbm4b:s12+s3], $0x80, $0x38;
	[tilespmem:$0x15800] =	vst v63  }
0x90: {  	s1 =	sadd.s32 $0xC0, s5;
	s2 =	simm.s32 $0xE00  }
0x91: {  	[tilespmem:s2], [sflag:$0x1] =	stream.linear.gather [hbm4b:s1+s3], $0x80, $0x38;
	[tilespmem:$0x15800] =	vst v63  }
0x92: {  	s12 =	sadd.s32 $0xD0, s5;
	s30 =	simm.s32 $0xE80  }
0x93: {  	[tilespmem:s30], [sflag:$0x1] =	stream.linear.gather [hbm4b:s12+s3], $0x80, $0x38;
	[tilespmem:$0x15800] =	vst v63  }
0x94: {  	s2 =	sadd.s32 $0xE0, s5;
	s12 =	simm.s32 $0xF00  }
0x95: {  	[tilespmem:s12], [sflag:$0x1] =	stream.linear.gather [hbm4b:s2+s3], $0x80, $0x38;
	[tilespmem:$0x15800] =	vst v63  }
0x96: {  	s5 =	sadd.s32 $0xF0, s5;
	s30 =	simm.s32 $0xF80  }
0x97: {  	[tilespmem:s30], [sflag:$0x1] =	stream.linear.gather [hbm4b:s5+s3], $0x80, $0x38;
	[tilespmem:$0x15800] =	vst v63  }
0x98: {  	_ =	swait.ge [sflag:s26], $0x80  }
0x99: {  	[sflag:s26] =	ssyncset.done $0x0  }
0x9a: {  	[sflag:s26] =	ssyncadd.s32 $0xFFFFFF80  }
0x9b: {  	_ =	swait.ge [sflag:s26], $0x80  }
0x9c: {  	[sflag:s26] =	ssyncset.done $0x0  }
0x9d: {  	[sflag:s26] =	ssyncadd.s32 $0xFFFFFF80  }
0x9e: {  	_ =	swait.ge [sflag:s26], $0x80  }
0x9f: {  	[sflag:s26] =	ssyncset.done $0x0  }
0xa0: {  	[sflag:s26] =	ssyncadd.s32 $0xFFFFFF80  }
0xa1: {  	_ =	swait.ge [sflag:s26], $0x80  }
0xa2: {  	[sflag:s26] =	ssyncset.done $0x0  }
0xa3: {  	[sflag:s26] =	ssyncadd.s32 $0xFFFFFF80  }
0xa4: {  	_ =	swait.ge [sflag:s26], $0x80  }
0xa5: {  	[sflag:s26] =	ssyncset.done $0x0  }
0xa6: {  	[sflag:s26] =	ssyncadd.s32 $0xFFFFFF80  }
0xa7: {  	_ =	swait.ge [sflag:s26], $0x80  }
0xa8: {  	[sflag:s26] =	ssyncset.done $0x0  }
0xa9: {  	[sflag:s26] =	ssyncadd.s32 $0xFFFFFF80  }
0xaa: {  	_ =	swait.ge [sflag:s26], $0x80  }
0xab: {  	[sflag:s26] =	ssyncset.done $0x0  }
0xac: {  	[sflag:s26] =	ssyncadd.s32 $0xFFFFFF80  }
0xad: {  	_ =	swait.ge [sflag:s26], $0x80  }
0xae: {  	[sflag:s26] =	ssyncset.done $0x0  }
0xaf: {  	[sflag:s26] =	ssyncadd.s32 $0xFFFFFF80  }
0xb0: {  	_ =	swait.ge [sflag:s26], $0x80  }
0xb1: {  	[sflag:s26] =	ssyncset.done $0x0  }
0xb2: {  	[sflag:s26] =	ssyncadd.s32 $0xFFFFFF80  }
0xb3: {  	_ =	swait.ge [sflag:s26], $0x80  }
0xb4: {  	[sflag:s26] =	ssyncset.done $0x0  }
0xb5: {  	[sflag:s26] =	ssyncadd.s32 $0xFFFFFF80  }
0xb6: {  	_ =	swait.ge [sflag:s26], $0x80  }
0xb7: {  	[sflag:s26] =	ssyncset.done $0x0  }
0xb8: {  	[sflag:s26] =	ssyncadd.s32 $0xFFFFFF80  }
0xb9: {  	_ =	swait.ge [sflag:s26], $0x80  }
0xba: {  	[sflag:s26] =	ssyncset.done $0x0  }
0xbb: {  	[sflag:s26] =	ssyncadd.s32 $0xFFFFFF80  }
0xbc: {  	_ =	swait.ge [sflag:s26], $0x80  }
0xbd: {  	[sflag:s26] =	ssyncset.done $0x0  }
0xbe: {  	[sflag:s26] =	ssyncadd.s32 $0xFFFFFF80  }
0xbf: {  	_ =	swait.ge [sflag:s26], $0x80  }
0xc0: {  	[sflag:s26] =	ssyncset.done $0x0  }
0xc1: {  	[sflag:s26] =	ssyncadd.s32 $0xFFFFFF80  }
0xc2: {  	_ =	swait.ge [sflag:s26], $0x80  }
0xc3: {  	[sflag:s26] =	ssyncset.done $0x0  }
0xc4: {  	[sflag:s26] =	ssyncadd.s32 $0xFFFFFF80  }
0xc5: {  	_ =	swait.ge [sflag:s26], $0x80  }
0xc6: {  	[sflag:s26] =	ssyncset.done $0x0  }
0xc7: {  	[sflag:s26] =	ssyncadd.s32 $0xFFFFFF80  }
0xc8: {  	[tilespmem:s9], [sflag:$0x2] =	stream.indirect.gather [hbm4b:s4+s10], $0x10, s3, s10, $0xb8;
	[tilespmem:$0x15800] =	vst v63  }
0xc9: {  	s5 =	simm.s32 $0x1800  }
0xca: {  	[tilespmem:s5], [sflag:$0x2] =	stream.indirect.gather [hbm4b:s4+s10], $0x10, s10, s10, $0xb8;
	[tilespmem:$0x15800] =	vst v63  }
0xcb: {  	s1 =	simm.s32 $0x2000  }
0xcc: {  	[tilespmem:s1], [sflag:$0x2] =	stream.indirect.gather [hbm4b:s4+s10], $0x10, s13, s10, $0xb8;
	[tilespmem:$0x15800] =	vst v63  }
0xcd: {  	s13 =	simm.s32 $0x2800  }
0xce: {  	[tilespmem:s13], [sflag:$0x2] =	stream.indirect.gather [hbm4b:s4+s10], $0x10, s14, s10, $0xb8;
	[tilespmem:$0x15800] =	vst v63  }
0xcf: {  	s2 =	simm.s32 $0x3000  }
0xd0: {  	[tilespmem:s2], [sflag:$0x2] =	stream.indirect.gather [hbm4b:s4+s10], $0x10, s15, s10, $0xb8;
	[tilespmem:$0x15800] =	vst v63  }
0xd1: {  	s15 =	simm.s32 $0x3800  }
0xd2: {  	[tilespmem:s15], [sflag:$0x2] =	stream.indirect.gather [hbm4b:s4+s10], $0x10, s16, s10, $0xb8;
	[tilespmem:$0x15800] =	vst v63  }
0xd3: {  	s16 =	simm.s32 $0x4000  }
0xd4: {  	[tilespmem:s16], [sflag:$0x2] =	stream.indirect.gather [hbm4b:s4+s10], $0x10, s17, s10, $0xb8;
	[tilespmem:$0x15800] =	vst v63  }
0xd5: {  	s17 =	simm.s32 $0x4800  }
0xd6: {  	[tilespmem:s17], [sflag:$0x2] =	stream.indirect.gather [hbm4b:s4+s10], $0x10, s18, s10, $0xb8;
	[tilespmem:$0x15800] =	vst v63  }
0xd7: {  	s18 =	simm.s32 $0x5000  }
0xd8: {  	[tilespmem:s18], [sflag:$0x2] =	stream.indirect.gather [hbm4b:s4+s10], $0x10, s19, s10, $0xb8;
	[tilespmem:$0x15800] =	vst v63  }
0xd9: {  	s19 =	simm.s32 $0x5800  }
0xda: {  	[tilespmem:s19], [sflag:$0x2] =	stream.indirect.gather [hbm4b:s4+s10], $0x10, s20, s10, $0xb8;
	[tilespmem:$0x15800] =	vst v63  }
0xdb: {  	s20 =	simm.s32 $0x6000  }
0xdc: {  	[tilespmem:s20], [sflag:$0x2] =	stream.indirect.gather [hbm4b:s4+s10], $0x10, s21, s10, $0xb8;
	[tilespmem:$0x15800] =	vst v63  }
0xdd: {  	s21 =	simm.s32 $0x6800  }
0xde: {  	[tilespmem:s21], [sflag:$0x2] =	stream.indirect.gather [hbm4b:s4+s10], $0x10, s22, s10, $0xb8;
	[tilespmem:$0x15800] =	vst v63  }
0xdf: {  	s22 =	simm.s32 $0x7000  }
0xe0: {  	[tilespmem:s22], [sflag:$0x2] =	stream.indirect.gather [hbm4b:s4+s10], $0x10, s23, s10, $0xb8;
	[tilespmem:$0x15800] =	vst v63  }
0xe1: {  	s23 =	simm.s32 $0x7800  }
0xe2: {  	[tilespmem:s23], [sflag:$0x2] =	stream.indirect.gather [hbm4b:s4+s10], $0x10, s24, s10, $0xb8;
	[tilespmem:$0x15800] =	vst v63  }
0xe3: {  	s24 =	simm.s32 $0x8000  }
0xe4: {  	[tilespmem:s24], [sflag:$0x2] =	stream.indirect.gather [hbm4b:s4+s10], $0x10, s28, s10, $0xb8;
	[tilespmem:$0x15800] =	vst v63  }
0xe5: {  	s28 =	simm.s32 $0x8800  }
0xe6: {  	[tilespmem:s28], [sflag:$0x2] =	stream.indirect.gather [hbm4b:s4+s10], $0x10, s29, s10, $0xb8;
	[tilespmem:$0x15800] =	vst v63  }
0xe7: {  	_ =	swait.ge [sflag:s7], $0x800  }
0xe8: {  	[sflag:s7] =	ssyncset.done $0x0  }
0xe9: {  	[sflag:s7] =	ssyncadd.s32 $0xFFFFF800  }
0xea: {  	_ =	swait.ge [sflag:s7], $0x800  }
0xeb: {  	[sflag:s7] =	ssyncset.done $0x0  }
0xec: {  	[sflag:s7] =	ssyncadd.s32 $0xFFFFF800  }
0xed: {  	_ =	swait.ge [sflag:s7], $0x800  }
0xee: {  	[sflag:s7] =	ssyncset.done $0x0  }
0xef: {  	[sflag:s7] =	ssyncadd.s32 $0xFFFFF800  }
0xf0: {  	_ =	swait.ge [sflag:s7], $0x800  }
0xf1: {  	[sflag:s7] =	ssyncset.done $0x0  }
0xf2: {  	[sflag:s7] =	ssyncadd.s32 $0xFFFFF800  }
0xf3: {  	_ =	swait.ge [sflag:s7], $0x800  }
0xf4: {  	[sflag:s7] =	ssyncset.done $0x0  }
0xf5: {  	[sflag:s7] =	ssyncadd.s32 $0xFFFFF800  }
0xf6: {  	_ =	swait.ge [sflag:s7], $0x800  }
0xf7: {  	[sflag:s7] =	ssyncset.done $0x0  }
0xf8: {  	[sflag:s7] =	ssyncadd.s32 $0xFFFFF800  }
0xf9: {  	_ =	swait.ge [sflag:s7], $0x800  }
0xfa: {  	[sflag:s7] =	ssyncset.done $0x0  }
0xfb: {  	[sflag:s7] =	ssyncadd.s32 $0xFFFFF800  }
0xfc: {  	_ =	swait.ge [sflag:s7], $0x800  }
0xfd: {  	[sflag:s7] =	ssyncset.done $0x0  }
0xfe: {  	[sflag:s7] =	ssyncadd.s32 $0xFFFFF800  }
0xff: {  	_ =	swait.ge [sflag:s7], $0x800  }
0x100: {  	[sflag:s7] =	ssyncset.done $0x0  }
0x101: {  	[sflag:s7] =	ssyncadd.s32 $0xFFFFF800  }
0x102: {  	_ =	swait.ge [sflag:s7], $0x800  }
0x103: {  	[sflag:s7] =	ssyncset.done $0x0  }
0x104: {  	[sflag:s7] =	ssyncadd.s32 $0xFFFFF800  }
0x105: {  	_ =	swait.ge [sflag:s7], $0x800  }
0x106: {  	[sflag:s7] =	ssyncset.done $0x0  }
0x107: {  	[sflag:s7] =	ssyncadd.s32 $0xFFFFF800  }
0x108: {  	_ =	swait.ge [sflag:s7], $0x800  }
0x109: {  	[sflag:s7] =	ssyncset.done $0x0  }
0x10a: {  	[sflag:s7] =	ssyncadd.s32 $0xFFFFF800  }
0x10b: {  	_ =	swait.ge [sflag:s7], $0x800  }
0x10c: {  	[sflag:s7] =	ssyncset.done $0x0  }
0x10d: {  	[sflag:s7] =	ssyncadd.s32 $0xFFFFF800  }
0x10e: {  	_ =	swait.ge [sflag:s7], $0x800  }
0x10f: {  	[sflag:s7] =	ssyncset.done $0x0  }
0x110: {  	[sflag:s7] =	ssyncadd.s32 $0xFFFFF800  }
0x111: {  	_ =	swait.ge [sflag:s7], $0x800  }
0x112: {  	[sflag:s7] =	ssyncset.done $0x0  }
0x113: {  	[sflag:s7] =	ssyncadd.s32 $0xFFFFF800  }
0x114: {  	_ =	swait.ge [sflag:s7], $0x800  }
0x115: {  	[sflag:s7] =	ssyncset.done $0x0  }
0x116: {  	[sflag:s7] =	ssyncadd.s32 $0xFFFFF800  }
0x117: {  	[spmem:s6] =	stream.indirect.scatter.add.f32 [tilespmem:s9], [sflag:$0x3], $0x10, s0, s10, $0xb8;
	[tilespmem:$0x15800] =	vst v63  }
0x118: {  	s12 =	simm.s32 $0x880  }
0x119: {  	[spmem:s6] =	stream.indirect.scatter.add.f32 [tilespmem:s5], [sflag:$0x3], $0x10, s12, s10, $0xb8;
	[tilespmem:$0x15800] =	vst v63  }
0x11a: {  	_ = 	snop  }
0x11b: {  	[spmem:s6] =	stream.indirect.scatter.add.f32 [tilespmem:s1], [sflag:$0x3], $0x10, s8, s10, $0xb8;
	[tilespmem:$0x15800] =	vst v63  }
0x11c: {  	s11 =	simm.s32 $0x980  }
0x11d: {  	[spmem:s6] =	stream.indirect.scatter.add.f32 [tilespmem:s13], [sflag:$0x3], $0x10, s11, s10, $0xb8;
	[tilespmem:$0x15800] =	vst v63  }
0x11e: {  	_ = 	snop  }
0x11f: {  	[spmem:s6] =	stream.indirect.scatter.add.f32 [tilespmem:s2], [sflag:$0x3], $0x10, s31, s10, $0xb8;
	[tilespmem:$0x15800] =	vst v63  }
0x120: {  	s14 =	simm.s32 $0xA80  }
0x121: {  	[spmem:s6] =	stream.indirect.scatter.add.f32 [tilespmem:s15], [sflag:$0x3], $0x10, s14, s10, $0xb8;
	[tilespmem:$0x15800] =	vst v63  }
0x122: {  	s15 =	simm.s32 $0xB00  }
0x123: {  	[spmem:s6] =	stream.indirect.scatter.add.f32 [tilespmem:s16], [sflag:$0x3], $0x10, s15, s10, $0xb8;
	[tilespmem:$0x15800] =	vst v63  }
0x124: {  	s16 =	simm.s32 $0xB80  }
0x125: {  	[spmem:s6] =	stream.indirect.scatter.add.f32 [tilespmem:s17], [sflag:$0x3], $0x10, s16, s10, $0xb8;
	[tilespmem:$0x15800] =	vst v63  }
0x126: {  	s17 =	simm.s32 $0xC00  }
0x127: {  	[spmem:s6] =	stream.indirect.scatter.add.f32 [tilespmem:s18], [sflag:$0x3], $0x10, s17, s10, $0xb8;
	[tilespmem:$0x15800] =	vst v63  }
0x128: {  	s18 =	simm.s32 $0xC80  }
0x129: {  	[spmem:s6] =	stream.indirect.scatter.add.f32 [tilespmem:s19], [sflag:$0x3], $0x10, s18, s10, $0xb8;
	[tilespmem:$0x15800] =	vst v63  }
0x12a: {  	s19 =	simm.s32 $0xD00  }
0x12b: {  	[spmem:s6] =	stream.indirect.scatter.add.f32 [tilespmem:s20], [sflag:$0x3], $0x10, s19, s10, $0xb8;
	[tilespmem:$0x15800] =	vst v63  }
0x12c: {  	s20 =	simm.s32 $0xD80  }
0x12d: {  	[spmem:s6] =	stream.indirect.scatter.add.f32 [tilespmem:s21], [sflag:$0x3], $0x10, s20, s10, $0xb8;
	[tilespmem:$0x15800] =	vst v63  }
0x12e: {  	s21 =	simm.s32 $0xE00  }
0x12f: {  	[spmem:s6] =	stream.indirect.scatter.add.f32 [tilespmem:s22], [sflag:$0x3], $0x10, s21, s10, $0xb8;
	[tilespmem:$0x15800] =	vst v63  }
0x130: {  	s29 =	simm.s32 $0xE80  }
0x131: {  	[spmem:s6] =	stream.indirect.scatter.add.f32 [tilespmem:s23], [sflag:$0x3], $0x10, s29, s10, $0xb8;
	[tilespmem:$0x15800] =	vst v63  }
0x132: {  	s31 =	simm.s32 $0xF00  }
0x133: {  	[spmem:s6] =	stream.indirect.scatter.add.f32 [tilespmem:s24], [sflag:$0x3], $0x10, s31, s10, $0xb8;
	[tilespmem:$0x15800] =	vst v63  }
0x134: {  	_ = 	snop  }
0x135: {  	[spmem:s6] =	stream.indirect.scatter.add.f32 [tilespmem:s28], [sflag:$0x3], $0x10, s30, s10, $0xb8;
	[tilespmem:$0x15800] =	vst v63  }
0x136: {  	_ =	swait.ge [sflag:s25], $0x800  }
0x137: {  	[sflag:s25] =	ssyncset.done $0x0  }
0x138: {  	[sflag:s25] =	ssyncadd.s32 $0xFFFFF800  }
0x139: {  	_ =	swait.ge [sflag:s25], $0x800  }
0x13a: {  	[sflag:s25] =	ssyncset.done $0x0  }
0x13b: {  	[sflag:s25] =	ssyncadd.s32 $0xFFFFF800  }
0x13c: {  	_ =	swait.ge [sflag:s25], $0x800  }
0x13d: {  	[sflag:s25] =	ssyncset.done $0x0  }
0x13e: {  	[sflag:s25] =	ssyncadd.s32 $0xFFFFF800  }
0x13f: {  	_ =	swait.ge [sflag:s25], $0x800  }
0x140: {  	[sflag:s25] =	ssyncset.done $0x0  }
0x141: {  	[sflag:s25] =	ssyncadd.s32 $0xFFFFF800  }
0x142: {  	_ =	swait.ge [sflag:s25], $0x800  }
0x143: {  	[sflag:s25] =	ssyncset.done $0x0  }
0x144: {  	[sflag:s25] =	ssyncadd.s32 $0xFFFFF800  }
0x145: {  	_ =	swait.ge [sflag:s25], $0x800  }
0x146: {  	[sflag:s25] =	ssyncset.done $0x0  }
0x147: {  	[sflag:s25] =	ssyncadd.s32 $0xFFFFF800  }
0x148: {  	_ =	swait.ge [sflag:s25], $0x800  }
0x149: {  	[sflag:s25] =	ssyncset.done $0x0  }
0x14a: {  	[sflag:s25] =	ssyncadd.s32 $0xFFFFF800  }
0x14b: {  	_ =	swait.ge [sflag:s25], $0x800  }
0x14c: {  	[sflag:s25] =	ssyncset.done $0x0  }
0x14d: {  	[sflag:s25] =	ssyncadd.s32 $0xFFFFF800  }
0x14e: {  	_ =	swait.ge [sflag:s25], $0x800  }
0x14f: {  	[sflag:s25] =	ssyncset.done $0x0  }
0x150: {  	[sflag:s25] =	ssyncadd.s32 $0xFFFFF800  }
0x151: {  	_ =	swait.ge [sflag:s25], $0x800  }
0x152: {  	[sflag:s25] =	ssyncset.done $0x0  }
0x153: {  	[sflag:s25] =	ssyncadd.s32 $0xFFFFF800  }
0x154: {  	_ =	swait.ge [sflag:s25], $0x800  }
0x155: {  	[sflag:s25] =	ssyncset.done $0x0  }
0x156: {  	[sflag:s25] =	ssyncadd.s32 $0xFFFFF800  }
0x157: {  	_ =	swait.ge [sflag:s25], $0x800  }
0x158: {  	[sflag:s25] =	ssyncset.done $0x0  }
0x159: {  	[sflag:s25] =	ssyncadd.s32 $0xFFFFF800  }
0x15a: {  	_ =	swait.ge [sflag:s25], $0x800  }
0x15b: {  	[sflag:s25] =	ssyncset.done $0x0  }
0x15c: {  	[sflag:s25] =	ssyncadd.s32 $0xFFFFF800  }
0x15d: {  	_ =	swait.ge [sflag:s25], $0x800  }
0x15e: {  	[sflag:s25] =	ssyncset.done $0x0  }
0x15f: {  	[sflag:s25] =	ssyncadd.s32 $0xFFFFF800  }
0x160: {  	_ =	swait.ge [sflag:s25], $0x800  }
0x161: {  	[sflag:s25] =	ssyncset.done $0x0  }
0x162: {  	[sflag:s25] =	ssyncadd.s32 $0xFFFFF800  }
0x163: {  	s5 =	simm.s32 $0x100;
	_ =	swait.ge [sflag:s25], $0x800  }
0x164: {  	s11 =	simm.s32 $0x200;
	s13 =	rddreg [dreg:$0x3];
	[sflag:s25] =	ssyncset.done $0x0  }
.LBB2_6:
0x165: {  	[sflag:s25] =	ssyncadd.s32 $0xFFFFF800;
	s13 =	sadd.s32 s5, s13  }
0x166: {  	[tilespmem:s3], [sflag:$0x1] =	stream.linear.gather [hbm4b:s13+s3], $0x80, $0x38;
	[tilespmem:$0x15800] =	vst v63  }
0x167: {  	s14 =	sadd.s32 $0x10, s13  }
0x168: {  	[tilespmem:s10], [sflag:$0x1] =	stream.linear.gather [hbm4b:s14+s3], $0x80, $0x38;
	[tilespmem:$0x15800] =	vst v63  }
0x169: {  	s22 =	simm.s32 $0x100;
	s18 =	sadd.s32 $0x20, s13  }
0x16a: {  	[tilespmem:s22], [sflag:$0x1] =	stream.linear.gather [hbm4b:s18+s3], $0x80, $0x38;
	[tilespmem:$0x15800] =	vst v63  }
0x16b: {  	s2 =	simm.s32 $0x180;
	s19 =	sadd.s32 $0x30, s13  }
0x16c: {  	[tilespmem:s2], [sflag:$0x1] =	stream.linear.gather [hbm4b:s19+s3], $0x80, $0x38;
	[tilespmem:$0x15800] =	vst v63  }
0x16d: {  	s23 =	simm.s32 $0x200;
	s20 =	sadd.s32 $0x40, s13  }
0x16e: {  	[tilespmem:s23], [sflag:$0x1] =	stream.linear.gather [hbm4b:s20+s3], $0x80, $0x38;
	[tilespmem:$0x15800] =	vst v63  }
0x16f: {  	s21 =	sadd.s32 $0x50, s13;
	s20 =	simm.s32 $0x280  }
0x170: {  	[tilespmem:s20], [sflag:$0x1] =	stream.linear.gather [hbm4b:s21+s3], $0x80, $0x38;
	[tilespmem:$0x15800] =	vst v63  }
0x171: {  	s24 =	sadd.s32 $0x60, s13;
	s21 =	simm.s32 $0x300  }
0x172: {  	[tilespmem:s21], [sflag:$0x1] =	stream.linear.gather [hbm4b:s24+s3], $0x80, $0x38;
	[tilespmem:$0x15800] =	vst v63  }
0x173: {  	s28 =	sadd.s32 $0x70, s13;
	s19 =	simm.s32 $0x380  }
0x174: {  	[tilespmem:s19], [sflag:$0x1] =	stream.linear.gather [hbm4b:s28+s3], $0x80, $0x38;
	[tilespmem:$0x15800] =	vst v63  }
0x175: {  	s29 =	sadd.s32 $0x80, s13;
	s18 =	simm.s32 $0x400  }
0x176: {  	[tilespmem:s18], [sflag:$0x1] =	stream.linear.gather [hbm4b:s29+s3], $0x80, $0x38;
	[tilespmem:$0x15800] =	vst v63  }
0x177: {  	s17 =	simm.s32 $0x480;
	s30 =	sadd.s32 $0x90, s13  }
0x178: {  	[tilespmem:s17], [sflag:$0x1] =	stream.linear.gather [hbm4b:s30+s3], $0x80, $0x38;
	[tilespmem:$0x15800] =	vst v63  }
0x179: {  	s16 =	simm.s32 $0x500;
	s31 =	sadd.s32 $0xA0, s13  }
0x17a: {  	[tilespmem:s16], [sflag:$0x1] =	stream.linear.gather [hbm4b:s31+s3], $0x80, $0x38;
	[tilespmem:$0x15800] =	vst v63  }
0x17b: {  	s15 =	simm.s32 $0x580;
	s0 =	sadd.s32 $0xB0, s13  }
0x17c: {  	[tilespmem:s15], [sflag:$0x1] =	stream.linear.gather [hbm4b:s0+s3], $0x80, $0x38;
	[tilespmem:$0x15800] =	vst v63  }
0x17d: {  	s1 =	sadd.s32 $0xC0, s13;
	s0 =	simm.s32 $0x600  }
0x17e: {  	[tilespmem:s0], [sflag:$0x1] =	stream.linear.gather [hbm4b:s1+s3], $0x80, $0x38;
	[tilespmem:$0x15800] =	vst v63  }
0x17f: {  	s8 =	sadd.s32 $0xD0, s13;
	s0 =	simm.s32 $0x680  }
0x180: {  	[tilespmem:s0], [sflag:$0x1] =	stream.linear.gather [hbm4b:s8+s3], $0x80, $0x38;
	[tilespmem:$0x15800] =	vst v63  }
0x181: {  	s9 =	sadd.s32 $0xE0, s13;
	s1 =	simm.s32 $0x700  }
0x182: {  	[tilespmem:s1], [sflag:$0x1] =	stream.linear.gather [hbm4b:s9+s3], $0x80, $0x38;
	[tilespmem:$0x15800] =	vst v63  }
0x183: {  	s13 =	sadd.s32 $0xF0, s13;
	s9 =	simm.s32 $0x780  }
0x184: {  	[tilespmem:s9], [sflag:$0x1] =	stream.linear.gather [hbm4b:s13+s3], $0x80, $0x38;
	[tilespmem:$0x15800] =	vst v63  }
0x185: {  	_ =	swait.ge [sflag:s26], $0x80  }
0x186: {  	[sflag:s26] =	ssyncset.done $0x0  }
0x187: {  	[sflag:s26] =	ssyncadd.s32 $0xFFFFFF80  }
0x188: {  	_ =	swait.ge [sflag:s26], $0x80  }
0x189: {  	[sflag:s26] =	ssyncset.done $0x0  }
0x18a: {  	[sflag:s26] =	ssyncadd.s32 $0xFFFFFF80  }
0x18b: {  	_ =	swait.ge [sflag:s26], $0x80  }
0x18c: {  	[sflag:s26] =	ssyncset.done $0x0  }
0x18d: {  	[sflag:s26] =	ssyncadd.s32 $0xFFFFFF80  }
0x18e: {  	_ =	swait.ge [sflag:s26], $0x80  }
0x18f: {  	[sflag:s26] =	ssyncset.done $0x0  }
0x190: {  	[sflag:s26] =	ssyncadd.s32 $0xFFFFFF80  }
0x191: {  	_ =	swait.ge [sflag:s26], $0x80  }
0x192: {  	[sflag:s26] =	ssyncset.done $0x0  }
0x193: {  	[sflag:s26] =	ssyncadd.s32 $0xFFFFFF80  }
0x194: {  	_ =	swait.ge [sflag:s26], $0x80  }
0x195: {  	[sflag:s26] =	ssyncset.done $0x0  }
0x196: {  	[sflag:s26] =	ssyncadd.s32 $0xFFFFFF80  }
0x197: {  	_ =	swait.ge [sflag:s26], $0x80  }
0x198: {  	[sflag:s26] =	ssyncset.done $0x0  }
0x199: {  	[sflag:s26] =	ssyncadd.s32 $0xFFFFFF80  }
0x19a: {  	_ =	swait.ge [sflag:s26], $0x80  }
0x19b: {  	[sflag:s26] =	ssyncset.done $0x0  }
0x19c: {  	[sflag:s26] =	ssyncadd.s32 $0xFFFFFF80  }
0x19d: {  	_ =	swait.ge [sflag:s26], $0x80  }
0x19e: {  	[sflag:s26] =	ssyncset.done $0x0  }
0x19f: {  	[sflag:s26] =	ssyncadd.s32 $0xFFFFFF80  }
0x1a0: {  	_ =	swait.ge [sflag:s26], $0x80  }
0x1a1: {  	[sflag:s26] =	ssyncset.done $0x0  }
0x1a2: {  	[sflag:s26] =	ssyncadd.s32 $0xFFFFFF80  }
0x1a3: {  	_ =	swait.ge [sflag:s26], $0x80  }
0x1a4: {  	[sflag:s26] =	ssyncset.done $0x0  }
0x1a5: {  	[sflag:s26] =	ssyncadd.s32 $0xFFFFFF80  }
0x1a6: {  	_ =	swait.ge [sflag:s26], $0x80  }
0x1a7: {  	[sflag:s26] =	ssyncset.done $0x0  }
0x1a8: {  	[sflag:s26] =	ssyncadd.s32 $0xFFFFFF80  }
0x1a9: {  	_ =	swait.ge [sflag:s26], $0x80  }
0x1aa: {  	[sflag:s26] =	ssyncset.done $0x0  }
0x1ab: {  	[sflag:s26] =	ssyncadd.s32 $0xFFFFFF80  }
0x1ac: {  	_ =	swait.ge [sflag:s26], $0x80  }
0x1ad: {  	[sflag:s26] =	ssyncset.done $0x0  }
0x1ae: {  	[sflag:s26] =	ssyncadd.s32 $0xFFFFFF80  }
0x1af: {  	_ =	swait.ge [sflag:s26], $0x80  }
0x1b0: {  	[sflag:s26] =	ssyncset.done $0x0  }
0x1b1: {  	[sflag:s26] =	ssyncadd.s32 $0xFFFFFF80  }
0x1b2: {  	_ =	swait.ge [sflag:s26], $0x80  }
0x1b3: {  	s14 =	rddreg [dreg:$0x4];
	[sflag:s26] =	ssyncset.done $0x0  }
0x1b4: {  	s24 =	simm.s32 $0x800;
	[sflag:s26] =	ssyncadd.s32 $0xFFFFFF80;
	s13 =	sadd.s32 s5, s14  }
0x1b5: {  	[tilespmem:s24], [sflag:$0x1] =	stream.linear.gather [hbm4b:s13+s3], $0x80, $0x38;
	[tilespmem:$0x15800] =	vst v63  }
0x1b6: {  	s29 =	simm.s32 $0x880;
	s28 =	sadd.s32 $0x10, s13  }
0x1b7: {  	[tilespmem:s29], [sflag:$0x1] =	stream.linear.gather [hbm4b:s28+s3], $0x80, $0x38;
	[tilespmem:$0x15800] =	vst v63  }
0x1b8: {  	s31 =	simm.s32 $0x900;
	s30 =	sadd.s32 $0x20, s13  }
0x1b9: {  	[tilespmem:s31], [sflag:$0x1] =	stream.linear.gather [hbm4b:s30+s3], $0x80, $0x38;
	[tilespmem:$0x15800] =	vst v63  }
0x1ba: {  	s14 =	simm.s32 $0x980;
	s9 =	sadd.s32 $0x30, s13  }
0x1bb: {  	[tilespmem:s14], [sflag:$0x1] =	stream.linear.gather [hbm4b:s9+s3], $0x80, $0x38;
	[tilespmem:$0x15800] =	vst v63  }
0x1bc: {  	s24 =	sadd.s32 $0x40, s13;
	s28 =	simm.s32 $0xA00  }
0x1bd: {  	[tilespmem:s28], [sflag:$0x1] =	stream.linear.gather [hbm4b:s24+s3], $0x80, $0x38;
	[tilespmem:$0x15800] =	vst v63  }
0x1be: {  	s8 =	simm.s32 $0xA80;
	s29 =	sadd.s32 $0x50, s13  }
0x1bf: {  	[tilespmem:s8], [sflag:$0x1] =	stream.linear.gather [hbm4b:s29+s3], $0x80, $0x38;
	[tilespmem:$0x15800] =	vst v63  }
0x1c0: {  	s30 =	sadd.s32 $0x60, s13;
	s31 =	simm.s32 $0xB00  }
0x1c1: {  	[tilespmem:s31], [sflag:$0x1] =	stream.linear.gather [hbm4b:s30+s3], $0x80, $0x38;
	[tilespmem:$0x15800] =	vst v63  }
0x1c2: {  	s9 =	simm.s32 $0xB80;
	s8 =	sadd.s32 $0x70, s13  }
0x1c3: {  	[tilespmem:s9], [sflag:$0x1] =	stream.linear.gather [hbm4b:s8+s3], $0x80, $0x38;
	[tilespmem:$0x15800] =	vst v63  }
0x1c4: {  	s14 =	sadd.s32 $0x80, s13;
	s24 =	simm.s32 $0xC00  }
0x1c5: {  	[tilespmem:s24], [sflag:$0x1] =	stream.linear.gather [hbm4b:s14+s3], $0x80, $0x38;
	[tilespmem:$0x15800] =	vst v63  }
0x1c6: {  	s28 =	sadd.s32 $0x90, s13;
	s29 =	simm.s32 $0xC80  }
0x1c7: {  	[tilespmem:s29], [sflag:$0x1] =	stream.linear.gather [hbm4b:s28+s3], $0x80, $0x38;
	[tilespmem:$0x15800] =	vst v63  }
0x1c8: {  	s30 =	sadd.s32 $0xA0, s13;
	s31 =	simm.s32 $0xD00  }
0x1c9: {  	[tilespmem:s31], [sflag:$0x1] =	stream.linear.gather [hbm4b:s30+s3], $0x80, $0x38;
	[tilespmem:$0x15800] =	vst v63  }
0x1ca: {  	s8 =	sadd.s32 $0xB0, s13;
	s31 =	simm.s32 $0xD80  }
0x1cb: {  	[tilespmem:s31], [sflag:$0x1] =	stream.linear.gather [hbm4b:s8+s3], $0x80, $0x38;
	[tilespmem:$0x15800] =	vst v63  }
0x1cc: {  	s9 =	sadd.s32 $0xC0, s13;
	s29 =	simm.s32 $0xE00  }
0x1cd: {  	[tilespmem:s29], [sflag:$0x1] =	stream.linear.gather [hbm4b:s9+s3], $0x80, $0x38;
	[tilespmem:$0x15800] =	vst v63  }
0x1ce: {  	s14 =	sadd.s32 $0xD0, s13;
	s24 =	simm.s32 $0xE80  }
0x1cf: {  	[tilespmem:s24], [sflag:$0x1] =	stream.linear.gather [hbm4b:s14+s3], $0x80, $0x38;
	[tilespmem:$0x15800] =	vst v63  }
0x1d0: {  	s28 =	sadd.s32 $0xE0, s13;
	s30 =	simm.s32 $0xF00  }
0x1d1: {  	[tilespmem:s30], [sflag:$0x1] =	stream.linear.gather [hbm4b:s28+s3], $0x80, $0x38;
	[tilespmem:$0x15800] =	vst v63  }
0x1d2: {  	s8 =	sadd.s32 $0xF0, s13;
	s13 =	simm.s32 $0xF80  }
0x1d3: {  	[tilespmem:s13], [sflag:$0x1] =	stream.linear.gather [hbm4b:s8+s3], $0x80, $0x38;
	[tilespmem:$0x15800] =	vst v63  }
0x1d4: {  	_ =	swait.ge [sflag:s26], $0x80  }
0x1d5: {  	[sflag:s26] =	ssyncset.done $0x0  }
0x1d6: {  	[sflag:s26] =	ssyncadd.s32 $0xFFFFFF80  }
0x1d7: {  	_ =	swait.ge [sflag:s26], $0x80  }
0x1d8: {  	[sflag:s26] =	ssyncset.done $0x0  }
0x1d9: {  	[sflag:s26] =	ssyncadd.s32 $0xFFFFFF80  }
0x1da: {  	_ =	swait.ge [sflag:s26], $0x80  }
0x1db: {  	[sflag:s26] =	ssyncset.done $0x0  }
0x1dc: {  	[sflag:s26] =	ssyncadd.s32 $0xFFFFFF80  }
0x1dd: {  	_ =	swait.ge [sflag:s26], $0x80  }
0x1de: {  	[sflag:s26] =	ssyncset.done $0x0  }
0x1df: {  	[sflag:s26] =	ssyncadd.s32 $0xFFFFFF80  }
0x1e0: {  	_ =	swait.ge [sflag:s26], $0x80  }
0x1e1: {  	[sflag:s26] =	ssyncset.done $0x0  }
0x1e2: {  	[sflag:s26] =	ssyncadd.s32 $0xFFFFFF80  }
0x1e3: {  	_ =	swait.ge [sflag:s26], $0x80  }
0x1e4: {  	[sflag:s26] =	ssyncset.done $0x0  }
0x1e5: {  	[sflag:s26] =	ssyncadd.s32 $0xFFFFFF80  }
0x1e6: {  	_ =	swait.ge [sflag:s26], $0x80  }
0x1e7: {  	[sflag:s26] =	ssyncset.done $0x0  }
0x1e8: {  	[sflag:s26] =	ssyncadd.s32 $0xFFFFFF80  }
0x1e9: {  	_ =	swait.ge [sflag:s26], $0x80  }
0x1ea: {  	[sflag:s26] =	ssyncset.done $0x0  }
0x1eb: {  	[sflag:s26] =	ssyncadd.s32 $0xFFFFFF80  }
0x1ec: {  	_ =	swait.ge [sflag:s26], $0x80  }
0x1ed: {  	[sflag:s26] =	ssyncset.done $0x0  }
0x1ee: {  	[sflag:s26] =	ssyncadd.s32 $0xFFFFFF80  }
0x1ef: {  	_ =	swait.ge [sflag:s26], $0x80  }
0x1f0: {  	[sflag:s26] =	ssyncset.done $0x0  }
0x1f1: {  	[sflag:s26] =	ssyncadd.s32 $0xFFFFFF80  }
0x1f2: {  	_ =	swait.ge [sflag:s26], $0x80  }
0x1f3: {  	[sflag:s26] =	ssyncset.done $0x0  }
0x1f4: {  	[sflag:s26] =	ssyncadd.s32 $0xFFFFFF80  }
0x1f5: {  	_ =	swait.ge [sflag:s26], $0x80  }
0x1f6: {  	[sflag:s26] =	ssyncset.done $0x0  }
0x1f7: {  	[sflag:s26] =	ssyncadd.s32 $0xFFFFFF80  }
0x1f8: {  	_ =	swait.ge [sflag:s26], $0x80  }
0x1f9: {  	[sflag:s26] =	ssyncset.done $0x0  }
0x1fa: {  	[sflag:s26] =	ssyncadd.s32 $0xFFFFFF80  }
0x1fb: {  	_ =	swait.ge [sflag:s26], $0x80  }
0x1fc: {  	[sflag:s26] =	ssyncset.done $0x0  }
0x1fd: {  	[sflag:s26] =	ssyncadd.s32 $0xFFFFFF80  }
0x1fe: {  	_ =	swait.ge [sflag:s26], $0x80  }
0x1ff: {  	[sflag:s26] =	ssyncset.done $0x0  }
0x200: {  	[sflag:s26] =	ssyncadd.s32 $0xFFFFFF80  }
0x201: {  	_ =	swait.ge [sflag:s26], $0x80  }
0x202: {  	[sflag:s26] =	ssyncset.done $0x0  }
0x203: {  	s12 =	smov.u32 s11;
	s8 =	simm.s32 $0x1000;
	[sflag:s26] =	ssyncadd.s32 $0xFFFFFF80  }
0x204: {  	[tilespmem:s8], [sflag:$0x2] =	stream.indirect.gather [hbm4b:s4+s10], $0x10, s3, s10, $0xb8;
	[tilespmem:$0x15800] =	vst v63  }
0x205: {  	s5 =	smov.u32 s12;
	s12 =	simm.s32 $0x1800  }
0x206: {  	[tilespmem:s12], [sflag:$0x2] =	stream.indirect.gather [hbm4b:s4+s10], $0x10, s10, s10, $0xb8;
	[tilespmem:$0x15800] =	vst v63  }
0x207: {  	s28 =	simm.s32 $0x2000  }
0x208: {  	[tilespmem:s28], [sflag:$0x2] =	stream.indirect.gather [hbm4b:s4+s10], $0x10, s22, s10, $0xb8;
	[tilespmem:$0x15800] =	vst v63  }
0x209: {  	s22 =	simm.s32 $0x2800  }
0x20a: {  	[tilespmem:s22], [sflag:$0x2] =	stream.indirect.gather [hbm4b:s4+s10], $0x10, s2, s10, $0xb8;
	[tilespmem:$0x15800] =	vst v63  }
0x20b: {  	s2 =	simm.s32 $0x3000  }
0x20c: {  	[tilespmem:s2], [sflag:$0x2] =	stream.indirect.gather [hbm4b:s4+s10], $0x10, s23, s10, $0xb8;
	[tilespmem:$0x15800] =	vst v63  }
0x20d: {  	s23 =	simm.s32 $0x3800  }
0x20e: {  	[tilespmem:s23], [sflag:$0x2] =	stream.indirect.gather [hbm4b:s4+s10], $0x10, s20, s10, $0xb8;
	[tilespmem:$0x15800] =	vst v63  }
0x20f: {  	s20 =	simm.s32 $0x4000  }
0x210: {  	[tilespmem:s20], [sflag:$0x2] =	stream.indirect.gather [hbm4b:s4+s10], $0x10, s21, s10, $0xb8;
	[tilespmem:$0x15800] =	vst v63  }
0x211: {  	s21 =	simm.s32 $0x4800  }
0x212: {  	[tilespmem:s21], [sflag:$0x2] =	stream.indirect.gather [hbm4b:s4+s10], $0x10, s19, s10, $0xb8;
	[tilespmem:$0x15800] =	vst v63  }
0x213: {  	s19 =	simm.s32 $0x5000  }
0x214: {  	[tilespmem:s19], [sflag:$0x2] =	stream.indirect.gather [hbm4b:s4+s10], $0x10, s18, s10, $0xb8;
	[tilespmem:$0x15800] =	vst v63  }
0x215: {  	s18 =	simm.s32 $0x5800  }
0x216: {  	[tilespmem:s18], [sflag:$0x2] =	stream.indirect.gather [hbm4b:s4+s10], $0x10, s17, s10, $0xb8;
	[tilespmem:$0x15800] =	vst v63  }
0x217: {  	s17 =	simm.s32 $0x6000  }
0x218: {  	[tilespmem:s17], [sflag:$0x2] =	stream.indirect.gather [hbm4b:s4+s10], $0x10, s16, s10, $0xb8;
	[tilespmem:$0x15800] =	vst v63  }
0x219: {  	s16 =	simm.s32 $0x6800  }
0x21a: {  	[tilespmem:s16], [sflag:$0x2] =	stream.indirect.gather [hbm4b:s4+s10], $0x10, s15, s10, $0xb8;
	[tilespmem:$0x15800] =	vst v63  }
0x21b: {  	s9 =	simm.s32 $0x600;
	s15 =	simm.s32 $0x7000  }
0x21c: {  	[tilespmem:s15], [sflag:$0x2] =	stream.indirect.gather [hbm4b:s4+s10], $0x10, s9, s10, $0xb8;
	[tilespmem:$0x15800] =	vst v63  }
0x21d: {  	s14 =	simm.s32 $0x7800  }
0x21e: {  	[tilespmem:s14], [sflag:$0x2] =	stream.indirect.gather [hbm4b:s4+s10], $0x10, s0, s10, $0xb8;
	[tilespmem:$0x15800] =	vst v63  }
0x21f: {  	s0 =	simm.s32 $0x8000  }
0x220: {  	[tilespmem:s0], [sflag:$0x2] =	stream.indirect.gather [hbm4b:s4+s10], $0x10, s1, s10, $0xb8;
	[tilespmem:$0x15800] =	vst v63  }
0x221: {  	s9 =	simm.s32 $0x780;
	s1 =	simm.s32 $0x8800  }
0x222: {  	[tilespmem:s1], [sflag:$0x2] =	stream.indirect.gather [hbm4b:s4+s10], $0x10, s9, s10, $0xb8;
	[tilespmem:$0x15800] =	vst v63  }
0x223: {  	_ =	swait.ge [sflag:s7], $0x800  }
0x224: {  	[sflag:s7] =	ssyncset.done $0x0  }
0x225: {  	[sflag:s7] =	ssyncadd.s32 $0xFFFFF800  }
0x226: {  	_ =	swait.ge [sflag:s7], $0x800  }
0x227: {  	[sflag:s7] =	ssyncset.done $0x0  }
0x228: {  	[sflag:s7] =	ssyncadd.s32 $0xFFFFF800  }
0x229: {  	_ =	swait.ge [sflag:s7], $0x800  }
0x22a: {  	[sflag:s7] =	ssyncset.done $0x0  }
0x22b: {  	[sflag:s7] =	ssyncadd.s32 $0xFFFFF800  }
0x22c: {  	_ =	swait.ge [sflag:s7], $0x800  }
0x22d: {  	[sflag:s7] =	ssyncset.done $0x0  }
0x22e: {  	[sflag:s7] =	ssyncadd.s32 $0xFFFFF800  }
0x22f: {  	_ =	swait.ge [sflag:s7], $0x800  }
0x230: {  	[sflag:s7] =	ssyncset.done $0x0  }
0x231: {  	[sflag:s7] =	ssyncadd.s32 $0xFFFFF800  }
0x232: {  	_ =	swait.ge [sflag:s7], $0x800  }
0x233: {  	[sflag:s7] =	ssyncset.done $0x0  }
0x234: {  	[sflag:s7] =	ssyncadd.s32 $0xFFFFF800  }
0x235: {  	_ =	swait.ge [sflag:s7], $0x800  }
0x236: {  	[sflag:s7] =	ssyncset.done $0x0  }
0x237: {  	[sflag:s7] =	ssyncadd.s32 $0xFFFFF800  }
0x238: {  	_ =	swait.ge [sflag:s7], $0x800  }
0x239: {  	[sflag:s7] =	ssyncset.done $0x0  }
0x23a: {  	[sflag:s7] =	ssyncadd.s32 $0xFFFFF800  }
0x23b: {  	_ =	swait.ge [sflag:s7], $0x800  }
0x23c: {  	[sflag:s7] =	ssyncset.done $0x0  }
0x23d: {  	[sflag:s7] =	ssyncadd.s32 $0xFFFFF800  }
0x23e: {  	_ =	swait.ge [sflag:s7], $0x800  }
0x23f: {  	[sflag:s7] =	ssyncset.done $0x0  }
0x240: {  	[sflag:s7] =	ssyncadd.s32 $0xFFFFF800  }
0x241: {  	_ =	swait.ge [sflag:s7], $0x800  }
0x242: {  	[sflag:s7] =	ssyncset.done $0x0  }
0x243: {  	[sflag:s7] =	ssyncadd.s32 $0xFFFFF800  }
0x244: {  	_ =	swait.ge [sflag:s7], $0x800  }
0x245: {  	[sflag:s7] =	ssyncset.done $0x0  }
0x246: {  	[sflag:s7] =	ssyncadd.s32 $0xFFFFF800  }
0x247: {  	_ =	swait.ge [sflag:s7], $0x800  }
0x248: {  	[sflag:s7] =	ssyncset.done $0x0  }
0x249: {  	[sflag:s7] =	ssyncadd.s32 $0xFFFFF800  }
0x24a: {  	_ =	swait.ge [sflag:s7], $0x800  }
0x24b: {  	[sflag:s7] =	ssyncset.done $0x0  }
0x24c: {  	[sflag:s7] =	ssyncadd.s32 $0xFFFFF800  }
0x24d: {  	_ =	swait.ge [sflag:s7], $0x800  }
0x24e: {  	[sflag:s7] =	ssyncset.done $0x0  }
0x24f: {  	[sflag:s7] =	ssyncadd.s32 $0xFFFFF800  }
0x250: {  	_ =	swait.ge [sflag:s7], $0x800  }
0x251: {  	[sflag:s7] =	ssyncset.done $0x0  }
0x252: {  	s9 =	simm.s32 $0x800;
	[sflag:s7] =	ssyncadd.s32 $0xFFFFF800  }
0x253: {  	[spmem:s6] =	stream.indirect.scatter.add.f32 [tilespmem:s8], [sflag:$0x3], $0x10, s9, s10, $0xb8;
	[tilespmem:$0x15800] =	vst v63  }
0x254: {  	s9 =	simm.s32 $0x880  }
0x255: {  	[spmem:s6] =	stream.indirect.scatter.add.f32 [tilespmem:s12], [sflag:$0x3], $0x10, s9, s10, $0xb8;
	[tilespmem:$0x15800] =	vst v63  }
0x256: {  	s9 =	simm.s32 $0x900  }
0x257: {  	[spmem:s6] =	stream.indirect.scatter.add.f32 [tilespmem:s28], [sflag:$0x3], $0x10, s9, s10, $0xb8;
	[tilespmem:$0x15800] =	vst v63  }
0x258: {  	s12 =	simm.s32 $0x980  }
0x259: {  	[spmem:s6] =	stream.indirect.scatter.add.f32 [tilespmem:s22], [sflag:$0x3], $0x10, s12, s10, $0xb8;
	[tilespmem:$0x15800] =	vst v63  }
0x25a: {  	s28 =	simm.s32 $0xA00  }
0x25b: {  	[spmem:s6] =	stream.indirect.scatter.add.f32 [tilespmem:s2], [sflag:$0x3], $0x10, s28, s10, $0xb8;
	[tilespmem:$0x15800] =	vst v63  }
0x25c: {  	s9 =	simm.s32 $0xA80  }
0x25d: {  	[spmem:s6] =	stream.indirect.scatter.add.f32 [tilespmem:s23], [sflag:$0x3], $0x10, s9, s10, $0xb8;
	[tilespmem:$0x15800] =	vst v63  }
0x25e: {  	s12 =	simm.s32 $0xB00  }
0x25f: {  	[spmem:s6] =	stream.indirect.scatter.add.f32 [tilespmem:s20], [sflag:$0x3], $0x10, s12, s10, $0xb8;
	[tilespmem:$0x15800] =	vst v63  }
0x260: {  	s20 =	simm.s32 $0xB80  }
0x261: {  	[spmem:s6] =	stream.indirect.scatter.add.f32 [tilespmem:s21], [sflag:$0x3], $0x10, s20, s10, $0xb8;
	[tilespmem:$0x15800] =	vst v63  }
0x262: {  	s22 =	simm.s32 $0xC00  }
0x263: {  	[spmem:s6] =	stream.indirect.scatter.add.f32 [tilespmem:s19], [sflag:$0x3], $0x10, s22, s10, $0xb8;
	[tilespmem:$0x15800] =	vst v63  }
0x264: {  	s23 =	simm.s32 $0xC80  }
0x265: {  	[spmem:s6] =	stream.indirect.scatter.add.f32 [tilespmem:s18], [sflag:$0x3], $0x10, s23, s10, $0xb8;
	[tilespmem:$0x15800] =	vst v63  }
0x266: {  	s28 =	simm.s32 $0xD00  }
0x267: {  	[spmem:s6] =	stream.indirect.scatter.add.f32 [tilespmem:s17], [sflag:$0x3], $0x10, s28, s10, $0xb8;
	[tilespmem:$0x15800] =	vst v63  }
0x268: {  	_ = 	snop  }
0x269: {  	[spmem:s6] =	stream.indirect.scatter.add.f32 [tilespmem:s16], [sflag:$0x3], $0x10, s31, s10, $0xb8;
	[tilespmem:$0x15800] =	vst v63  }
0x26a: {  	_ = 	snop  }
0x26b: {  	[spmem:s6] =	stream.indirect.scatter.add.f32 [tilespmem:s15], [sflag:$0x3], $0x10, s29, s10, $0xb8;
	[tilespmem:$0x15800] =	vst v63  }
0x26c: {  	_ = 	snop  }
0x26d: {  	[spmem:s6] =	stream.indirect.scatter.add.f32 [tilespmem:s14], [sflag:$0x3], $0x10, s24, s10, $0xb8;
	[tilespmem:$0x15800] =	vst v63  }
0x26e: {  	_ = 	snop  }
0x26f: {  	[spmem:s6] =	stream.indirect.scatter.add.f32 [tilespmem:s0], [sflag:$0x3], $0x10, s30, s10, $0xb8;
	[tilespmem:$0x15800] =	vst v63  }
0x270: {  	_ = 	snop  }
0x271: {  	[spmem:s6] =	stream.indirect.scatter.add.f32 [tilespmem:s1], [sflag:$0x3], $0x10, s13, s10, $0xb8;
	[tilespmem:$0x15800] =	vst v63  }
0x272: {  	_ =	swait.ge [sflag:s25], $0x800  }
0x273: {  	[sflag:s25] =	ssyncset.done $0x0  }
0x274: {  	[sflag:s25] =	ssyncadd.s32 $0xFFFFF800  }
0x275: {  	_ =	swait.ge [sflag:s25], $0x800  }
0x276: {  	[sflag:s25] =	ssyncset.done $0x0  }
0x277: {  	[sflag:s25] =	ssyncadd.s32 $0xFFFFF800  }
0x278: {  	_ =	swait.ge [sflag:s25], $0x800  }
0x279: {  	[sflag:s25] =	ssyncset.done $0x0  }
0x27a: {  	[sflag:s25] =	ssyncadd.s32 $0xFFFFF800  }
0x27b: {  	_ =	swait.ge [sflag:s25], $0x800  }
0x27c: {  	[sflag:s25] =	ssyncset.done $0x0  }
0x27d: {  	[sflag:s25] =	ssyncadd.s32 $0xFFFFF800  }
0x27e: {  	_ =	swait.ge [sflag:s25], $0x800  }
0x27f: {  	[sflag:s25] =	ssyncset.done $0x0  }
0x280: {  	[sflag:s25] =	ssyncadd.s32 $0xFFFFF800  }
0x281: {  	_ =	swait.ge [sflag:s25], $0x800  }
0x282: {  	[sflag:s25] =	ssyncset.done $0x0  }
0x283: {  	[sflag:s25] =	ssyncadd.s32 $0xFFFFF800  }
0x284: {  	_ =	swait.ge [sflag:s25], $0x800  }
0x285: {  	[sflag:s25] =	ssyncset.done $0x0  }
0x286: {  	[sflag:s25] =	ssyncadd.s32 $0xFFFFF800  }
0x287: {  	_ =	swait.ge [sflag:s25], $0x800  }
0x288: {  	[sflag:s25] =	ssyncset.done $0x0  }
0x289: {  	[sflag:s25] =	ssyncadd.s32 $0xFFFFF800  }
0x28a: {  	_ =	swait.ge [sflag:s25], $0x800  }
0x28b: {  	[sflag:s25] =	ssyncset.done $0x0  }
0x28c: {  	[sflag:s25] =	ssyncadd.s32 $0xFFFFF800  }
0x28d: {  	_ =	swait.ge [sflag:s25], $0x800  }
0x28e: {  	[sflag:s25] =	ssyncset.done $0x0  }
0x28f: {  	[sflag:s25] =	ssyncadd.s32 $0xFFFFF800  }
0x290: {  	_ =	swait.ge [sflag:s25], $0x800  }
0x291: {  	[sflag:s25] =	ssyncset.done $0x0  }
0x292: {  	[sflag:s25] =	ssyncadd.s32 $0xFFFFF800  }
0x293: {  	_ =	swait.ge [sflag:s25], $0x800  }
0x294: {  	[sflag:s25] =	ssyncset.done $0x0  }
0x295: {  	[sflag:s25] =	ssyncadd.s32 $0xFFFFF800  }
0x296: {  	_ =	swait.ge [sflag:s25], $0x800  }
0x297: {  	[sflag:s25] =	ssyncset.done $0x0  }
0x298: {  	[sflag:s25] =	ssyncadd.s32 $0xFFFFF800  }
0x299: {  	_ =	swait.ge [sflag:s25], $0x800  }
0x29a: {  	[sflag:s25] =	ssyncset.done $0x0  }
0x29b: {  	p0 =	sne.s32 s11, $0x3000;
	[sflag:s25] =	ssyncadd.s32 $0xFFFFF800  }
.Ltmp2:
0x29c: {  	_ =	swait.ge [sflag:s25], $0x800;
	(pc) =	sbr.rel @p0 .LBB2_6-.Ltmp2, $4  }
0x29d: {  	[sflag:s25] =	ssyncset.done $0x0  }
0x29e: {  	[sflag:s25] =	ssyncadd.s32 $0xFFFFF800  }
0x29f: {  	_ =	swait.ge [sflag:s25], $0x800  }
0x2a0: {  	s11 =	sadd.s32 $0x100, s11;
	s13 =	rddreg [dreg:$0x3];
	[sflag:s25] =	ssyncset.done $0x0  }
0x2a1: {  	[sflag:s25] =	ssyncadd.s32 $0xFFFFF800;
	s11 =	sadd.s32 s5, s13  }
0x2a2: {  	[tilespmem:s3], [sflag:$0x1] =	stream.linear.gather [hbm4b:s11+s3], $0x80, $0x38;
	[tilespmem:$0x15800] =	vst v63  }
0x2a3: {  	s12 =	sadd.s32 $0x10, s11  }
0x2a4: {  	[tilespmem:s10], [sflag:$0x1] =	stream.linear.gather [hbm4b:s12+s3], $0x80, $0x38;
	[tilespmem:$0x15800] =	vst v63  }
0x2a5: {  	s15 =	simm.s32 $0x100;
	s18 =	sadd.s32 $0x20, s11  }
0x2a6: {  	[tilespmem:s15], [sflag:$0x1] =	stream.linear.gather [hbm4b:s18+s3], $0x80, $0x38;
	[tilespmem:$0x15800] =	vst v63  }
0x2a7: {  	s0 =	simm.s32 $0x180;
	s19 =	sadd.s32 $0x30, s11  }
0x2a8: {  	[tilespmem:s0], [sflag:$0x1] =	stream.linear.gather [hbm4b:s19+s3], $0x80, $0x38;
	[tilespmem:$0x15800] =	vst v63  }
0x2a9: {  	s16 =	simm.s32 $0x200;
	s20 =	sadd.s32 $0x40, s11  }
0x2aa: {  	[tilespmem:s16], [sflag:$0x1] =	stream.linear.gather [hbm4b:s20+s3], $0x80, $0x38;
	[tilespmem:$0x15800] =	vst v63  }
0x2ab: {  	s17 =	simm.s32 $0x280;
	s21 =	sadd.s32 $0x50, s11  }
0x2ac: {  	[tilespmem:s17], [sflag:$0x1] =	stream.linear.gather [hbm4b:s21+s3], $0x80, $0x38;
	[tilespmem:$0x15800] =	vst v63  }
0x2ad: {  	s22 =	sadd.s32 $0x60, s11;
	s18 =	simm.s32 $0x300  }
0x2ae: {  	[tilespmem:s18], [sflag:$0x1] =	stream.linear.gather [hbm4b:s22+s3], $0x80, $0x38;
	[tilespmem:$0x15800] =	vst v63  }
0x2af: {  	s23 =	sadd.s32 $0x70, s11;
	s19 =	simm.s32 $0x380  }
0x2b0: {  	[tilespmem:s19], [sflag:$0x1] =	stream.linear.gather [hbm4b:s23+s3], $0x80, $0x38;
	[tilespmem:$0x15800] =	vst v63  }
0x2b1: {  	s24 =	sadd.s32 $0x80, s11;
	s20 =	simm.s32 $0x400  }
0x2b2: {  	[tilespmem:s20], [sflag:$0x1] =	stream.linear.gather [hbm4b:s24+s3], $0x80, $0x38;
	[tilespmem:$0x15800] =	vst v63  }
0x2b3: {  	s1 =	sadd.s32 $0x90, s11;
	s21 =	simm.s32 $0x480  }
0x2b4: {  	[tilespmem:s21], [sflag:$0x1] =	stream.linear.gather [hbm4b:s1+s3], $0x80, $0x38;
	[tilespmem:$0x15800] =	vst v63  }
0x2b5: {  	s2 =	sadd.s32 $0xA0, s11;
	s22 =	simm.s32 $0x500  }
0x2b6: {  	[tilespmem:s22], [sflag:$0x1] =	stream.linear.gather [hbm4b:s2+s3], $0x80, $0x38;
	[tilespmem:$0x15800] =	vst v63  }
0x2b7: {  	s8 =	sadd.s32 $0xB0, s11;
	s23 =	simm.s32 $0x580  }
0x2b8: {  	[tilespmem:s23], [sflag:$0x1] =	stream.linear.gather [hbm4b:s8+s3], $0x80, $0x38;
	[tilespmem:$0x15800] =	vst v63  }
0x2b9: {  	s14 =	simm.s32 $0x600;
	s9 =	sadd.s32 $0xC0, s11  }
0x2ba: {  	[tilespmem:s14], [sflag:$0x1] =	stream.linear.gather [hbm4b:s9+s3], $0x80, $0x38;
	[tilespmem:$0x15800] =	vst v63  }
0x2bb: {  	s30 =	simm.s32 $0x680;
	s13 =	sadd.s32 $0xD0, s11  }
0x2bc: {  	[tilespmem:s30], [sflag:$0x1] =	stream.linear.gather [hbm4b:s13+s3], $0x80, $0x38;
	[tilespmem:$0x15800] =	vst v63  }
0x2bd: {  	s31 =	simm.s32 $0x700;
	s24 =	sadd.s32 $0xE0, s11  }
0x2be: {  	[tilespmem:s31], [sflag:$0x1] =	stream.linear.gather [hbm4b:s24+s3], $0x80, $0x38;
	[tilespmem:$0x15800] =	vst v63  }
0x2bf: {  	s11 =	sadd.s32 $0xF0, s11;
	s1 =	simm.s32 $0x780  }
0x2c0: {  	[tilespmem:s1], [sflag:$0x1] =	stream.linear.gather [hbm4b:s11+s3], $0x80, $0x38;
	[tilespmem:$0x15800] =	vst v63  }
0x2c1: {  	_ =	swait.ge [sflag:s26], $0x80  }
0x2c2: {  	[sflag:s26] =	ssyncset.done $0x0  }
0x2c3: {  	[sflag:s26] =	ssyncadd.s32 $0xFFFFFF80  }
0x2c4: {  	_ =	swait.ge [sflag:s26], $0x80  }
0x2c5: {  	[sflag:s26] =	ssyncset.done $0x0  }
0x2c6: {  	[sflag:s26] =	ssyncadd.s32 $0xFFFFFF80  }
0x2c7: {  	_ =	swait.ge [sflag:s26], $0x80  }
0x2c8: {  	[sflag:s26] =	ssyncset.done $0x0  }
0x2c9: {  	[sflag:s26] =	ssyncadd.s32 $0xFFFFFF80  }
0x2ca: {  	_ =	swait.ge [sflag:s26], $0x80  }
0x2cb: {  	[sflag:s26] =	ssyncset.done $0x0  }
0x2cc: {  	[sflag:s26] =	ssyncadd.s32 $0xFFFFFF80  }
0x2cd: {  	_ =	swait.ge [sflag:s26], $0x80  }
0x2ce: {  	[sflag:s26] =	ssyncset.done $0x0  }
0x2cf: {  	[sflag:s26] =	ssyncadd.s32 $0xFFFFFF80  }
0x2d0: {  	_ =	swait.ge [sflag:s26], $0x80  }
0x2d1: {  	[sflag:s26] =	ssyncset.done $0x0  }
0x2d2: {  	[sflag:s26] =	ssyncadd.s32 $0xFFFFFF80  }
0x2d3: {  	_ =	swait.ge [sflag:s26], $0x80  }
0x2d4: {  	[sflag:s26] =	ssyncset.done $0x0  }
0x2d5: {  	[sflag:s26] =	ssyncadd.s32 $0xFFFFFF80  }
0x2d6: {  	_ =	swait.ge [sflag:s26], $0x80  }
0x2d7: {  	[sflag:s26] =	ssyncset.done $0x0  }
0x2d8: {  	[sflag:s26] =	ssyncadd.s32 $0xFFFFFF80  }
0x2d9: {  	_ =	swait.ge [sflag:s26], $0x80  }
0x2da: {  	[sflag:s26] =	ssyncset.done $0x0  }
0x2db: {  	[sflag:s26] =	ssyncadd.s32 $0xFFFFFF80  }
0x2dc: {  	_ =	swait.ge [sflag:s26], $0x80  }
0x2dd: {  	[sflag:s26] =	ssyncset.done $0x0  }
0x2de: {  	[sflag:s26] =	ssyncadd.s32 $0xFFFFFF80  }
0x2df: {  	_ =	swait.ge [sflag:s26], $0x80  }
0x2e0: {  	[sflag:s26] =	ssyncset.done $0x0  }
0x2e1: {  	[sflag:s26] =	ssyncadd.s32 $0xFFFFFF80  }
0x2e2: {  	_ =	swait.ge [sflag:s26], $0x80  }
0x2e3: {  	[sflag:s26] =	ssyncset.done $0x0  }
0x2e4: {  	[sflag:s26] =	ssyncadd.s32 $0xFFFFFF80  }
0x2e5: {  	_ =	swait.ge [sflag:s26], $0x80  }
0x2e6: {  	[sflag:s26] =	ssyncset.done $0x0  }
0x2e7: {  	[sflag:s26] =	ssyncadd.s32 $0xFFFFFF80  }
0x2e8: {  	_ =	swait.ge [sflag:s26], $0x80  }
0x2e9: {  	[sflag:s26] =	ssyncset.done $0x0  }
0x2ea: {  	[sflag:s26] =	ssyncadd.s32 $0xFFFFFF80  }
0x2eb: {  	_ =	swait.ge [sflag:s26], $0x80  }
0x2ec: {  	[sflag:s26] =	ssyncset.done $0x0  }
0x2ed: {  	[sflag:s26] =	ssyncadd.s32 $0xFFFFFF80  }
0x2ee: {  	_ =	swait.ge [sflag:s26], $0x80  }
0x2ef: {  	s1 =	rddreg [dreg:$0x4];
	[sflag:s26] =	ssyncset.done $0x0  }
0x2f0: {  	s2 =	simm.s32 $0x800;
	[sflag:s26] =	ssyncadd.s32 $0xFFFFFF80;
	s5 =	sadd.s32 s5, s1  }
0x2f1: {  	[tilespmem:s2], [sflag:$0x1] =	stream.linear.gather [hbm4b:s5+s3], $0x80, $0x38;
	[tilespmem:$0x15800] =	vst v63  }
0x2f2: {  	s8 =	simm.s32 $0x880;
	s11 =	sadd.s32 $0x10, s5  }
0x2f3: {  	[tilespmem:s8], [sflag:$0x1] =	stream.linear.gather [hbm4b:s11+s3], $0x80, $0x38;
	[tilespmem:$0x15800] =	vst v63  }
0x2f4: {  	s12 =	simm.s32 $0x900;
	s9 =	sadd.s32 $0x20, s5  }
0x2f5: {  	[tilespmem:s12], [sflag:$0x1] =	stream.linear.gather [hbm4b:s9+s3], $0x80, $0x38;
	[tilespmem:$0x15800] =	vst v63  }
0x2f6: {  	s24 =	simm.s32 $0x980;
	s13 =	sadd.s32 $0x30, s5  }
0x2f7: {  	[tilespmem:s24], [sflag:$0x1] =	stream.linear.gather [hbm4b:s13+s3], $0x80, $0x38;
	[tilespmem:$0x15800] =	vst v63  }
0x2f8: {  	s2 =	sadd.s32 $0x40, s5;
	s8 =	simm.s32 $0xA00  }
0x2f9: {  	[tilespmem:s8], [sflag:$0x1] =	stream.linear.gather [hbm4b:s2+s3], $0x80, $0x38;
	[tilespmem:$0x15800] =	vst v63  }
0x2fa: {  	s9 =	sadd.s32 $0x50, s5;
	s12 =	simm.s32 $0xA80  }
0x2fb: {  	[tilespmem:s12], [sflag:$0x1] =	stream.linear.gather [hbm4b:s9+s3], $0x80, $0x38;
	[tilespmem:$0x15800] =	vst v63  }
0x2fc: {  	s13 =	sadd.s32 $0x60, s5;
	s24 =	simm.s32 $0xB00  }
0x2fd: {  	[tilespmem:s24], [sflag:$0x1] =	stream.linear.gather [hbm4b:s13+s3], $0x80, $0x38;
	[tilespmem:$0x15800] =	vst v63  }
0x2fe: {  	s1 =	sadd.s32 $0x70, s5;
	s2 =	simm.s32 $0xB80  }
0x2ff: {  	[tilespmem:s2], [sflag:$0x1] =	stream.linear.gather [hbm4b:s1+s3], $0x80, $0x38;
	[tilespmem:$0x15800] =	vst v63  }
0x300: {  	s8 =	sadd.s32 $0x80, s5;
	s9 =	simm.s32 $0xC00  }
0x301: {  	[tilespmem:s9], [sflag:$0x1] =	stream.linear.gather [hbm4b:s8+s3], $0x80, $0x38;
	[tilespmem:$0x15800] =	vst v63  }
0x302: {  	s12 =	sadd.s32 $0x90, s5;
	s2 =	simm.s32 $0xC80  }
0x303: {  	[tilespmem:s2], [sflag:$0x1] =	stream.linear.gather [hbm4b:s12+s3], $0x80, $0x38;
	[tilespmem:$0x15800] =	vst v63  }
0x304: {  	s13 =	sadd.s32 $0xA0, s5;
	s9 =	simm.s32 $0xD00  }
0x305: {  	[tilespmem:s9], [sflag:$0x1] =	stream.linear.gather [hbm4b:s13+s3], $0x80, $0x38;
	[tilespmem:$0x15800] =	vst v63  }
0x306: {  	s24 =	sadd.s32 $0xB0, s5;
	s12 =	simm.s32 $0xD80  }
0x307: {  	[tilespmem:s12], [sflag:$0x1] =	stream.linear.gather [hbm4b:s24+s3], $0x80, $0x38;
	[tilespmem:$0x15800] =	vst v63  }
0x308: {  	s1 =	sadd.s32 $0xC0, s5;
	s13 =	simm.s32 $0xE00  }
0x309: {  	[tilespmem:s13], [sflag:$0x1] =	stream.linear.gather [hbm4b:s1+s3], $0x80, $0x38;
	[tilespmem:$0x15800] =	vst v63  }
0x30a: {  	s8 =	sadd.s32 $0xD0, s5;
	s24 =	simm.s32 $0xE80  }
0x30b: {  	[tilespmem:s24], [sflag:$0x1] =	stream.linear.gather [hbm4b:s8+s3], $0x80, $0x38;
	[tilespmem:$0x15800] =	vst v63  }
0x30c: {  	s29 =	simm.s32 $0xF00;
	s1 =	sadd.s32 $0xE0, s5  }
0x30d: {  	[tilespmem:s29], [sflag:$0x1] =	stream.linear.gather [hbm4b:s1+s3], $0x80, $0x38;
	[tilespmem:$0x15800] =	vst v63  }
0x30e: {  	s11 =	simm.s32 $0xF80;
	s5 =	sadd.s32 $0xF0, s5  }
0x30f: {  	[tilespmem:s11], [sflag:$0x1] =	stream.linear.gather [hbm4b:s5+s3], $0x80, $0x38;
	[tilespmem:$0x15800] =	vst v63  }
0x310: {  	_ =	swait.ge [sflag:s26], $0x80  }
0x311: {  	[sflag:s26] =	ssyncset.done $0x0  }
0x312: {  	[sflag:s26] =	ssyncadd.s32 $0xFFFFFF80  }
0x313: {  	_ =	swait.ge [sflag:s26], $0x80  }
0x314: {  	[sflag:s26] =	ssyncset.done $0x0  }
0x315: {  	[sflag:s26] =	ssyncadd.s32 $0xFFFFFF80  }
0x316: {  	_ =	swait.ge [sflag:s26], $0x80  }
0x317: {  	[sflag:s26] =	ssyncset.done $0x0  }
0x318: {  	[sflag:s26] =	ssyncadd.s32 $0xFFFFFF80  }
0x319: {  	_ =	swait.ge [sflag:s26], $0x80  }
0x31a: {  	[sflag:s26] =	ssyncset.done $0x0  }
0x31b: {  	[sflag:s26] =	ssyncadd.s32 $0xFFFFFF80  }
0x31c: {  	_ =	swait.ge [sflag:s26], $0x80  }
0x31d: {  	[sflag:s26] =	ssyncset.done $0x0  }
0x31e: {  	[sflag:s26] =	ssyncadd.s32 $0xFFFFFF80  }
0x31f: {  	_ =	swait.ge [sflag:s26], $0x80  }
0x320: {  	[sflag:s26] =	ssyncset.done $0x0  }
0x321: {  	[sflag:s26] =	ssyncadd.s32 $0xFFFFFF80  }
0x322: {  	_ =	swait.ge [sflag:s26], $0x80  }
0x323: {  	[sflag:s26] =	ssyncset.done $0x0  }
0x324: {  	[sflag:s26] =	ssyncadd.s32 $0xFFFFFF80  }
0x325: {  	_ =	swait.ge [sflag:s26], $0x80  }
0x326: {  	[sflag:s26] =	ssyncset.done $0x0  }
0x327: {  	[sflag:s26] =	ssyncadd.s32 $0xFFFFFF80  }
0x328: {  	_ =	swait.ge [sflag:s26], $0x80  }
0x329: {  	[sflag:s26] =	ssyncset.done $0x0  }
0x32a: {  	[sflag:s26] =	ssyncadd.s32 $0xFFFFFF80  }
0x32b: {  	_ =	swait.ge [sflag:s26], $0x80  }
0x32c: {  	[sflag:s26] =	ssyncset.done $0x0  }
0x32d: {  	[sflag:s26] =	ssyncadd.s32 $0xFFFFFF80  }
0x32e: {  	_ =	swait.ge [sflag:s26], $0x80  }
0x32f: {  	[sflag:s26] =	ssyncset.done $0x0  }
0x330: {  	[sflag:s26] =	ssyncadd.s32 $0xFFFFFF80  }
0x331: {  	_ =	swait.ge [sflag:s26], $0x80  }
0x332: {  	[sflag:s26] =	ssyncset.done $0x0  }
0x333: {  	[sflag:s26] =	ssyncadd.s32 $0xFFFFFF80  }
0x334: {  	_ =	swait.ge [sflag:s26], $0x80  }
0x335: {  	[sflag:s26] =	ssyncset.done $0x0  }
0x336: {  	[sflag:s26] =	ssyncadd.s32 $0xFFFFFF80  }
0x337: {  	_ =	swait.ge [sflag:s26], $0x80  }
0x338: {  	[sflag:s26] =	ssyncset.done $0x0  }
0x339: {  	[sflag:s26] =	ssyncadd.s32 $0xFFFFFF80  }
0x33a: {  	_ =	swait.ge [sflag:s26], $0x80  }
0x33b: {  	[sflag:s26] =	ssyncset.done $0x0  }
0x33c: {  	[sflag:s26] =	ssyncadd.s32 $0xFFFFFF80  }
0x33d: {  	_ =	swait.ge [sflag:s26], $0x80  }
0x33e: {  	[sflag:s26] =	ssyncset.done $0x0  }
0x33f: {  	s1 =	simm.s32 $0x1000;
	[sflag:s26] =	ssyncadd.s32 $0xFFFFFF80  }
0x340: {  	[tilespmem:s1], [sflag:$0x2] =	stream.indirect.gather [hbm4b:s4+s10], $0x10, s3, s10, $0xb8;
	[tilespmem:$0x15800] =	vst v63  }
0x341: {  	s5 =	simm.s32 $0x1800  }
0x342: {  	[tilespmem:s5], [sflag:$0x2] =	stream.indirect.gather [hbm4b:s4+s10], $0x10, s10, s10, $0xb8;
	[tilespmem:$0x15800] =	vst v63  }
0x343: {  	s28 =	simm.s32 $0x2000  }
0x344: {  	[tilespmem:s28], [sflag:$0x2] =	stream.indirect.gather [hbm4b:s4+s10], $0x10, s15, s10, $0xb8;
	[tilespmem:$0x15800] =	vst v63  }
0x345: {  	s15 =	simm.s32 $0x2800  }
0x346: {  	[tilespmem:s15], [sflag:$0x2] =	stream.indirect.gather [hbm4b:s4+s10], $0x10, s0, s10, $0xb8;
	[tilespmem:$0x15800] =	vst v63  }
0x347: {  	s0 =	simm.s32 $0x3000  }
0x348: {  	[tilespmem:s0], [sflag:$0x2] =	stream.indirect.gather [hbm4b:s4+s10], $0x10, s16, s10, $0xb8;
	[tilespmem:$0x15800] =	vst v63  }
0x349: {  	s16 =	simm.s32 $0x3800  }
0x34a: {  	[tilespmem:s16], [sflag:$0x2] =	stream.indirect.gather [hbm4b:s4+s10], $0x10, s17, s10, $0xb8;
	[tilespmem:$0x15800] =	vst v63  }
0x34b: {  	s17 =	simm.s32 $0x4000  }
0x34c: {  	[tilespmem:s17], [sflag:$0x2] =	stream.indirect.gather [hbm4b:s4+s10], $0x10, s18, s10, $0xb8;
	[tilespmem:$0x15800] =	vst v63  }
0x34d: {  	s18 =	simm.s32 $0x4800  }
0x34e: {  	[tilespmem:s18], [sflag:$0x2] =	stream.indirect.gather [hbm4b:s4+s10], $0x10, s19, s10, $0xb8;
	[tilespmem:$0x15800] =	vst v63  }
0x34f: {  	s19 =	simm.s32 $0x5000  }
0x350: {  	[tilespmem:s19], [sflag:$0x2] =	stream.indirect.gather [hbm4b:s4+s10], $0x10, s20, s10, $0xb8;
	[tilespmem:$0x15800] =	vst v63  }
0x351: {  	s20 =	simm.s32 $0x5800  }
0x352: {  	[tilespmem:s20], [sflag:$0x2] =	stream.indirect.gather [hbm4b:s4+s10], $0x10, s21, s10, $0xb8;
	[tilespmem:$0x15800] =	vst v63  }
0x353: {  	s21 =	simm.s32 $0x6000  }
0x354: {  	[tilespmem:s21], [sflag:$0x2] =	stream.indirect.gather [hbm4b:s4+s10], $0x10, s22, s10, $0xb8;
	[tilespmem:$0x15800] =	vst v63  }
0x355: {  	s22 =	simm.s32 $0x6800  }
0x356: {  	[tilespmem:s22], [sflag:$0x2] =	stream.indirect.gather [hbm4b:s4+s10], $0x10, s23, s10, $0xb8;
	[tilespmem:$0x15800] =	vst v63  }
0x357: {  	s23 =	simm.s32 $0x7000  }
0x358: {  	[tilespmem:s23], [sflag:$0x2] =	stream.indirect.gather [hbm4b:s4+s10], $0x10, s14, s10, $0xb8;
	[tilespmem:$0x15800] =	vst v63  }
0x359: {  	s14 =	simm.s32 $0x7800  }
0x35a: {  	[tilespmem:s14], [sflag:$0x2] =	stream.indirect.gather [hbm4b:s4+s10], $0x10, s30, s10, $0xb8;
	[tilespmem:$0x15800] =	vst v63  }
0x35b: {  	s30 =	simm.s32 $0x8000  }
0x35c: {  	[tilespmem:s30], [sflag:$0x2] =	stream.indirect.gather [hbm4b:s4+s10], $0x10, s31, s10, $0xb8;
	[tilespmem:$0x15800] =	vst v63  }
0x35d: {  	s8 =	simm.s32 $0x780;
	s31 =	simm.s32 $0x8800  }
0x35e: {  	[tilespmem:s31], [sflag:$0x2] =	stream.indirect.gather [hbm4b:s4+s10], $0x10, s8, s10, $0xb8;
	[tilespmem:$0x15800] =	vst v63  }
0x35f: {  	_ =	swait.ge [sflag:s7], $0x800  }
0x360: {  	[sflag:s7] =	ssyncset.done $0x0  }
0x361: {  	[sflag:s7] =	ssyncadd.s32 $0xFFFFF800  }
0x362: {  	_ =	swait.ge [sflag:s7], $0x800  }
0x363: {  	[sflag:s7] =	ssyncset.done $0x0  }
0x364: {  	[sflag:s7] =	ssyncadd.s32 $0xFFFFF800  }
0x365: {  	_ =	swait.ge [sflag:s7], $0x800  }
0x366: {  	[sflag:s7] =	ssyncset.done $0x0  }
0x367: {  	[sflag:s7] =	ssyncadd.s32 $0xFFFFF800  }
0x368: {  	_ =	swait.ge [sflag:s7], $0x800  }
0x369: {  	[sflag:s7] =	ssyncset.done $0x0  }
0x36a: {  	[sflag:s7] =	ssyncadd.s32 $0xFFFFF800  }
0x36b: {  	_ =	swait.ge [sflag:s7], $0x800  }
0x36c: {  	[sflag:s7] =	ssyncset.done $0x0  }
0x36d: {  	[sflag:s7] =	ssyncadd.s32 $0xFFFFF800  }
0x36e: {  	_ =	swait.ge [sflag:s7], $0x800  }
0x36f: {  	[sflag:s7] =	ssyncset.done $0x0  }
0x370: {  	[sflag:s7] =	ssyncadd.s32 $0xFFFFF800  }
0x371: {  	_ =	swait.ge [sflag:s7], $0x800  }
0x372: {  	[sflag:s7] =	ssyncset.done $0x0  }
0x373: {  	[sflag:s7] =	ssyncadd.s32 $0xFFFFF800  }
0x374: {  	_ =	swait.ge [sflag:s7], $0x800  }
0x375: {  	[sflag:s7] =	ssyncset.done $0x0  }
0x376: {  	[sflag:s7] =	ssyncadd.s32 $0xFFFFF800  }
0x377: {  	_ =	swait.ge [sflag:s7], $0x800  }
0x378: {  	[sflag:s7] =	ssyncset.done $0x0  }
0x379: {  	[sflag:s7] =	ssyncadd.s32 $0xFFFFF800  }
0x37a: {  	_ =	swait.ge [sflag:s7], $0x800  }
0x37b: {  	[sflag:s7] =	ssyncset.done $0x0  }
0x37c: {  	[sflag:s7] =	ssyncadd.s32 $0xFFFFF800  }
0x37d: {  	_ =	swait.ge [sflag:s7], $0x800  }
0x37e: {  	[sflag:s7] =	ssyncset.done $0x0  }
0x37f: {  	[sflag:s7] =	ssyncadd.s32 $0xFFFFF800  }
0x380: {  	_ =	swait.ge [sflag:s7], $0x800  }
0x381: {  	[sflag:s7] =	ssyncset.done $0x0  }
0x382: {  	[sflag:s7] =	ssyncadd.s32 $0xFFFFF800  }
0x383: {  	_ =	swait.ge [sflag:s7], $0x800  }
0x384: {  	[sflag:s7] =	ssyncset.done $0x0  }
0x385: {  	[sflag:s7] =	ssyncadd.s32 $0xFFFFF800  }
0x386: {  	_ =	swait.ge [sflag:s7], $0x800  }
0x387: {  	[sflag:s7] =	ssyncset.done $0x0  }
0x388: {  	[sflag:s7] =	ssyncadd.s32 $0xFFFFF800  }
0x389: {  	_ =	swait.ge [sflag:s7], $0x800  }
0x38a: {  	[sflag:s7] =	ssyncset.done $0x0  }
0x38b: {  	[sflag:s7] =	ssyncadd.s32 $0xFFFFF800  }
0x38c: {  	_ =	swait.ge [sflag:s7], $0x800  }
0x38d: {  	[sflag:s7] =	ssyncset.done $0x0  }
0x38e: {  	s8 =	simm.s32 $0x800;
	[sflag:s7] =	ssyncadd.s32 $0xFFFFF800  }
0x38f: {  	[spmem:s6] =	stream.indirect.scatter.add.f32 [tilespmem:s1], [sflag:$0x3], $0x10, s8, s10, $0xb8;
	[tilespmem:$0x15800] =	vst v63  }
0x390: {  	s8 =	simm.s32 $0x880  }
0x391: {  	[spmem:s6] =	stream.indirect.scatter.add.f32 [tilespmem:s5], [sflag:$0x3], $0x10, s8, s10, $0xb8;
	[tilespmem:$0x15800] =	vst v63  }
0x392: {  	s8 =	simm.s32 $0x900  }
0x393: {  	[spmem:s6] =	stream.indirect.scatter.add.f32 [tilespmem:s28], [sflag:$0x3], $0x10, s8, s10, $0xb8;
	[tilespmem:$0x15800] =	vst v63  }
0x394: {  	s5 =	simm.s32 $0x980  }
0x395: {  	[spmem:s6] =	stream.indirect.scatter.add.f32 [tilespmem:s15], [sflag:$0x3], $0x10, s5, s10, $0xb8;
	[tilespmem:$0x15800] =	vst v63  }
0x396: {  	s8 =	simm.s32 $0xA00  }
0x397: {  	[spmem:s6] =	stream.indirect.scatter.add.f32 [tilespmem:s0], [sflag:$0x3], $0x10, s8, s10, $0xb8;
	[tilespmem:$0x15800] =	vst v63  }
0x398: {  	s15 =	simm.s32 $0xA80  }
0x399: {  	[spmem:s6] =	stream.indirect.scatter.add.f32 [tilespmem:s16], [sflag:$0x3], $0x10, s15, s10, $0xb8;
	[tilespmem:$0x15800] =	vst v63  }
0x39a: {  	s16 =	simm.s32 $0xB00  }
0x39b: {  	[spmem:s6] =	stream.indirect.scatter.add.f32 [tilespmem:s17], [sflag:$0x3], $0x10, s16, s10, $0xb8;
	[tilespmem:$0x15800] =	vst v63  }
0x39c: {  	s17 =	simm.s32 $0xB80  }
0x39d: {  	[spmem:s6] =	stream.indirect.scatter.add.f32 [tilespmem:s18], [sflag:$0x3], $0x10, s17, s10, $0xb8;
	[tilespmem:$0x15800] =	vst v63  }
0x39e: {  	s18 =	simm.s32 $0xC00  }
0x39f: {  	[spmem:s6] =	stream.indirect.scatter.add.f32 [tilespmem:s19], [sflag:$0x3], $0x10, s18, s10, $0xb8;
	[tilespmem:$0x15800] =	vst v63  }
0x3a0: {  	_ = 	snop  }
0x3a1: {  	[spmem:s6] =	stream.indirect.scatter.add.f32 [tilespmem:s20], [sflag:$0x3], $0x10, s2, s10, $0xb8;
	[tilespmem:$0x15800] =	vst v63  }
0x3a2: {  	_ = 	snop  }
0x3a3: {  	[spmem:s6] =	stream.indirect.scatter.add.f32 [tilespmem:s21], [sflag:$0x3], $0x10, s9, s10, $0xb8;
	[tilespmem:$0x15800] =	vst v63  }
0x3a4: {  	_ = 	snop  }
0x3a5: {  	[spmem:s6] =	stream.indirect.scatter.add.f32 [tilespmem:s22], [sflag:$0x3], $0x10, s12, s10, $0xb8;
	[tilespmem:$0x15800] =	vst v63  }
0x3a6: {  	_ = 	snop  }
0x3a7: {  	[spmem:s6] =	stream.indirect.scatter.add.f32 [tilespmem:s23], [sflag:$0x3], $0x10, s13, s10, $0xb8;
	[tilespmem:$0x15800] =	vst v63  }
0x3a8: {  	_ = 	snop  }
0x3a9: {  	[spmem:s6] =	stream.indirect.scatter.add.f32 [tilespmem:s14], [sflag:$0x3], $0x10, s24, s10, $0xb8;
	[tilespmem:$0x15800] =	vst v63  }
0x3aa: {  	_ = 	snop  }
0x3ab: {  	[spmem:s6] =	stream.indirect.scatter.add.f32 [tilespmem:s30], [sflag:$0x3], $0x10, s29, s10, $0xb8;
	[tilespmem:$0x15800] =	vst v63  }
0x3ac: {  	_ = 	snop  }
0x3ad: {  	[spmem:s6] =	stream.indirect.scatter.add.f32 [tilespmem:s31], [sflag:$0x3], $0x10, s11, s10, $0xb8;
	[tilespmem:$0x15800] =	vst v63  }
0x3ae: {  	_ =	swait.ge [sflag:s25], $0x800  }
0x3af: {  	[sflag:s25] =	ssyncset.done $0x0  }
0x3b0: {  	[sflag:s25] =	ssyncadd.s32 $0xFFFFF800  }
0x3b1: {  	_ =	swait.ge [sflag:s25], $0x800  }
0x3b2: {  	[sflag:s25] =	ssyncset.done $0x0  }
0x3b3: {  	[sflag:s25] =	ssyncadd.s32 $0xFFFFF800  }
0x3b4: {  	_ =	swait.ge [sflag:s25], $0x800  }
0x3b5: {  	[sflag:s25] =	ssyncset.done $0x0  }
0x3b6: {  	[sflag:s25] =	ssyncadd.s32 $0xFFFFF800  }
0x3b7: {  	_ =	swait.ge [sflag:s25], $0x800  }
0x3b8: {  	[sflag:s25] =	ssyncset.done $0x0  }
0x3b9: {  	[sflag:s25] =	ssyncadd.s32 $0xFFFFF800  }
0x3ba: {  	_ =	swait.ge [sflag:s25], $0x800  }
0x3bb: {  	[sflag:s25] =	ssyncset.done $0x0  }
0x3bc: {  	[sflag:s25] =	ssyncadd.s32 $0xFFFFF800  }
0x3bd: {  	_ =	swait.ge [sflag:s25], $0x800  }
0x3be: {  	[sflag:s25] =	ssyncset.done $0x0  }
0x3bf: {  	[sflag:s25] =	ssyncadd.s32 $0xFFFFF800  }
0x3c0: {  	_ =	swait.ge [sflag:s25], $0x800  }
0x3c1: {  	[sflag:s25] =	ssyncset.done $0x0  }
0x3c2: {  	[sflag:s25] =	ssyncadd.s32 $0xFFFFF800  }
0x3c3: {  	_ =	swait.ge [sflag:s25], $0x800  }
0x3c4: {  	[sflag:s25] =	ssyncset.done $0x0  }
0x3c5: {  	[sflag:s25] =	ssyncadd.s32 $0xFFFFF800  }
0x3c6: {  	_ =	swait.ge [sflag:s25], $0x800  }
0x3c7: {  	[sflag:s25] =	ssyncset.done $0x0  }
0x3c8: {  	[sflag:s25] =	ssyncadd.s32 $0xFFFFF800  }
0x3c9: {  	_ =	swait.ge [sflag:s25], $0x800  }
0x3ca: {  	[sflag:s25] =	ssyncset.done $0x0  }
0x3cb: {  	[sflag:s25] =	ssyncadd.s32 $0xFFFFF800  }
0x3cc: {  	_ =	swait.ge [sflag:s25], $0x800  }
0x3cd: {  	[sflag:s25] =	ssyncset.done $0x0  }
0x3ce: {  	[sflag:s25] =	ssyncadd.s32 $0xFFFFF800  }
0x3cf: {  	_ =	swait.ge [sflag:s25], $0x800  }
0x3d0: {  	[sflag:s25] =	ssyncset.done $0x0  }
0x3d1: {  	[sflag:s25] =	ssyncadd.s32 $0xFFFFF800  }
0x3d2: {  	_ =	swait.ge [sflag:s25], $0x800  }
0x3d3: {  	[sflag:s25] =	ssyncset.done $0x0  }
0x3d4: {  	[sflag:s25] =	ssyncadd.s32 $0xFFFFF800  }
0x3d5: {  	_ =	swait.ge [sflag:s25], $0x800  }
0x3d6: {  	[sflag:s25] =	ssyncset.done $0x0  }
0x3d7: {  	[sflag:s25] =	ssyncadd.s32 $0xFFFFF800  }
0x3d8: {  	_ =	swait.ge [sflag:s25], $0x800  }
0x3d9: {  	[sflag:s25] =	ssyncset.done $0x0  }
0x3da: {  	[sflag:s25] =	ssyncadd.s32 $0xFFFFF800  }
0x3db: {  	_ =	swait.ge [sflag:s25], $0x800  }
0x3dc: {  	[sflag:s25] =	ssyncset.done $0x0  }
0x3dd: {  	[sflag:s25] =	ssyncadd.s32 $0xFFFFF800  }
0x3de: {  	s1 =	simm.s32 $0x880;
	s20 =	stileid.u32;
	[bflag:$0x0] =	sbarrier.arrive $0xFFFF  }
0x3df: {  	s28 =	simm.s32 $0x700;
	s5 =	sshll.u32 s20, $0x6;
	s21 =	rddreg [dreg:$0x6]  }
0x3e0: {  	s5 =	sor.u32 $0x1C04, s5;
	s30 =	simm.s32 $0x4;
	s22 =	rddreg [dreg:$0x8]  }
0x3e1: {  	[hbm:s21], [sflag:s5] =	dma.local [spmem:s22], $0x1900  }
0x3e2: {  	s0 =	simm.s32 $0x800;
	s8 =	simm.s32 $0x900;
	_ =	swait.ge [sflag:s30], $0x1900  }
0x3e3: {  	s15 =	simm.s32 $0x200;
	s16 =	simm.s32 $0x280;
	s23 =	rddreg [dreg:$0x9]  }
0x3e4: {  	s17 =	simm.s32 $0x300;
	s24 =	rddreg [dreg:$0x7];
	s11 =	sadd.s32 $0x1, s23  }
0x3e5: {  	s18 =	simm.s32 $0x380;
	s19 =	simm.s32 $0x400;
	p0 =	sne.s32 s11, s24  }
.Ltmp3:
0x3e6: {  	s2 =	simm.s32 $0x980;
	s20 =	simm.s32 $0x480;
	(pc) =	sbr.rel @p0 .LBB2_1-.Ltmp3, $4  }
0x3e7: {  	s9 =	simm.s32 $0x1000;
	s13 =	simm.s32 $0x100;
	s14 =	simm.s32 $0x180  }
0x3e8: {  	s29 =	simm.s32 $0x780;
	s31 =	simm.s32 $0xA00;
	s21 =	simm.s32 $0x500  }
0x3e9: {  	s22 =	simm.s32 $0x580;
	[sflag:s30] =	ssyncset.done $0x0;
	s12 =	rddreg [dreg:$0x5]  }
0x3ea: {  	[sflag:s30] =	ssyncadd.s32 $0xFFFFE700;
	s23 =	simm.s32 $0x600;
	s24 =	simm.s32 $0x680  }
0x3eb: {  	_ =	sfence.sel $0x180000  }
0x3ec: {  	[bflag:$0x0] =	sbarrier.arrive $0xFFFF  }
0x3ed: {  	_ =	strace $0x90000047  }
0x3ee: {  	s0 =	stileid.u32;
	[bflag:$0x2] =	sbarrier.arrive $0xFFFF  }
0x3ef: {  	p0 =	sne.s32 s0, $0x0;
	s0 =	rddreg [dreg:$0x2]  }
0x3f0: {  	s0 =	sadd.s32 @!p0 $0x100000, s0  }
0x3f1: {  	[sflag:s0] =	ssyncadd.tile.s32 @!p0 $0x1;
	_ =	shalt  }
.Lfunc_end2:
_tile_overlayer_lowered:
.L_overlay_start_2:
0x3f2: {  	(tag) =	ssettag $0x2  }
0x3f3: {  	s0 =	rddreg [dreg:$0x0];
	s2 =	stileid.u32  }
0x3f4: {  	s1 =	rddreg [dreg:$0x1];
	p0 =	sne.s32 s2, $0x0  }
0x3f5: {  	s3 =	rddreg [dreg:$0x2];
	[bflag:$0x3] =	sbarrier.arrive $0xFFFF;
	s2 =	simm.s32 @!p0 $0x1C04  }
0x3f6: {  	[timem:s3], [sflag:s2] =	dma.local @!p0 [hbm:s0], s1  }
0x3f7: {  	s0 =	simm.s32 @!p0 $0x4  }
0x3f8: {  	_ =	swait.ge @!p0 [sflag:s0], s1  }
0x3f9: {  	s1 =	ssub.s32 @!p0 $0x0, s1;
	[sflag:s0] =	ssyncset.done @!p0 $0x0  }
0x3fa: {  	[sflag:s0] =	ssyncadd.s32 @!p0 s1  }
0x3fb: {  	[bflag:$0x3] =	sbarrier.arrive $0xFFFF  }
0x3fc: {  	_ =	shalt  }

</sc_bundles>
